<compile_context>
chip_gen: v7x
topology: tpu7x:2x2x1
jax: 0.10.2.dev20260603
libtpu: 0.0.44.dev20260713+nightly
codegen_flags: <defaults>
</compile_context>

<pallas_src>
import functools

import jax
import jax.numpy as jnp
from jax import lax
from jax.experimental import pallas as pl
from jax.experimental.pallas import tpu as pltpu
from jax.experimental.pallas import tpu_sc as plsc

N = 10000
D = 128
E = 320000
N_ACC = 10112
ROWS_PER_TILE = N_ACC // 16
C = 64
NCHUNK_A = 320
NCHUNK_C = 160
CNTW = 128


def _sc_sums_body(nchunk, table, src_idx, dst_idx, zeros_f, sums,
                  is0, id0, is1, id1, is2, id2, is3, id3,
                  is4, id4, is5, id5, is6, id6, is7, id7,
                  rows0, rows1, rows2, rows3, acc,
                  sem0, sem1, sem2, sem3, sem4, sem5, sem6, sem7,
                  g0, g1, g2, g3, x0, x1, x2, x3):
    c = lax.axis_index("c")
    s = lax.axis_index("s")
    r0 = s * ROWS_PER_TILE
    pltpu.sync_copy(zeros_f.at[pl.ds(r0, ROWS_PER_TILE)],
                    acc.at[pl.ds(r0, ROWS_PER_TILE)])
    plsc.subcore_barrier()

    ib = ((is0, id0, sem0), (is1, id1, sem1), (is2, id2, sem2),
          (is3, id3, sem3), (is4, id4, sem4), (is5, id5, sem5),
          (is6, id6, sem6), (is7, id7, sem7))
    rb = ((rows0, g0, x0), (rows1, g1, x1), (rows2, g2, x2), (rows3, g3, x3))

    def idx_start(k, v):
        bs, bd, sem = ib[v]
        pltpu.async_copy(src_idx.at[c, s, k], bs, sem)
        pltpu.async_copy(dst_idx.at[c, s, k], bd, sem)

    def idx_wait(k, v):
        bs, bd, sem = ib[v]
        pltpu.make_async_copy(src_idx.at[c, s, k], bs, sem).wait()
        pltpu.make_async_copy(dst_idx.at[c, s, k], bd, sem).wait()

    def gather_start(v, p):
        pltpu.async_copy(table.at[ib[v][0]], rb[p][0], rb[p][1])

    def gather_wait(v, p):
        pltpu.make_async_copy(table.at[ib[v][0]], rb[p][0], rb[p][1]).wait()

    def scatter_start(v, p):
        pltpu.async_copy(rb[p][0], acc.at[ib[v][1]], rb[p][2], add=True)

    def scatter_wait(v, p):
        pltpu.make_async_copy(rb[p][0], acc.at[ib[v][1]], rb[p][2]).wait()

    for k in range(7):
        idx_start(k, k)
    for k in range(3):
        idx_wait(k, k)
        gather_start(k, k)

    def octet(q, carry):
        k0 = q * 8
        for u in range(8):
            k = k0 + u
            v, p = u, u % 4
            gather_wait(v, p)
            scatter_start(v, p)

            @pl.when(k >= 1)
            def _():
                scatter_wait((u + 7) % 8, (u + 3) % 4)

            @pl.when(k + 7 < nchunk)
            def _():
                idx_start(k + 7, (u + 7) % 8)

            @pl.when(k + 3 < nchunk)
            def _():
                idx_wait(k + 3, (u + 3) % 8)
                gather_start((u + 3) % 8, (u + 3) % 4)
        return carry

    lax.fori_loop(0, nchunk // 8, octet, 0)
    scatter_wait((nchunk + 7) % 8, (nchunk + 3) % 4)
    plsc.subcore_barrier()
    pltpu.sync_copy(acc.at[pl.ds(r0, ROWS_PER_TILE)],
                    sums.at[c, pl.ds(r0, ROWS_PER_TILE)])


def _sc_counts_body(dst_idx, ones_blk, zeros_c, cnts,
                    id0, id1, id2, id3, ones_v, cacc,
                    sem0, sem1, sem2, sem3):
    c = lax.axis_index("c")
    s = lax.axis_index("s")
    r0 = s * ROWS_PER_TILE
    pltpu.sync_copy(ones_blk, ones_v)
    pltpu.sync_copy(zeros_c.at[pl.ds(r0, ROWS_PER_TILE)],
                    cacc.at[pl.ds(r0, ROWS_PER_TILE)])
    plsc.subcore_barrier()

    ib = ((id0, sem0), (id1, sem1), (id2, sem2), (id3, sem3))

    def idx_start(k, u):
        pltpu.async_copy(dst_idx.at[c, s, k], ib[u][0], ib[u][1])

    def idx_wait(k, u):
        pltpu.make_async_copy(dst_idx.at[c, s, k], ib[u][0], ib[u][1]).wait()

    for k in range(4):
        idx_start(k, k)

    def quad(q, carry):
        k0 = q * 4
        for u in range(4):
            idx_wait(k0 + u, u)
            pltpu.sync_copy(ones_v, cacc.at[ib[u][0]], add=True)

            @pl.when(k0 + u + 4 < NCHUNK_A)
            def _():
                idx_start(k0 + u + 4, u)
        return carry

    lax.fori_loop(0, NCHUNK_A // 4, quad, 0)
    plsc.subcore_barrier()
    pltpu.sync_copy(cacc.at[pl.ds(r0, ROWS_PER_TILE)],
                    cnts.at[c, pl.ds(r0, ROWS_PER_TILE)])


@functools.lru_cache(maxsize=None)
def _sc_stages():
    mesh = plsc.VectorSubcoreMesh(core_axis_name="c", subcore_axis_name="s",
                                  num_cores=2, num_subcores=16)

    def sums_kernel(nchunk):
        return pl.kernel(
            functools.partial(_sc_sums_body, nchunk),
            out_type=jax.ShapeDtypeStruct((2, N_ACC, D), jnp.float32),
            mesh=mesh,
            scratch_types=(
                [pltpu.VMEM((C,), jnp.int32)] * 16 +
                [pltpu.VMEM((C, D), jnp.float32)] * 4 +
                [pltpu.VMEM_SHARED((N_ACC, D), jnp.float32)] +
                [pltpu.SemaphoreType.DMA] * 16
            ),
        )

    counts_kernel = pl.kernel(
        _sc_counts_body,
        out_type=jax.ShapeDtypeStruct((2, N_ACC, CNTW), jnp.float32),
        mesh=mesh,
        scratch_types=(
            [pltpu.VMEM((C,), jnp.int32)] * 4 +
            [pltpu.VMEM((C, CNTW), jnp.float32)] +
            [pltpu.VMEM_SHARED((N_ACC, CNTW), jnp.float32)] +
            [pltpu.SemaphoreType.DMA] * 4
        ),
    )
    return sums_kernel(NCHUNK_A), sums_kernel(NCHUNK_C), counts_kernel


_BLK = 1000


def _tc_update_body(s_ref, c_ref, x_ref, w_ref, b_ref, o_ref):
    inv = 1.0 / jnp.maximum(c_ref[0, :, 0:1], 1.0)
    agg = s_ref[0] * inv
    xcat = jnp.concatenate([agg, x_ref[...]], axis=1)
    o_ref[...] = jnp.maximum(
        jnp.dot(xcat, w_ref[...], preferred_element_type=jnp.float32)
        + b_ref[...], 0.0)


def _tc_update(sums, cnts, rel, x, w, b):
    return pl.pallas_call(
        _tc_update_body,
        out_shape=jax.ShapeDtypeStruct((N, D), jnp.float32),
        grid=(N // _BLK,),
        in_specs=[
            pl.BlockSpec((1, _BLK, D), lambda i: (rel, i, 0)),
            pl.BlockSpec((1, _BLK, CNTW), lambda i: (rel, i, 0)),
            pl.BlockSpec((_BLK, D), lambda i: (i, 0)),
            pl.BlockSpec((2 * D, D), lambda i: (0, 0)),
            pl.BlockSpec((1, D), lambda i: (0, 0)),
        ],
        out_specs=pl.BlockSpec((_BLK, D), lambda i: (i, 0)),
    )(sums, cnts, x, w, b.reshape(1, D))


def _tc_update2_body(s_ref, c_ref, x_ref, w_ref, b_ref, o_ref):
    inv = 1.0 / jnp.maximum(c_ref[0, :, 0:1], 1.0)
    agg = (s_ref[0] + s_ref[1]) * inv
    xcat = jnp.concatenate([agg, x_ref[...]], axis=1)
    o_ref[...] = jnp.maximum(
        jnp.dot(xcat, w_ref[...], preferred_element_type=jnp.float32)
        + b_ref[...], 0.0)


def _tc_update2(sums2, cnts, rel, x, w, b):
    return pl.pallas_call(
        _tc_update2_body,
        out_shape=jax.ShapeDtypeStruct((N, D), jnp.float32),
        grid=(N // _BLK,),
        in_specs=[
            pl.BlockSpec((2, _BLK, D), lambda i: (0, i, 0)),
            pl.BlockSpec((1, _BLK, CNTW), lambda i: (rel, i, 0)),
            pl.BlockSpec((_BLK, D), lambda i: (i, 0)),
            pl.BlockSpec((2 * D, D), lambda i: (0, 0)),
            pl.BlockSpec((1, D), lambda i: (0, 0)),
        ],
        out_specs=pl.BlockSpec((_BLK, D), lambda i: (i, 0)),
    )(sums2, cnts, x, w, b.reshape(1, D))


def _pack_idx(flat, lead, per_tile, nchunk, pad_val):
    a = flat.reshape(lead, 16, per_tile)
    a = jnp.pad(a, ((0, 0), (0, 0), (0, nchunk * C - per_tile)),
                constant_values=pad_val)
    return a.reshape(lead, 16, nchunk, C)


def kernel(x_node, x_link, edge_index_nl, edge_index_ln,
           W_nl_0, b_nl_0, W_ln_0, b_ln_0,
           W_nl_1, b_nl_1, W_ln_1, b_ln_1):
    src_nl, dst_nl = edge_index_nl[0], edge_index_nl[1]
    src_ln, dst_ln = edge_index_ln[0], edge_index_ln[1]

    table0 = jnp.concatenate([x_node, x_link], axis=0)
    srcA = _pack_idx(jnp.concatenate([src_nl, src_ln + N]), 2, E // 16,
                     NCHUNK_A, 0)
    dstA = _pack_idx(jnp.concatenate([dst_nl, dst_ln]), 2, E // 16,
                     NCHUNK_A, N)
    srcC = _pack_idx(src_nl, 2, E // 32, NCHUNK_C, 0)
    dstC = _pack_idx(dst_nl, 2, E // 32, NCHUNK_C, N)

    ones_blk = jnp.ones((C, CNTW), jnp.float32)
    zeros_f = jnp.zeros((N_ACC, D), jnp.float32)
    zeros_c = jnp.zeros((N_ACC, CNTW), jnp.float32)

    sums_a, sums_c, counts = _sc_stages()
    cnts = counts(dstA, ones_blk, zeros_c)
    sums1 = sums_a(table0, srcA, dstA, zeros_f)
    xl1 = _tc_update(sums1, cnts, 0, x_link, W_nl_0, b_nl_0)
    xn1 = _tc_update(sums1, cnts, 1, x_node, W_ln_0, b_ln_0)
    sums2 = sums_c(xn1, srcC, dstC, zeros_f)
    xl2 = _tc_update2(sums2, cnts, 0, xl1, W_nl_1, b_nl_1)
    return xl2

# --- scband reference (transcript-rebuilt; emitter-appended) ---
"""Pipeline reference for scband-hetero-gnn-88046829568691 (READ-ONLY COPY).

The authoritative reference and input builder live on the scoring server;
editing this copy changes nothing except your own understanding.
"""

import jax, jax.numpy as jnp
import numpy as np

N_NODE = 10000
N_LINK = 10000
E = 320000
D = 128
L = 2


def _mean_aggr(msg, dst, num_segments):
    s = jax.ops.segment_sum(msg, dst, num_segments=num_segments)
    cnt = jax.ops.segment_sum(jnp.ones((msg.shape[0], 1), msg.dtype), dst, num_segments=num_segments)
    return s / jnp.maximum(cnt, 1.0)


def setup_inputs(seed: int = 0) -> dict:
    key = jax.random.key(seed)
    ks = jax.random.split(key, 16)
    inp = {}
    inp['x_node'] = jax.random.normal(ks[0], (N_NODE, D), dtype=jnp.float32)
    inp['x_link'] = jax.random.normal(ks[1], (N_LINK, D), dtype=jnp.float32)
    src_nl = jax.random.randint(ks[2], (E,), 0, N_NODE, dtype=jnp.int32)
    dst_nl = jax.random.randint(ks[3], (E,), 0, N_LINK, dtype=jnp.int32)
    inp['edge_index_nl'] = jnp.stack([src_nl, dst_nl], axis=0)
    src_ln = jax.random.randint(ks[4], (E,), 0, N_LINK, dtype=jnp.int32)
    dst_ln = jax.random.randint(ks[5], (E,), 0, N_NODE, dtype=jnp.int32)
    inp['edge_index_ln'] = jnp.stack([src_ln, dst_ln], axis=0)
    # update='mlp' -> single Linear((out+in) -> out) per relation per layer
    scale = 1.0 / np.sqrt(2 * D)
    k = 6
    for i in range(L):
        inp['W_nl_%d' % i] = jax.random.normal(ks[k], (2 * D, D), dtype=jnp.float32) * scale; k += 1
        inp['b_nl_%d' % i] = jnp.zeros((D,), dtype=jnp.float32)
        inp['W_ln_%d' % i] = jax.random.normal(ks[k], (2 * D, D), dtype=jnp.float32) * scale; k += 1
        inp['b_ln_%d' % i] = jnp.zeros((D,), dtype=jnp.float32)
    return inp


def reference(x_node, x_link, edge_index_nl, edge_index_ln,
              W_nl_0, b_nl_0, W_ln_0, b_ln_0,
              W_nl_1, b_nl_1, W_ln_1, b_ln_1):
    # Input features already have hidden_dim channels, so the F.pad in
    # HeteroGNN.forward is a no-op (pad width 0).
    params = [(W_nl_0, b_nl_0, W_ln_0, b_ln_0), (W_nl_1, b_nl_1, W_ln_1, b_ln_1)]
    xn, xl = x_node, x_link
    for (Wnl, bnl, Wln, bln) in params:
        # relation ('node','nl','link'): gather src='node', scatter-mean to dst='link'
        m_nl = jnp.take(xn, edge_index_nl[0], axis=0)
        agg_nl = _mean_aggr(m_nl, edge_index_nl[1], N_LINK)
        new_l = jnp.concatenate([agg_nl, xl], axis=1) @ Wnl + bnl
        # relation ('link','ln','node'): gather src='link', scatter-mean to dst='node'
        m_ln = jnp.take(xl, edge_index_ln[0], axis=0)
        agg_ln = _mean_aggr(m_ln, edge_index_ln[1], N_NODE)
        new_n = jnp.concatenate([agg_ln, xn], axis=1) @ Wln + bln
        # HeteroConv aggr='sum': single relation per dst type, so no extra sum.
        xn = jax.nn.relu(new_n)
        xl = jax.nn.relu(new_l)
    # batch_dict is None -> return x_dict['link']
    return xl

if __name__ == "__main__":
    import jax
    _d = setup_inputs()
    print(jax.jit(kernel)(*tuple(_d.values())))

</pallas_src>

<mosaic_0001>
#map = affine_map<(d0, d1) -> (0, 0)>
#map1 = affine_map<(d0, d1) -> (0, 0, 0, 0)>
#map2 = affine_map<(d0, d1) -> (0, 0, 0)>
module attributes {stable_mosaic.version = 14 : i64} {
  func.func @_sc_sums_body(%arg0: i32, %arg1: i32, %arg2: memref<20000x128xf32, #tpu.memory_space<hbm>>, %arg3: memref<2x16x320x64xi32, #tpu.memory_space<hbm>>, %arg4: memref<2x16x320x64xi32, #tpu.memory_space<hbm>>, %arg5: memref<10112x128xf32, #tpu.memory_space<hbm>>, %arg6: memref<2x10112x128xf32, #tpu.memory_space<hbm>>, %arg7: memref<64xi32, #tpu.memory_space<vmem>>, %arg8: memref<64xi32, #tpu.memory_space<vmem>>, %arg9: memref<64xi32, #tpu.memory_space<vmem>>, %arg10: memref<64xi32, #tpu.memory_space<vmem>>, %arg11: memref<64xi32, #tpu.memory_space<vmem>>, %arg12: memref<64xi32, #tpu.memory_space<vmem>>, %arg13: memref<64xi32, #tpu.memory_space<vmem>>, %arg14: memref<64xi32, #tpu.memory_space<vmem>>, %arg15: memref<64xi32, #tpu.memory_space<vmem>>, %arg16: memref<64xi32, #tpu.memory_space<vmem>>, %arg17: memref<64xi32, #tpu.memory_space<vmem>>, %arg18: memref<64xi32, #tpu.memory_space<vmem>>, %arg19: memref<64xi32, #tpu.memory_space<vmem>>, %arg20: memref<64xi32, #tpu.memory_space<vmem>>, %arg21: memref<64xi32, #tpu.memory_space<vmem>>, %arg22: memref<64xi32, #tpu.memory_space<vmem>>, %arg23: memref<64x128xf32, #tpu.memory_space<vmem>>, %arg24: memref<64x128xf32, #tpu.memory_space<vmem>>, %arg25: memref<64x128xf32, #tpu.memory_space<vmem>>, %arg26: memref<64x128xf32, #tpu.memory_space<vmem>>, %arg27: memref<10112x128xf32, #tpu.memory_space<vmem_shared>>, %arg28: memref<!tpu.dma_semaphore, #tpu.memory_space<semaphore_mem>>, %arg29: memref<!tpu.dma_semaphore, #tpu.memory_space<semaphore_mem>>, %arg30: memref<!tpu.dma_semaphore, #tpu.memory_space<semaphore_mem>>, %arg31: memref<!tpu.dma_semaphore, #tpu.memory_space<semaphore_mem>>, %arg32: memref<!tpu.dma_semaphore, #tpu.memory_space<semaphore_mem>>, %arg33: memref<!tpu.dma_semaphore, #tpu.memory_space<semaphore_mem>>, %arg34: memref<!tpu.dma_semaphore, #tpu.memory_space<semaphore_mem>>, %arg35: memref<!tpu.dma_semaphore, #tpu.memory_space<semaphore_mem>>, %arg36: memref<!tpu.dma_semaphore, #tpu.memory_space<semaphore_mem>>, %arg37: memref<!tpu.dma_semaphore, #tpu.memory_space<semaphore_mem>>, %arg38: memref<!tpu.dma_semaphore, #tpu.memory_space<semaphore_mem>>, %arg39: memref<!tpu.dma_semaphore, #tpu.memory_space<semaphore_mem>>, %arg40: memref<!tpu.dma_semaphore, #tpu.memory_space<semaphore_mem>>, %arg41: memref<!tpu.dma_semaphore, #tpu.memory_space<semaphore_mem>>, %arg42: memref<!tpu.dma_semaphore, #tpu.memory_space<semaphore_mem>>, %arg43: memref<!tpu.dma_semaphore, #tpu.memory_space<semaphore_mem>>) attributes {dimension_semantics = [#tpu.dimension_semantics<core_parallel>, #tpu.dimension_semantics<subcore_parallel>], iteration_bounds = array<i64: 2, 16>, scalar_prefetch = 0 : i64, scratch_operands = 37 : i64, tpu.core_type = #tpu.core_type<sc_vector_subcore>, window_params = [{transform_indices = #map}, {transform_indices = #map1}, {transform_indices = #map1}, {transform_indices = #map}, {transform_indices = #map2}]} {
    %mul3A = arith.constant 632 : i32
    %mul3A_0 = arith.muli %arg1, %mul3A : i32
    "tpu.region"() ({
      %run_scoped3A = tpu.sem_alloc : memref<!tpu.dma_semaphore, #tpu.memory_space<semaphore_mem>>
      %dma_start3A_157 = arith.constant 0 : i32
      %dma_start3A_158 = tpu.memref_slice %arg27[%mul3A_0, %dma_start3A_157] : memref<10112x128xf32, #tpu.memory_space<vmem_shared>> -> memref<632x128xf32, #tpu.memory_space<vmem_shared>>
      %dma_start3A_159 = arith.constant 0 : i32
      %dma_start3A_160 = tpu.memref_slice %arg5[%mul3A_0, %dma_start3A_159] : memref<10112x128xf32, #tpu.memory_space<hbm>> -> memref<632x128xf32, #tpu.memory_space<hbm>>
      tpu.enqueue_dma source(%dma_start3A_160 : memref<632x128xf32, #tpu.memory_space<hbm>>) target(%dma_start3A_158 : memref<632x128xf32, #tpu.memory_space<vmem_shared>>) target_semaphore(%run_scoped3A : memref<!tpu.dma_semaphore, #tpu.memory_space<semaphore_mem>>)
      %dma_wait3A_161 = arith.constant 0 : i32
      %dma_wait3A_162 = tpu.memref_slice %arg27[%mul3A_0, %dma_wait3A_161] : memref<10112x128xf32, #tpu.memory_space<vmem_shared>> -> memref<632x128xf32, #tpu.memory_space<vmem_shared>>
      %dma_wait3A_163 = arith.constant 0 : i32
      %dma_wait3A_164 = tpu.memref_slice %arg5[%mul3A_0, %dma_wait3A_163] : memref<10112x128xf32, #tpu.memory_space<hbm>> -> memref<632x128xf32, #tpu.memory_space<hbm>>
      tpu.wait_dma2 semaphore(%run_scoped3A : memref<!tpu.dma_semaphore, #tpu.memory_space<semaphore_mem>>) src(%dma_wait3A_164 : memref<632x128xf32, #tpu.memory_space<hbm>>) dst(%dma_wait3A_162 : memref<632x128xf32, #tpu.memory_space<vmem_shared>>)
      tpu.yield
    }) : () -> ()
    %barrier3A = arith.constant 0 : index
    tpu.barrier barrier_id(%barrier3A)
    %dma_start3A = arith.constant 0 : i32
    %dma_start3A_1 = arith.constant 0 : i32
    %dma_start3A_2 = tpu.memref_slice %arg3[%arg0, %arg1, %dma_start3A, %dma_start3A_1] : memref<2x16x320x64xi32, #tpu.memory_space<hbm>> -> memref<1x1x1x64xi32, #tpu.memory_space<hbm>>
    %dma_start3A_3 = tpu.memref_squeeze %dma_start3A_2 : memref<1x1x1x64xi32, #tpu.memory_space<hbm>> -> memref<64xi32, #tpu.memory_space<hbm>>
    %dma_start3A_4 = arith.constant 0 : i32
    %dma_start3A_5 = tpu.memref_slice %arg3[%arg0, %arg1, %dma_start3A, %dma_start3A_4] : memref<2x16x320x64xi32, #tpu.memory_space<hbm>> -> memref<1x1x1x64xi32, #tpu.memory_space<hbm>>
    %dma_start3A_6 = tpu.memref_squeeze %dma_start3A_5 : memref<1x1x1x64xi32, #tpu.memory_space<hbm>> -> memref<64xi32, #tpu.memory_space<hbm>>
    tpu.enqueue_dma source(%dma_start3A_6 : memref<64xi32, #tpu.memory_space<hbm>>) target(%arg7 : memref<64xi32, #tpu.memory_space<vmem>>) target_semaphore(%arg28 : memref<!tpu.dma_semaphore, #tpu.memory_space<semaphore_mem>>)
    %dma_start3A_7 = arith.constant 0 : i32
    %dma_start3A_8 = arith.constant 0 : i32
    %dma_start3A_9 = tpu.memref_slice %arg4[%arg0, %arg1, %dma_start3A_7, %dma_start3A_8] : memref<2x16x320x64xi32, #tpu.memory_space<hbm>> -> memref<1x1x1x64xi32, #tpu.memory_space<hbm>>
    %dma_start3A_10 = tpu.memref_squeeze %dma_start3A_9 : memref<1x1x1x64xi32, #tpu.memory_space<hbm>> -> memref<64xi32, #tpu.memory_space<hbm>>
    %dma_start3A_11 = arith.constant 0 : i32
    %dma_start3A_12 = tpu.memref_slice %arg4[%arg0, %arg1, %dma_start3A_7, %dma_start3A_11] : memref<2x16x320x64xi32, #tpu.memory_space<hbm>> -> memref<1x1x1x64xi32, #tpu.memory_space<hbm>>
    %dma_start3A_13 = tpu.memref_squeeze %dma_start3A_12 : memref<1x1x1x64xi32, #tpu.memory_space<hbm>> -> memref<64xi32, #tpu.memory_space<hbm>>
    tpu.enqueue_dma source(%dma_start3A_13 : memref<64xi32, #tpu.memory_space<hbm>>) target(%arg8 : memref<64xi32, #tpu.memory_space<vmem>>) target_semaphore(%arg28 : memref<!tpu.dma_semaphore, #tpu.memory_space<semaphore_mem>>)
    %dma_start3A_14 = arith.constant 1 : i32
    %dma_start3A_15 = arith.constant 0 : i32
    %dma_start3A_16 = tpu.memref_slice %arg3[%arg0, %arg1, %dma_start3A_14, %dma_start3A_15] : memref<2x16x320x64xi32, #tpu.memory_space<hbm>> -> memref<1x1x1x64xi32, #tpu.memory_space<hbm>>
    %dma_start3A_17 = tpu.memref_squeeze %dma_start3A_16 : memref<1x1x1x64xi32, #tpu.memory_space<hbm>> -> memref<64xi32, #tpu.memory_space<hbm>>
    %dma_start3A_18 = arith.constant 0 : i32
    %dma_start3A_19 = tpu.memref_slice %arg3[%arg0, %arg1, %dma_start3A_14, %dma_start3A_18] : memref<2x16x320x64xi32, #tpu.memory_space<hbm>> -> memref<1x1x1x64xi32, #tpu.memory_space<hbm>>
    %dma_start3A_20 = tpu.memref_squeeze %dma_start3A_19 : memref<1x1x1x64xi32, #tpu.memory_space<hbm>> -> memref<64xi32, #tpu.memory_space<hbm>>
    tpu.enqueue_dma source(%dma_start3A_20 : memref<64xi32, #tpu.memory_space<hbm>>) target(%arg9 : memref<64xi32, #tpu.memory_space<vmem>>) target_semaphore(%arg29 : memref<!tpu.dma_semaphore, #tpu.memory_space<semaphore_mem>>)
    %dma_start3A_21 = arith.constant 1 : i32
    %dma_start3A_22 = arith.constant 0 : i32
    %dma_start3A_23 = tpu.memref_slice %arg4[%arg0, %arg1, %dma_start3A_21, %dma_start3A_22] : memref<2x16x320x64xi32, #tpu.memory_space<hbm>> -> memref<1x1x1x64xi32, #tpu.memory_space<hbm>>
    %dma_start3A_24 = tpu.memref_squeeze %dma_start3A_23 : memref<1x1x1x64xi32, #tpu.memory_space<hbm>> -> memref<64xi32, #tpu.memory_space<hbm>>
    %dma_start3A_25 = arith.constant 0 : i32
    %dma_start3A_26 = tpu.memref_slice %arg4[%arg0, %arg1, %dma_start3A_21, %dma_start3A_25] : memref<2x16x320x64xi32, #tpu.memory_space<hbm>> -> memref<1x1x1x64xi32, #tpu.memory_space<hbm>>
    %dma_start3A_27 = tpu.memref_squeeze %dma_start3A_26 : memref<1x1x1x64xi32, #tpu.memory_space<hbm>> -> memref<64xi32, #tpu.memory_space<hbm>>
    tpu.enqueue_dma source(%dma_start3A_27 : memref<64xi32, #tpu.memory_space<hbm>>) target(%arg10 : memref<64xi32, #tpu.memory_space<vmem>>) target_semaphore(%arg29 : memref<!tpu.dma_semaphore, #tpu.memory_space<semaphore_mem>>)
    %dma_start3A_28 = arith.constant 2 : i32
    %dma_start3A_29 = arith.constant 0 : i32
    %dma_start3A_30 = tpu.memref_slice %arg3[%arg0, %arg1, %dma_start3A_28, %dma_start3A_29] : memref<2x16x320x64xi32, #tpu.memory_space<hbm>> -> memref<1x1x1x64xi32, #tpu.memory_space<hbm>>
    %dma_start3A_31 = tpu.memref_squeeze %dma_start3A_30 : memref<1x1x1x64xi32, #tpu.memory_space<hbm>> -> memref<64xi32, #tpu.memory_space<hbm>>
    %dma_start3A_32 = arith.constant 0 : i32
    %dma_start3A_33 = tpu.memref_slice %arg3[%arg0, %arg1, %dma_start3A_28, %dma_start3A_32] : memref<2x16x320x64xi32, #tpu.memory_space<hbm>> -> memref<1x1x1x64xi32, #tpu.memory_space<hbm>>
    %dma_start3A_34 = tpu.memref_squeeze %dma_start3A_33 : memref<1x1x1x64xi32, #tpu.memory_space<hbm>> -> memref<64xi32, #tpu.memory_space<hbm>>
    tpu.enqueue_dma source(%dma_start3A_34 : memref<64xi32, #tpu.memory_space<hbm>>) target(%arg11 : memref<64xi32, #tpu.memory_space<vmem>>) target_semaphore(%arg30 : memref<!tpu.dma_semaphore, #tpu.memory_space<semaphore_mem>>)
    %dma_start3A_35 = arith.constant 2 : i32
    %dma_start3A_36 = arith.constant 0 : i32
    %dma_start3A_37 = tpu.memref_slice %arg4[%arg0, %arg1, %dma_start3A_35, %dma_start3A_36] : memref<2x16x320x64xi32, #tpu.memory_space<hbm>> -> memref<1x1x1x64xi32, #tpu.memory_space<hbm>>
    %dma_start3A_38 = tpu.memref_squeeze %dma_start3A_37 : memref<1x1x1x64xi32, #tpu.memory_space<hbm>> -> memref<64xi32, #tpu.memory_space<hbm>>
    %dma_start3A_39 = arith.constant 0 : i32
    %dma_start3A_40 = tpu.memref_slice %arg4[%arg0, %arg1, %dma_start3A_35, %dma_start3A_39] : memref<2x16x320x64xi32, #tpu.memory_space<hbm>> -> memref<1x1x1x64xi32, #tpu.memory_space<hbm>>
    %dma_start3A_41 = tpu.memref_squeeze %dma_start3A_40 : memref<1x1x1x64xi32, #tpu.memory_space<hbm>> -> memref<64xi32, #tpu.memory_space<hbm>>
    tpu.enqueue_dma source(%dma_start3A_41 : memref<64xi32, #tpu.memory_space<hbm>>) target(%arg12 : memref<64xi32, #tpu.memory_space<vmem>>) target_semaphore(%arg30 : memref<!tpu.dma_semaphore, #tpu.memory_space<semaphore_mem>>)
    %dma_start3A_42 = arith.constant 3 : i32
    %dma_start3A_43 = arith.constant 0 : i32
    %dma_start3A_44 = tpu.memref_slice %arg3[%arg0, %arg1, %dma_start3A_42, %dma_start3A_43] : memref<2x16x320x64xi32, #tpu.memory_space<hbm>> -> memref<1x1x1x64xi32, #tpu.memory_space<hbm>>
    %dma_start3A_45 = tpu.memref_squeeze %dma_start3A_44 : memref<1x1x1x64xi32, #tpu.memory_space<hbm>> -> memref<64xi32, #tpu.memory_space<hbm>>
    %dma_start3A_46 = arith.constant 0 : i32
    %dma_start3A_47 = tpu.memref_slice %arg3[%arg0, %arg1, %dma_start3A_42, %dma_start3A_46] : memref<2x16x320x64xi32, #tpu.memory_space<hbm>> -> memref<1x1x1x64xi32, #tpu.memory_space<hbm>>
    %dma_start3A_48 = tpu.memref_squeeze %dma_start3A_47 : memref<1x1x1x64xi32, #tpu.memory_space<hbm>> -> memref<64xi32, #tpu.memory_space<hbm>>
    tpu.enqueue_dma source(%dma_start3A_48 : memref<64xi32, #tpu.memory_space<hbm>>) target(%arg13 : memref<64xi32, #tpu.memory_space<vmem>>) target_semaphore(%arg31 : memref<!tpu.dma_semaphore, #tpu.memory_space<semaphore_mem>>)
    %dma_start3A_49 = arith.constant 3 : i32
    %dma_start3A_50 = arith.constant 0 : i32
    %dma_start3A_51 = tpu.memref_slice %arg4[%arg0, %arg1, %dma_start3A_49, %dma_start3A_50] : memref<2x16x320x64xi32, #tpu.memory_space<hbm>> -> memref<1x1x1x64xi32, #tpu.memory_space<hbm>>
    %dma_start3A_52 = tpu.memref_squeeze %dma_start3A_51 : memref<1x1x1x64xi32, #tpu.memory_space<hbm>> -> memref<64xi32, #tpu.memory_space<hbm>>
    %dma_start3A_53 = arith.constant 0 : i32
    %dma_start3A_54 = tpu.memref_slice %arg4[%arg0, %arg1, %dma_start3A_49, %dma_start3A_53] : memref<2x16x320x64xi32, #tpu.memory_space<hbm>> -> memref<1x1x1x64xi32, #tpu.memory_space<hbm>>
    %dma_start3A_55 = tpu.memref_squeeze %dma_start3A_54 : memref<1x1x1x64xi32, #tpu.memory_space<hbm>> -> memref<64xi32, #tpu.memory_space<hbm>>
    tpu.enqueue_dma source(%dma_start3A_55 : memref<64xi32, #tpu.memory_space<hbm>>) target(%arg14 : memref<64xi32, #tpu.memory_space<vmem>>) target_semaphore(%arg31 : memref<!tpu.dma_semaphore, #tpu.memory_space<semaphore_mem>>)
    %dma_start3A_56 = arith.constant 4 : i32
    %dma_start3A_57 = arith.constant 0 : i32
    %dma_start3A_58 = tpu.memref_slice %arg3[%arg0, %arg1, %dma_start3A_56, %dma_start3A_57] : memref<2x16x320x64xi32, #tpu.memory_space<hbm>> -> memref<1x1x1x64xi32, #tpu.memory_space<hbm>>
    %dma_start3A_59 = tpu.memref_squeeze %dma_start3A_58 : memref<1x1x1x64xi32, #tpu.memory_space<hbm>> -> memref<64xi32, #tpu.memory_space<hbm>>
    %dma_start3A_60 = arith.constant 0 : i32
    %dma_start3A_61 = tpu.memref_slice %arg3[%arg0, %arg1, %dma_start3A_56, %dma_start3A_60] : memref<2x16x320x64xi32, #tpu.memory_space<hbm>> -> memref<1x1x1x64xi32, #tpu.memory_space<hbm>>
    %dma_start3A_62 = tpu.memref_squeeze %dma_start3A_61 : memref<1x1x1x64xi32, #tpu.memory_space<hbm>> -> memref<64xi32, #tpu.memory_space<hbm>>
    tpu.enqueue_dma source(%dma_start3A_62 : memref<64xi32, #tpu.memory_space<hbm>>) target(%arg15 : memref<64xi32, #tpu.memory_space<vmem>>) target_semaphore(%arg32 : memref<!tpu.dma_semaphore, #tpu.memory_space<semaphore_mem>>)
    %dma_start3A_63 = arith.constant 4 : i32
    %dma_start3A_64 = arith.constant 0 : i32
    %dma_start3A_65 = tpu.memref_slice %arg4[%arg0, %arg1, %dma_start3A_63, %dma_start3A_64] : memref<2x16x320x64xi32, #tpu.memory_space<hbm>> -> memref<1x1x1x64xi32, #tpu.memory_space<hbm>>
    %dma_start3A_66 = tpu.memref_squeeze %dma_start3A_65 : memref<1x1x1x64xi32, #tpu.memory_space<hbm>> -> memref<64xi32, #tpu.memory_space<hbm>>
    %dma_start3A_67 = arith.constant 0 : i32
    %dma_start3A_68 = tpu.memref_slice %arg4[%arg0, %arg1, %dma_start3A_63, %dma_start3A_67] : memref<2x16x320x64xi32, #tpu.memory_space<hbm>> -> memref<1x1x1x64xi32, #tpu.memory_space<hbm>>
    %dma_start3A_69 = tpu.memref_squeeze %dma_start3A_68 : memref<1x1x1x64xi32, #tpu.memory_space<hbm>> -> memref<64xi32, #tpu.memory_space<hbm>>
    tpu.enqueue_dma source(%dma_start3A_69 : memref<64xi32, #tpu.memory_space<hbm>>) target(%arg16 : memref<64xi32, #tpu.memory_space<vmem>>) target_semaphore(%arg32 : memref<!tpu.dma_semaphore, #tpu.memory_space<semaphore_mem>>)
    %dma_start3A_70 = arith.constant 5 : i32
    %dma_start3A_71 = arith.constant 0 : i32
    %dma_start3A_72 = tpu.memref_slice %arg3[%arg0, %arg1, %dma_start3A_70, %dma_start3A_71] : memref<2x16x320x64xi32, #tpu.memory_space<hbm>> -> memref<1x1x1x64xi32, #tpu.memory_space<hbm>>
    %dma_start3A_73 = tpu.memref_squeeze %dma_start3A_72 : memref<1x1x1x64xi32, #tpu.memory_space<hbm>> -> memref<64xi32, #tpu.memory_space<hbm>>
    %dma_start3A_74 = arith.constant 0 : i32
    %dma_start3A_75 = tpu.memref_slice %arg3[%arg0, %arg1, %dma_start3A_70, %dma_start3A_74] : memref<2x16x320x64xi32, #tpu.memory_space<hbm>> -> memref<1x1x1x64xi32, #tpu.memory_space<hbm>>
    %dma_start3A_76 = tpu.memref_squeeze %dma_start3A_75 : memref<1x1x1x64xi32, #tpu.memory_space<hbm>> -> memref<64xi32, #tpu.memory_space<hbm>>
    tpu.enqueue_dma source(%dma_start3A_76 : memref<64xi32, #tpu.memory_space<hbm>>) target(%arg17 : memref<64xi32, #tpu.memory_space<vmem>>) target_semaphore(%arg33 : memref<!tpu.dma_semaphore, #tpu.memory_space<semaphore_mem>>)
    %dma_start3A_77 = arith.constant 5 : i32
    %dma_start3A_78 = arith.constant 0 : i32
    %dma_start3A_79 = tpu.memref_slice %arg4[%arg0, %arg1, %dma_start3A_77, %dma_start3A_78] : memref<2x16x320x64xi32, #tpu.memory_space<hbm>> -> memref<1x1x1x64xi32, #tpu.memory_space<hbm>>
    %dma_start3A_80 = tpu.memref_squeeze %dma_start3A_79 : memref<1x1x1x64xi32, #tpu.memory_space<hbm>> -> memref<64xi32, #tpu.memory_space<hbm>>
    %dma_start3A_81 = arith.constant 0 : i32
    %dma_start3A_82 = tpu.memref_slice %arg4[%arg0, %arg1, %dma_start3A_77, %dma_start3A_81] : memref<2x16x320x64xi32, #tpu.memory_space<hbm>> -> memref<1x1x1x64xi32, #tpu.memory_space<hbm>>
    %dma_start3A_83 = tpu.memref_squeeze %dma_start3A_82 : memref<1x1x1x64xi32, #tpu.memory_space<hbm>> -> memref<64xi32, #tpu.memory_space<hbm>>
    tpu.enqueue_dma source(%dma_start3A_83 : memref<64xi32, #tpu.memory_space<hbm>>) target(%arg18 : memref<64xi32, #tpu.memory_space<vmem>>) target_semaphore(%arg33 : memref<!tpu.dma_semaphore, #tpu.memory_space<semaphore_mem>>)
    %dma_start3A_84 = arith.constant 6 : i32
    %dma_start3A_85 = arith.constant 0 : i32
    %dma_start3A_86 = tpu.memref_slice %arg3[%arg0, %arg1, %dma_start3A_84, %dma_start3A_85] : memref<2x16x320x64xi32, #tpu.memory_space<hbm>> -> memref<1x1x1x64xi32, #tpu.memory_space<hbm>>
    %dma_start3A_87 = tpu.memref_squeeze %dma_start3A_86 : memref<1x1x1x64xi32, #tpu.memory_space<hbm>> -> memref<64xi32, #tpu.memory_space<hbm>>
    %dma_start3A_88 = arith.constant 0 : i32
    %dma_start3A_89 = tpu.memref_slice %arg3[%arg0, %arg1, %dma_start3A_84, %dma_start3A_88] : memref<2x16x320x64xi32, #tpu.memory_space<hbm>> -> memref<1x1x1x64xi32, #tpu.memory_space<hbm>>
    %dma_start3A_90 = tpu.memref_squeeze %dma_start3A_89 : memref<1x1x1x64xi32, #tpu.memory_space<hbm>> -> memref<64xi32, #tpu.memory_space<hbm>>
    tpu.enqueue_dma source(%dma_start3A_90 : memref<64xi32, #tpu.memory_space<hbm>>) target(%arg19 : memref<64xi32, #tpu.memory_space<vmem>>) target_semaphore(%arg34 : memref<!tpu.dma_semaphore, #tpu.memory_space<semaphore_mem>>)
    %dma_start3A_91 = arith.constant 6 : i32
    %dma_start3A_92 = arith.constant 0 : i32
    %dma_start3A_93 = tpu.memref_slice %arg4[%arg0, %arg1, %dma_start3A_91, %dma_start3A_92] : memref<2x16x320x64xi32, #tpu.memory_space<hbm>> -> memref<1x1x1x64xi32, #tpu.memory_space<hbm>>
    %dma_start3A_94 = tpu.memref_squeeze %dma_start3A_93 : memref<1x1x1x64xi32, #tpu.memory_space<hbm>> -> memref<64xi32, #tpu.memory_space<hbm>>
    %dma_start3A_95 = arith.constant 0 : i32
    %dma_start3A_96 = tpu.memref_slice %arg4[%arg0, %arg1, %dma_start3A_91, %dma_start3A_95] : memref<2x16x320x64xi32, #tpu.memory_space<hbm>> -> memref<1x1x1x64xi32, #tpu.memory_space<hbm>>
    %dma_start3A_97 = tpu.memref_squeeze %dma_start3A_96 : memref<1x1x1x64xi32, #tpu.memory_space<hbm>> -> memref<64xi32, #tpu.memory_space<hbm>>
    tpu.enqueue_dma source(%dma_start3A_97 : memref<64xi32, #tpu.memory_space<hbm>>) target(%arg20 : memref<64xi32, #tpu.memory_space<vmem>>) target_semaphore(%arg34 : memref<!tpu.dma_semaphore, #tpu.memory_space<semaphore_mem>>)
    %dma_wait3A = arith.constant 0 : i32
    %dma_wait3A_98 = arith.constant 0 : i32
    %dma_wait3A_99 = tpu.memref_slice %arg3[%arg0, %arg1, %dma_wait3A, %dma_wait3A_98] : memref<2x16x320x64xi32, #tpu.memory_space<hbm>> -> memref<1x1x1x64xi32, #tpu.memory_space<hbm>>
    %dma_wait3A_100 = tpu.memref_squeeze %dma_wait3A_99 : memref<1x1x1x64xi32, #tpu.memory_space<hbm>> -> memref<64xi32, #tpu.memory_space<hbm>>
    %dma_wait3A_101 = arith.constant 0 : i32
    %dma_wait3A_102 = tpu.memref_slice %arg3[%arg0, %arg1, %dma_wait3A, %dma_wait3A_101] : memref<2x16x320x64xi32, #tpu.memory_space<hbm>> -> memref<1x1x1x64xi32, #tpu.memory_space<hbm>>
    %dma_wait3A_103 = tpu.memref_squeeze %dma_wait3A_102 : memref<1x1x1x64xi32, #tpu.memory_space<hbm>> -> memref<64xi32, #tpu.memory_space<hbm>>
    tpu.wait_dma2 semaphore(%arg28 : memref<!tpu.dma_semaphore, #tpu.memory_space<semaphore_mem>>) src(%dma_wait3A_103 : memref<64xi32, #tpu.memory_space<hbm>>) dst(%arg7 : memref<64xi32, #tpu.memory_space<vmem>>)
    %dma_wait3A_104 = arith.constant 0 : i32
    %dma_wait3A_105 = arith.constant 0 : i32
    %dma_wait3A_106 = tpu.memref_slice %arg4[%arg0, %arg1, %dma_wait3A_104, %dma_wait3A_105] : memref<2x16x320x64xi32, #tpu.memory_space<hbm>> -> memref<1x1x1x64xi32, #tpu.memory_space<hbm>>
    %dma_wait3A_107 = tpu.memref_squeeze %dma_wait3A_106 : memref<1x1x1x64xi32, #tpu.memory_space<hbm>> -> memref<64xi32, #tpu.memory_space<hbm>>
    %dma_wait3A_108 = arith.constant 0 : i32
    %dma_wait3A_109 = tpu.memref_slice %arg4[%arg0, %arg1, %dma_wait3A_104, %dma_wait3A_108] : memref<2x16x320x64xi32, #tpu.memory_space<hbm>> -> memref<1x1x1x64xi32, #tpu.memory_space<hbm>>
    %dma_wait3A_110 = tpu.memref_squeeze %dma_wait3A_109 : memref<1x1x1x64xi32, #tpu.memory_space<hbm>> -> memref<64xi32, #tpu.memory_space<hbm>>
    tpu.wait_dma2 semaphore(%arg28 : memref<!tpu.dma_semaphore, #tpu.memory_space<semaphore_mem>>) src(%dma_wait3A_110 : memref<64xi32, #tpu.memory_space<hbm>>) dst(%arg8 : memref<64xi32, #tpu.memory_space<vmem>>)
    %dma_start3A_111 = arith.constant 0 : i32
    %dma_start3A_112 = arith.constant 0 : i32
    %dma_start3A_113 = tpu.memref_slice %arg2[%dma_start3A_111, %dma_start3A_112] : memref<20000x128xf32, #tpu.memory_space<hbm>> -> memref<20000x128xf32, #tpu.memory_space<hbm>>
    tpu.enqueue_indirect_dma source(%dma_start3A_113 : memref<20000x128xf32, #tpu.memory_space<hbm>>) target(%arg23 : memref<64x128xf32, #tpu.memory_space<vmem>>) offsets(%arg7 : memref<64xi32, #tpu.memory_space<vmem>>) semaphore(%arg36 : memref<!tpu.dma_semaphore, #tpu.memory_space<semaphore_mem>>)
    %dma_wait3A_114 = arith.constant 1 : i32
    %dma_wait3A_115 = arith.constant 0 : i32
    %dma_wait3A_116 = tpu.memref_slice %arg3[%arg0, %arg1, %dma_wait3A_114, %dma_wait3A_115] : memref<2x16x320x64xi32, #tpu.memory_space<hbm>> -> memref<1x1x1x64xi32, #tpu.memory_space<hbm>>
    %dma_wait3A_117 = tpu.memref_squeeze %dma_wait3A_116 : memref<1x1x1x64xi32, #tpu.memory_space<hbm>> -> memref<64xi32, #tpu.memory_space<hbm>>
    %dma_wait3A_118 = arith.constant 0 : i32
    %dma_wait3A_119 = tpu.memref_slice %arg3[%arg0, %arg1, %dma_wait3A_114, %dma_wait3A_118] : memref<2x16x320x64xi32, #tpu.memory_space<hbm>> -> memref<1x1x1x64xi32, #tpu.memory_space<hbm>>
    %dma_wait3A_120 = tpu.memref_squeeze %dma_wait3A_119 : memref<1x1x1x64xi32, #tpu.memory_space<hbm>> -> memref<64xi32, #tpu.memory_space<hbm>>
    tpu.wait_dma2 semaphore(%arg29 : memref<!tpu.dma_semaphore, #tpu.memory_space<semaphore_mem>>) src(%dma_wait3A_120 : memref<64xi32, #tpu.memory_space<hbm>>) dst(%arg9 : memref<64xi32, #tpu.memory_space<vmem>>)
    %dma_wait3A_121 = arith.constant 1 : i32
    %dma_wait3A_122 = arith.constant 0 : i32
    %dma_wait3A_123 = tpu.memref_slice %arg4[%arg0, %arg1, %dma_wait3A_121, %dma_wait3A_122] : memref<2x16x320x64xi32, #tpu.memory_space<hbm>> -> memref<1x1x1x64xi32, #tpu.memory_space<hbm>>
    %dma_wait3A_124 = tpu.memref_squeeze %dma_wait3A_123 : memref<1x1x1x64xi32, #tpu.memory_space<hbm>> -> memref<64xi32, #tpu.memory_space<hbm>>
    %dma_wait3A_125 = arith.constant 0 : i32
    %dma_wait3A_126 = tpu.memref_slice %arg4[%arg0, %arg1, %dma_wait3A_121, %dma_wait3A_125] : memref<2x16x320x64xi32, #tpu.memory_space<hbm>> -> memref<1x1x1x64xi32, #tpu.memory_space<hbm>>
    %dma_wait3A_127 = tpu.memref_squeeze %dma_wait3A_126 : memref<1x1x1x64xi32, #tpu.memory_space<hbm>> -> memref<64xi32, #tpu.memory_space<hbm>>
    tpu.wait_dma2 semaphore(%arg29 : memref<!tpu.dma_semaphore, #tpu.memory_space<semaphore_mem>>) src(%dma_wait3A_127 : memref<64xi32, #tpu.memory_space<hbm>>) dst(%arg10 : memref<64xi32, #tpu.memory_space<vmem>>)
    %dma_start3A_128 = arith.constant 0 : i32
    %dma_start3A_129 = arith.constant 0 : i32
    %dma_start3A_130 = tpu.memref_slice %arg2[%dma_start3A_128, %dma_start3A_129] : memref<20000x128xf32, #tpu.memory_space<hbm>> -> memref<20000x128xf32, #tpu.memory_space<hbm>>
    tpu.enqueue_indirect_dma source(%dma_start3A_130 : memref<20000x128xf32, #tpu.memory_space<hbm>>) target(%arg24 : memref<64x128xf32, #tpu.memory_space<vmem>>) offsets(%arg9 : memref<64xi32, #tpu.memory_space<vmem>>) semaphore(%arg37 : memref<!tpu.dma_semaphore, #tpu.memory_space<semaphore_mem>>)
    %dma_wait3A_131 = arith.constant 2 : i32
    %dma_wait3A_132 = arith.constant 0 : i32
    %dma_wait3A_133 = tpu.memref_slice %arg3[%arg0, %arg1, %dma_wait3A_131, %dma_wait3A_132] : memref<2x16x320x64xi32, #tpu.memory_space<hbm>> -> memref<1x1x1x64xi32, #tpu.memory_space<hbm>>
    %dma_wait3A_134 = tpu.memref_squeeze %dma_wait3A_133 : memref<1x1x1x64xi32, #tpu.memory_space<hbm>> -> memref<64xi32, #tpu.memory_space<hbm>>
    %dma_wait3A_135 = arith.constant 0 : i32
    %dma_wait3A_136 = tpu.memref_slice %arg3[%arg0, %arg1, %dma_wait3A_131, %dma_wait3A_135] : memref<2x16x320x64xi32, #tpu.memory_space<hbm>> -> memref<1x1x1x64xi32, #tpu.memory_space<hbm>>
    %dma_wait3A_137 = tpu.memref_squeeze %dma_wait3A_136 : memref<1x1x1x64xi32, #tpu.memory_space<hbm>> -> memref<64xi32, #tpu.memory_space<hbm>>
    tpu.wait_dma2 semaphore(%arg30 : memref<!tpu.dma_semaphore, #tpu.memory_space<semaphore_mem>>) src(%dma_wait3A_137 : memref<64xi32, #tpu.memory_space<hbm>>) dst(%arg11 : memref<64xi32, #tpu.memory_space<vmem>>)
    %dma_wait3A_138 = arith.constant 2 : i32
    %dma_wait3A_139 = arith.constant 0 : i32
    %dma_wait3A_140 = tpu.memref_slice %arg4[%arg0, %arg1, %dma_wait3A_138, %dma_wait3A_139] : memref<2x16x320x64xi32, #tpu.memory_space<hbm>> -> memref<1x1x1x64xi32, #tpu.memory_space<hbm>>
    %dma_wait3A_141 = tpu.memref_squeeze %dma_wait3A_140 : memref<1x1x1x64xi32, #tpu.memory_space<hbm>> -> memref<64xi32, #tpu.memory_space<hbm>>
    %dma_wait3A_142 = arith.constant 0 : i32
    %dma_wait3A_143 = tpu.memref_slice %arg4[%arg0, %arg1, %dma_wait3A_138, %dma_wait3A_142] : memref<2x16x320x64xi32, #tpu.memory_space<hbm>> -> memref<1x1x1x64xi32, #tpu.memory_space<hbm>>
    %dma_wait3A_144 = tpu.memref_squeeze %dma_wait3A_143 : memref<1x1x1x64xi32, #tpu.memory_space<hbm>> -> memref<64xi32, #tpu.memory_space<hbm>>
    tpu.wait_dma2 semaphore(%arg30 : memref<!tpu.dma_semaphore, #tpu.memory_space<semaphore_mem>>) src(%dma_wait3A_144 : memref<64xi32, #tpu.memory_space<hbm>>) dst(%arg12 : memref<64xi32, #tpu.memory_space<vmem>>)
    %dma_start3A_145 = arith.constant 0 : i32
    %dma_start3A_146 = arith.constant 0 : i32
    %dma_start3A_147 = tpu.memref_slice %arg2[%dma_start3A_145, %dma_start3A_146] : memref<20000x128xf32, #tpu.memory_space<hbm>> -> memref<20000x128xf32, #tpu.memory_space<hbm>>
    tpu.enqueue_indirect_dma source(%dma_start3A_147 : memref<20000x128xf32, #tpu.memory_space<hbm>>) target(%arg25 : memref<64x128xf32, #tpu.memory_space<vmem>>) offsets(%arg11 : memref<64xi32, #tpu.memory_space<vmem>>) semaphore(%arg38 : memref<!tpu.dma_semaphore, #tpu.memory_space<semaphore_mem>>)
    %scan3A = arith.constant 0 : i32
    %scan3A_148 = arith.constant 0 : i32
    %scan3A_149 = arith.constant 40 : i32
    %scan3A_150 = arith.addi %scan3A_148, %scan3A_149 : i32
    %scan3A_151 = arith.constant 1 : i32
    scf.for %scan3A_157 = %scan3A_148 to %scan3A_150 step %scan3A_151  : i32 {
      %mul3A_158 = arith.constant 8 : i32
      %mul3A_159 = arith.muli %scan3A_157, %mul3A_158 : i32
      %add3A = arith.constant 0 : i32
      %add3A_160 = arith.addi %mul3A_159, %add3A : i32
      %dma_wait3A_161 = arith.constant 0 : i32
      %dma_wait3A_162 = arith.constant 0 : i32
      %dma_wait3A_163 = tpu.memref_slice %arg2[%dma_wait3A_161, %dma_wait3A_162] : memref<20000x128xf32, #tpu.memory_space<hbm>> -> memref<20000x128xf32, #tpu.memory_space<hbm>>
      tpu.wait_indirect_dma semaphore(%arg36 : memref<!tpu.dma_semaphore, #tpu.memory_space<semaphore_mem>>) src(%dma_wait3A_163 : memref<20000x128xf32, #tpu.memory_space<hbm>>) dst(%arg23 : memref<64x128xf32, #tpu.memory_space<vmem>>)
      %dma_start3A_164 = arith.constant 0 : i32
      %dma_start3A_165 = arith.constant 0 : i32
      %dma_start3A_166 = tpu.memref_slice %arg27[%dma_start3A_164, %dma_start3A_165] : memref<10112x128xf32, #tpu.memory_space<vmem_shared>> -> memref<10112x128xf32, #tpu.memory_space<vmem_shared>>
      tpu.enqueue_indirect_dma source(%arg23 : memref<64x128xf32, #tpu.memory_space<vmem>>) target(%dma_start3A_166 : memref<10112x128xf32, #tpu.memory_space<vmem_shared>>) offsets(%arg8 : memref<64xi32, #tpu.memory_space<vmem>>) semaphore(%arg40 : memref<!tpu.dma_semaphore, #tpu.memory_space<semaphore_mem>>) {add = true}
      %ge3A = arith.constant 1 : i32
      %ge3A_167 = arith.cmpi sge, %add3A_160, %ge3A : i32
      %convert_element_type3A = arith.extui %ge3A_167 : i1 to i32
      %cond3A = arith.constant 0 : i32
      %cond3A_168 = arith.cmpi ne, %convert_element_type3A, %cond3A : i32
      scf.if %cond3A_168 {
        %dma_wait3A_371 = arith.constant 0 : i32
        %dma_wait3A_372 = arith.constant 0 : i32
        %dma_wait3A_373 = tpu.memref_slice %arg27[%dma_wait3A_371, %dma_wait3A_372] : memref<10112x128xf32, #tpu.memory_space<vmem_shared>> -> memref<10112x128xf32, #tpu.memory_space<vmem_shared>>
        tpu.wait_indirect_dma semaphore(%arg43 : memref<!tpu.dma_semaphore, #tpu.memory_space<semaphore_mem>>) src(%arg26 : memref<64x128xf32, #tpu.memory_space<vmem>>) dst(%dma_wait3A_373 : memref<10112x128xf32, #tpu.memory_space<vmem_shared>>)
      } else {
      }
      %add3A_169 = arith.constant 7 : i32
      %add3A_170 = arith.addi %add3A_160, %add3A_169 : i32
      %lt3A = arith.constant 320 : i32
      %lt3A_171 = arith.cmpi slt, %add3A_170, %lt3A : i32
      %convert_element_type3A_172 = arith.extui %lt3A_171 : i1 to i32
      %cond3A_173 = arith.constant 0 : i32
      %cond3A_174 = arith.cmpi ne, %convert_element_type3A_172, %cond3A_173 : i32
      scf.if %cond3A_174 {
        %add3A_371 = arith.constant 7 : i32
        %add3A_372 = arith.addi %add3A_160, %add3A_371 : i32
        %dma_start3A_373 = arith.constant 0 : i32
        %dma_start3A_374 = tpu.memref_slice %arg3[%arg0, %arg1, %add3A_372, %dma_start3A_373] : memref<2x16x320x64xi32, #tpu.memory_space<hbm>> -> memref<1x1x1x64xi32, #tpu.memory_space<hbm>>
        %dma_start3A_375 = tpu.memref_squeeze %dma_start3A_374 : memref<1x1x1x64xi32, #tpu.memory_space<hbm>> -> memref<64xi32, #tpu.memory_space<hbm>>
        %dma_start3A_376 = arith.constant 0 : i32
        %dma_start3A_377 = tpu.memref_slice %arg3[%arg0, %arg1, %add3A_372, %dma_start3A_376] : memref<2x16x320x64xi32, #tpu.memory_space<hbm>> -> memref<1x1x1x64xi32, #tpu.memory_space<hbm>>
        %dma_start3A_378 = tpu.memref_squeeze %dma_start3A_377 : memref<1x1x1x64xi32, #tpu.memory_space<hbm>> -> memref<64xi32, #tpu.memory_space<hbm>>
        tpu.enqueue_dma source(%dma_start3A_378 : memref<64xi32, #tpu.memory_space<hbm>>) target(%arg21 : memref<64xi32, #tpu.memory_space<vmem>>) target_semaphore(%arg35 : memref<!tpu.dma_semaphore, #tpu.memory_space<semaphore_mem>>)
        %dma_start3A_379 = arith.constant 0 : i32
        %dma_start3A_380 = tpu.memref_slice %arg4[%arg0, %arg1, %add3A_372, %dma_start3A_379] : memref<2x16x320x64xi32, #tpu.memory_space<hbm>> -> memref<1x1x1x64xi32, #tpu.memory_space<hbm>>
        %dma_start3A_381 = tpu.memref_squeeze %dma_start3A_380 : memref<1x1x1x64xi32, #tpu.memory_space<hbm>> -> memref<64xi32, #tpu.memory_space<hbm>>
        %dma_start3A_382 = arith.constant 0 : i32
        %dma_start3A_383 = tpu.memref_slice %arg4[%arg0, %arg1, %add3A_372, %dma_start3A_382] : memref<2x16x320x64xi32, #tpu.memory_space<hbm>> -> memref<1x1x1x64xi32, #tpu.memory_space<hbm>>
        %dma_start3A_384 = tpu.memref_squeeze %dma_start3A_383 : memref<1x1x1x64xi32, #tpu.memory_space<hbm>> -> memref<64xi32, #tpu.memory_space<hbm>>
        tpu.enqueue_dma source(%dma_start3A_384 : memref<64xi32, #tpu.memory_space<hbm>>) target(%arg22 : memref<64xi32, #tpu.memory_space<vmem>>) target_semaphore(%arg35 : memref<!tpu.dma_semaphore, #tpu.memory_space<semaphore_mem>>)
      } else {
      }
      %add3A_175 = arith.constant 3 : i32
      %add3A_176 = arith.addi %add3A_160, %add3A_175 : i32
      %lt3A_177 = arith.constant 320 : i32
      %lt3A_178 = arith.cmpi slt, %add3A_176, %lt3A_177 : i32
      %convert_element_type3A_179 = arith.extui %lt3A_178 : i1 to i32
      %cond3A_180 = arith.constant 0 : i32
      %cond3A_181 = arith.cmpi ne, %convert_element_type3A_179, %cond3A_180 : i32
      scf.if %cond3A_181 {
        %add3A_371 = arith.constant 3 : i32
        %add3A_372 = arith.addi %add3A_160, %add3A_371 : i32
        %dma_wait3A_373 = arith.constant 0 : i32
        %dma_wait3A_374 = tpu.memref_slice %arg3[%arg0, %arg1, %add3A_372, %dma_wait3A_373] : memref<2x16x320x64xi32, #tpu.memory_space<hbm>> -> memref<1x1x1x64xi32, #tpu.memory_space<hbm>>
        %dma_wait3A_375 = tpu.memref_squeeze %dma_wait3A_374 : memref<1x1x1x64xi32, #tpu.memory_space<hbm>> -> memref<64xi32, #tpu.memory_space<hbm>>
        %dma_wait3A_376 = arith.constant 0 : i32
        %dma_wait3A_377 = tpu.memref_slice %arg3[%arg0, %arg1, %add3A_372, %dma_wait3A_376] : memref<2x16x320x64xi32, #tpu.memory_space<hbm>> -> memref<1x1x1x64xi32, #tpu.memory_space<hbm>>
        %dma_wait3A_378 = tpu.memref_squeeze %dma_wait3A_377 : memref<1x1x1x64xi32, #tpu.memory_space<hbm>> -> memref<64xi32, #tpu.memory_space<hbm>>
        tpu.wait_dma2 semaphore(%arg31 : memref<!tpu.dma_semaphore, #tpu.memory_space<semaphore_mem>>) src(%dma_wait3A_378 : memref<64xi32, #tpu.memory_space<hbm>>) dst(%arg13 : memref<64xi32, #tpu.memory_space<vmem>>)
        %dma_wait3A_379 = arith.constant 0 : i32
        %dma_wait3A_380 = tpu.memref_slice %arg4[%arg0, %arg1, %add3A_372, %dma_wait3A_379] : memref<2x16x320x64xi32, #tpu.memory_space<hbm>> -> memref<1x1x1x64xi32, #tpu.memory_space<hbm>>
        %dma_wait3A_381 = tpu.memref_squeeze %dma_wait3A_380 : memref<1x1x1x64xi32, #tpu.memory_space<hbm>> -> memref<64xi32, #tpu.memory_space<hbm>>
        %dma_wait3A_382 = arith.constant 0 : i32
        %dma_wait3A_383 = tpu.memref_slice %arg4[%arg0, %arg1, %add3A_372, %dma_wait3A_382] : memref<2x16x320x64xi32, #tpu.memory_space<hbm>> -> memref<1x1x1x64xi32, #tpu.memory_space<hbm>>
        %dma_wait3A_384 = tpu.memref_squeeze %dma_wait3A_383 : memref<1x1x1x64xi32, #tpu.memory_space<hbm>> -> memref<64xi32, #tpu.memory_space<hbm>>
        tpu.wait_dma2 semaphore(%arg31 : memref<!tpu.dma_semaphore, #tpu.memory_space<semaphore_mem>>) src(%dma_wait3A_384 : memref<64xi32, #tpu.memory_space<hbm>>) dst(%arg14 : memref<64xi32, #tpu.memory_space<vmem>>)
        %dma_start3A_385 = arith.constant 0 : i32
        %dma_start3A_386 = arith.constant 0 : i32
        %dma_start3A_387 = tpu.memref_slice %arg2[%dma_start3A_385, %dma_start3A_386] : memref<20000x128xf32, #tpu.memory_space<hbm>> -> memref<20000x128xf32, #tpu.memory_space<hbm>>
        tpu.enqueue_indirect_dma source(%dma_start3A_387 : memref<20000x128xf32, #tpu.memory_space<hbm>>) target(%arg26 : memref<64x128xf32, #tpu.memory_space<vmem>>) offsets(%arg13 : memref<64xi32, #tpu.memory_space<vmem>>) semaphore(%arg39 : memref<!tpu.dma_semaphore, #tpu.memory_space<semaphore_mem>>)
      } else {
      }
      %add3A_182 = arith.constant 1 : i32
      %add3A_183 = arith.addi %mul3A_159, %add3A_182 : i32
      %dma_wait3A_184 = arith.constant 0 : i32
      %dma_wait3A_185 = arith.constant 0 : i32
      %dma_wait3A_186 = tpu.memref_slice %arg2[%dma_wait3A_184, %dma_wait3A_185] : memref<20000x128xf32, #tpu.memory_space<hbm>> -> memref<20000x128xf32, #tpu.memory_space<hbm>>
      tpu.wait_indirect_dma semaphore(%arg37 : memref<!tpu.dma_semaphore, #tpu.memory_space<semaphore_mem>>) src(%dma_wait3A_186 : memref<20000x128xf32, #tpu.memory_space<hbm>>) dst(%arg24 : memref<64x128xf32, #tpu.memory_space<vmem>>)
      %dma_start3A_187 = arith.constant 0 : i32
      %dma_start3A_188 = arith.constant 0 : i32
      %dma_start3A_189 = tpu.memref_slice %arg27[%dma_start3A_187, %dma_start3A_188] : memref<10112x128xf32, #tpu.memory_space<vmem_shared>> -> memref<10112x128xf32, #tpu.memory_space<vmem_shared>>
      tpu.enqueue_indirect_dma source(%arg24 : memref<64x128xf32, #tpu.memory_space<vmem>>) target(%dma_start3A_189 : memref<10112x128xf32, #tpu.memory_space<vmem_shared>>) offsets(%arg10 : memref<64xi32, #tpu.memory_space<vmem>>) semaphore(%arg41 : memref<!tpu.dma_semaphore, #tpu.memory_space<semaphore_mem>>) {add = true}
      %ge3A_190 = arith.constant 1 : i32
      %ge3A_191 = arith.cmpi sge, %add3A_183, %ge3A_190 : i32
      %convert_element_type3A_192 = arith.extui %ge3A_191 : i1 to i32
      %cond3A_193 = arith.constant 0 : i32
      %cond3A_194 = arith.cmpi ne, %convert_element_type3A_192, %cond3A_193 : i32
      scf.if %cond3A_194 {
        %dma_wait3A_371 = arith.constant 0 : i32
        %dma_wait3A_372 = arith.constant 0 : i32
        %dma_wait3A_373 = tpu.memref_slice %arg27[%dma_wait3A_371, %dma_wait3A_372] : memref<10112x128xf32, #tpu.memory_space<vmem_shared>> -> memref<10112x128xf32, #tpu.memory_space<vmem_shared>>
        tpu.wait_indirect_dma semaphore(%arg40 : memref<!tpu.dma_semaphore, #tpu.memory_space<semaphore_mem>>) src(%arg23 : memref<64x128xf32, #tpu.memory_space<vmem>>) dst(%dma_wait3A_373 : memref<10112x128xf32, #tpu.memory_space<vmem_shared>>)
      } else {
      }
      %add3A_195 = arith.constant 7 : i32
      %add3A_196 = arith.addi %add3A_183, %add3A_195 : i32
      %lt3A_197 = arith.constant 320 : i32
      %lt3A_198 = arith.cmpi slt, %add3A_196, %lt3A_197 : i32
      %convert_element_type3A_199 = arith.extui %lt3A_198 : i1 to i32
      %cond3A_200 = arith.constant 0 : i32
      %cond3A_201 = arith.cmpi ne, %convert_element_type3A_199, %cond3A_200 : i32
      scf.if %cond3A_201 {
        %add3A_371 = arith.constant 7 : i32
        %add3A_372 = arith.addi %add3A_183, %add3A_371 : i32
        %dma_start3A_373 = arith.constant 0 : i32
        %dma_start3A_374 = tpu.memref_slice %arg3[%arg0, %arg1, %add3A_372, %dma_start3A_373] : memref<2x16x320x64xi32, #tpu.memory_space<hbm>> -> memref<1x1x1x64xi32, #tpu.memory_space<hbm>>
        %dma_start3A_375 = tpu.memref_squeeze %dma_start3A_374 : memref<1x1x1x64xi32, #tpu.memory_space<hbm>> -> memref<64xi32, #tpu.memory_space<hbm>>
        %dma_start3A_376 = arith.constant 0 : i32
        %dma_start3A_377 = tpu.memref_slice %arg3[%arg0, %arg1, %add3A_372, %dma_start3A_376] : memref<2x16x320x64xi32, #tpu.memory_space<hbm>> -> memref<1x1x1x64xi32, #tpu.memory_space<hbm>>
        %dma_start3A_378 = tpu.memref_squeeze %dma_start3A_377 : memref<1x1x1x64xi32, #tpu.memory_space<hbm>> -> memref<64xi32, #tpu.memory_space<hbm>>
        tpu.enqueue_dma source(%dma_start3A_378 : memref<64xi32, #tpu.memory_space<hbm>>) target(%arg7 : memref<64xi32, #tpu.memory_space<vmem>>) target_semaphore(%arg28 : memref<!tpu.dma_semaphore, #tpu.memory_space<semaphore_mem>>)
        %dma_start3A_379 = arith.constant 0 : i32
        %dma_start3A_380 = tpu.memref_slice %arg4[%arg0, %arg1, %add3A_372, %dma_start3A_379] : memref<2x16x320x64xi32, #tpu.memory_space<hbm>> -> memref<1x1x1x64xi32, #tpu.memory_space<hbm>>
        %dma_start3A_381 = tpu.memref_squeeze %dma_start3A_380 : memref<1x1x1x64xi32, #tpu.memory_space<hbm>> -> memref<64xi32, #tpu.memory_space<hbm>>
        %dma_start3A_382 = arith.constant 0 : i32
        %dma_start3A_383 = tpu.memref_slice %arg4[%arg0, %arg1, %add3A_372, %dma_start3A_382] : memref<2x16x320x64xi32, #tpu.memory_space<hbm>> -> memref<1x1x1x64xi32, #tpu.memory_space<hbm>>
        %dma_start3A_384 = tpu.memref_squeeze %dma_start3A_383 : memref<1x1x1x64xi32, #tpu.memory_space<hbm>> -> memref<64xi32, #tpu.memory_space<hbm>>
        tpu.enqueue_dma source(%dma_start3A_384 : memref<64xi32, #tpu.memory_space<hbm>>) target(%arg8 : memref<64xi32, #tpu.memory_space<vmem>>) target_semaphore(%arg28 : memref<!tpu.dma_semaphore, #tpu.memory_space<semaphore_mem>>)
      } else {
      }
      %add3A_202 = arith.constant 3 : i32
      %add3A_203 = arith.addi %add3A_183, %add3A_202 : i32
      %lt3A_204 = arith.constant 320 : i32
      %lt3A_205 = arith.cmpi slt, %add3A_203, %lt3A_204 : i32
      %convert_element_type3A_206 = arith.extui %lt3A_205 : i1 to i32
      %cond3A_207 = arith.constant 0 : i32
      %cond3A_208 = arith.cmpi ne, %convert_element_type3A_206, %cond3A_207 : i32
      scf.if %cond3A_208 {
        %add3A_371 = arith.constant 3 : i32
        %add3A_372 = arith.addi %add3A_183, %add3A_371 : i32
        %dma_wait3A_373 = arith.constant 0 : i32
        %dma_wait3A_374 = tpu.memref_slice %arg3[%arg0, %arg1, %add3A_372, %dma_wait3A_373] : memref<2x16x320x64xi32, #tpu.memory_space<hbm>> -> memref<1x1x1x64xi32, #tpu.memory_space<hbm>>
        %dma_wait3A_375 = tpu.memref_squeeze %dma_wait3A_374 : memref<1x1x1x64xi32, #tpu.memory_space<hbm>> -> memref<64xi32, #tpu.memory_space<hbm>>
        %dma_wait3A_376 = arith.constant 0 : i32
        %dma_wait3A_377 = tpu.memref_slice %arg3[%arg0, %arg1, %add3A_372, %dma_wait3A_376] : memref<2x16x320x64xi32, #tpu.memory_space<hbm>> -> memref<1x1x1x64xi32, #tpu.memory_space<hbm>>
        %dma_wait3A_378 = tpu.memref_squeeze %dma_wait3A_377 : memref<1x1x1x64xi32, #tpu.memory_space<hbm>> -> memref<64xi32, #tpu.memory_space<hbm>>
        tpu.wait_dma2 semaphore(%arg32 : memref<!tpu.dma_semaphore, #tpu.memory_space<semaphore_mem>>) src(%dma_wait3A_378 : memref<64xi32, #tpu.memory_space<hbm>>) dst(%arg15 : memref<64xi32, #tpu.memory_space<vmem>>)
        %dma_wait3A_379 = arith.constant 0 : i32
        %dma_wait3A_380 = tpu.memref_slice %arg4[%arg0, %arg1, %add3A_372, %dma_wait3A_379] : memref<2x16x320x64xi32, #tpu.memory_space<hbm>> -> memref<1x1x1x64xi32, #tpu.memory_space<hbm>>
        %dma_wait3A_381 = tpu.memref_squeeze %dma_wait3A_380 : memref<1x1x1x64xi32, #tpu.memory_space<hbm>> -> memref<64xi32, #tpu.memory_space<hbm>>
        %dma_wait3A_382 = arith.constant 0 : i32
        %dma_wait3A_383 = tpu.memref_slice %arg4[%arg0, %arg1, %add3A_372, %dma_wait3A_382] : memref<2x16x320x64xi32, #tpu.memory_space<hbm>> -> memref<1x1x1x64xi32, #tpu.memory_space<hbm>>
        %dma_wait3A_384 = tpu.memref_squeeze %dma_wait3A_383 : memref<1x1x1x64xi32, #tpu.memory_space<hbm>> -> memref<64xi32, #tpu.memory_space<hbm>>
        tpu.wait_dma2 semaphore(%arg32 : memref<!tpu.dma_semaphore, #tpu.memory_space<semaphore_mem>>) src(%dma_wait3A_384 : memref<64xi32, #tpu.memory_space<hbm>>) dst(%arg16 : memref<64xi32, #tpu.memory_space<vmem>>)
        %dma_start3A_385 = arith.constant 0 : i32
        %dma_start3A_386 = arith.constant 0 : i32
        %dma_start3A_387 = tpu.memref_slice %arg2[%dma_start3A_385, %dma_start3A_386] : memref<20000x128xf32, #tpu.memory_space<hbm>> -> memref<20000x128xf32, #tpu.memory_space<hbm>>
        tpu.enqueue_indirect_dma source(%dma_start3A_387 : memref<20000x128xf32, #tpu.memory_space<hbm>>) target(%arg23 : memref<64x128xf32, #tpu.memory_space<vmem>>) offsets(%arg15 : memref<64xi32, #tpu.memory_space<vmem>>) semaphore(%arg36 : memref<!tpu.dma_semaphore, #tpu.memory_space<semaphore_mem>>)
      } else {
      }
      %add3A_209 = arith.constant 2 : i32
      %add3A_210 = arith.addi %mul3A_159, %add3A_209 : i32
      %dma_wait3A_211 = arith.constant 0 : i32
      %dma_wait3A_212 = arith.constant 0 : i32
      %dma_wait3A_213 = tpu.memref_slice %arg2[%dma_wait3A_211, %dma_wait3A_212] : memref<20000x128xf32, #tpu.memory_space<hbm>> -> memref<20000x128xf32, #tpu.memory_space<hbm>>
      tpu.wait_indirect_dma semaphore(%arg38 : memref<!tpu.dma_semaphore, #tpu.memory_space<semaphore_mem>>) src(%dma_wait3A_213 : memref<20000x128xf32, #tpu.memory_space<hbm>>) dst(%arg25 : memref<64x128xf32, #tpu.memory_space<vmem>>)
      %dma_start3A_214 = arith.constant 0 : i32
      %dma_start3A_215 = arith.constant 0 : i32
      %dma_start3A_216 = tpu.memref_slice %arg27[%dma_start3A_214, %dma_start3A_215] : memref<10112x128xf32, #tpu.memory_space<vmem_shared>> -> memref<10112x128xf32, #tpu.memory_space<vmem_shared>>
      tpu.enqueue_indirect_dma source(%arg25 : memref<64x128xf32, #tpu.memory_space<vmem>>) target(%dma_start3A_216 : memref<10112x128xf32, #tpu.memory_space<vmem_shared>>) offsets(%arg12 : memref<64xi32, #tpu.memory_space<vmem>>) semaphore(%arg42 : memref<!tpu.dma_semaphore, #tpu.memory_space<semaphore_mem>>) {add = true}
      %ge3A_217 = arith.constant 1 : i32
      %ge3A_218 = arith.cmpi sge, %add3A_210, %ge3A_217 : i32
      %convert_element_type3A_219 = arith.extui %ge3A_218 : i1 to i32
      %cond3A_220 = arith.constant 0 : i32
      %cond3A_221 = arith.cmpi ne, %convert_element_type3A_219, %cond3A_220 : i32
      scf.if %cond3A_221 {
        %dma_wait3A_371 = arith.constant 0 : i32
        %dma_wait3A_372 = arith.constant 0 : i32
        %dma_wait3A_373 = tpu.memref_slice %arg27[%dma_wait3A_371, %dma_wait3A_372] : memref<10112x128xf32, #tpu.memory_space<vmem_shared>> -> memref<10112x128xf32, #tpu.memory_space<vmem_shared>>
        tpu.wait_indirect_dma semaphore(%arg41 : memref<!tpu.dma_semaphore, #tpu.memory_space<semaphore_mem>>) src(%arg24 : memref<64x128xf32, #tpu.memory_space<vmem>>) dst(%dma_wait3A_373 : memref<10112x128xf32, #tpu.memory_space<vmem_shared>>)
      } else {
      }
      %add3A_222 = arith.constant 7 : i32
      %add3A_223 = arith.addi %add3A_210, %add3A_222 : i32
      %lt3A_224 = arith.constant 320 : i32
      %lt3A_225 = arith.cmpi slt, %add3A_223, %lt3A_224 : i32
      %convert_element_type3A_226 = arith.extui %lt3A_225 : i1 to i32
      %cond3A_227 = arith.constant 0 : i32
      %cond3A_228 = arith.cmpi ne, %convert_element_type3A_226, %cond3A_227 : i32
      scf.if %cond3A_228 {
        %add3A_371 = arith.constant 7 : i32
        %add3A_372 = arith.addi %add3A_210, %add3A_371 : i32
        %dma_start3A_373 = arith.constant 0 : i32
        %dma_start3A_374 = tpu.memref_slice %arg3[%arg0, %arg1, %add3A_372, %dma_start3A_373] : memref<2x16x320x64xi32, #tpu.memory_space<hbm>> -> memref<1x1x1x64xi32, #tpu.memory_space<hbm>>
        %dma_start3A_375 = tpu.memref_squeeze %dma_start3A_374 : memref<1x1x1x64xi32, #tpu.memory_space<hbm>> -> memref<64xi32, #tpu.memory_space<hbm>>
        %dma_start3A_376 = arith.constant 0 : i32
        %dma_start3A_377 = tpu.memref_slice %arg3[%arg0, %arg1, %add3A_372, %dma_start3A_376] : memref<2x16x320x64xi32, #tpu.memory_space<hbm>> -> memref<1x1x1x64xi32, #tpu.memory_space<hbm>>
        %dma_start3A_378 = tpu.memref_squeeze %dma_start3A_377 : memref<1x1x1x64xi32, #tpu.memory_space<hbm>> -> memref<64xi32, #tpu.memory_space<hbm>>
        tpu.enqueue_dma source(%dma_start3A_378 : memref<64xi32, #tpu.memory_space<hbm>>) target(%arg9 : memref<64xi32, #tpu.memory_space<vmem>>) target_semaphore(%arg29 : memref<!tpu.dma_semaphore, #tpu.memory_space<semaphore_mem>>)
        %dma_start3A_379 = arith.constant 0 : i32
        %dma_start3A_380 = tpu.memref_slice %arg4[%arg0, %arg1, %add3A_372, %dma_start3A_379] : memref<2x16x320x64xi32, #tpu.memory_space<hbm>> -> memref<1x1x1x64xi32, #tpu.memory_space<hbm>>
        %dma_start3A_381 = tpu.memref_squeeze %dma_start3A_380 : memref<1x1x1x64xi32, #tpu.memory_space<hbm>> -> memref<64xi32, #tpu.memory_space<hbm>>
        %dma_start3A_382 = arith.constant 0 : i32
        %dma_start3A_383 = tpu.memref_slice %arg4[%arg0, %arg1, %add3A_372, %dma_start3A_382] : memref<2x16x320x64xi32, #tpu.memory_space<hbm>> -> memref<1x1x1x64xi32, #tpu.memory_space<hbm>>
        %dma_start3A_384 = tpu.memref_squeeze %dma_start3A_383 : memref<1x1x1x64xi32, #tpu.memory_space<hbm>> -> memref<64xi32, #tpu.memory_space<hbm>>
        tpu.enqueue_dma source(%dma_start3A_384 : memref<64xi32, #tpu.memory_space<hbm>>) target(%arg10 : memref<64xi32, #tpu.memory_space<vmem>>) target_semaphore(%arg29 : memref<!tpu.dma_semaphore, #tpu.memory_space<semaphore_mem>>)
      } else {
      }
      %add3A_229 = arith.constant 3 : i32
      %add3A_230 = arith.addi %add3A_210, %add3A_229 : i32
      %lt3A_231 = arith.constant 320 : i32
      %lt3A_232 = arith.cmpi slt, %add3A_230, %lt3A_231 : i32
      %convert_element_type3A_233 = arith.extui %lt3A_232 : i1 to i32
      %cond3A_234 = arith.constant 0 : i32
      %cond3A_235 = arith.cmpi ne, %convert_element_type3A_233, %cond3A_234 : i32
      scf.if %cond3A_235 {
        %add3A_371 = arith.constant 3 : i32
        %add3A_372 = arith.addi %add3A_210, %add3A_371 : i32
        %dma_wait3A_373 = arith.constant 0 : i32
        %dma_wait3A_374 = tpu.memref_slice %arg3[%arg0, %arg1, %add3A_372, %dma_wait3A_373] : memref<2x16x320x64xi32, #tpu.memory_space<hbm>> -> memref<1x1x1x64xi32, #tpu.memory_space<hbm>>
        %dma_wait3A_375 = tpu.memref_squeeze %dma_wait3A_374 : memref<1x1x1x64xi32, #tpu.memory_space<hbm>> -> memref<64xi32, #tpu.memory_space<hbm>>
        %dma_wait3A_376 = arith.constant 0 : i32
        %dma_wait3A_377 = tpu.memref_slice %arg3[%arg0, %arg1, %add3A_372, %dma_wait3A_376] : memref<2x16x320x64xi32, #tpu.memory_space<hbm>> -> memref<1x1x1x64xi32, #tpu.memory_space<hbm>>
        %dma_wait3A_378 = tpu.memref_squeeze %dma_wait3A_377 : memref<1x1x1x64xi32, #tpu.memory_space<hbm>> -> memref<64xi32, #tpu.memory_space<hbm>>
        tpu.wait_dma2 semaphore(%arg33 : memref<!tpu.dma_semaphore, #tpu.memory_space<semaphore_mem>>) src(%dma_wait3A_378 : memref<64xi32, #tpu.memory_space<hbm>>) dst(%arg17 : memref<64xi32, #tpu.memory_space<vmem>>)
        %dma_wait3A_379 = arith.constant 0 : i32
        %dma_wait3A_380 = tpu.memref_slice %arg4[%arg0, %arg1, %add3A_372, %dma_wait3A_379] : memref<2x16x320x64xi32, #tpu.memory_space<hbm>> -> memref<1x1x1x64xi32, #tpu.memory_space<hbm>>
        %dma_wait3A_381 = tpu.memref_squeeze %dma_wait3A_380 : memref<1x1x1x64xi32, #tpu.memory_space<hbm>> -> memref<64xi32, #tpu.memory_space<hbm>>
        %dma_wait3A_382 = arith.constant 0 : i32
        %dma_wait3A_383 = tpu.memref_slice %arg4[%arg0, %arg1, %add3A_372, %dma_wait3A_382] : memref<2x16x320x64xi32, #tpu.memory_space<hbm>> -> memref<1x1x1x64xi32, #tpu.memory_space<hbm>>
        %dma_wait3A_384 = tpu.memref_squeeze %dma_wait3A_383 : memref<1x1x1x64xi32, #tpu.memory_space<hbm>> -> memref<64xi32, #tpu.memory_space<hbm>>
        tpu.wait_dma2 semaphore(%arg33 : memref<!tpu.dma_semaphore, #tpu.memory_space<semaphore_mem>>) src(%dma_wait3A_384 : memref<64xi32, #tpu.memory_space<hbm>>) dst(%arg18 : memref<64xi32, #tpu.memory_space<vmem>>)
        %dma_start3A_385 = arith.constant 0 : i32
        %dma_start3A_386 = arith.constant 0 : i32
        %dma_start3A_387 = tpu.memref_slice %arg2[%dma_start3A_385, %dma_start3A_386] : memref<20000x128xf32, #tpu.memory_space<hbm>> -> memref<20000x128xf32, #tpu.memory_space<hbm>>
        tpu.enqueue_indirect_dma source(%dma_start3A_387 : memref<20000x128xf32, #tpu.memory_space<hbm>>) target(%arg24 : memref<64x128xf32, #tpu.memory_space<vmem>>) offsets(%arg17 : memref<64xi32, #tpu.memory_space<vmem>>) semaphore(%arg37 : memref<!tpu.dma_semaphore, #tpu.memory_space<semaphore_mem>>)
      } else {
      }
      %add3A_236 = arith.constant 3 : i32
      %add3A_237 = arith.addi %mul3A_159, %add3A_236 : i32
      %dma_wait3A_238 = arith.constant 0 : i32
      %dma_wait3A_239 = arith.constant 0 : i32
      %dma_wait3A_240 = tpu.memref_slice %arg2[%dma_wait3A_238, %dma_wait3A_239] : memref<20000x128xf32, #tpu.memory_space<hbm>> -> memref<20000x128xf32, #tpu.memory_space<hbm>>
      tpu.wait_indirect_dma semaphore(%arg39 : memref<!tpu.dma_semaphore, #tpu.memory_space<semaphore_mem>>) src(%dma_wait3A_240 : memref<20000x128xf32, #tpu.memory_space<hbm>>) dst(%arg26 : memref<64x128xf32, #tpu.memory_space<vmem>>)
      %dma_start3A_241 = arith.constant 0 : i32
      %dma_start3A_242 = arith.constant 0 : i32
      %dma_start3A_243 = tpu.memref_slice %arg27[%dma_start3A_241, %dma_start3A_242] : memref<10112x128xf32, #tpu.memory_space<vmem_shared>> -> memref<10112x128xf32, #tpu.memory_space<vmem_shared>>
      tpu.enqueue_indirect_dma source(%arg26 : memref<64x128xf32, #tpu.memory_space<vmem>>) target(%dma_start3A_243 : memref<10112x128xf32, #tpu.memory_space<vmem_shared>>) offsets(%arg14 : memref<64xi32, #tpu.memory_space<vmem>>) semaphore(%arg43 : memref<!tpu.dma_semaphore, #tpu.memory_space<semaphore_mem>>) {add = true}
      %ge3A_244 = arith.constant 1 : i32
      %ge3A_245 = arith.cmpi sge, %add3A_237, %ge3A_244 : i32
      %convert_element_type3A_246 = arith.extui %ge3A_245 : i1 to i32
      %cond3A_247 = arith.constant 0 : i32
      %cond3A_248 = arith.cmpi ne, %convert_element_type3A_246, %cond3A_247 : i32
      scf.if %cond3A_248 {
        %dma_wait3A_371 = arith.constant 0 : i32
        %dma_wait3A_372 = arith.constant 0 : i32
        %dma_wait3A_373 = tpu.memref_slice %arg27[%dma_wait3A_371, %dma_wait3A_372] : memref<10112x128xf32, #tpu.memory_space<vmem_shared>> -> memref<10112x128xf32, #tpu.memory_space<vmem_shared>>
        tpu.wait_indirect_dma semaphore(%arg42 : memref<!tpu.dma_semaphore, #tpu.memory_space<semaphore_mem>>) src(%arg25 : memref<64x128xf32, #tpu.memory_space<vmem>>) dst(%dma_wait3A_373 : memref<10112x128xf32, #tpu.memory_space<vmem_shared>>)
      } else {
      }
      %add3A_249 = arith.constant 7 : i32
      %add3A_250 = arith.addi %add3A_237, %add3A_249 : i32
      %lt3A_251 = arith.constant 320 : i32
      %lt3A_252 = arith.cmpi slt, %add3A_250, %lt3A_251 : i32
      %convert_element_type3A_253 = arith.extui %lt3A_252 : i1 to i32
      %cond3A_254 = arith.constant 0 : i32
      %cond3A_255 = arith.cmpi ne, %convert_element_type3A_253, %cond3A_254 : i32
      scf.if %cond3A_255 {
        %add3A_371 = arith.constant 7 : i32
        %add3A_372 = arith.addi %add3A_237, %add3A_371 : i32
        %dma_start3A_373 = arith.constant 0 : i32
        %dma_start3A_374 = tpu.memref_slice %arg3[%arg0, %arg1, %add3A_372, %dma_start3A_373] : memref<2x16x320x64xi32, #tpu.memory_space<hbm>> -> memref<1x1x1x64xi32, #tpu.memory_space<hbm>>
        %dma_start3A_375 = tpu.memref_squeeze %dma_start3A_374 : memref<1x1x1x64xi32, #tpu.memory_space<hbm>> -> memref<64xi32, #tpu.memory_space<hbm>>
        %dma_start3A_376 = arith.constant 0 : i32
        %dma_start3A_377 = tpu.memref_slice %arg3[%arg0, %arg1, %add3A_372, %dma_start3A_376] : memref<2x16x320x64xi32, #tpu.memory_space<hbm>> -> memref<1x1x1x64xi32, #tpu.memory_space<hbm>>
        %dma_start3A_378 = tpu.memref_squeeze %dma_start3A_377 : memref<1x1x1x64xi32, #tpu.memory_space<hbm>> -> memref<64xi32, #tpu.memory_space<hbm>>
        tpu.enqueue_dma source(%dma_start3A_378 : memref<64xi32, #tpu.memory_space<hbm>>) target(%arg11 : memref<64xi32, #tpu.memory_space<vmem>>) target_semaphore(%arg30 : memref<!tpu.dma_semaphore, #tpu.memory_space<semaphore_mem>>)
        %dma_start3A_379 = arith.constant 0 : i32
        %dma_start3A_380 = tpu.memref_slice %arg4[%arg0, %arg1, %add3A_372, %dma_start3A_379] : memref<2x16x320x64xi32, #tpu.memory_space<hbm>> -> memref<1x1x1x64xi32, #tpu.memory_space<hbm>>
        %dma_start3A_381 = tpu.memref_squeeze %dma_start3A_380 : memref<1x1x1x64xi32, #tpu.memory_space<hbm>> -> memref<64xi32, #tpu.memory_space<hbm>>
        %dma_start3A_382 = arith.constant 0 : i32
        %dma_start3A_383 = tpu.memref_slice %arg4[%arg0, %arg1, %add3A_372, %dma_start3A_382] : memref<2x16x320x64xi32, #tpu.memory_space<hbm>> -> memref<1x1x1x64xi32, #tpu.memory_space<hbm>>
        %dma_start3A_384 = tpu.memref_squeeze %dma_start3A_383 : memref<1x1x1x64xi32, #tpu.memory_space<hbm>> -> memref<64xi32, #tpu.memory_space<hbm>>
        tpu.enqueue_dma source(%dma_start3A_384 : memref<64xi32, #tpu.memory_space<hbm>>) target(%arg12 : memref<64xi32, #tpu.memory_space<vmem>>) target_semaphore(%arg30 : memref<!tpu.dma_semaphore, #tpu.memory_space<semaphore_mem>>)
      } else {
      }
      %add3A_256 = arith.constant 3 : i32
      %add3A_257 = arith.addi %add3A_237, %add3A_256 : i32
      %lt3A_258 = arith.constant 320 : i32
      %lt3A_259 = arith.cmpi slt, %add3A_257, %lt3A_258 : i32
      %convert_element_type3A_260 = arith.extui %lt3A_259 : i1 to i32
      %cond3A_261 = arith.constant 0 : i32
      %cond3A_262 = arith.cmpi ne, %convert_element_type3A_260, %cond3A_261 : i32
      scf.if %cond3A_262 {
        %add3A_371 = arith.constant 3 : i32
        %add3A_372 = arith.addi %add3A_237, %add3A_371 : i32
        %dma_wait3A_373 = arith.constant 0 : i32
        %dma_wait3A_374 = tpu.memref_slice %arg3[%arg0, %arg1, %add3A_372, %dma_wait3A_373] : memref<2x16x320x64xi32, #tpu.memory_space<hbm>> -> memref<1x1x1x64xi32, #tpu.memory_space<hbm>>
        %dma_wait3A_375 = tpu.memref_squeeze %dma_wait3A_374 : memref<1x1x1x64xi32, #tpu.memory_space<hbm>> -> memref<64xi32, #tpu.memory_space<hbm>>
        %dma_wait3A_376 = arith.constant 0 : i32
        %dma_wait3A_377 = tpu.memref_slice %arg3[%arg0, %arg1, %add3A_372, %dma_wait3A_376] : memref<2x16x320x64xi32, #tpu.memory_space<hbm>> -> memref<1x1x1x64xi32, #tpu.memory_space<hbm>>
        %dma_wait3A_378 = tpu.memref_squeeze %dma_wait3A_377 : memref<1x1x1x64xi32, #tpu.memory_space<hbm>> -> memref<64xi32, #tpu.memory_space<hbm>>
        tpu.wait_dma2 semaphore(%arg34 : memref<!tpu.dma_semaphore, #tpu.memory_space<semaphore_mem>>) src(%dma_wait3A_378 : memref<64xi32, #tpu.memory_space<hbm>>) dst(%arg19 : memref<64xi32, #tpu.memory_space<vmem>>)
        %dma_wait3A_379 = arith.constant 0 : i32
        %dma_wait3A_380 = tpu.memref_slice %arg4[%arg0, %arg1, %add3A_372, %dma_wait3A_379] : memref<2x16x320x64xi32, #tpu.memory_space<hbm>> -> memref<1x1x1x64xi32, #tpu.memory_space<hbm>>
        %dma_wait3A_381 = tpu.memref_squeeze %dma_wait3A_380 : memref<1x1x1x64xi32, #tpu.memory_space<hbm>> -> memref<64xi32, #tpu.memory_space<hbm>>
        %dma_wait3A_382 = arith.constant 0 : i32
        %dma_wait3A_383 = tpu.memref_slice %arg4[%arg0, %arg1, %add3A_372, %dma_wait3A_382] : memref<2x16x320x64xi32, #tpu.memory_space<hbm>> -> memref<1x1x1x64xi32, #tpu.memory_space<hbm>>
        %dma_wait3A_384 = tpu.memref_squeeze %dma_wait3A_383 : memref<1x1x1x64xi32, #tpu.memory_space<hbm>> -> memref<64xi32, #tpu.memory_space<hbm>>
        tpu.wait_dma2 semaphore(%arg34 : memref<!tpu.dma_semaphore, #tpu.memory_space<semaphore_mem>>) src(%dma_wait3A_384 : memref<64xi32, #tpu.memory_space<hbm>>) dst(%arg20 : memref<64xi32, #tpu.memory_space<vmem>>)
        %dma_start3A_385 = arith.constant 0 : i32
        %dma_start3A_386 = arith.constant 0 : i32
        %dma_start3A_387 = tpu.memref_slice %arg2[%dma_start3A_385, %dma_start3A_386] : memref<20000x128xf32, #tpu.memory_space<hbm>> -> memref<20000x128xf32, #tpu.memory_space<hbm>>
        tpu.enqueue_indirect_dma source(%dma_start3A_387 : memref<20000x128xf32, #tpu.memory_space<hbm>>) target(%arg25 : memref<64x128xf32, #tpu.memory_space<vmem>>) offsets(%arg19 : memref<64xi32, #tpu.memory_space<vmem>>) semaphore(%arg38 : memref<!tpu.dma_semaphore, #tpu.memory_space<semaphore_mem>>)
      } else {
      }
      %add3A_263 = arith.constant 4 : i32
      %add3A_264 = arith.addi %mul3A_159, %add3A_263 : i32
      %dma_wait3A_265 = arith.constant 0 : i32
      %dma_wait3A_266 = arith.constant 0 : i32
      %dma_wait3A_267 = tpu.memref_slice %arg2[%dma_wait3A_265, %dma_wait3A_266] : memref<20000x128xf32, #tpu.memory_space<hbm>> -> memref<20000x128xf32, #tpu.memory_space<hbm>>
      tpu.wait_indirect_dma semaphore(%arg36 : memref<!tpu.dma_semaphore, #tpu.memory_space<semaphore_mem>>) src(%dma_wait3A_267 : memref<20000x128xf32, #tpu.memory_space<hbm>>) dst(%arg23 : memref<64x128xf32, #tpu.memory_space<vmem>>)
      %dma_start3A_268 = arith.constant 0 : i32
      %dma_start3A_269 = arith.constant 0 : i32
      %dma_start3A_270 = tpu.memref_slice %arg27[%dma_start3A_268, %dma_start3A_269] : memref<10112x128xf32, #tpu.memory_space<vmem_shared>> -> memref<10112x128xf32, #tpu.memory_space<vmem_shared>>
      tpu.enqueue_indirect_dma source(%arg23 : memref<64x128xf32, #tpu.memory_space<vmem>>) target(%dma_start3A_270 : memref<10112x128xf32, #tpu.memory_space<vmem_shared>>) offsets(%arg16 : memref<64xi32, #tpu.memory_space<vmem>>) semaphore(%arg40 : memref<!tpu.dma_semaphore, #tpu.memory_space<semaphore_mem>>) {add = true}
      %ge3A_271 = arith.constant 1 : i32
      %ge3A_272 = arith.cmpi sge, %add3A_264, %ge3A_271 : i32
      %convert_element_type3A_273 = arith.extui %ge3A_272 : i1 to i32
      %cond3A_274 = arith.constant 0 : i32
      %cond3A_275 = arith.cmpi ne, %convert_element_type3A_273, %cond3A_274 : i32
      scf.if %cond3A_275 {
        %dma_wait3A_371 = arith.constant 0 : i32
        %dma_wait3A_372 = arith.constant 0 : i32
        %dma_wait3A_373 = tpu.memref_slice %arg27[%dma_wait3A_371, %dma_wait3A_372] : memref<10112x128xf32, #tpu.memory_space<vmem_shared>> -> memref<10112x128xf32, #tpu.memory_space<vmem_shared>>
        tpu.wait_indirect_dma semaphore(%arg43 : memref<!tpu.dma_semaphore, #tpu.memory_space<semaphore_mem>>) src(%arg26 : memref<64x128xf32, #tpu.memory_space<vmem>>) dst(%dma_wait3A_373 : memref<10112x128xf32, #tpu.memory_space<vmem_shared>>)
      } else {
      }
      %add3A_276 = arith.constant 7 : i32
      %add3A_277 = arith.addi %add3A_264, %add3A_276 : i32
      %lt3A_278 = arith.constant 320 : i32
      %lt3A_279 = arith.cmpi slt, %add3A_277, %lt3A_278 : i32
      %convert_element_type3A_280 = arith.extui %lt3A_279 : i1 to i32
      %cond3A_281 = arith.constant 0 : i32
      %cond3A_282 = arith.cmpi ne, %convert_element_type3A_280, %cond3A_281 : i32
      scf.if %cond3A_282 {
        %add3A_371 = arith.constant 7 : i32
        %add3A_372 = arith.addi %add3A_264, %add3A_371 : i32
        %dma_start3A_373 = arith.constant 0 : i32
        %dma_start3A_374 = tpu.memref_slice %arg3[%arg0, %arg1, %add3A_372, %dma_start3A_373] : memref<2x16x320x64xi32, #tpu.memory_space<hbm>> -> memref<1x1x1x64xi32, #tpu.memory_space<hbm>>
        %dma_start3A_375 = tpu.memref_squeeze %dma_start3A_374 : memref<1x1x1x64xi32, #tpu.memory_space<hbm>> -> memref<64xi32, #tpu.memory_space<hbm>>
        %dma_start3A_376 = arith.constant 0 : i32
        %dma_start3A_377 = tpu.memref_slice %arg3[%arg0, %arg1, %add3A_372, %dma_start3A_376] : memref<2x16x320x64xi32, #tpu.memory_space<hbm>> -> memref<1x1x1x64xi32, #tpu.memory_space<hbm>>
        %dma_start3A_378 = tpu.memref_squeeze %dma_start3A_377 : memref<1x1x1x64xi32, #tpu.memory_space<hbm>> -> memref<64xi32, #tpu.memory_space<hbm>>
        tpu.enqueue_dma source(%dma_start3A_378 : memref<64xi32, #tpu.memory_space<hbm>>) target(%arg13 : memref<64xi32, #tpu.memory_space<vmem>>) target_semaphore(%arg31 : memref<!tpu.dma_semaphore, #tpu.memory_space<semaphore_mem>>)
        %dma_start3A_379 = arith.constant 0 : i32
        %dma_start3A_380 = tpu.memref_slice %arg4[%arg0, %arg1, %add3A_372, %dma_start3A_379] : memref<2x16x320x64xi32, #tpu.memory_space<hbm>> -> memref<1x1x1x64xi32, #tpu.memory_space<hbm>>
        %dma_start3A_381 = tpu.memref_squeeze %dma_start3A_380 : memref<1x1x1x64xi32, #tpu.memory_space<hbm>> -> memref<64xi32, #tpu.memory_space<hbm>>
        %dma_start3A_382 = arith.constant 0 : i32
        %dma_start3A_383 = tpu.memref_slice %arg4[%arg0, %arg1, %add3A_372, %dma_start3A_382] : memref<2x16x320x64xi32, #tpu.memory_space<hbm>> -> memref<1x1x1x64xi32, #tpu.memory_space<hbm>>
        %dma_start3A_384 = tpu.memref_squeeze %dma_start3A_383 : memref<1x1x1x64xi32, #tpu.memory_space<hbm>> -> memref<64xi32, #tpu.memory_space<hbm>>
        tpu.enqueue_dma source(%dma_start3A_384 : memref<64xi32, #tpu.memory_space<hbm>>) target(%arg14 : memref<64xi32, #tpu.memory_space<vmem>>) target_semaphore(%arg31 : memref<!tpu.dma_semaphore, #tpu.memory_space<semaphore_mem>>)
      } else {
      }
      %add3A_283 = arith.constant 3 : i32
      %add3A_284 = arith.addi %add3A_264, %add3A_283 : i32
      %lt3A_285 = arith.constant 320 : i32
      %lt3A_286 = arith.cmpi slt, %add3A_284, %lt3A_285 : i32
      %convert_element_type3A_287 = arith.extui %lt3A_286 : i1 to i32
      %cond3A_288 = arith.constant 0 : i32
      %cond3A_289 = arith.cmpi ne, %convert_element_type3A_287, %cond3A_288 : i32
      scf.if %cond3A_289 {
        %add3A_371 = arith.constant 3 : i32
        %add3A_372 = arith.addi %add3A_264, %add3A_371 : i32
        %dma_wait3A_373 = arith.constant 0 : i32
        %dma_wait3A_374 = tpu.memref_slice %arg3[%arg0, %arg1, %add3A_372, %dma_wait3A_373] : memref<2x16x320x64xi32, #tpu.memory_space<hbm>> -> memref<1x1x1x64xi32, #tpu.memory_space<hbm>>
        %dma_wait3A_375 = tpu.memref_squeeze %dma_wait3A_374 : memref<1x1x1x64xi32, #tpu.memory_space<hbm>> -> memref<64xi32, #tpu.memory_space<hbm>>
        %dma_wait3A_376 = arith.constant 0 : i32
        %dma_wait3A_377 = tpu.memref_slice %arg3[%arg0, %arg1, %add3A_372, %dma_wait3A_376] : memref<2x16x320x64xi32, #tpu.memory_space<hbm>> -> memref<1x1x1x64xi32, #tpu.memory_space<hbm>>
        %dma_wait3A_378 = tpu.memref_squeeze %dma_wait3A_377 : memref<1x1x1x64xi32, #tpu.memory_space<hbm>> -> memref<64xi32, #tpu.memory_space<hbm>>
        tpu.wait_dma2 semaphore(%arg35 : memref<!tpu.dma_semaphore, #tpu.memory_space<semaphore_mem>>) src(%dma_wait3A_378 : memref<64xi32, #tpu.memory_space<hbm>>) dst(%arg21 : memref<64xi32, #tpu.memory_space<vmem>>)
        %dma_wait3A_379 = arith.constant 0 : i32
        %dma_wait3A_380 = tpu.memref_slice %arg4[%arg0, %arg1, %add3A_372, %dma_wait3A_379] : memref<2x16x320x64xi32, #tpu.memory_space<hbm>> -> memref<1x1x1x64xi32, #tpu.memory_space<hbm>>
        %dma_wait3A_381 = tpu.memref_squeeze %dma_wait3A_380 : memref<1x1x1x64xi32, #tpu.memory_space<hbm>> -> memref<64xi32, #tpu.memory_space<hbm>>
        %dma_wait3A_382 = arith.constant 0 : i32
        %dma_wait3A_383 = tpu.memref_slice %arg4[%arg0, %arg1, %add3A_372, %dma_wait3A_382] : memref<2x16x320x64xi32, #tpu.memory_space<hbm>> -> memref<1x1x1x64xi32, #tpu.memory_space<hbm>>
        %dma_wait3A_384 = tpu.memref_squeeze %dma_wait3A_383 : memref<1x1x1x64xi32, #tpu.memory_space<hbm>> -> memref<64xi32, #tpu.memory_space<hbm>>
        tpu.wait_dma2 semaphore(%arg35 : memref<!tpu.dma_semaphore, #tpu.memory_space<semaphore_mem>>) src(%dma_wait3A_384 : memref<64xi32, #tpu.memory_space<hbm>>) dst(%arg22 : memref<64xi32, #tpu.memory_space<vmem>>)
        %dma_start3A_385 = arith.constant 0 : i32
        %dma_start3A_386 = arith.constant 0 : i32
        %dma_start3A_387 = tpu.memref_slice %arg2[%dma_start3A_385, %dma_start3A_386] : memref<20000x128xf32, #tpu.memory_space<hbm>> -> memref<20000x128xf32, #tpu.memory_space<hbm>>
        tpu.enqueue_indirect_dma source(%dma_start3A_387 : memref<20000x128xf32, #tpu.memory_space<hbm>>) target(%arg26 : memref<64x128xf32, #tpu.memory_space<vmem>>) offsets(%arg21 : memref<64xi32, #tpu.memory_space<vmem>>) semaphore(%arg39 : memref<!tpu.dma_semaphore, #tpu.memory_space<semaphore_mem>>)
      } else {
      }
      %add3A_290 = arith.constant 5 : i32
      %add3A_291 = arith.addi %mul3A_159, %add3A_290 : i32
      %dma_wait3A_292 = arith.constant 0 : i32
      %dma_wait3A_293 = arith.constant 0 : i32
      %dma_wait3A_294 = tpu.memref_slice %arg2[%dma_wait3A_292, %dma_wait3A_293] : memref<20000x128xf32, #tpu.memory_space<hbm>> -> memref<20000x128xf32, #tpu.memory_space<hbm>>
      tpu.wait_indirect_dma semaphore(%arg37 : memref<!tpu.dma_semaphore, #tpu.memory_space<semaphore_mem>>) src(%dma_wait3A_294 : memref<20000x128xf32, #tpu.memory_space<hbm>>) dst(%arg24 : memref<64x128xf32, #tpu.memory_space<vmem>>)
      %dma_start3A_295 = arith.constant 0 : i32
      %dma_start3A_296 = arith.constant 0 : i32
      %dma_start3A_297 = tpu.memref_slice %arg27[%dma_start3A_295, %dma_start3A_296] : memref<10112x128xf32, #tpu.memory_space<vmem_shared>> -> memref<10112x128xf32, #tpu.memory_space<vmem_shared>>
      tpu.enqueue_indirect_dma source(%arg24 : memref<64x128xf32, #tpu.memory_space<vmem>>) target(%dma_start3A_297 : memref<10112x128xf32, #tpu.memory_space<vmem_shared>>) offsets(%arg18 : memref<64xi32, #tpu.memory_space<vmem>>) semaphore(%arg41 : memref<!tpu.dma_semaphore, #tpu.memory_space<semaphore_mem>>) {add = true}
      %ge3A_298 = arith.constant 1 : i32
      %ge3A_299 = arith.cmpi sge, %add3A_291, %ge3A_298 : i32
      %convert_element_type3A_300 = arith.extui %ge3A_299 : i1 to i32
      %cond3A_301 = arith.constant 0 : i32
      %cond3A_302 = arith.cmpi ne, %convert_element_type3A_300, %cond3A_301 : i32
      scf.if %cond3A_302 {
        %dma_wait3A_371 = arith.constant 0 : i32
        %dma_wait3A_372 = arith.constant 0 : i32
        %dma_wait3A_373 = tpu.memref_slice %arg27[%dma_wait3A_371, %dma_wait3A_372] : memref<10112x128xf32, #tpu.memory_space<vmem_shared>> -> memref<10112x128xf32, #tpu.memory_space<vmem_shared>>
        tpu.wait_indirect_dma semaphore(%arg40 : memref<!tpu.dma_semaphore, #tpu.memory_space<semaphore_mem>>) src(%arg23 : memref<64x128xf32, #tpu.memory_space<vmem>>) dst(%dma_wait3A_373 : memref<10112x128xf32, #tpu.memory_space<vmem_shared>>)
      } else {
      }
      %add3A_303 = arith.constant 7 : i32
      %add3A_304 = arith.addi %add3A_291, %add3A_303 : i32
      %lt3A_305 = arith.constant 320 : i32
      %lt3A_306 = arith.cmpi slt, %add3A_304, %lt3A_305 : i32
      %convert_element_type3A_307 = arith.extui %lt3A_306 : i1 to i32
      %cond3A_308 = arith.constant 0 : i32
      %cond3A_309 = arith.cmpi ne, %convert_element_type3A_307, %cond3A_308 : i32
      scf.if %cond3A_309 {
        %add3A_371 = arith.constant 7 : i32
        %add3A_372 = arith.addi %add3A_291, %add3A_371 : i32
        %dma_start3A_373 = arith.constant 0 : i32
        %dma_start3A_374 = tpu.memref_slice %arg3[%arg0, %arg1, %add3A_372, %dma_start3A_373] : memref<2x16x320x64xi32, #tpu.memory_space<hbm>> -> memref<1x1x1x64xi32, #tpu.memory_space<hbm>>
        %dma_start3A_375 = tpu.memref_squeeze %dma_start3A_374 : memref<1x1x1x64xi32, #tpu.memory_space<hbm>> -> memref<64xi32, #tpu.memory_space<hbm>>
        %dma_start3A_376 = arith.constant 0 : i32
        %dma_start3A_377 = tpu.memref_slice %arg3[%arg0, %arg1, %add3A_372, %dma_start3A_376] : memref<2x16x320x64xi32, #tpu.memory_space<hbm>> -> memref<1x1x1x64xi32, #tpu.memory_space<hbm>>
        %dma_start3A_378 = tpu.memref_squeeze %dma_start3A_377 : memref<1x1x1x64xi32, #tpu.memory_space<hbm>> -> memref<64xi32, #tpu.memory_space<hbm>>
        tpu.enqueue_dma source(%dma_start3A_378 : memref<64xi32, #tpu.memory_space<hbm>>) target(%arg15 : memref<64xi32, #tpu.memory_space<vmem>>) target_semaphore(%arg32 : memref<!tpu.dma_semaphore, #tpu.memory_space<semaphore_mem>>)
        %dma_start3A_379 = arith.constant 0 : i32
        %dma_start3A_380 = tpu.memref_slice %arg4[%arg0, %arg1, %add3A_372, %dma_start3A_379] : memref<2x16x320x64xi32, #tpu.memory_space<hbm>> -> memref<1x1x1x64xi32, #tpu.memory_space<hbm>>
        %dma_start3A_381 = tpu.memref_squeeze %dma_start3A_380 : memref<1x1x1x64xi32, #tpu.memory_space<hbm>> -> memref<64xi32, #tpu.memory_space<hbm>>
        %dma_start3A_382 = arith.constant 0 : i32
        %dma_start3A_383 = tpu.memref_slice %arg4[%arg0, %arg1, %add3A_372, %dma_start3A_382] : memref<2x16x320x64xi32, #tpu.memory_space<hbm>> -> memref<1x1x1x64xi32, #tpu.memory_space<hbm>>
        %dma_start3A_384 = tpu.memref_squeeze %dma_start3A_383 : memref<1x1x1x64xi32, #tpu.memory_space<hbm>> -> memref<64xi32, #tpu.memory_space<hbm>>
        tpu.enqueue_dma source(%dma_start3A_384 : memref<64xi32, #tpu.memory_space<hbm>>) target(%arg16 : memref<64xi32, #tpu.memory_space<vmem>>) target_semaphore(%arg32 : memref<!tpu.dma_semaphore, #tpu.memory_space<semaphore_mem>>)
      } else {
      }
      %add3A_310 = arith.constant 3 : i32
      %add3A_311 = arith.addi %add3A_291, %add3A_310 : i32
      %lt3A_312 = arith.constant 320 : i32
      %lt3A_313 = arith.cmpi slt, %add3A_311, %lt3A_312 : i32
      %convert_element_type3A_314 = arith.extui %lt3A_313 : i1 to i32
      %cond3A_315 = arith.constant 0 : i32
      %cond3A_316 = arith.cmpi ne, %convert_element_type3A_314, %cond3A_315 : i32
      scf.if %cond3A_316 {
        %add3A_371 = arith.constant 3 : i32
        %add3A_372 = arith.addi %add3A_291, %add3A_371 : i32
        %dma_wait3A_373 = arith.constant 0 : i32
        %dma_wait3A_374 = tpu.memref_slice %arg3[%arg0, %arg1, %add3A_372, %dma_wait3A_373] : memref<2x16x320x64xi32, #tpu.memory_space<hbm>> -> memref<1x1x1x64xi32, #tpu.memory_space<hbm>>
        %dma_wait3A_375 = tpu.memref_squeeze %dma_wait3A_374 : memref<1x1x1x64xi32, #tpu.memory_space<hbm>> -> memref<64xi32, #tpu.memory_space<hbm>>
        %dma_wait3A_376 = arith.constant 0 : i32
        %dma_wait3A_377 = tpu.memref_slice %arg3[%arg0, %arg1, %add3A_372, %dma_wait3A_376] : memref<2x16x320x64xi32, #tpu.memory_space<hbm>> -> memref<1x1x1x64xi32, #tpu.memory_space<hbm>>
        %dma_wait3A_378 = tpu.memref_squeeze %dma_wait3A_377 : memref<1x1x1x64xi32, #tpu.memory_space<hbm>> -> memref<64xi32, #tpu.memory_space<hbm>>
        tpu.wait_dma2 semaphore(%arg28 : memref<!tpu.dma_semaphore, #tpu.memory_space<semaphore_mem>>) src(%dma_wait3A_378 : memref<64xi32, #tpu.memory_space<hbm>>) dst(%arg7 : memref<64xi32, #tpu.memory_space<vmem>>)
        %dma_wait3A_379 = arith.constant 0 : i32
        %dma_wait3A_380 = tpu.memref_slice %arg4[%arg0, %arg1, %add3A_372, %dma_wait3A_379] : memref<2x16x320x64xi32, #tpu.memory_space<hbm>> -> memref<1x1x1x64xi32, #tpu.memory_space<hbm>>
        %dma_wait3A_381 = tpu.memref_squeeze %dma_wait3A_380 : memref<1x1x1x64xi32, #tpu.memory_space<hbm>> -> memref<64xi32, #tpu.memory_space<hbm>>
        %dma_wait3A_382 = arith.constant 0 : i32
        %dma_wait3A_383 = tpu.memref_slice %arg4[%arg0, %arg1, %add3A_372, %dma_wait3A_382] : memref<2x16x320x64xi32, #tpu.memory_space<hbm>> -> memref<1x1x1x64xi32, #tpu.memory_space<hbm>>
        %dma_wait3A_384 = tpu.memref_squeeze %dma_wait3A_383 : memref<1x1x1x64xi32, #tpu.memory_space<hbm>> -> memref<64xi32, #tpu.memory_space<hbm>>
        tpu.wait_dma2 semaphore(%arg28 : memref<!tpu.dma_semaphore, #tpu.memory_space<semaphore_mem>>) src(%dma_wait3A_384 : memref<64xi32, #tpu.memory_space<hbm>>) dst(%arg8 : memref<64xi32, #tpu.memory_space<vmem>>)
        %dma_start3A_385 = arith.constant 0 : i32
        %dma_start3A_386 = arith.constant 0 : i32
        %dma_start3A_387 = tpu.memref_slice %arg2[%dma_start3A_385, %dma_start3A_386] : memref<20000x128xf32, #tpu.memory_space<hbm>> -> memref<20000x128xf32, #tpu.memory_space<hbm>>
        tpu.enqueue_indirect_dma source(%dma_start3A_387 : memref<20000x128xf32, #tpu.memory_space<hbm>>) target(%arg23 : memref<64x128xf32, #tpu.memory_space<vmem>>) offsets(%arg7 : memref<64xi32, #tpu.memory_space<vmem>>) semaphore(%arg36 : memref<!tpu.dma_semaphore, #tpu.memory_space<semaphore_mem>>)
      } else {
      }
      %add3A_317 = arith.constant 6 : i32
      %add3A_318 = arith.addi %mul3A_159, %add3A_317 : i32
      %dma_wait3A_319 = arith.constant 0 : i32
      %dma_wait3A_320 = arith.constant 0 : i32
      %dma_wait3A_321 = tpu.memref_slice %arg2[%dma_wait3A_319, %dma_wait3A_320] : memref<20000x128xf32, #tpu.memory_space<hbm>> -> memref<20000x128xf32, #tpu.memory_space<hbm>>
      tpu.wait_indirect_dma semaphore(%arg38 : memref<!tpu.dma_semaphore, #tpu.memory_space<semaphore_mem>>) src(%dma_wait3A_321 : memref<20000x128xf32, #tpu.memory_space<hbm>>) dst(%arg25 : memref<64x128xf32, #tpu.memory_space<vmem>>)
      %dma_start3A_322 = arith.constant 0 : i32
      %dma_start3A_323 = arith.constant 0 : i32
      %dma_start3A_324 = tpu.memref_slice %arg27[%dma_start3A_322, %dma_start3A_323] : memref<10112x128xf32, #tpu.memory_space<vmem_shared>> -> memref<10112x128xf32, #tpu.memory_space<vmem_shared>>
      tpu.enqueue_indirect_dma source(%arg25 : memref<64x128xf32, #tpu.memory_space<vmem>>) target(%dma_start3A_324 : memref<10112x128xf32, #tpu.memory_space<vmem_shared>>) offsets(%arg20 : memref<64xi32, #tpu.memory_space<vmem>>) semaphore(%arg42 : memref<!tpu.dma_semaphore, #tpu.memory_space<semaphore_mem>>) {add = true}
      %ge3A_325 = arith.constant 1 : i32
      %ge3A_326 = arith.cmpi sge, %add3A_318, %ge3A_325 : i32
      %convert_element_type3A_327 = arith.extui %ge3A_326 : i1 to i32
      %cond3A_328 = arith.constant 0 : i32
      %cond3A_329 = arith.cmpi ne, %convert_element_type3A_327, %cond3A_328 : i32
      scf.if %cond3A_329 {
        %dma_wait3A_371 = arith.constant 0 : i32
        %dma_wait3A_372 = arith.constant 0 : i32
        %dma_wait3A_373 = tpu.memref_slice %arg27[%dma_wait3A_371, %dma_wait3A_372] : memref<10112x128xf32, #tpu.memory_space<vmem_shared>> -> memref<10112x128xf32, #tpu.memory_space<vmem_shared>>
        tpu.wait_indirect_dma semaphore(%arg41 : memref<!tpu.dma_semaphore, #tpu.memory_space<semaphore_mem>>) src(%arg24 : memref<64x128xf32, #tpu.memory_space<vmem>>) dst(%dma_wait3A_373 : memref<10112x128xf32, #tpu.memory_space<vmem_shared>>)
      } else {
      }
      %add3A_330 = arith.constant 7 : i32
      %add3A_331 = arith.addi %add3A_318, %add3A_330 : i32
      %lt3A_332 = arith.constant 320 : i32
      %lt3A_333 = arith.cmpi slt, %add3A_331, %lt3A_332 : i32
      %convert_element_type3A_334 = arith.extui %lt3A_333 : i1 to i32
      %cond3A_335 = arith.constant 0 : i32
      %cond3A_336 = arith.cmpi ne, %convert_element_type3A_334, %cond3A_335 : i32
      scf.if %cond3A_336 {
        %add3A_371 = arith.constant 7 : i32
        %add3A_372 = arith.addi %add3A_318, %add3A_371 : i32
        %dma_start3A_373 = arith.constant 0 : i32
        %dma_start3A_374 = tpu.memref_slice %arg3[%arg0, %arg1, %add3A_372, %dma_start3A_373] : memref<2x16x320x64xi32, #tpu.memory_space<hbm>> -> memref<1x1x1x64xi32, #tpu.memory_space<hbm>>
        %dma_start3A_375 = tpu.memref_squeeze %dma_start3A_374 : memref<1x1x1x64xi32, #tpu.memory_space<hbm>> -> memref<64xi32, #tpu.memory_space<hbm>>
        %dma_start3A_376 = arith.constant 0 : i32
        %dma_start3A_377 = tpu.memref_slice %arg3[%arg0, %arg1, %add3A_372, %dma_start3A_376] : memref<2x16x320x64xi32, #tpu.memory_space<hbm>> -> memref<1x1x1x64xi32, #tpu.memory_space<hbm>>
        %dma_start3A_378 = tpu.memref_squeeze %dma_start3A_377 : memref<1x1x1x64xi32, #tpu.memory_space<hbm>> -> memref<64xi32, #tpu.memory_space<hbm>>
        tpu.enqueue_dma source(%dma_start3A_378 : memref<64xi32, #tpu.memory_space<hbm>>) target(%arg17 : memref<64xi32, #tpu.memory_space<vmem>>) target_semaphore(%arg33 : memref<!tpu.dma_semaphore, #tpu.memory_space<semaphore_mem>>)
        %dma_start3A_379 = arith.constant 0 : i32
        %dma_start3A_380 = tpu.memref_slice %arg4[%arg0, %arg1, %add3A_372, %dma_start3A_379] : memref<2x16x320x64xi32, #tpu.memory_space<hbm>> -> memref<1x1x1x64xi32, #tpu.memory_space<hbm>>
        %dma_start3A_381 = tpu.memref_squeeze %dma_start3A_380 : memref<1x1x1x64xi32, #tpu.memory_space<hbm>> -> memref<64xi32, #tpu.memory_space<hbm>>
        %dma_start3A_382 = arith.constant 0 : i32
        %dma_start3A_383 = tpu.memref_slice %arg4[%arg0, %arg1, %add3A_372, %dma_start3A_382] : memref<2x16x320x64xi32, #tpu.memory_space<hbm>> -> memref<1x1x1x64xi32, #tpu.memory_space<hbm>>
        %dma_start3A_384 = tpu.memref_squeeze %dma_start3A_383 : memref<1x1x1x64xi32, #tpu.memory_space<hbm>> -> memref<64xi32, #tpu.memory_space<hbm>>
        tpu.enqueue_dma source(%dma_start3A_384 : memref<64xi32, #tpu.memory_space<hbm>>) target(%arg18 : memref<64xi32, #tpu.memory_space<vmem>>) target_semaphore(%arg33 : memref<!tpu.dma_semaphore, #tpu.memory_space<semaphore_mem>>)
      } else {
      }
      %add3A_337 = arith.constant 3 : i32
      %add3A_338 = arith.addi %add3A_318, %add3A_337 : i32
      %lt3A_339 = arith.constant 320 : i32
      %lt3A_340 = arith.cmpi slt, %add3A_338, %lt3A_339 : i32
      %convert_element_type3A_341 = arith.extui %lt3A_340 : i1 to i32
      %cond3A_342 = arith.constant 0 : i32
      %cond3A_343 = arith.cmpi ne, %convert_element_type3A_341, %cond3A_342 : i32
      scf.if %cond3A_343 {
        %add3A_371 = arith.constant 3 : i32
        %add3A_372 = arith.addi %add3A_318, %add3A_371 : i32
        %dma_wait3A_373 = arith.constant 0 : i32
        %dma_wait3A_374 = tpu.memref_slice %arg3[%arg0, %arg1, %add3A_372, %dma_wait3A_373] : memref<2x16x320x64xi32, #tpu.memory_space<hbm>> -> memref<1x1x1x64xi32, #tpu.memory_space<hbm>>
        %dma_wait3A_375 = tpu.memref_squeeze %dma_wait3A_374 : memref<1x1x1x64xi32, #tpu.memory_space<hbm>> -> memref<64xi32, #tpu.memory_space<hbm>>
        %dma_wait3A_376 = arith.constant 0 : i32
        %dma_wait3A_377 = tpu.memref_slice %arg3[%arg0, %arg1, %add3A_372, %dma_wait3A_376] : memref<2x16x320x64xi32, #tpu.memory_space<hbm>> -> memref<1x1x1x64xi32, #tpu.memory_space<hbm>>
        %dma_wait3A_378 = tpu.memref_squeeze %dma_wait3A_377 : memref<1x1x1x64xi32, #tpu.memory_space<hbm>> -> memref<64xi32, #tpu.memory_space<hbm>>
        tpu.wait_dma2 semaphore(%arg29 : memref<!tpu.dma_semaphore, #tpu.memory_space<semaphore_mem>>) src(%dma_wait3A_378 : memref<64xi32, #tpu.memory_space<hbm>>) dst(%arg9 : memref<64xi32, #tpu.memory_space<vmem>>)
        %dma_wait3A_379 = arith.constant 0 : i32
        %dma_wait3A_380 = tpu.memref_slice %arg4[%arg0, %arg1, %add3A_372, %dma_wait3A_379] : memref<2x16x320x64xi32, #tpu.memory_space<hbm>> -> memref<1x1x1x64xi32, #tpu.memory_space<hbm>>
        %dma_wait3A_381 = tpu.memref_squeeze %dma_wait3A_380 : memref<1x1x1x64xi32, #tpu.memory_space<hbm>> -> memref<64xi32, #tpu.memory_space<hbm>>
        %dma_wait3A_382 = arith.constant 0 : i32
        %dma_wait3A_383 = tpu.memref_slice %arg4[%arg0, %arg1, %add3A_372, %dma_wait3A_382] : memref<2x16x320x64xi32, #tpu.memory_space<hbm>> -> memref<1x1x1x64xi32, #tpu.memory_space<hbm>>
        %dma_wait3A_384 = tpu.memref_squeeze %dma_wait3A_383 : memref<1x1x1x64xi32, #tpu.memory_space<hbm>> -> memref<64xi32, #tpu.memory_space<hbm>>
        tpu.wait_dma2 semaphore(%arg29 : memref<!tpu.dma_semaphore, #tpu.memory_space<semaphore_mem>>) src(%dma_wait3A_384 : memref<64xi32, #tpu.memory_space<hbm>>) dst(%arg10 : memref<64xi32, #tpu.memory_space<vmem>>)
        %dma_start3A_385 = arith.constant 0 : i32
        %dma_start3A_386 = arith.constant 0 : i32
        %dma_start3A_387 = tpu.memref_slice %arg2[%dma_start3A_385, %dma_start3A_386] : memref<20000x128xf32, #tpu.memory_space<hbm>> -> memref<20000x128xf32, #tpu.memory_space<hbm>>
        tpu.enqueue_indirect_dma source(%dma_start3A_387 : memref<20000x128xf32, #tpu.memory_space<hbm>>) target(%arg24 : memref<64x128xf32, #tpu.memory_space<vmem>>) offsets(%arg9 : memref<64xi32, #tpu.memory_space<vmem>>) semaphore(%arg37 : memref<!tpu.dma_semaphore, #tpu.memory_space<semaphore_mem>>)
      } else {
      }
      %add3A_344 = arith.constant 7 : i32
      %add3A_345 = arith.addi %mul3A_159, %add3A_344 : i32
      %dma_wait3A_346 = arith.constant 0 : i32
      %dma_wait3A_347 = arith.constant 0 : i32
      %dma_wait3A_348 = tpu.memref_slice %arg2[%dma_wait3A_346, %dma_wait3A_347] : memref<20000x128xf32, #tpu.memory_space<hbm>> -> memref<20000x128xf32, #tpu.memory_space<hbm>>
      tpu.wait_indirect_dma semaphore(%arg39 : memref<!tpu.dma_semaphore, #tpu.memory_space<semaphore_mem>>) src(%dma_wait3A_348 : memref<20000x128xf32, #tpu.memory_space<hbm>>) dst(%arg26 : memref<64x128xf32, #tpu.memory_space<vmem>>)
      %dma_start3A_349 = arith.constant 0 : i32
      %dma_start3A_350 = arith.constant 0 : i32
      %dma_start3A_351 = tpu.memref_slice %arg27[%dma_start3A_349, %dma_start3A_350] : memref<10112x128xf32, #tpu.memory_space<vmem_shared>> -> memref<10112x128xf32, #tpu.memory_space<vmem_shared>>
      tpu.enqueue_indirect_dma source(%arg26 : memref<64x128xf32, #tpu.memory_space<vmem>>) target(%dma_start3A_351 : memref<10112x128xf32, #tpu.memory_space<vmem_shared>>) offsets(%arg22 : memref<64xi32, #tpu.memory_space<vmem>>) semaphore(%arg43 : memref<!tpu.dma_semaphore, #tpu.memory_space<semaphore_mem>>) {add = true}
      %ge3A_352 = arith.constant 1 : i32
      %ge3A_353 = arith.cmpi sge, %add3A_345, %ge3A_352 : i32
      %convert_element_type3A_354 = arith.extui %ge3A_353 : i1 to i32
      %cond3A_355 = arith.constant 0 : i32
      %cond3A_356 = arith.cmpi ne, %convert_element_type3A_354, %cond3A_355 : i32
      scf.if %cond3A_356 {
        %dma_wait3A_371 = arith.constant 0 : i32
        %dma_wait3A_372 = arith.constant 0 : i32
        %dma_wait3A_373 = tpu.memref_slice %arg27[%dma_wait3A_371, %dma_wait3A_372] : memref<10112x128xf32, #tpu.memory_space<vmem_shared>> -> memref<10112x128xf32, #tpu.memory_space<vmem_shared>>
        tpu.wait_indirect_dma semaphore(%arg42 : memref<!tpu.dma_semaphore, #tpu.memory_space<semaphore_mem>>) src(%arg25 : memref<64x128xf32, #tpu.memory_space<vmem>>) dst(%dma_wait3A_373 : memref<10112x128xf32, #tpu.memory_space<vmem_shared>>)
      } else {
      }
      %add3A_357 = arith.constant 7 : i32
      %add3A_358 = arith.addi %add3A_345, %add3A_357 : i32
      %lt3A_359 = arith.constant 320 : i32
      %lt3A_360 = arith.cmpi slt, %add3A_358, %lt3A_359 : i32
      %convert_element_type3A_361 = arith.extui %lt3A_360 : i1 to i32
      %cond3A_362 = arith.constant 0 : i32
      %cond3A_363 = arith.cmpi ne, %convert_element_type3A_361, %cond3A_362 : i32
      scf.if %cond3A_363 {
        %add3A_371 = arith.constant 7 : i32
        %add3A_372 = arith.addi %add3A_345, %add3A_371 : i32
        %dma_start3A_373 = arith.constant 0 : i32
        %dma_start3A_374 = tpu.memref_slice %arg3[%arg0, %arg1, %add3A_372, %dma_start3A_373] : memref<2x16x320x64xi32, #tpu.memory_space<hbm>> -> memref<1x1x1x64xi32, #tpu.memory_space<hbm>>
        %dma_start3A_375 = tpu.memref_squeeze %dma_start3A_374 : memref<1x1x1x64xi32, #tpu.memory_space<hbm>> -> memref<64xi32, #tpu.memory_space<hbm>>
        %dma_start3A_376 = arith.constant 0 : i32
        %dma_start3A_377 = tpu.memref_slice %arg3[%arg0, %arg1, %add3A_372, %dma_start3A_376] : memref<2x16x320x64xi32, #tpu.memory_space<hbm>> -> memref<1x1x1x64xi32, #tpu.memory_space<hbm>>
        %dma_start3A_378 = tpu.memref_squeeze %dma_start3A_377 : memref<1x1x1x64xi32, #tpu.memory_space<hbm>> -> memref<64xi32, #tpu.memory_space<hbm>>
        tpu.enqueue_dma source(%dma_start3A_378 : memref<64xi32, #tpu.memory_space<hbm>>) target(%arg19 : memref<64xi32, #tpu.memory_space<vmem>>) target_semaphore(%arg34 : memref<!tpu.dma_semaphore, #tpu.memory_space<semaphore_mem>>)
        %dma_start3A_379 = arith.constant 0 : i32
        %dma_start3A_380 = tpu.memref_slice %arg4[%arg0, %arg1, %add3A_372, %dma_start3A_379] : memref<2x16x320x64xi32, #tpu.memory_space<hbm>> -> memref<1x1x1x64xi32, #tpu.memory_space<hbm>>
        %dma_start3A_381 = tpu.memref_squeeze %dma_start3A_380 : memref<1x1x1x64xi32, #tpu.memory_space<hbm>> -> memref<64xi32, #tpu.memory_space<hbm>>
        %dma_start3A_382 = arith.constant 0 : i32
        %dma_start3A_383 = tpu.memref_slice %arg4[%arg0, %arg1, %add3A_372, %dma_start3A_382] : memref<2x16x320x64xi32, #tpu.memory_space<hbm>> -> memref<1x1x1x64xi32, #tpu.memory_space<hbm>>
        %dma_start3A_384 = tpu.memref_squeeze %dma_start3A_383 : memref<1x1x1x64xi32, #tpu.memory_space<hbm>> -> memref<64xi32, #tpu.memory_space<hbm>>
        tpu.enqueue_dma source(%dma_start3A_384 : memref<64xi32, #tpu.memory_space<hbm>>) target(%arg20 : memref<64xi32, #tpu.memory_space<vmem>>) target_semaphore(%arg34 : memref<!tpu.dma_semaphore, #tpu.memory_space<semaphore_mem>>)
      } else {
      }
      %add3A_364 = arith.constant 3 : i32
      %add3A_365 = arith.addi %add3A_345, %add3A_364 : i32
      %lt3A_366 = arith.constant 320 : i32
      %lt3A_367 = arith.cmpi slt, %add3A_365, %lt3A_366 : i32
      %convert_element_type3A_368 = arith.extui %lt3A_367 : i1 to i32
      %cond3A_369 = arith.constant 0 : i32
      %cond3A_370 = arith.cmpi ne, %convert_element_type3A_368, %cond3A_369 : i32
      scf.if %cond3A_370 {
        %add3A_371 = arith.constant 3 : i32
        %add3A_372 = arith.addi %add3A_345, %add3A_371 : i32
        %dma_wait3A_373 = arith.constant 0 : i32
        %dma_wait3A_374 = tpu.memref_slice %arg3[%arg0, %arg1, %add3A_372, %dma_wait3A_373] : memref<2x16x320x64xi32, #tpu.memory_space<hbm>> -> memref<1x1x1x64xi32, #tpu.memory_space<hbm>>
        %dma_wait3A_375 = tpu.memref_squeeze %dma_wait3A_374 : memref<1x1x1x64xi32, #tpu.memory_space<hbm>> -> memref<64xi32, #tpu.memory_space<hbm>>
        %dma_wait3A_376 = arith.constant 0 : i32
        %dma_wait3A_377 = tpu.memref_slice %arg3[%arg0, %arg1, %add3A_372, %dma_wait3A_376] : memref<2x16x320x64xi32, #tpu.memory_space<hbm>> -> memref<1x1x1x64xi32, #tpu.memory_space<hbm>>
        %dma_wait3A_378 = tpu.memref_squeeze %dma_wait3A_377 : memref<1x1x1x64xi32, #tpu.memory_space<hbm>> -> memref<64xi32, #tpu.memory_space<hbm>>
        tpu.wait_dma2 semaphore(%arg30 : memref<!tpu.dma_semaphore, #tpu.memory_space<semaphore_mem>>) src(%dma_wait3A_378 : memref<64xi32, #tpu.memory_space<hbm>>) dst(%arg11 : memref<64xi32, #tpu.memory_space<vmem>>)
        %dma_wait3A_379 = arith.constant 0 : i32
        %dma_wait3A_380 = tpu.memref_slice %arg4[%arg0, %arg1, %add3A_372, %dma_wait3A_379] : memref<2x16x320x64xi32, #tpu.memory_space<hbm>> -> memref<1x1x1x64xi32, #tpu.memory_space<hbm>>
        %dma_wait3A_381 = tpu.memref_squeeze %dma_wait3A_380 : memref<1x1x1x64xi32, #tpu.memory_space<hbm>> -> memref<64xi32, #tpu.memory_space<hbm>>
        %dma_wait3A_382 = arith.constant 0 : i32
        %dma_wait3A_383 = tpu.memref_slice %arg4[%arg0, %arg1, %add3A_372, %dma_wait3A_382] : memref<2x16x320x64xi32, #tpu.memory_space<hbm>> -> memref<1x1x1x64xi32, #tpu.memory_space<hbm>>
        %dma_wait3A_384 = tpu.memref_squeeze %dma_wait3A_383 : memref<1x1x1x64xi32, #tpu.memory_space<hbm>> -> memref<64xi32, #tpu.memory_space<hbm>>
        tpu.wait_dma2 semaphore(%arg30 : memref<!tpu.dma_semaphore, #tpu.memory_space<semaphore_mem>>) src(%dma_wait3A_384 : memref<64xi32, #tpu.memory_space<hbm>>) dst(%arg12 : memref<64xi32, #tpu.memory_space<vmem>>)
        %dma_start3A_385 = arith.constant 0 : i32
        %dma_start3A_386 = arith.constant 0 : i32
        %dma_start3A_387 = tpu.memref_slice %arg2[%dma_start3A_385, %dma_start3A_386] : memref<20000x128xf32, #tpu.memory_space<hbm>> -> memref<20000x128xf32, #tpu.memory_space<hbm>>
        tpu.enqueue_indirect_dma source(%dma_start3A_387 : memref<20000x128xf32, #tpu.memory_space<hbm>>) target(%arg25 : memref<64x128xf32, #tpu.memory_space<vmem>>) offsets(%arg11 : memref<64xi32, #tpu.memory_space<vmem>>) semaphore(%arg38 : memref<!tpu.dma_semaphore, #tpu.memory_space<semaphore_mem>>)
      } else {
      }
    }
    %scan3A_152 = arith.constant 40 : i32
    %dma_wait3A_153 = arith.constant 0 : i32
    %dma_wait3A_154 = arith.constant 0 : i32
    %dma_wait3A_155 = tpu.memref_slice %arg27[%dma_wait3A_153, %dma_wait3A_154] : memref<10112x128xf32, #tpu.memory_space<vmem_shared>> -> memref<10112x128xf32, #tpu.memory_space<vmem_shared>>
    tpu.wait_indirect_dma semaphore(%arg43 : memref<!tpu.dma_semaphore, #tpu.memory_space<semaphore_mem>>) src(%arg26 : memref<64x128xf32, #tpu.memory_space<vmem>>) dst(%dma_wait3A_155 : memref<10112x128xf32, #tpu.memory_space<vmem_shared>>)
    %barrier3A_156 = arith.constant 0 : index
    tpu.barrier barrier_id(%barrier3A_156)
    "tpu.region"() ({
      %run_scoped3A = tpu.sem_alloc : memref<!tpu.dma_semaphore, #tpu.memory_space<semaphore_mem>>
      %dma_start3A_157 = arith.constant 0 : i32
      %dma_start3A_158 = tpu.memref_slice %arg6[%arg0, %mul3A_0, %dma_start3A_157] : memref<2x10112x128xf32, #tpu.memory_space<hbm>> -> memref<1x632x128xf32, #tpu.memory_space<hbm>>
      %dma_start3A_159 = tpu.memref_squeeze %dma_start3A_158 : memref<1x632x128xf32, #tpu.memory_space<hbm>> -> memref<632x128xf32, #tpu.memory_space<hbm>>
      %dma_start3A_160 = arith.constant 0 : i32
      %dma_start3A_161 = tpu.memref_slice %arg27[%mul3A_0, %dma_start3A_160] : memref<10112x128xf32, #tpu.memory_space<vmem_shared>> -> memref<632x128xf32, #tpu.memory_space<vmem_shared>>
      tpu.enqueue_dma source(%dma_start3A_161 : memref<632x128xf32, #tpu.memory_space<vmem_shared>>) target(%dma_start3A_159 : memref<632x128xf32, #tpu.memory_space<hbm>>) target_semaphore(%run_scoped3A : memref<!tpu.dma_semaphore, #tpu.memory_space<semaphore_mem>>)
      %dma_wait3A_162 = arith.constant 0 : i32
      %dma_wait3A_163 = tpu.memref_slice %arg6[%arg0, %mul3A_0, %dma_wait3A_162] : memref<2x10112x128xf32, #tpu.memory_space<hbm>> -> memref<1x632x128xf32, #tpu.memory_space<hbm>>
      %dma_wait3A_164 = tpu.memref_squeeze %dma_wait3A_163 : memref<1x632x128xf32, #tpu.memory_space<hbm>> -> memref<632x128xf32, #tpu.memory_space<hbm>>
      %dma_wait3A_165 = arith.constant 0 : i32
      %dma_wait3A_166 = tpu.memref_slice %arg27[%mul3A_0, %dma_wait3A_165] : memref<10112x128xf32, #tpu.memory_space<vmem_shared>> -> memref<632x128xf32, #tpu.memory_space<vmem_shared>>
      tpu.wait_dma2 semaphore(%run_scoped3A : memref<!tpu.dma_semaphore, #tpu.memory_space<semaphore_mem>>) src(%dma_wait3A_166 : memref<632x128xf32, #tpu.memory_space<vmem_shared>>) dst(%dma_wait3A_164 : memref<632x128xf32, #tpu.memory_space<hbm>>)
      tpu.yield
    }) : () -> ()
    return
  }
}

#map = affine_map<(d0, d1) -> (0, 0)>
#map1 = affine_map<(d0, d1) -> (0, 0, 0, 0)>
#map2 = affine_map<(d0, d1) -> (0, 0, 0)>
module attributes {stable_mosaic.version = 14 : i64} {
  func.func @_sc_sums_body(%arg0: i32, %arg1: i32, %arg2: memref<10000x128xf32, #tpu.memory_space<hbm>>, %arg3: memref<2x16x160x64xi32, #tpu.memory_space<hbm>>, %arg4: memref<2x16x160x64xi32, #tpu.memory_space<hbm>>, %arg5: memref<10112x128xf32, #tpu.memory_space<hbm>>, %arg6: memref<2x10112x128xf32, #tpu.memory_space<hbm>>, %arg7: memref<64xi32, #tpu.memory_space<vmem>>, %arg8: memref<64xi32, #tpu.memory_space<vmem>>, %arg9: memref<64xi32, #tpu.memory_space<vmem>>, %arg10: memref<64xi32, #tpu.memory_space<vmem>>, %arg11: memref<64xi32, #tpu.memory_space<vmem>>, %arg12: memref<64xi32, #tpu.memory_space<vmem>>, %arg13: memref<64xi32, #tpu.memory_space<vmem>>, %arg14: memref<64xi32, #tpu.memory_space<vmem>>, %arg15: memref<64xi32, #tpu.memory_space<vmem>>, %arg16: memref<64xi32, #tpu.memory_space<vmem>>, %arg17: memref<64xi32, #tpu.memory_space<vmem>>, %arg18: memref<64xi32, #tpu.memory_space<vmem>>, %arg19: memref<64xi32, #tpu.memory_space<vmem>>, %arg20: memref<64xi32, #tpu.memory_space<vmem>>, %arg21: memref<64xi32, #tpu.memory_space<vmem>>, %arg22: memref<64xi32, #tpu.memory_space<vmem>>, %arg23: memref<64x128xf32, #tpu.memory_space<vmem>>, %arg24: memref<64x128xf32, #tpu.memory_space<vmem>>, %arg25: memref<64x128xf32, #tpu.memory_space<vmem>>, %arg26: memref<64x128xf32, #tpu.memory_space<vmem>>, %arg27: memref<10112x128xf32, #tpu.memory_space<vmem_shared>>, %arg28: memref<!tpu.dma_semaphore, #tpu.memory_space<semaphore_mem>>, %arg29: memref<!tpu.dma_semaphore, #tpu.memory_space<semaphore_mem>>, %arg30: memref<!tpu.dma_semaphore, #tpu.memory_space<semaphore_mem>>, %arg31: memref<!tpu.dma_semaphore, #tpu.memory_space<semaphore_mem>>, %arg32: memref<!tpu.dma_semaphore, #tpu.memory_space<semaphore_mem>>, %arg33: memref<!tpu.dma_semaphore, #tpu.memory_space<semaphore_mem>>, %arg34: memref<!tpu.dma_semaphore, #tpu.memory_space<semaphore_mem>>, %arg35: memref<!tpu.dma_semaphore, #tpu.memory_space<semaphore_mem>>, %arg36: memref<!tpu.dma_semaphore, #tpu.memory_space<semaphore_mem>>, %arg37: memref<!tpu.dma_semaphore, #tpu.memory_space<semaphore_mem>>, %arg38: memref<!tpu.dma_semaphore, #tpu.memory_space<semaphore_mem>>, %arg39: memref<!tpu.dma_semaphore, #tpu.memory_space<semaphore_mem>>, %arg40: memref<!tpu.dma_semaphore, #tpu.memory_space<semaphore_mem>>, %arg41: memref<!tpu.dma_semaphore, #tpu.memory_space<semaphore_mem>>, %arg42: memref<!tpu.dma_semaphore, #tpu.memory_space<semaphore_mem>>, %arg43: memref<!tpu.dma_semaphore, #tpu.memory_space<semaphore_mem>>) attributes {dimension_semantics = [#tpu.dimension_semantics<core_parallel>, #tpu.dimension_semantics<subcore_parallel>], iteration_bounds = array<i64: 2, 16>, scalar_prefetch = 0 : i64, scratch_operands = 37 : i64, tpu.core_type = #tpu.core_type<sc_vector_subcore>, window_params = [{transform_indices = #map}, {transform_indices = #map1}, {transform_indices = #map1}, {transform_indices = #map}, {transform_indices = #map2}]} {
    %mul3A = arith.constant 632 : i32
    %mul3A_0 = arith.muli %arg1, %mul3A : i32
    "tpu.region"() ({
      %run_scoped3A = tpu.sem_alloc : memref<!tpu.dma_semaphore, #tpu.memory_space<semaphore_mem>>
      %dma_start3A_157 = arith.constant 0 : i32
      %dma_start3A_158 = tpu.memref_slice %arg27[%mul3A_0, %dma_start3A_157] : memref<10112x128xf32, #tpu.memory_space<vmem_shared>> -> memref<632x128xf32, #tpu.memory_space<vmem_shared>>
      %dma_start3A_159 = arith.constant 0 : i32
      %dma_start3A_160 = tpu.memref_slice %arg5[%mul3A_0, %dma_start3A_159] : memref<10112x128xf32, #tpu.memory_space<hbm>> -> memref<632x128xf32, #tpu.memory_space<hbm>>
      tpu.enqueue_dma source(%dma_start3A_160 : memref<632x128xf32, #tpu.memory_space<hbm>>) target(%dma_start3A_158 : memref<632x128xf32, #tpu.memory_space<vmem_shared>>) target_semaphore(%run_scoped3A : memref<!tpu.dma_semaphore, #tpu.memory_space<semaphore_mem>>)
      %dma_wait3A_161 = arith.constant 0 : i32
      %dma_wait3A_162 = tpu.memref_slice %arg27[%mul3A_0, %dma_wait3A_161] : memref<10112x128xf32, #tpu.memory_space<vmem_shared>> -> memref<632x128xf32, #tpu.memory_space<vmem_shared>>
      %dma_wait3A_163 = arith.constant 0 : i32
      %dma_wait3A_164 = tpu.memref_slice %arg5[%mul3A_0, %dma_wait3A_163] : memref<10112x128xf32, #tpu.memory_space<hbm>> -> memref<632x128xf32, #tpu.memory_space<hbm>>
      tpu.wait_dma2 semaphore(%run_scoped3A : memref<!tpu.dma_semaphore, #tpu.memory_space<semaphore_mem>>) src(%dma_wait3A_164 : memref<632x128xf32, #tpu.memory_space<hbm>>) dst(%dma_wait3A_162 : memref<632x128xf32, #tpu.memory_space<vmem_shared>>)
      tpu.yield
    }) : () -> ()
    %barrier3A = arith.constant 0 : index
    tpu.barrier barrier_id(%barrier3A)
    %dma_start3A = arith.constant 0 : i32
    %dma_start3A_1 = arith.constant 0 : i32
    %dma_start3A_2 = tpu.memref_slice %arg3[%arg0, %arg1, %dma_start3A, %dma_start3A_1] : memref<2x16x160x64xi32, #tpu.memory_space<hbm>> -> memref<1x1x1x64xi32, #tpu.memory_space<hbm>>
    %dma_start3A_3 = tpu.memref_squeeze %dma_start3A_2 : memref<1x1x1x64xi32, #tpu.memory_space<hbm>> -> memref<64xi32, #tpu.memory_space<hbm>>
    %dma_start3A_4 = arith.constant 0 : i32
    %dma_start3A_5 = tpu.memref_slice %arg3[%arg0, %arg1, %dma_start3A, %dma_start3A_4] : memref<2x16x160x64xi32, #tpu.memory_space<hbm>> -> memref<1x1x1x64xi32, #tpu.memory_space<hbm>>
    %dma_start3A_6 = tpu.memref_squeeze %dma_start3A_5 : memref<1x1x1x64xi32, #tpu.memory_space<hbm>> -> memref<64xi32, #tpu.memory_space<hbm>>
    tpu.enqueue_dma source(%dma_start3A_6 : memref<64xi32, #tpu.memory_space<hbm>>) target(%arg7 : memref<64xi32, #tpu.memory_space<vmem>>) target_semaphore(%arg28 : memref<!tpu.dma_semaphore, #tpu.memory_space<semaphore_mem>>)
    %dma_start3A_7 = arith.constant 0 : i32
    %dma_start3A_8 = arith.constant 0 : i32
    %dma_start3A_9 = tpu.memref_slice %arg4[%arg0, %arg1, %dma_start3A_7, %dma_start3A_8] : memref<2x16x160x64xi32, #tpu.memory_space<hbm>> -> memref<1x1x1x64xi32, #tpu.memory_space<hbm>>
    %dma_start3A_10 = tpu.memref_squeeze %dma_start3A_9 : memref<1x1x1x64xi32, #tpu.memory_space<hbm>> -> memref<64xi32, #tpu.memory_space<hbm>>
    %dma_start3A_11 = arith.constant 0 : i32
    %dma_start3A_12 = tpu.memref_slice %arg4[%arg0, %arg1, %dma_start3A_7, %dma_start3A_11] : memref<2x16x160x64xi32, #tpu.memory_space<hbm>> -> memref<1x1x1x64xi32, #tpu.memory_space<hbm>>
    %dma_start3A_13 = tpu.memref_squeeze %dma_start3A_12 : memref<1x1x1x64xi32, #tpu.memory_space<hbm>> -> memref<64xi32, #tpu.memory_space<hbm>>
    tpu.enqueue_dma source(%dma_start3A_13 : memref<64xi32, #tpu.memory_space<hbm>>) target(%arg8 : memref<64xi32, #tpu.memory_space<vmem>>) target_semaphore(%arg28 : memref<!tpu.dma_semaphore, #tpu.memory_space<semaphore_mem>>)
    %dma_start3A_14 = arith.constant 1 : i32
    %dma_start3A_15 = arith.constant 0 : i32
    %dma_start3A_16 = tpu.memref_slice %arg3[%arg0, %arg1, %dma_start3A_14, %dma_start3A_15] : memref<2x16x160x64xi32, #tpu.memory_space<hbm>> -> memref<1x1x1x64xi32, #tpu.memory_space<hbm>>
    %dma_start3A_17 = tpu.memref_squeeze %dma_start3A_16 : memref<1x1x1x64xi32, #tpu.memory_space<hbm>> -> memref<64xi32, #tpu.memory_space<hbm>>
    %dma_start3A_18 = arith.constant 0 : i32
    %dma_start3A_19 = tpu.memref_slice %arg3[%arg0, %arg1, %dma_start3A_14, %dma_start3A_18] : memref<2x16x160x64xi32, #tpu.memory_space<hbm>> -> memref<1x1x1x64xi32, #tpu.memory_space<hbm>>
    %dma_start3A_20 = tpu.memref_squeeze %dma_start3A_19 : memref<1x1x1x64xi32, #tpu.memory_space<hbm>> -> memref<64xi32, #tpu.memory_space<hbm>>
    tpu.enqueue_dma source(%dma_start3A_20 : memref<64xi32, #tpu.memory_space<hbm>>) target(%arg9 : memref<64xi32, #tpu.memory_space<vmem>>) target_semaphore(%arg29 : memref<!tpu.dma_semaphore, #tpu.memory_space<semaphore_mem>>)
    %dma_start3A_21 = arith.constant 1 : i32
    %dma_start3A_22 = arith.constant 0 : i32
    %dma_start3A_23 = tpu.memref_slice %arg4[%arg0, %arg1, %dma_start3A_21, %dma_start3A_22] : memref<2x16x160x64xi32, #tpu.memory_space<hbm>> -> memref<1x1x1x64xi32, #tpu.memory_space<hbm>>
    %dma_start3A_24 = tpu.memref_squeeze %dma_start3A_23 : memref<1x1x1x64xi32, #tpu.memory_space<hbm>> -> memref<64xi32, #tpu.memory_space<hbm>>
    %dma_start3A_25 = arith.constant 0 : i32
    %dma_start3A_26 = tpu.memref_slice %arg4[%arg0, %arg1, %dma_start3A_21, %dma_start3A_25] : memref<2x16x160x64xi32, #tpu.memory_space<hbm>> -> memref<1x1x1x64xi32, #tpu.memory_space<hbm>>
    %dma_start3A_27 = tpu.memref_squeeze %dma_start3A_26 : memref<1x1x1x64xi32, #tpu.memory_space<hbm>> -> memref<64xi32, #tpu.memory_space<hbm>>
    tpu.enqueue_dma source(%dma_start3A_27 : memref<64xi32, #tpu.memory_space<hbm>>) target(%arg10 : memref<64xi32, #tpu.memory_space<vmem>>) target_semaphore(%arg29 : memref<!tpu.dma_semaphore, #tpu.memory_space<semaphore_mem>>)
    %dma_start3A_28 = arith.constant 2 : i32
    %dma_start3A_29 = arith.constant 0 : i32
    %dma_start3A_30 = tpu.memref_slice %arg3[%arg0, %arg1, %dma_start3A_28, %dma_start3A_29] : memref<2x16x160x64xi32, #tpu.memory_space<hbm>> -> memref<1x1x1x64xi32, #tpu.memory_space<hbm>>
    %dma_start3A_31 = tpu.memref_squeeze %dma_start3A_30 : memref<1x1x1x64xi32, #tpu.memory_space<hbm>> -> memref<64xi32, #tpu.memory_space<hbm>>
    %dma_start3A_32 = arith.constant 0 : i32
    %dma_start3A_33 = tpu.memref_slice %arg3[%arg0, %arg1, %dma_start3A_28, %dma_start3A_32] : memref<2x16x160x64xi32, #tpu.memory_space<hbm>> -> memref<1x1x1x64xi32, #tpu.memory_space<hbm>>
    %dma_start3A_34 = tpu.memref_squeeze %dma_start3A_33 : memref<1x1x1x64xi32, #tpu.memory_space<hbm>> -> memref<64xi32, #tpu.memory_space<hbm>>
    tpu.enqueue_dma source(%dma_start3A_34 : memref<64xi32, #tpu.memory_space<hbm>>) target(%arg11 : memref<64xi32, #tpu.memory_space<vmem>>) target_semaphore(%arg30 : memref<!tpu.dma_semaphore, #tpu.memory_space<semaphore_mem>>)
    %dma_start3A_35 = arith.constant 2 : i32
    %dma_start3A_36 = arith.constant 0 : i32
    %dma_start3A_37 = tpu.memref_slice %arg4[%arg0, %arg1, %dma_start3A_35, %dma_start3A_36] : memref<2x16x160x64xi32, #tpu.memory_space<hbm>> -> memref<1x1x1x64xi32, #tpu.memory_space<hbm>>
    %dma_start3A_38 = tpu.memref_squeeze %dma_start3A_37 : memref<1x1x1x64xi32, #tpu.memory_space<hbm>> -> memref<64xi32, #tpu.memory_space<hbm>>
    %dma_start3A_39 = arith.constant 0 : i32
    %dma_start3A_40 = tpu.memref_slice %arg4[%arg0, %arg1, %dma_start3A_35, %dma_start3A_39] : memref<2x16x160x64xi32, #tpu.memory_space<hbm>> -> memref<1x1x1x64xi32, #tpu.memory_space<hbm>>
    %dma_start3A_41 = tpu.memref_squeeze %dma_start3A_40 : memref<1x1x1x64xi32, #tpu.memory_space<hbm>> -> memref<64xi32, #tpu.memory_space<hbm>>
    tpu.enqueue_dma source(%dma_start3A_41 : memref<64xi32, #tpu.memory_space<hbm>>) target(%arg12 : memref<64xi32, #tpu.memory_space<vmem>>) target_semaphore(%arg30 : memref<!tpu.dma_semaphore, #tpu.memory_space<semaphore_mem>>)
    %dma_start3A_42 = arith.constant 3 : i32
    %dma_start3A_43 = arith.constant 0 : i32
    %dma_start3A_44 = tpu.memref_slice %arg3[%arg0, %arg1, %dma_start3A_42, %dma_start3A_43] : memref<2x16x160x64xi32, #tpu.memory_space<hbm>> -> memref<1x1x1x64xi32, #tpu.memory_space<hbm>>
    %dma_start3A_45 = tpu.memref_squeeze %dma_start3A_44 : memref<1x1x1x64xi32, #tpu.memory_space<hbm>> -> memref<64xi32, #tpu.memory_space<hbm>>
    %dma_start3A_46 = arith.constant 0 : i32
    %dma_start3A_47 = tpu.memref_slice %arg3[%arg0, %arg1, %dma_start3A_42, %dma_start3A_46] : memref<2x16x160x64xi32, #tpu.memory_space<hbm>> -> memref<1x1x1x64xi32, #tpu.memory_space<hbm>>
    %dma_start3A_48 = tpu.memref_squeeze %dma_start3A_47 : memref<1x1x1x64xi32, #tpu.memory_space<hbm>> -> memref<64xi32, #tpu.memory_space<hbm>>
    tpu.enqueue_dma source(%dma_start3A_48 : memref<64xi32, #tpu.memory_space<hbm>>) target(%arg13 : memref<64xi32, #tpu.memory_space<vmem>>) target_semaphore(%arg31 : memref<!tpu.dma_semaphore, #tpu.memory_space<semaphore_mem>>)
    %dma_start3A_49 = arith.constant 3 : i32
    %dma_start3A_50 = arith.constant 0 : i32
    %dma_start3A_51 = tpu.memref_slice %arg4[%arg0, %arg1, %dma_start3A_49, %dma_start3A_50] : memref<2x16x160x64xi32, #tpu.memory_space<hbm>> -> memref<1x1x1x64xi32, #tpu.memory_space<hbm>>
    %dma_start3A_52 = tpu.memref_squeeze %dma_start3A_51 : memref<1x1x1x64xi32, #tpu.memory_space<hbm>> -> memref<64xi32, #tpu.memory_space<hbm>>
    %dma_start3A_53 = arith.constant 0 : i32
    %dma_start3A_54 = tpu.memref_slice %arg4[%arg0, %arg1, %dma_start3A_49, %dma_start3A_53] : memref<2x16x160x64xi32, #tpu.memory_space<hbm>> -> memref<1x1x1x64xi32, #tpu.memory_space<hbm>>
    %dma_start3A_55 = tpu.memref_squeeze %dma_start3A_54 : memref<1x1x1x64xi32, #tpu.memory_space<hbm>> -> memref<64xi32, #tpu.memory_space<hbm>>
    tpu.enqueue_dma source(%dma_start3A_55 : memref<64xi32, #tpu.memory_space<hbm>>) target(%arg14 : memref<64xi32, #tpu.memory_space<vmem>>) target_semaphore(%arg31 : memref<!tpu.dma_semaphore, #tpu.memory_space<semaphore_mem>>)
    %dma_start3A_56 = arith.constant 4 : i32
    %dma_start3A_57 = arith.constant 0 : i32
    %dma_start3A_58 = tpu.memref_slice %arg3[%arg0, %arg1, %dma_start3A_56, %dma_start3A_57] : memref<2x16x160x64xi32, #tpu.memory_space<hbm>> -> memref<1x1x1x64xi32, #tpu.memory_space<hbm>>
    %dma_start3A_59 = tpu.memref_squeeze %dma_start3A_58 : memref<1x1x1x64xi32, #tpu.memory_space<hbm>> -> memref<64xi32, #tpu.memory_space<hbm>>
    %dma_start3A_60 = arith.constant 0 : i32
    %dma_start3A_61 = tpu.memref_slice %arg3[%arg0, %arg1, %dma_start3A_56, %dma_start3A_60] : memref<2x16x160x64xi32, #tpu.memory_space<hbm>> -> memref<1x1x1x64xi32, #tpu.memory_space<hbm>>
    %dma_start3A_62 = tpu.memref_squeeze %dma_start3A_61 : memref<1x1x1x64xi32, #tpu.memory_space<hbm>> -> memref<64xi32, #tpu.memory_space<hbm>>
    tpu.enqueue_dma source(%dma_start3A_62 : memref<64xi32, #tpu.memory_space<hbm>>) target(%arg15 : memref<64xi32, #tpu.memory_space<vmem>>) target_semaphore(%arg32 : memref<!tpu.dma_semaphore, #tpu.memory_space<semaphore_mem>>)
    %dma_start3A_63 = arith.constant 4 : i32
    %dma_start3A_64 = arith.constant 0 : i32
    %dma_start3A_65 = tpu.memref_slice %arg4[%arg0, %arg1, %dma_start3A_63, %dma_start3A_64] : memref<2x16x160x64xi32, #tpu.memory_space<hbm>> -> memref<1x1x1x64xi32, #tpu.memory_space<hbm>>
    %dma_start3A_66 = tpu.memref_squeeze %dma_start3A_65 : memref<1x1x1x64xi32, #tpu.memory_space<hbm>> -> memref<64xi32, #tpu.memory_space<hbm>>
    %dma_start3A_67 = arith.constant 0 : i32
    %dma_start3A_68 = tpu.memref_slice %arg4[%arg0, %arg1, %dma_start3A_63, %dma_start3A_67] : memref<2x16x160x64xi32, #tpu.memory_space<hbm>> -> memref<1x1x1x64xi32, #tpu.memory_space<hbm>>
    %dma_start3A_69 = tpu.memref_squeeze %dma_start3A_68 : memref<1x1x1x64xi32, #tpu.memory_space<hbm>> -> memref<64xi32, #tpu.memory_space<hbm>>
    tpu.enqueue_dma source(%dma_start3A_69 : memref<64xi32, #tpu.memory_space<hbm>>) target(%arg16 : memref<64xi32, #tpu.memory_space<vmem>>) target_semaphore(%arg32 : memref<!tpu.dma_semaphore, #tpu.memory_space<semaphore_mem>>)
    %dma_start3A_70 = arith.constant 5 : i32
    %dma_start3A_71 = arith.constant 0 : i32
    %dma_start3A_72 = tpu.memref_slice %arg3[%arg0, %arg1, %dma_start3A_70, %dma_start3A_71] : memref<2x16x160x64xi32, #tpu.memory_space<hbm>> -> memref<1x1x1x64xi32, #tpu.memory_space<hbm>>
    %dma_start3A_73 = tpu.memref_squeeze %dma_start3A_72 : memref<1x1x1x64xi32, #tpu.memory_space<hbm>> -> memref<64xi32, #tpu.memory_space<hbm>>
    %dma_start3A_74 = arith.constant 0 : i32
    %dma_start3A_75 = tpu.memref_slice %arg3[%arg0, %arg1, %dma_start3A_70, %dma_start3A_74] : memref<2x16x160x64xi32, #tpu.memory_space<hbm>> -> memref<1x1x1x64xi32, #tpu.memory_space<hbm>>
    %dma_start3A_76 = tpu.memref_squeeze %dma_start3A_75 : memref<1x1x1x64xi32, #tpu.memory_space<hbm>> -> memref<64xi32, #tpu.memory_space<hbm>>
    tpu.enqueue_dma source(%dma_start3A_76 : memref<64xi32, #tpu.memory_space<hbm>>) target(%arg17 : memref<64xi32, #tpu.memory_space<vmem>>) target_semaphore(%arg33 : memref<!tpu.dma_semaphore, #tpu.memory_space<semaphore_mem>>)
    %dma_start3A_77 = arith.constant 5 : i32
    %dma_start3A_78 = arith.constant 0 : i32
    %dma_start3A_79 = tpu.memref_slice %arg4[%arg0, %arg1, %dma_start3A_77, %dma_start3A_78] : memref<2x16x160x64xi32, #tpu.memory_space<hbm>> -> memref<1x1x1x64xi32, #tpu.memory_space<hbm>>
    %dma_start3A_80 = tpu.memref_squeeze %dma_start3A_79 : memref<1x1x1x64xi32, #tpu.memory_space<hbm>> -> memref<64xi32, #tpu.memory_space<hbm>>
    %dma_start3A_81 = arith.constant 0 : i32
    %dma_start3A_82 = tpu.memref_slice %arg4[%arg0, %arg1, %dma_start3A_77, %dma_start3A_81] : memref<2x16x160x64xi32, #tpu.memory_space<hbm>> -> memref<1x1x1x64xi32, #tpu.memory_space<hbm>>
    %dma_start3A_83 = tpu.memref_squeeze %dma_start3A_82 : memref<1x1x1x64xi32, #tpu.memory_space<hbm>> -> memref<64xi32, #tpu.memory_space<hbm>>
    tpu.enqueue_dma source(%dma_start3A_83 : memref<64xi32, #tpu.memory_space<hbm>>) target(%arg18 : memref<64xi32, #tpu.memory_space<vmem>>) target_semaphore(%arg33 : memref<!tpu.dma_semaphore, #tpu.memory_space<semaphore_mem>>)
    %dma_start3A_84 = arith.constant 6 : i32
    %dma_start3A_85 = arith.constant 0 : i32
    %dma_start3A_86 = tpu.memref_slice %arg3[%arg0, %arg1, %dma_start3A_84, %dma_start3A_85] : memref<2x16x160x64xi32, #tpu.memory_space<hbm>> -> memref<1x1x1x64xi32, #tpu.memory_space<hbm>>
    %dma_start3A_87 = tpu.memref_squeeze %dma_start3A_86 : memref<1x1x1x64xi32, #tpu.memory_space<hbm>> -> memref<64xi32, #tpu.memory_space<hbm>>
    %dma_start3A_88 = arith.constant 0 : i32
    %dma_start3A_89 = tpu.memref_slice %arg3[%arg0, %arg1, %dma_start3A_84, %dma_start3A_88] : memref<2x16x160x64xi32, #tpu.memory_space<hbm>> -> memref<1x1x1x64xi32, #tpu.memory_space<hbm>>
    %dma_start3A_90 = tpu.memref_squeeze %dma_start3A_89 : memref<1x1x1x64xi32, #tpu.memory_space<hbm>> -> memref<64xi32, #tpu.memory_space<hbm>>
    tpu.enqueue_dma source(%dma_start3A_90 : memref<64xi32, #tpu.memory_space<hbm>>) target(%arg19 : memref<64xi32, #tpu.memory_space<vmem>>) target_semaphore(%arg34 : memref<!tpu.dma_semaphore, #tpu.memory_space<semaphore_mem>>)
    %dma_start3A_91 = arith.constant 6 : i32
    %dma_start3A_92 = arith.constant 0 : i32
    %dma_start3A_93 = tpu.memref_slice %arg4[%arg0, %arg1, %dma_start3A_91, %dma_start3A_92] : memref<2x16x160x64xi32, #tpu.memory_space<hbm>> -> memref<1x1x1x64xi32, #tpu.memory_space<hbm>>
    %dma_start3A_94 = tpu.memref_squeeze %dma_start3A_93 : memref<1x1x1x64xi32, #tpu.memory_space<hbm>> -> memref<64xi32, #tpu.memory_space<hbm>>
    %dma_start3A_95 = arith.constant 0 : i32
    %dma_start3A_96 = tpu.memref_slice %arg4[%arg0, %arg1, %dma_start3A_91, %dma_start3A_95] : memref<2x16x160x64xi32, #tpu.memory_space<hbm>> -> memref<1x1x1x64xi32, #tpu.memory_space<hbm>>
    %dma_start3A_97 = tpu.memref_squeeze %dma_start3A_96 : memref<1x1x1x64xi32, #tpu.memory_space<hbm>> -> memref<64xi32, #tpu.memory_space<hbm>>
    tpu.enqueue_dma source(%dma_start3A_97 : memref<64xi32, #tpu.memory_space<hbm>>) target(%arg20 : memref<64xi32, #tpu.memory_space<vmem>>) target_semaphore(%arg34 : memref<!tpu.dma_semaphore, #tpu.memory_space<semaphore_mem>>)
    %dma_wait3A = arith.constant 0 : i32
    %dma_wait3A_98 = arith.constant 0 : i32
    %dma_wait3A_99 = tpu.memref_slice %arg3[%arg0, %arg1, %dma_wait3A, %dma_wait3A_98] : memref<2x16x160x64xi32, #tpu.memory_space<hbm>> -> memref<1x1x1x64xi32, #tpu.memory_space<hbm>>
    %dma_wait3A_100 = tpu.memref_squeeze %dma_wait3A_99 : memref<1x1x1x64xi32, #tpu.memory_space<hbm>> -> memref<64xi32, #tpu.memory_space<hbm>>
    %dma_wait3A_101 = arith.constant 0 : i32
    %dma_wait3A_102 = tpu.memref_slice %arg3[%arg0, %arg1, %dma_wait3A, %dma_wait3A_101] : memref<2x16x160x64xi32, #tpu.memory_space<hbm>> -> memref<1x1x1x64xi32, #tpu.memory_space<hbm>>
    %dma_wait3A_103 = tpu.memref_squeeze %dma_wait3A_102 : memref<1x1x1x64xi32, #tpu.memory_space<hbm>> -> memref<64xi32, #tpu.memory_space<hbm>>
    tpu.wait_dma2 semaphore(%arg28 : memref<!tpu.dma_semaphore, #tpu.memory_space<semaphore_mem>>) src(%dma_wait3A_103 : memref<64xi32, #tpu.memory_space<hbm>>) dst(%arg7 : memref<64xi32, #tpu.memory_space<vmem>>)
    %dma_wait3A_104 = arith.constant 0 : i32
    %dma_wait3A_105 = arith.constant 0 : i32
    %dma_wait3A_106 = tpu.memref_slice %arg4[%arg0, %arg1, %dma_wait3A_104, %dma_wait3A_105] : memref<2x16x160x64xi32, #tpu.memory_space<hbm>> -> memref<1x1x1x64xi32, #tpu.memory_space<hbm>>
    %dma_wait3A_107 = tpu.memref_squeeze %dma_wait3A_106 : memref<1x1x1x64xi32, #tpu.memory_space<hbm>> -> memref<64xi32, #tpu.memory_space<hbm>>
    %dma_wait3A_108 = arith.constant 0 : i32
    %dma_wait3A_109 = tpu.memref_slice %arg4[%arg0, %arg1, %dma_wait3A_104, %dma_wait3A_108] : memref<2x16x160x64xi32, #tpu.memory_space<hbm>> -> memref<1x1x1x64xi32, #tpu.memory_space<hbm>>
    %dma_wait3A_110 = tpu.memref_squeeze %dma_wait3A_109 : memref<1x1x1x64xi32, #tpu.memory_space<hbm>> -> memref<64xi32, #tpu.memory_space<hbm>>
    tpu.wait_dma2 semaphore(%arg28 : memref<!tpu.dma_semaphore, #tpu.memory_space<semaphore_mem>>) src(%dma_wait3A_110 : memref<64xi32, #tpu.memory_space<hbm>>) dst(%arg8 : memref<64xi32, #tpu.memory_space<vmem>>)
    %dma_start3A_111 = arith.constant 0 : i32
    %dma_start3A_112 = arith.constant 0 : i32
    %dma_start3A_113 = tpu.memref_slice %arg2[%dma_start3A_111, %dma_start3A_112] : memref<10000x128xf32, #tpu.memory_space<hbm>> -> memref<10000x128xf32, #tpu.memory_space<hbm>>
    tpu.enqueue_indirect_dma source(%dma_start3A_113 : memref<10000x128xf32, #tpu.memory_space<hbm>>) target(%arg23 : memref<64x128xf32, #tpu.memory_space<vmem>>) offsets(%arg7 : memref<64xi32, #tpu.memory_space<vmem>>) semaphore(%arg36 : memref<!tpu.dma_semaphore, #tpu.memory_space<semaphore_mem>>)
    %dma_wait3A_114 = arith.constant 1 : i32
    %dma_wait3A_115 = arith.constant 0 : i32
    %dma_wait3A_116 = tpu.memref_slice %arg3[%arg0, %arg1, %dma_wait3A_114, %dma_wait3A_115] : memref<2x16x160x64xi32, #tpu.memory_space<hbm>> -> memref<1x1x1x64xi32, #tpu.memory_space<hbm>>
    %dma_wait3A_117 = tpu.memref_squeeze %dma_wait3A_116 : memref<1x1x1x64xi32, #tpu.memory_space<hbm>> -> memref<64xi32, #tpu.memory_space<hbm>>
    %dma_wait3A_118 = arith.constant 0 : i32
    %dma_wait3A_119 = tpu.memref_slice %arg3[%arg0, %arg1, %dma_wait3A_114, %dma_wait3A_118] : memref<2x16x160x64xi32, #tpu.memory_space<hbm>> -> memref<1x1x1x64xi32, #tpu.memory_space<hbm>>
    %dma_wait3A_120 = tpu.memref_squeeze %dma_wait3A_119 : memref<1x1x1x64xi32, #tpu.memory_space<hbm>> -> memref<64xi32, #tpu.memory_space<hbm>>
    tpu.wait_dma2 semaphore(%arg29 : memref<!tpu.dma_semaphore, #tpu.memory_space<semaphore_mem>>) src(%dma_wait3A_120 : memref<64xi32, #tpu.memory_space<hbm>>) dst(%arg9 : memref<64xi32, #tpu.memory_space<vmem>>)
    %dma_wait3A_121 = arith.constant 1 : i32
    %dma_wait3A_122 = arith.constant 0 : i32
    %dma_wait3A_123 = tpu.memref_slice %arg4[%arg0, %arg1, %dma_wait3A_121, %dma_wait3A_122] : memref<2x16x160x64xi32, #tpu.memory_space<hbm>> -> memref<1x1x1x64xi32, #tpu.memory_space<hbm>>
    %dma_wait3A_124 = tpu.memref_squeeze %dma_wait3A_123 : memref<1x1x1x64xi32, #tpu.memory_space<hbm>> -> memref<64xi32, #tpu.memory_space<hbm>>
    %dma_wait3A_125 = arith.constant 0 : i32
    %dma_wait3A_126 = tpu.memref_slice %arg4[%arg0, %arg1, %dma_wait3A_121, %dma_wait3A_125] : memref<2x16x160x64xi32, #tpu.memory_space<hbm>> -> memref<1x1x1x64xi32, #tpu.memory_space<hbm>>
    %dma_wait3A_127 = tpu.memref_squeeze %dma_wait3A_126 : memref<1x1x1x64xi32, #tpu.memory_space<hbm>> -> memref<64xi32, #tpu.memory_space<hbm>>
    tpu.wait_dma2 semaphore(%arg29 : memref<!tpu.dma_semaphore, #tpu.memory_space<semaphore_mem>>) src(%dma_wait3A_127 : memref<64xi32, #tpu.memory_space<hbm>>) dst(%arg10 : memref<64xi32, #tpu.memory_space<vmem>>)
    %dma_start3A_128 = arith.constant 0 : i32
    %dma_start3A_129 = arith.constant 0 : i32
    %dma_start3A_130 = tpu.memref_slice %arg2[%dma_start3A_128, %dma_start3A_129] : memref<10000x128xf32, #tpu.memory_space<hbm>> -> memref<10000x128xf32, #tpu.memory_space<hbm>>
    tpu.enqueue_indirect_dma source(%dma_start3A_130 : memref<10000x128xf32, #tpu.memory_space<hbm>>) target(%arg24 : memref<64x128xf32, #tpu.memory_space<vmem>>) offsets(%arg9 : memref<64xi32, #tpu.memory_space<vmem>>) semaphore(%arg37 : memref<!tpu.dma_semaphore, #tpu.memory_space<semaphore_mem>>)
    %dma_wait3A_131 = arith.constant 2 : i32
    %dma_wait3A_132 = arith.constant 0 : i32
    %dma_wait3A_133 = tpu.memref_slice %arg3[%arg0, %arg1, %dma_wait3A_131, %dma_wait3A_132] : memref<2x16x160x64xi32, #tpu.memory_space<hbm>> -> memref<1x1x1x64xi32, #tpu.memory_space<hbm>>
    %dma_wait3A_134 = tpu.memref_squeeze %dma_wait3A_133 : memref<1x1x1x64xi32, #tpu.memory_space<hbm>> -> memref<64xi32, #tpu.memory_space<hbm>>
    %dma_wait3A_135 = arith.constant 0 : i32
    %dma_wait3A_136 = tpu.memref_slice %arg3[%arg0, %arg1, %dma_wait3A_131, %dma_wait3A_135] : memref<2x16x160x64xi32, #tpu.memory_space<hbm>> -> memref<1x1x1x64xi32, #tpu.memory_space<hbm>>
    %dma_wait3A_137 = tpu.memref_squeeze %dma_wait3A_136 : memref<1x1x1x64xi32, #tpu.memory_space<hbm>> -> memref<64xi32, #tpu.memory_space<hbm>>
    tpu.wait_dma2 semaphore(%arg30 : memref<!tpu.dma_semaphore, #tpu.memory_space<semaphore_mem>>) src(%dma_wait3A_137 : memref<64xi32, #tpu.memory_space<hbm>>) dst(%arg11 : memref<64xi32, #tpu.memory_space<vmem>>)
    %dma_wait3A_138 = arith.constant 2 : i32
    %dma_wait3A_139 = arith.constant 0 : i32
    %dma_wait3A_140 = tpu.memref_slice %arg4[%arg0, %arg1, %dma_wait3A_138, %dma_wait3A_139] : memref<2x16x160x64xi32, #tpu.memory_space<hbm>> -> memref<1x1x1x64xi32, #tpu.memory_space<hbm>>
    %dma_wait3A_141 = tpu.memref_squeeze %dma_wait3A_140 : memref<1x1x1x64xi32, #tpu.memory_space<hbm>> -> memref<64xi32, #tpu.memory_space<hbm>>
    %dma_wait3A_142 = arith.constant 0 : i32
    %dma_wait3A_143 = tpu.memref_slice %arg4[%arg0, %arg1, %dma_wait3A_138, %dma_wait3A_142] : memref<2x16x160x64xi32, #tpu.memory_space<hbm>> -> memref<1x1x1x64xi32, #tpu.memory_space<hbm>>
    %dma_wait3A_144 = tpu.memref_squeeze %dma_wait3A_143 : memref<1x1x1x64xi32, #tpu.memory_space<hbm>> -> memref<64xi32, #tpu.memory_space<hbm>>
    tpu.wait_dma2 semaphore(%arg30 : memref<!tpu.dma_semaphore, #tpu.memory_space<semaphore_mem>>) src(%dma_wait3A_144 : memref<64xi32, #tpu.memory_space<hbm>>) dst(%arg12 : memref<64xi32, #tpu.memory_space<vmem>>)
    %dma_start3A_145 = arith.constant 0 : i32
    %dma_start3A_146 = arith.constant 0 : i32
    %dma_start3A_147 = tpu.memref_slice %arg2[%dma_start3A_145, %dma_start3A_146] : memref<10000x128xf32, #tpu.memory_space<hbm>> -> memref<10000x128xf32, #tpu.memory_space<hbm>>
    tpu.enqueue_indirect_dma source(%dma_start3A_147 : memref<10000x128xf32, #tpu.memory_space<hbm>>) target(%arg25 : memref<64x128xf32, #tpu.memory_space<vmem>>) offsets(%arg11 : memref<64xi32, #tpu.memory_space<vmem>>) semaphore(%arg38 : memref<!tpu.dma_semaphore, #tpu.memory_space<semaphore_mem>>)
    %scan3A = arith.constant 0 : i32
    %scan3A_148 = arith.constant 0 : i32
    %scan3A_149 = arith.constant 20 : i32
    %scan3A_150 = arith.addi %scan3A_148, %scan3A_149 : i32
    %scan3A_151 = arith.constant 1 : i32
    scf.for %scan3A_157 = %scan3A_148 to %scan3A_150 step %scan3A_151  : i32 {
      %mul3A_158 = arith.constant 8 : i32
      %mul3A_159 = arith.muli %scan3A_157, %mul3A_158 : i32
      %add3A = arith.constant 0 : i32
      %add3A_160 = arith.addi %mul3A_159, %add3A : i32
      %dma_wait3A_161 = arith.constant 0 : i32
      %dma_wait3A_162 = arith.constant 0 : i32
      %dma_wait3A_163 = tpu.memref_slice %arg2[%dma_wait3A_161, %dma_wait3A_162] : memref<10000x128xf32, #tpu.memory_space<hbm>> -> memref<10000x128xf32, #tpu.memory_space<hbm>>
      tpu.wait_indirect_dma semaphore(%arg36 : memref<!tpu.dma_semaphore, #tpu.memory_space<semaphore_mem>>) src(%dma_wait3A_163 : memref<10000x128xf32, #tpu.memory_space<hbm>>) dst(%arg23 : memref<64x128xf32, #tpu.memory_space<vmem>>)
      %dma_start3A_164 = arith.constant 0 : i32
      %dma_start3A_165 = arith.constant 0 : i32
      %dma_start3A_166 = tpu.memref_slice %arg27[%dma_start3A_164, %dma_start3A_165] : memref<10112x128xf32, #tpu.memory_space<vmem_shared>> -> memref<10112x128xf32, #tpu.memory_space<vmem_shared>>
      tpu.enqueue_indirect_dma source(%arg23 : memref<64x128xf32, #tpu.memory_space<vmem>>) target(%dma_start3A_166 : memref<10112x128xf32, #tpu.memory_space<vmem_shared>>) offsets(%arg8 : memref<64xi32, #tpu.memory_space<vmem>>) semaphore(%arg40 : memref<!tpu.dma_semaphore, #tpu.memory_space<semaphore_mem>>) {add = true}
      %ge3A = arith.constant 1 : i32
      %ge3A_167 = arith.cmpi sge, %add3A_160, %ge3A : i32
      %convert_element_type3A = arith.extui %ge3A_167 : i1 to i32
      %cond3A = arith.constant 0 : i32
      %cond3A_168 = arith.cmpi ne, %convert_element_type3A, %cond3A : i32
      scf.if %cond3A_168 {
        %dma_wait3A_371 = arith.constant 0 : i32
        %dma_wait3A_372 = arith.constant 0 : i32
        %dma_wait3A_373 = tpu.memref_slice %arg27[%dma_wait3A_371, %dma_wait3A_372] : memref<10112x128xf32, #tpu.memory_space<vmem_shared>> -> memref<10112x128xf32, #tpu.memory_space<vmem_shared>>
        tpu.wait_indirect_dma semaphore(%arg43 : memref<!tpu.dma_semaphore, #tpu.memory_space<semaphore_mem>>) src(%arg26 : memref<64x128xf32, #tpu.memory_space<vmem>>) dst(%dma_wait3A_373 : memref<10112x128xf32, #tpu.memory_space<vmem_shared>>)
      } else {
      }
      %add3A_169 = arith.constant 7 : i32
      %add3A_170 = arith.addi %add3A_160, %add3A_169 : i32
      %lt3A = arith.constant 160 : i32
      %lt3A_171 = arith.cmpi slt, %add3A_170, %lt3A : i32
      %convert_element_type3A_172 = arith.extui %lt3A_171 : i1 to i32
      %cond3A_173 = arith.constant 0 : i32
      %cond3A_174 = arith.cmpi ne, %convert_element_type3A_172, %cond3A_173 : i32
      scf.if %cond3A_174 {
        %add3A_371 = arith.constant 7 : i32
        %add3A_372 = arith.addi %add3A_160, %add3A_371 : i32
        %dma_start3A_373 = arith.constant 0 : i32
        %dma_start3A_374 = tpu.memref_slice %arg3[%arg0, %arg1, %add3A_372, %dma_start3A_373] : memref<2x16x160x64xi32, #tpu.memory_space<hbm>> -> memref<1x1x1x64xi32, #tpu.memory_space<hbm>>
        %dma_start3A_375 = tpu.memref_squeeze %dma_start3A_374 : memref<1x1x1x64xi32, #tpu.memory_space<hbm>> -> memref<64xi32, #tpu.memory_space<hbm>>
        %dma_start3A_376 = arith.constant 0 : i32
        %dma_start3A_377 = tpu.memref_slice %arg3[%arg0, %arg1, %add3A_372, %dma_start3A_376] : memref<2x16x160x64xi32, #tpu.memory_space<hbm>> -> memref<1x1x1x64xi32, #tpu.memory_space<hbm>>
        %dma_start3A_378 = tpu.memref_squeeze %dma_start3A_377 : memref<1x1x1x64xi32, #tpu.memory_space<hbm>> -> memref<64xi32, #tpu.memory_space<hbm>>
        tpu.enqueue_dma source(%dma_start3A_378 : memref<64xi32, #tpu.memory_space<hbm>>) target(%arg21 : memref<64xi32, #tpu.memory_space<vmem>>) target_semaphore(%arg35 : memref<!tpu.dma_semaphore, #tpu.memory_space<semaphore_mem>>)
        %dma_start3A_379 = arith.constant 0 : i32
        %dma_start3A_380 = tpu.memref_slice %arg4[%arg0, %arg1, %add3A_372, %dma_start3A_379] : memref<2x16x160x64xi32, #tpu.memory_space<hbm>> -> memref<1x1x1x64xi32, #tpu.memory_space<hbm>>
        %dma_start3A_381 = tpu.memref_squeeze %dma_start3A_380 : memref<1x1x1x64xi32, #tpu.memory_space<hbm>> -> memref<64xi32, #tpu.memory_space<hbm>>
        %dma_start3A_382 = arith.constant 0 : i32
        %dma_start3A_383 = tpu.memref_slice %arg4[%arg0, %arg1, %add3A_372, %dma_start3A_382] : memref<2x16x160x64xi32, #tpu.memory_space<hbm>> -> memref<1x1x1x64xi32, #tpu.memory_space<hbm>>
        %dma_start3A_384 = tpu.memref_squeeze %dma_start3A_383 : memref<1x1x1x64xi32, #tpu.memory_space<hbm>> -> memref<64xi32, #tpu.memory_space<hbm>>
        tpu.enqueue_dma source(%dma_start3A_384 : memref<64xi32, #tpu.memory_space<hbm>>) target(%arg22 : memref<64xi32, #tpu.memory_space<vmem>>) target_semaphore(%arg35 : memref<!tpu.dma_semaphore, #tpu.memory_space<semaphore_mem>>)
      } else {
      }
      %add3A_175 = arith.constant 3 : i32
      %add3A_176 = arith.addi %add3A_160, %add3A_175 : i32
      %lt3A_177 = arith.constant 160 : i32
      %lt3A_178 = arith.cmpi slt, %add3A_176, %lt3A_177 : i32
      %convert_element_type3A_179 = arith.extui %lt3A_178 : i1 to i32
      %cond3A_180 = arith.constant 0 : i32
      %cond3A_181 = arith.cmpi ne, %convert_element_type3A_179, %cond3A_180 : i32
      scf.if %cond3A_181 {
        %add3A_371 = arith.constant 3 : i32
        %add3A_372 = arith.addi %add3A_160, %add3A_371 : i32
        %dma_wait3A_373 = arith.constant 0 : i32
        %dma_wait3A_374 = tpu.memref_slice %arg3[%arg0, %arg1, %add3A_372, %dma_wait3A_373] : memref<2x16x160x64xi32, #tpu.memory_space<hbm>> -> memref<1x1x1x64xi32, #tpu.memory_space<hbm>>
        %dma_wait3A_375 = tpu.memref_squeeze %dma_wait3A_374 : memref<1x1x1x64xi32, #tpu.memory_space<hbm>> -> memref<64xi32, #tpu.memory_space<hbm>>
        %dma_wait3A_376 = arith.constant 0 : i32
        %dma_wait3A_377 = tpu.memref_slice %arg3[%arg0, %arg1, %add3A_372, %dma_wait3A_376] : memref<2x16x160x64xi32, #tpu.memory_space<hbm>> -> memref<1x1x1x64xi32, #tpu.memory_space<hbm>>
        %dma_wait3A_378 = tpu.memref_squeeze %dma_wait3A_377 : memref<1x1x1x64xi32, #tpu.memory_space<hbm>> -> memref<64xi32, #tpu.memory_space<hbm>>
        tpu.wait_dma2 semaphore(%arg31 : memref<!tpu.dma_semaphore, #tpu.memory_space<semaphore_mem>>) src(%dma_wait3A_378 : memref<64xi32, #tpu.memory_space<hbm>>) dst(%arg13 : memref<64xi32, #tpu.memory_space<vmem>>)
        %dma_wait3A_379 = arith.constant 0 : i32
        %dma_wait3A_380 = tpu.memref_slice %arg4[%arg0, %arg1, %add3A_372, %dma_wait3A_379] : memref<2x16x160x64xi32, #tpu.memory_space<hbm>> -> memref<1x1x1x64xi32, #tpu.memory_space<hbm>>
        %dma_wait3A_381 = tpu.memref_squeeze %dma_wait3A_380 : memref<1x1x1x64xi32, #tpu.memory_space<hbm>> -> memref<64xi32, #tpu.memory_space<hbm>>
        %dma_wait3A_382 = arith.constant 0 : i32
        %dma_wait3A_383 = tpu.memref_slice %arg4[%arg0, %arg1, %add3A_372, %dma_wait3A_382] : memref<2x16x160x64xi32, #tpu.memory_space<hbm>> -> memref<1x1x1x64xi32, #tpu.memory_space<hbm>>
        %dma_wait3A_384 = tpu.memref_squeeze %dma_wait3A_383 : memref<1x1x1x64xi32, #tpu.memory_space<hbm>> -> memref<64xi32, #tpu.memory_space<hbm>>
        tpu.wait_dma2 semaphore(%arg31 : memref<!tpu.dma_semaphore, #tpu.memory_space<semaphore_mem>>) src(%dma_wait3A_384 : memref<64xi32, #tpu.memory_space<hbm>>) dst(%arg14 : memref<64xi32, #tpu.memory_space<vmem>>)
        %dma_start3A_385 = arith.constant 0 : i32
        %dma_start3A_386 = arith.constant 0 : i32
        %dma_start3A_387 = tpu.memref_slice %arg2[%dma_start3A_385, %dma_start3A_386] : memref<10000x128xf32, #tpu.memory_space<hbm>> -> memref<10000x128xf32, #tpu.memory_space<hbm>>
        tpu.enqueue_indirect_dma source(%dma_start3A_387 : memref<10000x128xf32, #tpu.memory_space<hbm>>) target(%arg26 : memref<64x128xf32, #tpu.memory_space<vmem>>) offsets(%arg13 : memref<64xi32, #tpu.memory_space<vmem>>) semaphore(%arg39 : memref<!tpu.dma_semaphore, #tpu.memory_space<semaphore_mem>>)
      } else {
      }
      %add3A_182 = arith.constant 1 : i32
      %add3A_183 = arith.addi %mul3A_159, %add3A_182 : i32
      %dma_wait3A_184 = arith.constant 0 : i32
      %dma_wait3A_185 = arith.constant 0 : i32
      %dma_wait3A_186 = tpu.memref_slice %arg2[%dma_wait3A_184, %dma_wait3A_185] : memref<10000x128xf32, #tpu.memory_space<hbm>> -> memref<10000x128xf32, #tpu.memory_space<hbm>>
      tpu.wait_indirect_dma semaphore(%arg37 : memref<!tpu.dma_semaphore, #tpu.memory_space<semaphore_mem>>) src(%dma_wait3A_186 : memref<10000x128xf32, #tpu.memory_space<hbm>>) dst(%arg24 : memref<64x128xf32, #tpu.memory_space<vmem>>)
      %dma_start3A_187 = arith.constant 0 : i32
      %dma_start3A_188 = arith.constant 0 : i32
      %dma_start3A_189 = tpu.memref_slice %arg27[%dma_start3A_187, %dma_start3A_188] : memref<10112x128xf32, #tpu.memory_space<vmem_shared>> -> memref<10112x128xf32, #tpu.memory_space<vmem_shared>>
      tpu.enqueue_indirect_dma source(%arg24 : memref<64x128xf32, #tpu.memory_space<vmem>>) target(%dma_start3A_189 : memref<10112x128xf32, #tpu.memory_space<vmem_shared>>) offsets(%arg10 : memref<64xi32, #tpu.memory_space<vmem>>) semaphore(%arg41 : memref<!tpu.dma_semaphore, #tpu.memory_space<semaphore_mem>>) {add = true}
      %ge3A_190 = arith.constant 1 : i32
      %ge3A_191 = arith.cmpi sge, %add3A_183, %ge3A_190 : i32
      %convert_element_type3A_192 = arith.extui %ge3A_191 : i1 to i32
      %cond3A_193 = arith.constant 0 : i32
      %cond3A_194 = arith.cmpi ne, %convert_element_type3A_192, %cond3A_193 : i32
      scf.if %cond3A_194 {
        %dma_wait3A_371 = arith.constant 0 : i32
        %dma_wait3A_372 = arith.constant 0 : i32
        %dma_wait3A_373 = tpu.memref_slice %arg27[%dma_wait3A_371, %dma_wait3A_372] : memref<10112x128xf32, #tpu.memory_space<vmem_shared>> -> memref<10112x128xf32, #tpu.memory_space<vmem_shared>>
        tpu.wait_indirect_dma semaphore(%arg40 : memref<!tpu.dma_semaphore, #tpu.memory_space<semaphore_mem>>) src(%arg23 : memref<64x128xf32, #tpu.memory_space<vmem>>) dst(%dma_wait3A_373 : memref<10112x128xf32, #tpu.memory_space<vmem_shared>>)
      } else {
      }
      %add3A_195 = arith.constant 7 : i32
      %add3A_196 = arith.addi %add3A_183, %add3A_195 : i32
      %lt3A_197 = arith.constant 160 : i32
      %lt3A_198 = arith.cmpi slt, %add3A_196, %lt3A_197 : i32
      %convert_element_type3A_199 = arith.extui %lt3A_198 : i1 to i32
      %cond3A_200 = arith.constant 0 : i32
      %cond3A_201 = arith.cmpi ne, %convert_element_type3A_199, %cond3A_200 : i32
      scf.if %cond3A_201 {
        %add3A_371 = arith.constant 7 : i32
        %add3A_372 = arith.addi %add3A_183, %add3A_371 : i32
        %dma_start3A_373 = arith.constant 0 : i32
        %dma_start3A_374 = tpu.memref_slice %arg3[%arg0, %arg1, %add3A_372, %dma_start3A_373] : memref<2x16x160x64xi32, #tpu.memory_space<hbm>> -> memref<1x1x1x64xi32, #tpu.memory_space<hbm>>
        %dma_start3A_375 = tpu.memref_squeeze %dma_start3A_374 : memref<1x1x1x64xi32, #tpu.memory_space<hbm>> -> memref<64xi32, #tpu.memory_space<hbm>>
        %dma_start3A_376 = arith.constant 0 : i32
        %dma_start3A_377 = tpu.memref_slice %arg3[%arg0, %arg1, %add3A_372, %dma_start3A_376] : memref<2x16x160x64xi32, #tpu.memory_space<hbm>> -> memref<1x1x1x64xi32, #tpu.memory_space<hbm>>
        %dma_start3A_378 = tpu.memref_squeeze %dma_start3A_377 : memref<1x1x1x64xi32, #tpu.memory_space<hbm>> -> memref<64xi32, #tpu.memory_space<hbm>>
        tpu.enqueue_dma source(%dma_start3A_378 : memref<64xi32, #tpu.memory_space<hbm>>) target(%arg7 : memref<64xi32, #tpu.memory_space<vmem>>) target_semaphore(%arg28 : memref<!tpu.dma_semaphore, #tpu.memory_space<semaphore_mem>>)
        %dma_start3A_379 = arith.constant 0 : i32
        %dma_start3A_380 = tpu.memref_slice %arg4[%arg0, %arg1, %add3A_372, %dma_start3A_379] : memref<2x16x160x64xi32, #tpu.memory_space<hbm>> -> memref<1x1x1x64xi32, #tpu.memory_space<hbm>>
        %dma_start3A_381 = tpu.memref_squeeze %dma_start3A_380 : memref<1x1x1x64xi32, #tpu.memory_space<hbm>> -> memref<64xi32, #tpu.memory_space<hbm>>
        %dma_start3A_382 = arith.constant 0 : i32
        %dma_start3A_383 = tpu.memref_slice %arg4[%arg0, %arg1, %add3A_372, %dma_start3A_382] : memref<2x16x160x64xi32, #tpu.memory_space<hbm>> -> memref<1x1x1x64xi32, #tpu.memory_space<hbm>>
        %dma_start3A_384 = tpu.memref_squeeze %dma_start3A_383 : memref<1x1x1x64xi32, #tpu.memory_space<hbm>> -> memref<64xi32, #tpu.memory_space<hbm>>
        tpu.enqueue_dma source(%dma_start3A_384 : memref<64xi32, #tpu.memory_space<hbm>>) target(%arg8 : memref<64xi32, #tpu.memory_space<vmem>>) target_semaphore(%arg28 : memref<!tpu.dma_semaphore, #tpu.memory_space<semaphore_mem>>)
      } else {
      }
      %add3A_202 = arith.constant 3 : i32
      %add3A_203 = arith.addi %add3A_183, %add3A_202 : i32
      %lt3A_204 = arith.constant 160 : i32
      %lt3A_205 = arith.cmpi slt, %add3A_203, %lt3A_204 : i32
      %convert_element_type3A_206 = arith.extui %lt3A_205 : i1 to i32
      %cond3A_207 = arith.constant 0 : i32
      %cond3A_208 = arith.cmpi ne, %convert_element_type3A_206, %cond3A_207 : i32
      scf.if %cond3A_208 {
        %add3A_371 = arith.constant 3 : i32
        %add3A_372 = arith.addi %add3A_183, %add3A_371 : i32
        %dma_wait3A_373 = arith.constant 0 : i32
        %dma_wait3A_374 = tpu.memref_slice %arg3[%arg0, %arg1, %add3A_372, %dma_wait3A_373] : memref<2x16x160x64xi32, #tpu.memory_space<hbm>> -> memref<1x1x1x64xi32, #tpu.memory_space<hbm>>
        %dma_wait3A_375 = tpu.memref_squeeze %dma_wait3A_374 : memref<1x1x1x64xi32, #tpu.memory_space<hbm>> -> memref<64xi32, #tpu.memory_space<hbm>>
        %dma_wait3A_376 = arith.constant 0 : i32
        %dma_wait3A_377 = tpu.memref_slice %arg3[%arg0, %arg1, %add3A_372, %dma_wait3A_376] : memref<2x16x160x64xi32, #tpu.memory_space<hbm>> -> memref<1x1x1x64xi32, #tpu.memory_space<hbm>>
        %dma_wait3A_378 = tpu.memref_squeeze %dma_wait3A_377 : memref<1x1x1x64xi32, #tpu.memory_space<hbm>> -> memref<64xi32, #tpu.memory_space<hbm>>
        tpu.wait_dma2 semaphore(%arg32 : memref<!tpu.dma_semaphore, #tpu.memory_space<semaphore_mem>>) src(%dma_wait3A_378 : memref<64xi32, #tpu.memory_space<hbm>>) dst(%arg15 : memref<64xi32, #tpu.memory_space<vmem>>)
        %dma_wait3A_379 = arith.constant 0 : i32
        %dma_wait3A_380 = tpu.memref_slice %arg4[%arg0, %arg1, %add3A_372, %dma_wait3A_379] : memref<2x16x160x64xi32, #tpu.memory_space<hbm>> -> memref<1x1x1x64xi32, #tpu.memory_space<hbm>>
        %dma_wait3A_381 = tpu.memref_squeeze %dma_wait3A_380 : memref<1x1x1x64xi32, #tpu.memory_space<hbm>> -> memref<64xi32, #tpu.memory_space<hbm>>
        %dma_wait3A_382 = arith.constant 0 : i32
        %dma_wait3A_383 = tpu.memref_slice %arg4[%arg0, %arg1, %add3A_372, %dma_wait3A_382] : memref<2x16x160x64xi32, #tpu.memory_space<hbm>> -> memref<1x1x1x64xi32, #tpu.memory_space<hbm>>
        %dma_wait3A_384 = tpu.memref_squeeze %dma_wait3A_383 : memref<1x1x1x64xi32, #tpu.memory_space<hbm>> -> memref<64xi32, #tpu.memory_space<hbm>>
        tpu.wait_dma2 semaphore(%arg32 : memref<!tpu.dma_semaphore, #tpu.memory_space<semaphore_mem>>) src(%dma_wait3A_384 : memref<64xi32, #tpu.memory_space<hbm>>) dst(%arg16 : memref<64xi32, #tpu.memory_space<vmem>>)
        %dma_start3A_385 = arith.constant 0 : i32
        %dma_start3A_386 = arith.constant 0 : i32
        %dma_start3A_387 = tpu.memref_slice %arg2[%dma_start3A_385, %dma_start3A_386] : memref<10000x128xf32, #tpu.memory_space<hbm>> -> memref<10000x128xf32, #tpu.memory_space<hbm>>
        tpu.enqueue_indirect_dma source(%dma_start3A_387 : memref<10000x128xf32, #tpu.memory_space<hbm>>) target(%arg23 : memref<64x128xf32, #tpu.memory_space<vmem>>) offsets(%arg15 : memref<64xi32, #tpu.memory_space<vmem>>) semaphore(%arg36 : memref<!tpu.dma_semaphore, #tpu.memory_space<semaphore_mem>>)
      } else {
      }
      %add3A_209 = arith.constant 2 : i32
      %add3A_210 = arith.addi %mul3A_159, %add3A_209 : i32
      %dma_wait3A_211 = arith.constant 0 : i32
      %dma_wait3A_212 = arith.constant 0 : i32
      %dma_wait3A_213 = tpu.memref_slice %arg2[%dma_wait3A_211, %dma_wait3A_212] : memref<10000x128xf32, #tpu.memory_space<hbm>> -> memref<10000x128xf32, #tpu.memory_space<hbm>>
      tpu.wait_indirect_dma semaphore(%arg38 : memref<!tpu.dma_semaphore, #tpu.memory_space<semaphore_mem>>) src(%dma_wait3A_213 : memref<10000x128xf32, #tpu.memory_space<hbm>>) dst(%arg25 : memref<64x128xf32, #tpu.memory_space<vmem>>)
      %dma_start3A_214 = arith.constant 0 : i32
      %dma_start3A_215 = arith.constant 0 : i32
      %dma_start3A_216 = tpu.memref_slice %arg27[%dma_start3A_214, %dma_start3A_215] : memref<10112x128xf32, #tpu.memory_space<vmem_shared>> -> memref<10112x128xf32, #tpu.memory_space<vmem_shared>>
      tpu.enqueue_indirect_dma source(%arg25 : memref<64x128xf32, #tpu.memory_space<vmem>>) target(%dma_start3A_216 : memref<10112x128xf32, #tpu.memory_space<vmem_shared>>) offsets(%arg12 : memref<64xi32, #tpu.memory_space<vmem>>) semaphore(%arg42 : memref<!tpu.dma_semaphore, #tpu.memory_space<semaphore_mem>>) {add = true}
      %ge3A_217 = arith.constant 1 : i32
      %ge3A_218 = arith.cmpi sge, %add3A_210, %ge3A_217 : i32
      %convert_element_type3A_219 = arith.extui %ge3A_218 : i1 to i32
      %cond3A_220 = arith.constant 0 : i32
      %cond3A_221 = arith.cmpi ne, %convert_element_type3A_219, %cond3A_220 : i32
      scf.if %cond3A_221 {
        %dma_wait3A_371 = arith.constant 0 : i32
        %dma_wait3A_372 = arith.constant 0 : i32
        %dma_wait3A_373 = tpu.memref_slice %arg27[%dma_wait3A_371, %dma_wait3A_372] : memref<10112x128xf32, #tpu.memory_space<vmem_shared>> -> memref<10112x128xf32, #tpu.memory_space<vmem_shared>>
        tpu.wait_indirect_dma semaphore(%arg41 : memref<!tpu.dma_semaphore, #tpu.memory_space<semaphore_mem>>) src(%arg24 : memref<64x128xf32, #tpu.memory_space<vmem>>) dst(%dma_wait3A_373 : memref<10112x128xf32, #tpu.memory_space<vmem_shared>>)
      } else {
      }
      %add3A_222 = arith.constant 7 : i32
      %add3A_223 = arith.addi %add3A_210, %add3A_222 : i32
      %lt3A_224 = arith.constant 160 : i32
      %lt3A_225 = arith.cmpi slt, %add3A_223, %lt3A_224 : i32
      %convert_element_type3A_226 = arith.extui %lt3A_225 : i1 to i32
      %cond3A_227 = arith.constant 0 : i32
      %cond3A_228 = arith.cmpi ne, %convert_element_type3A_226, %cond3A_227 : i32
      scf.if %cond3A_228 {
        %add3A_371 = arith.constant 7 : i32
        %add3A_372 = arith.addi %add3A_210, %add3A_371 : i32
        %dma_start3A_373 = arith.constant 0 : i32
        %dma_start3A_374 = tpu.memref_slice %arg3[%arg0, %arg1, %add3A_372, %dma_start3A_373] : memref<2x16x160x64xi32, #tpu.memory_space<hbm>> -> memref<1x1x1x64xi32, #tpu.memory_space<hbm>>
        %dma_start3A_375 = tpu.memref_squeeze %dma_start3A_374 : memref<1x1x1x64xi32, #tpu.memory_space<hbm>> -> memref<64xi32, #tpu.memory_space<hbm>>
        %dma_start3A_376 = arith.constant 0 : i32
        %dma_start3A_377 = tpu.memref_slice %arg3[%arg0, %arg1, %add3A_372, %dma_start3A_376] : memref<2x16x160x64xi32, #tpu.memory_space<hbm>> -> memref<1x1x1x64xi32, #tpu.memory_space<hbm>>
        %dma_start3A_378 = tpu.memref_squeeze %dma_start3A_377 : memref<1x1x1x64xi32, #tpu.memory_space<hbm>> -> memref<64xi32, #tpu.memory_space<hbm>>
        tpu.enqueue_dma source(%dma_start3A_378 : memref<64xi32, #tpu.memory_space<hbm>>) target(%arg9 : memref<64xi32, #tpu.memory_space<vmem>>) target_semaphore(%arg29 : memref<!tpu.dma_semaphore, #tpu.memory_space<semaphore_mem>>)
        %dma_start3A_379 = arith.constant 0 : i32
        %dma_start3A_380 = tpu.memref_slice %arg4[%arg0, %arg1, %add3A_372, %dma_start3A_379] : memref<2x16x160x64xi32, #tpu.memory_space<hbm>> -> memref<1x1x1x64xi32, #tpu.memory_space<hbm>>
        %dma_start3A_381 = tpu.memref_squeeze %dma_start3A_380 : memref<1x1x1x64xi32, #tpu.memory_space<hbm>> -> memref<64xi32, #tpu.memory_space<hbm>>
        %dma_start3A_382 = arith.constant 0 : i32
        %dma_start3A_383 = tpu.memref_slice %arg4[%arg0, %arg1, %add3A_372, %dma_start3A_382] : memref<2x16x160x64xi32, #tpu.memory_space<hbm>> -> memref<1x1x1x64xi32, #tpu.memory_space<hbm>>
        %dma_start3A_384 = tpu.memref_squeeze %dma_start3A_383 : memref<1x1x1x64xi32, #tpu.memory_space<hbm>> -> memref<64xi32, #tpu.memory_space<hbm>>
        tpu.enqueue_dma source(%dma_start3A_384 : memref<64xi32, #tpu.memory_space<hbm>>) target(%arg10 : memref<64xi32, #tpu.memory_space<vmem>>) target_semaphore(%arg29 : memref<!tpu.dma_semaphore, #tpu.memory_space<semaphore_mem>>)
      } else {
      }
      %add3A_229 = arith.constant 3 : i32
      %add3A_230 = arith.addi %add3A_210, %add3A_229 : i32
      %lt3A_231 = arith.constant 160 : i32
      %lt3A_232 = arith.cmpi slt, %add3A_230, %lt3A_231 : i32
      %convert_element_type3A_233 = arith.extui %lt3A_232 : i1 to i32
      %cond3A_234 = arith.constant 0 : i32
      %cond3A_235 = arith.cmpi ne, %convert_element_type3A_233, %cond3A_234 : i32
      scf.if %cond3A_235 {
        %add3A_371 = arith.constant 3 : i32
        %add3A_372 = arith.addi %add3A_210, %add3A_371 : i32
        %dma_wait3A_373 = arith.constant 0 : i32
        %dma_wait3A_374 = tpu.memref_slice %arg3[%arg0, %arg1, %add3A_372, %dma_wait3A_373] : memref<2x16x160x64xi32, #tpu.memory_space<hbm>> -> memref<1x1x1x64xi32, #tpu.memory_space<hbm>>
        %dma_wait3A_375 = tpu.memref_squeeze %dma_wait3A_374 : memref<1x1x1x64xi32, #tpu.memory_space<hbm>> -> memref<64xi32, #tpu.memory_space<hbm>>
        %dma_wait3A_376 = arith.constant 0 : i32
        %dma_wait3A_377 = tpu.memref_slice %arg3[%arg0, %arg1, %add3A_372, %dma_wait3A_376] : memref<2x16x160x64xi32, #tpu.memory_space<hbm>> -> memref<1x1x1x64xi32, #tpu.memory_space<hbm>>
        %dma_wait3A_378 = tpu.memref_squeeze %dma_wait3A_377 : memref<1x1x1x64xi32, #tpu.memory_space<hbm>> -> memref<64xi32, #tpu.memory_space<hbm>>
        tpu.wait_dma2 semaphore(%arg33 : memref<!tpu.dma_semaphore, #tpu.memory_space<semaphore_mem>>) src(%dma_wait3A_378 : memref<64xi32, #tpu.memory_space<hbm>>) dst(%arg17 : memref<64xi32, #tpu.memory_space<vmem>>)
        %dma_wait3A_379 = arith.constant 0 : i32
        %dma_wait3A_380 = tpu.memref_slice %arg4[%arg0, %arg1, %add3A_372, %dma_wait3A_379] : memref<2x16x160x64xi32, #tpu.memory_space<hbm>> -> memref<1x1x1x64xi32, #tpu.memory_space<hbm>>
        %dma_wait3A_381 = tpu.memref_squeeze %dma_wait3A_380 : memref<1x1x1x64xi32, #tpu.memory_space<hbm>> -> memref<64xi32, #tpu.memory_space<hbm>>
        %dma_wait3A_382 = arith.constant 0 : i32
        %dma_wait3A_383 = tpu.memref_slice %arg4[%arg0, %arg1, %add3A_372, %dma_wait3A_382] : memref<2x16x160x64xi32, #tpu.memory_space<hbm>> -> memref<1x1x1x64xi32, #tpu.memory_space<hbm>>
        %dma_wait3A_384 = tpu.memref_squeeze %dma_wait3A_383 : memref<1x1x1x64xi32, #tpu.memory_space<hbm>> -> memref<64xi32, #tpu.memory_space<hbm>>
        tpu.wait_dma2 semaphore(%arg33 : memref<!tpu.dma_semaphore, #tpu.memory_space<semaphore_mem>>) src(%dma_wait3A_384 : memref<64xi32, #tpu.memory_space<hbm>>) dst(%arg18 : memref<64xi32, #tpu.memory_space<vmem>>)
        %dma_start3A_385 = arith.constant 0 : i32
        %dma_start3A_386 = arith.constant 0 : i32
        %dma_start3A_387 = tpu.memref_slice %arg2[%dma_start3A_385, %dma_start3A_386] : memref<10000x128xf32, #tpu.memory_space<hbm>> -> memref<10000x128xf32, #tpu.memory_space<hbm>>
        tpu.enqueue_indirect_dma source(%dma_start3A_387 : memref<10000x128xf32, #tpu.memory_space<hbm>>) target(%arg24 : memref<64x128xf32, #tpu.memory_space<vmem>>) offsets(%arg17 : memref<64xi32, #tpu.memory_space<vmem>>) semaphore(%arg37 : memref<!tpu.dma_semaphore, #tpu.memory_space<semaphore_mem>>)
      } else {
      }
      %add3A_236 = arith.constant 3 : i32
      %add3A_237 = arith.addi %mul3A_159, %add3A_236 : i32
      %dma_wait3A_238 = arith.constant 0 : i32
      %dma_wait3A_239 = arith.constant 0 : i32
      %dma_wait3A_240 = tpu.memref_slice %arg2[%dma_wait3A_238, %dma_wait3A_239] : memref<10000x128xf32, #tpu.memory_space<hbm>> -> memref<10000x128xf32, #tpu.memory_space<hbm>>
      tpu.wait_indirect_dma semaphore(%arg39 : memref<!tpu.dma_semaphore, #tpu.memory_space<semaphore_mem>>) src(%dma_wait3A_240 : memref<10000x128xf32, #tpu.memory_space<hbm>>) dst(%arg26 : memref<64x128xf32, #tpu.memory_space<vmem>>)
      %dma_start3A_241 = arith.constant 0 : i32
      %dma_start3A_242 = arith.constant 0 : i32
      %dma_start3A_243 = tpu.memref_slice %arg27[%dma_start3A_241, %dma_start3A_242] : memref<10112x128xf32, #tpu.memory_space<vmem_shared>> -> memref<10112x128xf32, #tpu.memory_space<vmem_shared>>
      tpu.enqueue_indirect_dma source(%arg26 : memref<64x128xf32, #tpu.memory_space<vmem>>) target(%dma_start3A_243 : memref<10112x128xf32, #tpu.memory_space<vmem_shared>>) offsets(%arg14 : memref<64xi32, #tpu.memory_space<vmem>>) semaphore(%arg43 : memref<!tpu.dma_semaphore, #tpu.memory_space<semaphore_mem>>) {add = true}
      %ge3A_244 = arith.constant 1 : i32
      %ge3A_245 = arith.cmpi sge, %add3A_237, %ge3A_244 : i32
      %convert_element_type3A_246 = arith.extui %ge3A_245 : i1 to i32
      %cond3A_247 = arith.constant 0 : i32
      %cond3A_248 = arith.cmpi ne, %convert_element_type3A_246, %cond3A_247 : i32
      scf.if %cond3A_248 {
        %dma_wait3A_371 = arith.constant 0 : i32
        %dma_wait3A_372 = arith.constant 0 : i32
        %dma_wait3A_373 = tpu.memref_slice %arg27[%dma_wait3A_371, %dma_wait3A_372] : memref<10112x128xf32, #tpu.memory_space<vmem_shared>> -> memref<10112x128xf32, #tpu.memory_space<vmem_shared>>
        tpu.wait_indirect_dma semaphore(%arg42 : memref<!tpu.dma_semaphore, #tpu.memory_space<semaphore_mem>>) src(%arg25 : memref<64x128xf32, #tpu.memory_space<vmem>>) dst(%dma_wait3A_373 : memref<10112x128xf32, #tpu.memory_space<vmem_shared>>)
      } else {
      }
      %add3A_249 = arith.constant 7 : i32
      %add3A_250 = arith.addi %add3A_237, %add3A_249 : i32
      %lt3A_251 = arith.constant 160 : i32
      %lt3A_252 = arith.cmpi slt, %add3A_250, %lt3A_251 : i32
      %convert_element_type3A_253 = arith.extui %lt3A_252 : i1 to i32
      %cond3A_254 = arith.constant 0 : i32
      %cond3A_255 = arith.cmpi ne, %convert_element_type3A_253, %cond3A_254 : i32
      scf.if %cond3A_255 {
        %add3A_371 = arith.constant 7 : i32
        %add3A_372 = arith.addi %add3A_237, %add3A_371 : i32
        %dma_start3A_373 = arith.constant 0 : i32
        %dma_start3A_374 = tpu.memref_slice %arg3[%arg0, %arg1, %add3A_372, %dma_start3A_373] : memref<2x16x160x64xi32, #tpu.memory_space<hbm>> -> memref<1x1x1x64xi32, #tpu.memory_space<hbm>>
        %dma_start3A_375 = tpu.memref_squeeze %dma_start3A_374 : memref<1x1x1x64xi32, #tpu.memory_space<hbm>> -> memref<64xi32, #tpu.memory_space<hbm>>
        %dma_start3A_376 = arith.constant 0 : i32
        %dma_start3A_377 = tpu.memref_slice %arg3[%arg0, %arg1, %add3A_372, %dma_start3A_376] : memref<2x16x160x64xi32, #tpu.memory_space<hbm>> -> memref<1x1x1x64xi32, #tpu.memory_space<hbm>>
        %dma_start3A_378 = tpu.memref_squeeze %dma_start3A_377 : memref<1x1x1x64xi32, #tpu.memory_space<hbm>> -> memref<64xi32, #tpu.memory_space<hbm>>
        tpu.enqueue_dma source(%dma_start3A_378 : memref<64xi32, #tpu.memory_space<hbm>>) target(%arg11 : memref<64xi32, #tpu.memory_space<vmem>>) target_semaphore(%arg30 : memref<!tpu.dma_semaphore, #tpu.memory_space<semaphore_mem>>)
        %dma_start3A_379 = arith.constant 0 : i32
        %dma_start3A_380 = tpu.memref_slice %arg4[%arg0, %arg1, %add3A_372, %dma_start3A_379] : memref<2x16x160x64xi32, #tpu.memory_space<hbm>> -> memref<1x1x1x64xi32, #tpu.memory_space<hbm>>
        %dma_start3A_381 = tpu.memref_squeeze %dma_start3A_380 : memref<1x1x1x64xi32, #tpu.memory_space<hbm>> -> memref<64xi32, #tpu.memory_space<hbm>>
        %dma_start3A_382 = arith.constant 0 : i32
        %dma_start3A_383 = tpu.memref_slice %arg4[%arg0, %arg1, %add3A_372, %dma_start3A_382] : memref<2x16x160x64xi32, #tpu.memory_space<hbm>> -> memref<1x1x1x64xi32, #tpu.memory_space<hbm>>
        %dma_start3A_384 = tpu.memref_squeeze %dma_start3A_383 : memref<1x1x1x64xi32, #tpu.memory_space<hbm>> -> memref<64xi32, #tpu.memory_space<hbm>>
        tpu.enqueue_dma source(%dma_start3A_384 : memref<64xi32, #tpu.memory_space<hbm>>) target(%arg12 : memref<64xi32, #tpu.memory_space<vmem>>) target_semaphore(%arg30 : memref<!tpu.dma_semaphore, #tpu.memory_space<semaphore_mem>>)
      } else {
      }
      %add3A_256 = arith.constant 3 : i32
      %add3A_257 = arith.addi %add3A_237, %add3A_256 : i32
      %lt3A_258 = arith.constant 160 : i32
      %lt3A_259 = arith.cmpi slt, %add3A_257, %lt3A_258 : i32
      %convert_element_type3A_260 = arith.extui %lt3A_259 : i1 to i32
      %cond3A_261 = arith.constant 0 : i32
      %cond3A_262 = arith.cmpi ne, %convert_element_type3A_260, %cond3A_261 : i32
      scf.if %cond3A_262 {
        %add3A_371 = arith.constant 3 : i32
        %add3A_372 = arith.addi %add3A_237, %add3A_371 : i32
        %dma_wait3A_373 = arith.constant 0 : i32
        %dma_wait3A_374 = tpu.memref_slice %arg3[%arg0, %arg1, %add3A_372, %dma_wait3A_373] : memref<2x16x160x64xi32, #tpu.memory_space<hbm>> -> memref<1x1x1x64xi32, #tpu.memory_space<hbm>>
        %dma_wait3A_375 = tpu.memref_squeeze %dma_wait3A_374 : memref<1x1x1x64xi32, #tpu.memory_space<hbm>> -> memref<64xi32, #tpu.memory_space<hbm>>
        %dma_wait3A_376 = arith.constant 0 : i32
        %dma_wait3A_377 = tpu.memref_slice %arg3[%arg0, %arg1, %add3A_372, %dma_wait3A_376] : memref<2x16x160x64xi32, #tpu.memory_space<hbm>> -> memref<1x1x1x64xi32, #tpu.memory_space<hbm>>
        %dma_wait3A_378 = tpu.memref_squeeze %dma_wait3A_377 : memref<1x1x1x64xi32, #tpu.memory_space<hbm>> -> memref<64xi32, #tpu.memory_space<hbm>>
        tpu.wait_dma2 semaphore(%arg34 : memref<!tpu.dma_semaphore, #tpu.memory_space<semaphore_mem>>) src(%dma_wait3A_378 : memref<64xi32, #tpu.memory_space<hbm>>) dst(%arg19 : memref<64xi32, #tpu.memory_space<vmem>>)
        %dma_wait3A_379 = arith.constant 0 : i32
        %dma_wait3A_380 = tpu.memref_slice %arg4[%arg0, %arg1, %add3A_372, %dma_wait3A_379] : memref<2x16x160x64xi32, #tpu.memory_space<hbm>> -> memref<1x1x1x64xi32, #tpu.memory_space<hbm>>
        %dma_wait3A_381 = tpu.memref_squeeze %dma_wait3A_380 : memref<1x1x1x64xi32, #tpu.memory_space<hbm>> -> memref<64xi32, #tpu.memory_space<hbm>>
        %dma_wait3A_382 = arith.constant 0 : i32
        %dma_wait3A_383 = tpu.memref_slice %arg4[%arg0, %arg1, %add3A_372, %dma_wait3A_382] : memref<2x16x160x64xi32, #tpu.memory_space<hbm>> -> memref<1x1x1x64xi32, #tpu.memory_space<hbm>>
        %dma_wait3A_384 = tpu.memref_squeeze %dma_wait3A_383 : memref<1x1x1x64xi32, #tpu.memory_space<hbm>> -> memref<64xi32, #tpu.memory_space<hbm>>
        tpu.wait_dma2 semaphore(%arg34 : memref<!tpu.dma_semaphore, #tpu.memory_space<semaphore_mem>>) src(%dma_wait3A_384 : memref<64xi32, #tpu.memory_space<hbm>>) dst(%arg20 : memref<64xi32, #tpu.memory_space<vmem>>)
        %dma_start3A_385 = arith.constant 0 : i32
        %dma_start3A_386 = arith.constant 0 : i32
        %dma_start3A_387 = tpu.memref_slice %arg2[%dma_start3A_385, %dma_start3A_386] : memref<10000x128xf32, #tpu.memory_space<hbm>> -> memref<10000x128xf32, #tpu.memory_space<hbm>>
        tpu.enqueue_indirect_dma source(%dma_start3A_387 : memref<10000x128xf32, #tpu.memory_space<hbm>>) target(%arg25 : memref<64x128xf32, #tpu.memory_space<vmem>>) offsets(%arg19 : memref<64xi32, #tpu.memory_space<vmem>>) semaphore(%arg38 : memref<!tpu.dma_semaphore, #tpu.memory_space<semaphore_mem>>)
      } else {
      }
      %add3A_263 = arith.constant 4 : i32
      %add3A_264 = arith.addi %mul3A_159, %add3A_263 : i32
      %dma_wait3A_265 = arith.constant 0 : i32
      %dma_wait3A_266 = arith.constant 0 : i32
      %dma_wait3A_267 = tpu.memref_slice %arg2[%dma_wait3A_265, %dma_wait3A_266] : memref<10000x128xf32, #tpu.memory_space<hbm>> -> memref<10000x128xf32, #tpu.memory_space<hbm>>
      tpu.wait_indirect_dma semaphore(%arg36 : memref<!tpu.dma_semaphore, #tpu.memory_space<semaphore_mem>>) src(%dma_wait3A_267 : memref<10000x128xf32, #tpu.memory_space<hbm>>) dst(%arg23 : memref<64x128xf32, #tpu.memory_space<vmem>>)
      %dma_start3A_268 = arith.constant 0 : i32
      %dma_start3A_269 = arith.constant 0 : i32
      %dma_start3A_270 = tpu.memref_slice %arg27[%dma_start3A_268, %dma_start3A_269] : memref<10112x128xf32, #tpu.memory_space<vmem_shared>> -> memref<10112x128xf32, #tpu.memory_space<vmem_shared>>
      tpu.enqueue_indirect_dma source(%arg23 : memref<64x128xf32, #tpu.memory_space<vmem>>) target(%dma_start3A_270 : memref<10112x128xf32, #tpu.memory_space<vmem_shared>>) offsets(%arg16 : memref<64xi32, #tpu.memory_space<vmem>>) semaphore(%arg40 : memref<!tpu.dma_semaphore, #tpu.memory_space<semaphore_mem>>) {add = true}
      %ge3A_271 = arith.constant 1 : i32
      %ge3A_272 = arith.cmpi sge, %add3A_264, %ge3A_271 : i32
      %convert_element_type3A_273 = arith.extui %ge3A_272 : i1 to i32
      %cond3A_274 = arith.constant 0 : i32
      %cond3A_275 = arith.cmpi ne, %convert_element_type3A_273, %cond3A_274 : i32
      scf.if %cond3A_275 {
        %dma_wait3A_371 = arith.constant 0 : i32
        %dma_wait3A_372 = arith.constant 0 : i32
        %dma_wait3A_373 = tpu.memref_slice %arg27[%dma_wait3A_371, %dma_wait3A_372] : memref<10112x128xf32, #tpu.memory_space<vmem_shared>> -> memref<10112x128xf32, #tpu.memory_space<vmem_shared>>
        tpu.wait_indirect_dma semaphore(%arg43 : memref<!tpu.dma_semaphore, #tpu.memory_space<semaphore_mem>>) src(%arg26 : memref<64x128xf32, #tpu.memory_space<vmem>>) dst(%dma_wait3A_373 : memref<10112x128xf32, #tpu.memory_space<vmem_shared>>)
      } else {
      }
      %add3A_276 = arith.constant 7 : i32
      %add3A_277 = arith.addi %add3A_264, %add3A_276 : i32
      %lt3A_278 = arith.constant 160 : i32
      %lt3A_279 = arith.cmpi slt, %add3A_277, %lt3A_278 : i32
      %convert_element_type3A_280 = arith.extui %lt3A_279 : i1 to i32
      %cond3A_281 = arith.constant 0 : i32
      %cond3A_282 = arith.cmpi ne, %convert_element_type3A_280, %cond3A_281 : i32
      scf.if %cond3A_282 {
        %add3A_371 = arith.constant 7 : i32
        %add3A_372 = arith.addi %add3A_264, %add3A_371 : i32
        %dma_start3A_373 = arith.constant 0 : i32
        %dma_start3A_374 = tpu.memref_slice %arg3[%arg0, %arg1, %add3A_372, %dma_start3A_373] : memref<2x16x160x64xi32, #tpu.memory_space<hbm>> -> memref<1x1x1x64xi32, #tpu.memory_space<hbm>>
        %dma_start3A_375 = tpu.memref_squeeze %dma_start3A_374 : memref<1x1x1x64xi32, #tpu.memory_space<hbm>> -> memref<64xi32, #tpu.memory_space<hbm>>
        %dma_start3A_376 = arith.constant 0 : i32
        %dma_start3A_377 = tpu.memref_slice %arg3[%arg0, %arg1, %add3A_372, %dma_start3A_376] : memref<2x16x160x64xi32, #tpu.memory_space<hbm>> -> memref<1x1x1x64xi32, #tpu.memory_space<hbm>>
        %dma_start3A_378 = tpu.memref_squeeze %dma_start3A_377 : memref<1x1x1x64xi32, #tpu.memory_space<hbm>> -> memref<64xi32, #tpu.memory_space<hbm>>
        tpu.enqueue_dma source(%dma_start3A_378 : memref<64xi32, #tpu.memory_space<hbm>>) target(%arg13 : memref<64xi32, #tpu.memory_space<vmem>>) target_semaphore(%arg31 : memref<!tpu.dma_semaphore, #tpu.memory_space<semaphore_mem>>)
        %dma_start3A_379 = arith.constant 0 : i32
        %dma_start3A_380 = tpu.memref_slice %arg4[%arg0, %arg1, %add3A_372, %dma_start3A_379] : memref<2x16x160x64xi32, #tpu.memory_space<hbm>> -> memref<1x1x1x64xi32, #tpu.memory_space<hbm>>
        %dma_start3A_381 = tpu.memref_squeeze %dma_start3A_380 : memref<1x1x1x64xi32, #tpu.memory_space<hbm>> -> memref<64xi32, #tpu.memory_space<hbm>>
        %dma_start3A_382 = arith.constant 0 : i32
        %dma_start3A_383 = tpu.memref_slice %arg4[%arg0, %arg1, %add3A_372, %dma_start3A_382] : memref<2x16x160x64xi32, #tpu.memory_space<hbm>> -> memref<1x1x1x64xi32, #tpu.memory_space<hbm>>
        %dma_start3A_384 = tpu.memref_squeeze %dma_start3A_383 : memref<1x1x1x64xi32, #tpu.memory_space<hbm>> -> memref<64xi32, #tpu.memory_space<hbm>>
        tpu.enqueue_dma source(%dma_start3A_384 : memref<64xi32, #tpu.memory_space<hbm>>) target(%arg14 : memref<64xi32, #tpu.memory_space<vmem>>) target_semaphore(%arg31 : memref<!tpu.dma_semaphore, #tpu.memory_space<semaphore_mem>>)
      } else {
      }
      %add3A_283 = arith.constant 3 : i32
      %add3A_284 = arith.addi %add3A_264, %add3A_283 : i32
      %lt3A_285 = arith.constant 160 : i32
      %lt3A_286 = arith.cmpi slt, %add3A_284, %lt3A_285 : i32
      %convert_element_type3A_287 = arith.extui %lt3A_286 : i1 to i32
      %cond3A_288 = arith.constant 0 : i32
      %cond3A_289 = arith.cmpi ne, %convert_element_type3A_287, %cond3A_288 : i32
      scf.if %cond3A_289 {
        %add3A_371 = arith.constant 3 : i32
        %add3A_372 = arith.addi %add3A_264, %add3A_371 : i32
        %dma_wait3A_373 = arith.constant 0 : i32
        %dma_wait3A_374 = tpu.memref_slice %arg3[%arg0, %arg1, %add3A_372, %dma_wait3A_373] : memref<2x16x160x64xi32, #tpu.memory_space<hbm>> -> memref<1x1x1x64xi32, #tpu.memory_space<hbm>>
        %dma_wait3A_375 = tpu.memref_squeeze %dma_wait3A_374 : memref<1x1x1x64xi32, #tpu.memory_space<hbm>> -> memref<64xi32, #tpu.memory_space<hbm>>
        %dma_wait3A_376 = arith.constant 0 : i32
        %dma_wait3A_377 = tpu.memref_slice %arg3[%arg0, %arg1, %add3A_372, %dma_wait3A_376] : memref<2x16x160x64xi32, #tpu.memory_space<hbm>> -> memref<1x1x1x64xi32, #tpu.memory_space<hbm>>
        %dma_wait3A_378 = tpu.memref_squeeze %dma_wait3A_377 : memref<1x1x1x64xi32, #tpu.memory_space<hbm>> -> memref<64xi32, #tpu.memory_space<hbm>>
        tpu.wait_dma2 semaphore(%arg35 : memref<!tpu.dma_semaphore, #tpu.memory_space<semaphore_mem>>) src(%dma_wait3A_378 : memref<64xi32, #tpu.memory_space<hbm>>) dst(%arg21 : memref<64xi32, #tpu.memory_space<vmem>>)
        %dma_wait3A_379 = arith.constant 0 : i32
        %dma_wait3A_380 = tpu.memref_slice %arg4[%arg0, %arg1, %add3A_372, %dma_wait3A_379] : memref<2x16x160x64xi32, #tpu.memory_space<hbm>> -> memref<1x1x1x64xi32, #tpu.memory_space<hbm>>
        %dma_wait3A_381 = tpu.memref_squeeze %dma_wait3A_380 : memref<1x1x1x64xi32, #tpu.memory_space<hbm>> -> memref<64xi32, #tpu.memory_space<hbm>>
        %dma_wait3A_382 = arith.constant 0 : i32
        %dma_wait3A_383 = tpu.memref_slice %arg4[%arg0, %arg1, %add3A_372, %dma_wait3A_382] : memref<2x16x160x64xi32, #tpu.memory_space<hbm>> -> memref<1x1x1x64xi32, #tpu.memory_space<hbm>>
        %dma_wait3A_384 = tpu.memref_squeeze %dma_wait3A_383 : memref<1x1x1x64xi32, #tpu.memory_space<hbm>> -> memref<64xi32, #tpu.memory_space<hbm>>
        tpu.wait_dma2 semaphore(%arg35 : memref<!tpu.dma_semaphore, #tpu.memory_space<semaphore_mem>>) src(%dma_wait3A_384 : memref<64xi32, #tpu.memory_space<hbm>>) dst(%arg22 : memref<64xi32, #tpu.memory_space<vmem>>)
        %dma_start3A_385 = arith.constant 0 : i32
        %dma_start3A_386 = arith.constant 0 : i32
        %dma_start3A_387 = tpu.memref_slice %arg2[%dma_start3A_385, %dma_start3A_386] : memref<10000x128xf32, #tpu.memory_space<hbm>> -> memref<10000x128xf32, #tpu.memory_space<hbm>>
        tpu.enqueue_indirect_dma source(%dma_start3A_387 : memref<10000x128xf32, #tpu.memory_space<hbm>>) target(%arg26 : memref<64x128xf32, #tpu.memory_space<vmem>>) offsets(%arg21 : memref<64xi32, #tpu.memory_space<vmem>>) semaphore(%arg39 : memref<!tpu.dma_semaphore, #tpu.memory_space<semaphore_mem>>)
      } else {
      }
      %add3A_290 = arith.constant 5 : i32
      %add3A_291 = arith.addi %mul3A_159, %add3A_290 : i32
      %dma_wait3A_292 = arith.constant 0 : i32
      %dma_wait3A_293 = arith.constant 0 : i32
      %dma_wait3A_294 = tpu.memref_slice %arg2[%dma_wait3A_292, %dma_wait3A_293] : memref<10000x128xf32, #tpu.memory_space<hbm>> -> memref<10000x128xf32, #tpu.memory_space<hbm>>
      tpu.wait_indirect_dma semaphore(%arg37 : memref<!tpu.dma_semaphore, #tpu.memory_space<semaphore_mem>>) src(%dma_wait3A_294 : memref<10000x128xf32, #tpu.memory_space<hbm>>) dst(%arg24 : memref<64x128xf32, #tpu.memory_space<vmem>>)
      %dma_start3A_295 = arith.constant 0 : i32
      %dma_start3A_296 = arith.constant 0 : i32
      %dma_start3A_297 = tpu.memref_slice %arg27[%dma_start3A_295, %dma_start3A_296] : memref<10112x128xf32, #tpu.memory_space<vmem_shared>> -> memref<10112x128xf32, #tpu.memory_space<vmem_shared>>
      tpu.enqueue_indirect_dma source(%arg24 : memref<64x128xf32, #tpu.memory_space<vmem>>) target(%dma_start3A_297 : memref<10112x128xf32, #tpu.memory_space<vmem_shared>>) offsets(%arg18 : memref<64xi32, #tpu.memory_space<vmem>>) semaphore(%arg41 : memref<!tpu.dma_semaphore, #tpu.memory_space<semaphore_mem>>) {add = true}
      %ge3A_298 = arith.constant 1 : i32
      %ge3A_299 = arith.cmpi sge, %add3A_291, %ge3A_298 : i32
      %convert_element_type3A_300 = arith.extui %ge3A_299 : i1 to i32
      %cond3A_301 = arith.constant 0 : i32
      %cond3A_302 = arith.cmpi ne, %convert_element_type3A_300, %cond3A_301 : i32
      scf.if %cond3A_302 {
        %dma_wait3A_371 = arith.constant 0 : i32
        %dma_wait3A_372 = arith.constant 0 : i32
        %dma_wait3A_373 = tpu.memref_slice %arg27[%dma_wait3A_371, %dma_wait3A_372] : memref<10112x128xf32, #tpu.memory_space<vmem_shared>> -> memref<10112x128xf32, #tpu.memory_space<vmem_shared>>
        tpu.wait_indirect_dma semaphore(%arg40 : memref<!tpu.dma_semaphore, #tpu.memory_space<semaphore_mem>>) src(%arg23 : memref<64x128xf32, #tpu.memory_space<vmem>>) dst(%dma_wait3A_373 : memref<10112x128xf32, #tpu.memory_space<vmem_shared>>)
      } else {
      }
      %add3A_303 = arith.constant 7 : i32
      %add3A_304 = arith.addi %add3A_291, %add3A_303 : i32
      %lt3A_305 = arith.constant 160 : i32
      %lt3A_306 = arith.cmpi slt, %add3A_304, %lt3A_305 : i32
      %convert_element_type3A_307 = arith.extui %lt3A_306 : i1 to i32
      %cond3A_308 = arith.constant 0 : i32
      %cond3A_309 = arith.cmpi ne, %convert_element_type3A_307, %cond3A_308 : i32
      scf.if %cond3A_309 {
        %add3A_371 = arith.constant 7 : i32
        %add3A_372 = arith.addi %add3A_291, %add3A_371 : i32
        %dma_start3A_373 = arith.constant 0 : i32
        %dma_start3A_374 = tpu.memref_slice %arg3[%arg0, %arg1, %add3A_372, %dma_start3A_373] : memref<2x16x160x64xi32, #tpu.memory_space<hbm>> -> memref<1x1x1x64xi32, #tpu.memory_space<hbm>>
        %dma_start3A_375 = tpu.memref_squeeze %dma_start3A_374 : memref<1x1x1x64xi32, #tpu.memory_space<hbm>> -> memref<64xi32, #tpu.memory_space<hbm>>
        %dma_start3A_376 = arith.constant 0 : i32
        %dma_start3A_377 = tpu.memref_slice %arg3[%arg0, %arg1, %add3A_372, %dma_start3A_376] : memref<2x16x160x64xi32, #tpu.memory_space<hbm>> -> memref<1x1x1x64xi32, #tpu.memory_space<hbm>>
        %dma_start3A_378 = tpu.memref_squeeze %dma_start3A_377 : memref<1x1x1x64xi32, #tpu.memory_space<hbm>> -> memref<64xi32, #tpu.memory_space<hbm>>
        tpu.enqueue_dma source(%dma_start3A_378 : memref<64xi32, #tpu.memory_space<hbm>>) target(%arg15 : memref<64xi32, #tpu.memory_space<vmem>>) target_semaphore(%arg32 : memref<!tpu.dma_semaphore, #tpu.memory_space<semaphore_mem>>)
        %dma_start3A_379 = arith.constant 0 : i32
        %dma_start3A_380 = tpu.memref_slice %arg4[%arg0, %arg1, %add3A_372, %dma_start3A_379] : memref<2x16x160x64xi32, #tpu.memory_space<hbm>> -> memref<1x1x1x64xi32, #tpu.memory_space<hbm>>
        %dma_start3A_381 = tpu.memref_squeeze %dma_start3A_380 : memref<1x1x1x64xi32, #tpu.memory_space<hbm>> -> memref<64xi32, #tpu.memory_space<hbm>>
        %dma_start3A_382 = arith.constant 0 : i32
        %dma_start3A_383 = tpu.memref_slice %arg4[%arg0, %arg1, %add3A_372, %dma_start3A_382] : memref<2x16x160x64xi32, #tpu.memory_space<hbm>> -> memref<1x1x1x64xi32, #tpu.memory_space<hbm>>
        %dma_start3A_384 = tpu.memref_squeeze %dma_start3A_383 : memref<1x1x1x64xi32, #tpu.memory_space<hbm>> -> memref<64xi32, #tpu.memory_space<hbm>>
        tpu.enqueue_dma source(%dma_start3A_384 : memref<64xi32, #tpu.memory_space<hbm>>) target(%arg16 : memref<64xi32, #tpu.memory_space<vmem>>) target_semaphore(%arg32 : memref<!tpu.dma_semaphore, #tpu.memory_space<semaphore_mem>>)
      } else {
      }
      %add3A_310 = arith.constant 3 : i32
      %add3A_311 = arith.addi %add3A_291, %add3A_310 : i32
      %lt3A_312 = arith.constant 160 : i32
      %lt3A_313 = arith.cmpi slt, %add3A_311, %lt3A_312 : i32
      %convert_element_type3A_314 = arith.extui %lt3A_313 : i1 to i32
      %cond3A_315 = arith.constant 0 : i32
      %cond3A_316 = arith.cmpi ne, %convert_element_type3A_314, %cond3A_315 : i32
      scf.if %cond3A_316 {
        %add3A_371 = arith.constant 3 : i32
        %add3A_372 = arith.addi %add3A_291, %add3A_371 : i32
        %dma_wait3A_373 = arith.constant 0 : i32
        %dma_wait3A_374 = tpu.memref_slice %arg3[%arg0, %arg1, %add3A_372, %dma_wait3A_373] : memref<2x16x160x64xi32, #tpu.memory_space<hbm>> -> memref<1x1x1x64xi32, #tpu.memory_space<hbm>>
        %dma_wait3A_375 = tpu.memref_squeeze %dma_wait3A_374 : memref<1x1x1x64xi32, #tpu.memory_space<hbm>> -> memref<64xi32, #tpu.memory_space<hbm>>
        %dma_wait3A_376 = arith.constant 0 : i32
        %dma_wait3A_377 = tpu.memref_slice %arg3[%arg0, %arg1, %add3A_372, %dma_wait3A_376] : memref<2x16x160x64xi32, #tpu.memory_space<hbm>> -> memref<1x1x1x64xi32, #tpu.memory_space<hbm>>
        %dma_wait3A_378 = tpu.memref_squeeze %dma_wait3A_377 : memref<1x1x1x64xi32, #tpu.memory_space<hbm>> -> memref<64xi32, #tpu.memory_space<hbm>>
        tpu.wait_dma2 semaphore(%arg28 : memref<!tpu.dma_semaphore, #tpu.memory_space<semaphore_mem>>) src(%dma_wait3A_378 : memref<64xi32, #tpu.memory_space<hbm>>) dst(%arg7 : memref<64xi32, #tpu.memory_space<vmem>>)
        %dma_wait3A_379 = arith.constant 0 : i32
        %dma_wait3A_380 = tpu.memref_slice %arg4[%arg0, %arg1, %add3A_372, %dma_wait3A_379] : memref<2x16x160x64xi32, #tpu.memory_space<hbm>> -> memref<1x1x1x64xi32, #tpu.memory_space<hbm>>
        %dma_wait3A_381 = tpu.memref_squeeze %dma_wait3A_380 : memref<1x1x1x64xi32, #tpu.memory_space<hbm>> -> memref<64xi32, #tpu.memory_space<hbm>>
        %dma_wait3A_382 = arith.constant 0 : i32
        %dma_wait3A_383 = tpu.memref_slice %arg4[%arg0, %arg1, %add3A_372, %dma_wait3A_382] : memref<2x16x160x64xi32, #tpu.memory_space<hbm>> -> memref<1x1x1x64xi32, #tpu.memory_space<hbm>>
        %dma_wait3A_384 = tpu.memref_squeeze %dma_wait3A_383 : memref<1x1x1x64xi32, #tpu.memory_space<hbm>> -> memref<64xi32, #tpu.memory_space<hbm>>
        tpu.wait_dma2 semaphore(%arg28 : memref<!tpu.dma_semaphore, #tpu.memory_space<semaphore_mem>>) src(%dma_wait3A_384 : memref<64xi32, #tpu.memory_space<hbm>>) dst(%arg8 : memref<64xi32, #tpu.memory_space<vmem>>)
        %dma_start3A_385 = arith.constant 0 : i32
        %dma_start3A_386 = arith.constant 0 : i32
        %dma_start3A_387 = tpu.memref_slice %arg2[%dma_start3A_385, %dma_start3A_386] : memref<10000x128xf32, #tpu.memory_space<hbm>> -> memref<10000x128xf32, #tpu.memory_space<hbm>>
        tpu.enqueue_indirect_dma source(%dma_start3A_387 : memref<10000x128xf32, #tpu.memory_space<hbm>>) target(%arg23 : memref<64x128xf32, #tpu.memory_space<vmem>>) offsets(%arg7 : memref<64xi32, #tpu.memory_space<vmem>>) semaphore(%arg36 : memref<!tpu.dma_semaphore, #tpu.memory_space<semaphore_mem>>)
      } else {
      }
      %add3A_317 = arith.constant 6 : i32
      %add3A_318 = arith.addi %mul3A_159, %add3A_317 : i32
      %dma_wait3A_319 = arith.constant 0 : i32
      %dma_wait3A_320 = arith.constant 0 : i32
      %dma_wait3A_321 = tpu.memref_slice %arg2[%dma_wait3A_319, %dma_wait3A_320] : memref<10000x128xf32, #tpu.memory_space<hbm>> -> memref<10000x128xf32, #tpu.memory_space<hbm>>
      tpu.wait_indirect_dma semaphore(%arg38 : memref<!tpu.dma_semaphore, #tpu.memory_space<semaphore_mem>>) src(%dma_wait3A_321 : memref<10000x128xf32, #tpu.memory_space<hbm>>) dst(%arg25 : memref<64x128xf32, #tpu.memory_space<vmem>>)
      %dma_start3A_322 = arith.constant 0 : i32
      %dma_start3A_323 = arith.constant 0 : i32
      %dma_start3A_324 = tpu.memref_slice %arg27[%dma_start3A_322, %dma_start3A_323] : memref<10112x128xf32, #tpu.memory_space<vmem_shared>> -> memref<10112x128xf32, #tpu.memory_space<vmem_shared>>
      tpu.enqueue_indirect_dma source(%arg25 : memref<64x128xf32, #tpu.memory_space<vmem>>) target(%dma_start3A_324 : memref<10112x128xf32, #tpu.memory_space<vmem_shared>>) offsets(%arg20 : memref<64xi32, #tpu.memory_space<vmem>>) semaphore(%arg42 : memref<!tpu.dma_semaphore, #tpu.memory_space<semaphore_mem>>) {add = true}
      %ge3A_325 = arith.constant 1 : i32
      %ge3A_326 = arith.cmpi sge, %add3A_318, %ge3A_325 : i32
      %convert_element_type3A_327 = arith.extui %ge3A_326 : i1 to i32
      %cond3A_328 = arith.constant 0 : i32
      %cond3A_329 = arith.cmpi ne, %convert_element_type3A_327, %cond3A_328 : i32
      scf.if %cond3A_329 {
        %dma_wait3A_371 = arith.constant 0 : i32
        %dma_wait3A_372 = arith.constant 0 : i32
        %dma_wait3A_373 = tpu.memref_slice %arg27[%dma_wait3A_371, %dma_wait3A_372] : memref<10112x128xf32, #tpu.memory_space<vmem_shared>> -> memref<10112x128xf32, #tpu.memory_space<vmem_shared>>
        tpu.wait_indirect_dma semaphore(%arg41 : memref<!tpu.dma_semaphore, #tpu.memory_space<semaphore_mem>>) src(%arg24 : memref<64x128xf32, #tpu.memory_space<vmem>>) dst(%dma_wait3A_373 : memref<10112x128xf32, #tpu.memory_space<vmem_shared>>)
      } else {
      }
      %add3A_330 = arith.constant 7 : i32
      %add3A_331 = arith.addi %add3A_318, %add3A_330 : i32
      %lt3A_332 = arith.constant 160 : i32
      %lt3A_333 = arith.cmpi slt, %add3A_331, %lt3A_332 : i32
      %convert_element_type3A_334 = arith.extui %lt3A_333 : i1 to i32
      %cond3A_335 = arith.constant 0 : i32
      %cond3A_336 = arith.cmpi ne, %convert_element_type3A_334, %cond3A_335 : i32
      scf.if %cond3A_336 {
        %add3A_371 = arith.constant 7 : i32
        %add3A_372 = arith.addi %add3A_318, %add3A_371 : i32
        %dma_start3A_373 = arith.constant 0 : i32
        %dma_start3A_374 = tpu.memref_slice %arg3[%arg0, %arg1, %add3A_372, %dma_start3A_373] : memref<2x16x160x64xi32, #tpu.memory_space<hbm>> -> memref<1x1x1x64xi32, #tpu.memory_space<hbm>>
        %dma_start3A_375 = tpu.memref_squeeze %dma_start3A_374 : memref<1x1x1x64xi32, #tpu.memory_space<hbm>> -> memref<64xi32, #tpu.memory_space<hbm>>
        %dma_start3A_376 = arith.constant 0 : i32
        %dma_start3A_377 = tpu.memref_slice %arg3[%arg0, %arg1, %add3A_372, %dma_start3A_376] : memref<2x16x160x64xi32, #tpu.memory_space<hbm>> -> memref<1x1x1x64xi32, #tpu.memory_space<hbm>>
        %dma_start3A_378 = tpu.memref_squeeze %dma_start3A_377 : memref<1x1x1x64xi32, #tpu.memory_space<hbm>> -> memref<64xi32, #tpu.memory_space<hbm>>
        tpu.enqueue_dma source(%dma_start3A_378 : memref<64xi32, #tpu.memory_space<hbm>>) target(%arg17 : memref<64xi32, #tpu.memory_space<vmem>>) target_semaphore(%arg33 : memref<!tpu.dma_semaphore, #tpu.memory_space<semaphore_mem>>)
        %dma_start3A_379 = arith.constant 0 : i32
        %dma_start3A_380 = tpu.memref_slice %arg4[%arg0, %arg1, %add3A_372, %dma_start3A_379] : memref<2x16x160x64xi32, #tpu.memory_space<hbm>> -> memref<1x1x1x64xi32, #tpu.memory_space<hbm>>
        %dma_start3A_381 = tpu.memref_squeeze %dma_start3A_380 : memref<1x1x1x64xi32, #tpu.memory_space<hbm>> -> memref<64xi32, #tpu.memory_space<hbm>>
        %dma_start3A_382 = arith.constant 0 : i32
        %dma_start3A_383 = tpu.memref_slice %arg4[%arg0, %arg1, %add3A_372, %dma_start3A_382] : memref<2x16x160x64xi32, #tpu.memory_space<hbm>> -> memref<1x1x1x64xi32, #tpu.memory_space<hbm>>
        %dma_start3A_384 = tpu.memref_squeeze %dma_start3A_383 : memref<1x1x1x64xi32, #tpu.memory_space<hbm>> -> memref<64xi32, #tpu.memory_space<hbm>>
        tpu.enqueue_dma source(%dma_start3A_384 : memref<64xi32, #tpu.memory_space<hbm>>) target(%arg18 : memref<64xi32, #tpu.memory_space<vmem>>) target_semaphore(%arg33 : memref<!tpu.dma_semaphore, #tpu.memory_space<semaphore_mem>>)
      } else {
      }
      %add3A_337 = arith.constant 3 : i32
      %add3A_338 = arith.addi %add3A_318, %add3A_337 : i32
      %lt3A_339 = arith.constant 160 : i32
      %lt3A_340 = arith.cmpi slt, %add3A_338, %lt3A_339 : i32
      %convert_element_type3A_341 = arith.extui %lt3A_340 : i1 to i32
      %cond3A_342 = arith.constant 0 : i32
      %cond3A_343 = arith.cmpi ne, %convert_element_type3A_341, %cond3A_342 : i32
      scf.if %cond3A_343 {
        %add3A_371 = arith.constant 3 : i32
        %add3A_372 = arith.addi %add3A_318, %add3A_371 : i32
        %dma_wait3A_373 = arith.constant 0 : i32
        %dma_wait3A_374 = tpu.memref_slice %arg3[%arg0, %arg1, %add3A_372, %dma_wait3A_373] : memref<2x16x160x64xi32, #tpu.memory_space<hbm>> -> memref<1x1x1x64xi32, #tpu.memory_space<hbm>>
        %dma_wait3A_375 = tpu.memref_squeeze %dma_wait3A_374 : memref<1x1x1x64xi32, #tpu.memory_space<hbm>> -> memref<64xi32, #tpu.memory_space<hbm>>
        %dma_wait3A_376 = arith.constant 0 : i32
        %dma_wait3A_377 = tpu.memref_slice %arg3[%arg0, %arg1, %add3A_372, %dma_wait3A_376] : memref<2x16x160x64xi32, #tpu.memory_space<hbm>> -> memref<1x1x1x64xi32, #tpu.memory_space<hbm>>
        %dma_wait3A_378 = tpu.memref_squeeze %dma_wait3A_377 : memref<1x1x1x64xi32, #tpu.memory_space<hbm>> -> memref<64xi32, #tpu.memory_space<hbm>>
        tpu.wait_dma2 semaphore(%arg29 : memref<!tpu.dma_semaphore, #tpu.memory_space<semaphore_mem>>) src(%dma_wait3A_378 : memref<64xi32, #tpu.memory_space<hbm>>) dst(%arg9 : memref<64xi32, #tpu.memory_space<vmem>>)
        %dma_wait3A_379 = arith.constant 0 : i32
        %dma_wait3A_380 = tpu.memref_slice %arg4[%arg0, %arg1, %add3A_372, %dma_wait3A_379] : memref<2x16x160x64xi32, #tpu.memory_space<hbm>> -> memref<1x1x1x64xi32, #tpu.memory_space<hbm>>
        %dma_wait3A_381 = tpu.memref_squeeze %dma_wait3A_380 : memref<1x1x1x64xi32, #tpu.memory_space<hbm>> -> memref<64xi32, #tpu.memory_space<hbm>>
        %dma_wait3A_382 = arith.constant 0 : i32
        %dma_wait3A_383 = tpu.memref_slice %arg4[%arg0, %arg1, %add3A_372, %dma_wait3A_382] : memref<2x16x160x64xi32, #tpu.memory_space<hbm>> -> memref<1x1x1x64xi32, #tpu.memory_space<hbm>>
        %dma_wait3A_384 = tpu.memref_squeeze %dma_wait3A_383 : memref<1x1x1x64xi32, #tpu.memory_space<hbm>> -> memref<64xi32, #tpu.memory_space<hbm>>
        tpu.wait_dma2 semaphore(%arg29 : memref<!tpu.dma_semaphore, #tpu.memory_space<semaphore_mem>>) src(%dma_wait3A_384 : memref<64xi32, #tpu.memory_space<hbm>>) dst(%arg10 : memref<64xi32, #tpu.memory_space<vmem>>)
        %dma_start3A_385 = arith.constant 0 : i32
        %dma_start3A_386 = arith.constant 0 : i32
        %dma_start3A_387 = tpu.memref_slice %arg2[%dma_start3A_385, %dma_start3A_386] : memref<10000x128xf32, #tpu.memory_space<hbm>> -> memref<10000x128xf32, #tpu.memory_space<hbm>>
        tpu.enqueue_indirect_dma source(%dma_start3A_387 : memref<10000x128xf32, #tpu.memory_space<hbm>>) target(%arg24 : memref<64x128xf32, #tpu.memory_space<vmem>>) offsets(%arg9 : memref<64xi32, #tpu.memory_space<vmem>>) semaphore(%arg37 : memref<!tpu.dma_semaphore, #tpu.memory_space<semaphore_mem>>)
      } else {
      }
      %add3A_344 = arith.constant 7 : i32
      %add3A_345 = arith.addi %mul3A_159, %add3A_344 : i32
      %dma_wait3A_346 = arith.constant 0 : i32
      %dma_wait3A_347 = arith.constant 0 : i32
      %dma_wait3A_348 = tpu.memref_slice %arg2[%dma_wait3A_346, %dma_wait3A_347] : memref<10000x128xf32, #tpu.memory_space<hbm>> -> memref<10000x128xf32, #tpu.memory_space<hbm>>
      tpu.wait_indirect_dma semaphore(%arg39 : memref<!tpu.dma_semaphore, #tpu.memory_space<semaphore_mem>>) src(%dma_wait3A_348 : memref<10000x128xf32, #tpu.memory_space<hbm>>) dst(%arg26 : memref<64x128xf32, #tpu.memory_space<vmem>>)
      %dma_start3A_349 = arith.constant 0 : i32
      %dma_start3A_350 = arith.constant 0 : i32
      %dma_start3A_351 = tpu.memref_slice %arg27[%dma_start3A_349, %dma_start3A_350] : memref<10112x128xf32, #tpu.memory_space<vmem_shared>> -> memref<10112x128xf32, #tpu.memory_space<vmem_shared>>
      tpu.enqueue_indirect_dma source(%arg26 : memref<64x128xf32, #tpu.memory_space<vmem>>) target(%dma_start3A_351 : memref<10112x128xf32, #tpu.memory_space<vmem_shared>>) offsets(%arg22 : memref<64xi32, #tpu.memory_space<vmem>>) semaphore(%arg43 : memref<!tpu.dma_semaphore, #tpu.memory_space<semaphore_mem>>) {add = true}
      %ge3A_352 = arith.constant 1 : i32
      %ge3A_353 = arith.cmpi sge, %add3A_345, %ge3A_352 : i32
      %convert_element_type3A_354 = arith.extui %ge3A_353 : i1 to i32
      %cond3A_355 = arith.constant 0 : i32
      %cond3A_356 = arith.cmpi ne, %convert_element_type3A_354, %cond3A_355 : i32
      scf.if %cond3A_356 {
        %dma_wait3A_371 = arith.constant 0 : i32
        %dma_wait3A_372 = arith.constant 0 : i32
        %dma_wait3A_373 = tpu.memref_slice %arg27[%dma_wait3A_371, %dma_wait3A_372] : memref<10112x128xf32, #tpu.memory_space<vmem_shared>> -> memref<10112x128xf32, #tpu.memory_space<vmem_shared>>
        tpu.wait_indirect_dma semaphore(%arg42 : memref<!tpu.dma_semaphore, #tpu.memory_space<semaphore_mem>>) src(%arg25 : memref<64x128xf32, #tpu.memory_space<vmem>>) dst(%dma_wait3A_373 : memref<10112x128xf32, #tpu.memory_space<vmem_shared>>)
      } else {
      }
      %add3A_357 = arith.constant 7 : i32
      %add3A_358 = arith.addi %add3A_345, %add3A_357 : i32
      %lt3A_359 = arith.constant 160 : i32
      %lt3A_360 = arith.cmpi slt, %add3A_358, %lt3A_359 : i32
      %convert_element_type3A_361 = arith.extui %lt3A_360 : i1 to i32
      %cond3A_362 = arith.constant 0 : i32
      %cond3A_363 = arith.cmpi ne, %convert_element_type3A_361, %cond3A_362 : i32
      scf.if %cond3A_363 {
        %add3A_371 = arith.constant 7 : i32
        %add3A_372 = arith.addi %add3A_345, %add3A_371 : i32
        %dma_start3A_373 = arith.constant 0 : i32
        %dma_start3A_374 = tpu.memref_slice %arg3[%arg0, %arg1, %add3A_372, %dma_start3A_373] : memref<2x16x160x64xi32, #tpu.memory_space<hbm>> -> memref<1x1x1x64xi32, #tpu.memory_space<hbm>>
        %dma_start3A_375 = tpu.memref_squeeze %dma_start3A_374 : memref<1x1x1x64xi32, #tpu.memory_space<hbm>> -> memref<64xi32, #tpu.memory_space<hbm>>
        %dma_start3A_376 = arith.constant 0 : i32
        %dma_start3A_377 = tpu.memref_slice %arg3[%arg0, %arg1, %add3A_372, %dma_start3A_376] : memref<2x16x160x64xi32, #tpu.memory_space<hbm>> -> memref<1x1x1x64xi32, #tpu.memory_space<hbm>>
        %dma_start3A_378 = tpu.memref_squeeze %dma_start3A_377 : memref<1x1x1x64xi32, #tpu.memory_space<hbm>> -> memref<64xi32, #tpu.memory_space<hbm>>
        tpu.enqueue_dma source(%dma_start3A_378 : memref<64xi32, #tpu.memory_space<hbm>>) target(%arg19 : memref<64xi32, #tpu.memory_space<vmem>>) target_semaphore(%arg34 : memref<!tpu.dma_semaphore, #tpu.memory_space<semaphore_mem>>)
        %dma_start3A_379 = arith.constant 0 : i32
        %dma_start3A_380 = tpu.memref_slice %arg4[%arg0, %arg1, %add3A_372, %dma_start3A_379] : memref<2x16x160x64xi32, #tpu.memory_space<hbm>> -> memref<1x1x1x64xi32, #tpu.memory_space<hbm>>
        %dma_start3A_381 = tpu.memref_squeeze %dma_start3A_380 : memref<1x1x1x64xi32, #tpu.memory_space<hbm>> -> memref<64xi32, #tpu.memory_space<hbm>>
        %dma_start3A_382 = arith.constant 0 : i32
        %dma_start3A_383 = tpu.memref_slice %arg4[%arg0, %arg1, %add3A_372, %dma_start3A_382] : memref<2x16x160x64xi32, #tpu.memory_space<hbm>> -> memref<1x1x1x64xi32, #tpu.memory_space<hbm>>
        %dma_start3A_384 = tpu.memref_squeeze %dma_start3A_383 : memref<1x1x1x64xi32, #tpu.memory_space<hbm>> -> memref<64xi32, #tpu.memory_space<hbm>>
        tpu.enqueue_dma source(%dma_start3A_384 : memref<64xi32, #tpu.memory_space<hbm>>) target(%arg20 : memref<64xi32, #tpu.memory_space<vmem>>) target_semaphore(%arg34 : memref<!tpu.dma_semaphore, #tpu.memory_space<semaphore_mem>>)
      } else {
      }
      %add3A_364 = arith.constant 3 : i32
      %add3A_365 = arith.addi %add3A_345, %add3A_364 : i32
      %lt3A_366 = arith.constant 160 : i32
      %lt3A_367 = arith.cmpi slt, %add3A_365, %lt3A_366 : i32
      %convert_element_type3A_368 = arith.extui %lt3A_367 : i1 to i32
      %cond3A_369 = arith.constant 0 : i32
      %cond3A_370 = arith.cmpi ne, %convert_element_type3A_368, %cond3A_369 : i32
      scf.if %cond3A_370 {
        %add3A_371 = arith.constant 3 : i32
        %add3A_372 = arith.addi %add3A_345, %add3A_371 : i32
        %dma_wait3A_373 = arith.constant 0 : i32
        %dma_wait3A_374 = tpu.memref_slice %arg3[%arg0, %arg1, %add3A_372, %dma_wait3A_373] : memref<2x16x160x64xi32, #tpu.memory_space<hbm>> -> memref<1x1x1x64xi32, #tpu.memory_space<hbm>>
        %dma_wait3A_375 = tpu.memref_squeeze %dma_wait3A_374 : memref<1x1x1x64xi32, #tpu.memory_space<hbm>> -> memref<64xi32, #tpu.memory_space<hbm>>
        %dma_wait3A_376 = arith.constant 0 : i32
        %dma_wait3A_377 = tpu.memref_slice %arg3[%arg0, %arg1, %add3A_372, %dma_wait3A_376] : memref<2x16x160x64xi32, #tpu.memory_space<hbm>> -> memref<1x1x1x64xi32, #tpu.memory_space<hbm>>
        %dma_wait3A_378 = tpu.memref_squeeze %dma_wait3A_377 : memref<1x1x1x64xi32, #tpu.memory_space<hbm>> -> memref<64xi32, #tpu.memory_space<hbm>>
        tpu.wait_dma2 semaphore(%arg30 : memref<!tpu.dma_semaphore, #tpu.memory_space<semaphore_mem>>) src(%dma_wait3A_378 : memref<64xi32, #tpu.memory_space<hbm>>) dst(%arg11 : memref<64xi32, #tpu.memory_space<vmem>>)
        %dma_wait3A_379 = arith.constant 0 : i32
        %dma_wait3A_380 = tpu.memref_slice %arg4[%arg0, %arg1, %add3A_372, %dma_wait3A_379] : memref<2x16x160x64xi32, #tpu.memory_space<hbm>> -> memref<1x1x1x64xi32, #tpu.memory_space<hbm>>
        %dma_wait3A_381 = tpu.memref_squeeze %dma_wait3A_380 : memref<1x1x1x64xi32, #tpu.memory_space<hbm>> -> memref<64xi32, #tpu.memory_space<hbm>>
        %dma_wait3A_382 = arith.constant 0 : i32
        %dma_wait3A_383 = tpu.memref_slice %arg4[%arg0, %arg1, %add3A_372, %dma_wait3A_382] : memref<2x16x160x64xi32, #tpu.memory_space<hbm>> -> memref<1x1x1x64xi32, #tpu.memory_space<hbm>>
        %dma_wait3A_384 = tpu.memref_squeeze %dma_wait3A_383 : memref<1x1x1x64xi32, #tpu.memory_space<hbm>> -> memref<64xi32, #tpu.memory_space<hbm>>
        tpu.wait_dma2 semaphore(%arg30 : memref<!tpu.dma_semaphore, #tpu.memory_space<semaphore_mem>>) src(%dma_wait3A_384 : memref<64xi32, #tpu.memory_space<hbm>>) dst(%arg12 : memref<64xi32, #tpu.memory_space<vmem>>)
        %dma_start3A_385 = arith.constant 0 : i32
        %dma_start3A_386 = arith.constant 0 : i32
        %dma_start3A_387 = tpu.memref_slice %arg2[%dma_start3A_385, %dma_start3A_386] : memref<10000x128xf32, #tpu.memory_space<hbm>> -> memref<10000x128xf32, #tpu.memory_space<hbm>>
        tpu.enqueue_indirect_dma source(%dma_start3A_387 : memref<10000x128xf32, #tpu.memory_space<hbm>>) target(%arg25 : memref<64x128xf32, #tpu.memory_space<vmem>>) offsets(%arg11 : memref<64xi32, #tpu.memory_space<vmem>>) semaphore(%arg38 : memref<!tpu.dma_semaphore, #tpu.memory_space<semaphore_mem>>)
      } else {
      }
    }
    %scan3A_152 = arith.constant 20 : i32
    %dma_wait3A_153 = arith.constant 0 : i32
    %dma_wait3A_154 = arith.constant 0 : i32
    %dma_wait3A_155 = tpu.memref_slice %arg27[%dma_wait3A_153, %dma_wait3A_154] : memref<10112x128xf32, #tpu.memory_space<vmem_shared>> -> memref<10112x128xf32, #tpu.memory_space<vmem_shared>>
    tpu.wait_indirect_dma semaphore(%arg43 : memref<!tpu.dma_semaphore, #tpu.memory_space<semaphore_mem>>) src(%arg26 : memref<64x128xf32, #tpu.memory_space<vmem>>) dst(%dma_wait3A_155 : memref<10112x128xf32, #tpu.memory_space<vmem_shared>>)
    %barrier3A_156 = arith.constant 0 : index
    tpu.barrier barrier_id(%barrier3A_156)
    "tpu.region"() ({
      %run_scoped3A = tpu.sem_alloc : memref<!tpu.dma_semaphore, #tpu.memory_space<semaphore_mem>>
      %dma_start3A_157 = arith.constant 0 : i32
      %dma_start3A_158 = tpu.memref_slice %arg6[%arg0, %mul3A_0, %dma_start3A_157] : memref<2x10112x128xf32, #tpu.memory_space<hbm>> -> memref<1x632x128xf32, #tpu.memory_space<hbm>>
      %dma_start3A_159 = tpu.memref_squeeze %dma_start3A_158 : memref<1x632x128xf32, #tpu.memory_space<hbm>> -> memref<632x128xf32, #tpu.memory_space<hbm>>
      %dma_start3A_160 = arith.constant 0 : i32
      %dma_start3A_161 = tpu.memref_slice %arg27[%mul3A_0, %dma_start3A_160] : memref<10112x128xf32, #tpu.memory_space<vmem_shared>> -> memref<632x128xf32, #tpu.memory_space<vmem_shared>>
      tpu.enqueue_dma source(%dma_start3A_161 : memref<632x128xf32, #tpu.memory_space<vmem_shared>>) target(%dma_start3A_159 : memref<632x128xf32, #tpu.memory_space<hbm>>) target_semaphore(%run_scoped3A : memref<!tpu.dma_semaphore, #tpu.memory_space<semaphore_mem>>)
      %dma_wait3A_162 = arith.constant 0 : i32
      %dma_wait3A_163 = tpu.memref_slice %arg6[%arg0, %mul3A_0, %dma_wait3A_162] : memref<2x10112x128xf32, #tpu.memory_space<hbm>> -> memref<1x632x128xf32, #tpu.memory_space<hbm>>
      %dma_wait3A_164 = tpu.memref_squeeze %dma_wait3A_163 : memref<1x632x128xf32, #tpu.memory_space<hbm>> -> memref<632x128xf32, #tpu.memory_space<hbm>>
      %dma_wait3A_165 = arith.constant 0 : i32
      %dma_wait3A_166 = tpu.memref_slice %arg27[%mul3A_0, %dma_wait3A_165] : memref<10112x128xf32, #tpu.memory_space<vmem_shared>> -> memref<632x128xf32, #tpu.memory_space<vmem_shared>>
      tpu.wait_dma2 semaphore(%run_scoped3A : memref<!tpu.dma_semaphore, #tpu.memory_space<semaphore_mem>>) src(%dma_wait3A_166 : memref<632x128xf32, #tpu.memory_space<vmem_shared>>) dst(%dma_wait3A_164 : memref<632x128xf32, #tpu.memory_space<hbm>>)
      tpu.yield
    }) : () -> ()
    return
  }
}

#map = affine_map<(d0, d1) -> (0, 0, 0, 0)>
#map1 = affine_map<(d0, d1) -> (0, 0)>
#map2 = affine_map<(d0, d1) -> (0, 0, 0)>
module attributes {stable_mosaic.version = 14 : i64} {
  func.func @_sc_counts_body(%arg0: i32, %arg1: i32, %arg2: memref<2x16x320x64xi32, #tpu.memory_space<hbm>>, %arg3: memref<64x128xf32, #tpu.memory_space<hbm>>, %arg4: memref<10112x128xf32, #tpu.memory_space<hbm>>, %arg5: memref<2x10112x128xf32, #tpu.memory_space<hbm>>, %arg6: memref<64xi32, #tpu.memory_space<vmem>>, %arg7: memref<64xi32, #tpu.memory_space<vmem>>, %arg8: memref<64xi32, #tpu.memory_space<vmem>>, %arg9: memref<64xi32, #tpu.memory_space<vmem>>, %arg10: memref<64x128xf32, #tpu.memory_space<vmem>>, %arg11: memref<10112x128xf32, #tpu.memory_space<vmem_shared>>, %arg12: memref<!tpu.dma_semaphore, #tpu.memory_space<semaphore_mem>>, %arg13: memref<!tpu.dma_semaphore, #tpu.memory_space<semaphore_mem>>, %arg14: memref<!tpu.dma_semaphore, #tpu.memory_space<semaphore_mem>>, %arg15: memref<!tpu.dma_semaphore, #tpu.memory_space<semaphore_mem>>) attributes {dimension_semantics = [#tpu.dimension_semantics<core_parallel>, #tpu.dimension_semantics<subcore_parallel>], iteration_bounds = array<i64: 2, 16>, scalar_prefetch = 0 : i64, scratch_operands = 10 : i64, tpu.core_type = #tpu.core_type<sc_vector_subcore>, window_params = [{transform_indices = #map}, {transform_indices = #map1}, {transform_indices = #map1}, {transform_indices = #map2}]} {
    %mul3A = arith.constant 632 : i32
    %mul3A_0 = arith.muli %arg1, %mul3A : i32
    "tpu.region"() ({
      %run_scoped3A = tpu.sem_alloc : memref<!tpu.dma_semaphore, #tpu.memory_space<semaphore_mem>>
      tpu.enqueue_dma source(%arg3 : memref<64x128xf32, #tpu.memory_space<hbm>>) target(%arg10 : memref<64x128xf32, #tpu.memory_space<vmem>>) target_semaphore(%run_scoped3A : memref<!tpu.dma_semaphore, #tpu.memory_space<semaphore_mem>>)
      tpu.wait_dma2 semaphore(%run_scoped3A : memref<!tpu.dma_semaphore, #tpu.memory_space<semaphore_mem>>) src(%arg3 : memref<64x128xf32, #tpu.memory_space<hbm>>) dst(%arg10 : memref<64x128xf32, #tpu.memory_space<vmem>>)
      tpu.yield
    }) : () -> ()
    "tpu.region"() ({
      %run_scoped3A = tpu.sem_alloc : memref<!tpu.dma_semaphore, #tpu.memory_space<semaphore_mem>>
      %dma_start3A_34 = arith.constant 0 : i32
      %dma_start3A_35 = tpu.memref_slice %arg11[%mul3A_0, %dma_start3A_34] : memref<10112x128xf32, #tpu.memory_space<vmem_shared>> -> memref<632x128xf32, #tpu.memory_space<vmem_shared>>
      %dma_start3A_36 = arith.constant 0 : i32
      %dma_start3A_37 = tpu.memref_slice %arg4[%mul3A_0, %dma_start3A_36] : memref<10112x128xf32, #tpu.memory_space<hbm>> -> memref<632x128xf32, #tpu.memory_space<hbm>>
      tpu.enqueue_dma source(%dma_start3A_37 : memref<632x128xf32, #tpu.memory_space<hbm>>) target(%dma_start3A_35 : memref<632x128xf32, #tpu.memory_space<vmem_shared>>) target_semaphore(%run_scoped3A : memref<!tpu.dma_semaphore, #tpu.memory_space<semaphore_mem>>)
      %dma_wait3A = arith.constant 0 : i32
      %dma_wait3A_38 = tpu.memref_slice %arg11[%mul3A_0, %dma_wait3A] : memref<10112x128xf32, #tpu.memory_space<vmem_shared>> -> memref<632x128xf32, #tpu.memory_space<vmem_shared>>
      %dma_wait3A_39 = arith.constant 0 : i32
      %dma_wait3A_40 = tpu.memref_slice %arg4[%mul3A_0, %dma_wait3A_39] : memref<10112x128xf32, #tpu.memory_space<hbm>> -> memref<632x128xf32, #tpu.memory_space<hbm>>
      tpu.wait_dma2 semaphore(%run_scoped3A : memref<!tpu.dma_semaphore, #tpu.memory_space<semaphore_mem>>) src(%dma_wait3A_40 : memref<632x128xf32, #tpu.memory_space<hbm>>) dst(%dma_wait3A_38 : memref<632x128xf32, #tpu.memory_space<vmem_shared>>)
      tpu.yield
    }) : () -> ()
    %barrier3A = arith.constant 0 : index
    tpu.barrier barrier_id(%barrier3A)
    %dma_start3A = arith.constant 0 : i32
    %dma_start3A_1 = arith.constant 0 : i32
    %dma_start3A_2 = tpu.memref_slice %arg2[%arg0, %arg1, %dma_start3A, %dma_start3A_1] : memref<2x16x320x64xi32, #tpu.memory_space<hbm>> -> memref<1x1x1x64xi32, #tpu.memory_space<hbm>>
    %dma_start3A_3 = tpu.memref_squeeze %dma_start3A_2 : memref<1x1x1x64xi32, #tpu.memory_space<hbm>> -> memref<64xi32, #tpu.memory_space<hbm>>
    %dma_start3A_4 = arith.constant 0 : i32
    %dma_start3A_5 = tpu.memref_slice %arg2[%arg0, %arg1, %dma_start3A, %dma_start3A_4] : memref<2x16x320x64xi32, #tpu.memory_space<hbm>> -> memref<1x1x1x64xi32, #tpu.memory_space<hbm>>
    %dma_start3A_6 = tpu.memref_squeeze %dma_start3A_5 : memref<1x1x1x64xi32, #tpu.memory_space<hbm>> -> memref<64xi32, #tpu.memory_space<hbm>>
    tpu.enqueue_dma source(%dma_start3A_6 : memref<64xi32, #tpu.memory_space<hbm>>) target(%arg6 : memref<64xi32, #tpu.memory_space<vmem>>) target_semaphore(%arg12 : memref<!tpu.dma_semaphore, #tpu.memory_space<semaphore_mem>>)
    %dma_start3A_7 = arith.constant 1 : i32
    %dma_start3A_8 = arith.constant 0 : i32
    %dma_start3A_9 = tpu.memref_slice %arg2[%arg0, %arg1, %dma_start3A_7, %dma_start3A_8] : memref<2x16x320x64xi32, #tpu.memory_space<hbm>> -> memref<1x1x1x64xi32, #tpu.memory_space<hbm>>
    %dma_start3A_10 = tpu.memref_squeeze %dma_start3A_9 : memref<1x1x1x64xi32, #tpu.memory_space<hbm>> -> memref<64xi32, #tpu.memory_space<hbm>>
    %dma_start3A_11 = arith.constant 0 : i32
    %dma_start3A_12 = tpu.memref_slice %arg2[%arg0, %arg1, %dma_start3A_7, %dma_start3A_11] : memref<2x16x320x64xi32, #tpu.memory_space<hbm>> -> memref<1x1x1x64xi32, #tpu.memory_space<hbm>>
    %dma_start3A_13 = tpu.memref_squeeze %dma_start3A_12 : memref<1x1x1x64xi32, #tpu.memory_space<hbm>> -> memref<64xi32, #tpu.memory_space<hbm>>
    tpu.enqueue_dma source(%dma_start3A_13 : memref<64xi32, #tpu.memory_space<hbm>>) target(%arg7 : memref<64xi32, #tpu.memory_space<vmem>>) target_semaphore(%arg13 : memref<!tpu.dma_semaphore, #tpu.memory_space<semaphore_mem>>)
    %dma_start3A_14 = arith.constant 2 : i32
    %dma_start3A_15 = arith.constant 0 : i32
    %dma_start3A_16 = tpu.memref_slice %arg2[%arg0, %arg1, %dma_start3A_14, %dma_start3A_15] : memref<2x16x320x64xi32, #tpu.memory_space<hbm>> -> memref<1x1x1x64xi32, #tpu.memory_space<hbm>>
    %dma_start3A_17 = tpu.memref_squeeze %dma_start3A_16 : memref<1x1x1x64xi32, #tpu.memory_space<hbm>> -> memref<64xi32, #tpu.memory_space<hbm>>
    %dma_start3A_18 = arith.constant 0 : i32
    %dma_start3A_19 = tpu.memref_slice %arg2[%arg0, %arg1, %dma_start3A_14, %dma_start3A_18] : memref<2x16x320x64xi32, #tpu.memory_space<hbm>> -> memref<1x1x1x64xi32, #tpu.memory_space<hbm>>
    %dma_start3A_20 = tpu.memref_squeeze %dma_start3A_19 : memref<1x1x1x64xi32, #tpu.memory_space<hbm>> -> memref<64xi32, #tpu.memory_space<hbm>>
    tpu.enqueue_dma source(%dma_start3A_20 : memref<64xi32, #tpu.memory_space<hbm>>) target(%arg8 : memref<64xi32, #tpu.memory_space<vmem>>) target_semaphore(%arg14 : memref<!tpu.dma_semaphore, #tpu.memory_space<semaphore_mem>>)
    %dma_start3A_21 = arith.constant 3 : i32
    %dma_start3A_22 = arith.constant 0 : i32
    %dma_start3A_23 = tpu.memref_slice %arg2[%arg0, %arg1, %dma_start3A_21, %dma_start3A_22] : memref<2x16x320x64xi32, #tpu.memory_space<hbm>> -> memref<1x1x1x64xi32, #tpu.memory_space<hbm>>
    %dma_start3A_24 = tpu.memref_squeeze %dma_start3A_23 : memref<1x1x1x64xi32, #tpu.memory_space<hbm>> -> memref<64xi32, #tpu.memory_space<hbm>>
    %dma_start3A_25 = arith.constant 0 : i32
    %dma_start3A_26 = tpu.memref_slice %arg2[%arg0, %arg1, %dma_start3A_21, %dma_start3A_25] : memref<2x16x320x64xi32, #tpu.memory_space<hbm>> -> memref<1x1x1x64xi32, #tpu.memory_space<hbm>>
    %dma_start3A_27 = tpu.memref_squeeze %dma_start3A_26 : memref<1x1x1x64xi32, #tpu.memory_space<hbm>> -> memref<64xi32, #tpu.memory_space<hbm>>
    tpu.enqueue_dma source(%dma_start3A_27 : memref<64xi32, #tpu.memory_space<hbm>>) target(%arg9 : memref<64xi32, #tpu.memory_space<vmem>>) target_semaphore(%arg15 : memref<!tpu.dma_semaphore, #tpu.memory_space<semaphore_mem>>)
    %scan3A = arith.constant 0 : i32
    %scan3A_28 = arith.constant 0 : i32
    %scan3A_29 = arith.constant 80 : i32
    %scan3A_30 = arith.addi %scan3A_28, %scan3A_29 : i32
    %scan3A_31 = arith.constant 1 : i32
    scf.for %scan3A_34 = %scan3A_28 to %scan3A_30 step %scan3A_31  : i32 {
      %mul3A_35 = arith.constant 4 : i32
      %mul3A_36 = arith.muli %scan3A_34, %mul3A_35 : i32
      %add3A = arith.constant 0 : i32
      %add3A_37 = arith.addi %mul3A_36, %add3A : i32
      %dma_wait3A = arith.constant 0 : i32
      %dma_wait3A_38 = tpu.memref_slice %arg2[%arg0, %arg1, %add3A_37, %dma_wait3A] : memref<2x16x320x64xi32, #tpu.memory_space<hbm>> -> memref<1x1x1x64xi32, #tpu.memory_space<hbm>>
      %dma_wait3A_39 = tpu.memref_squeeze %dma_wait3A_38 : memref<1x1x1x64xi32, #tpu.memory_space<hbm>> -> memref<64xi32, #tpu.memory_space<hbm>>
      %dma_wait3A_40 = arith.constant 0 : i32
      %dma_wait3A_41 = tpu.memref_slice %arg2[%arg0, %arg1, %add3A_37, %dma_wait3A_40] : memref<2x16x320x64xi32, #tpu.memory_space<hbm>> -> memref<1x1x1x64xi32, #tpu.memory_space<hbm>>
      %dma_wait3A_42 = tpu.memref_squeeze %dma_wait3A_41 : memref<1x1x1x64xi32, #tpu.memory_space<hbm>> -> memref<64xi32, #tpu.memory_space<hbm>>
      tpu.wait_dma2 semaphore(%arg12 : memref<!tpu.dma_semaphore, #tpu.memory_space<semaphore_mem>>) src(%dma_wait3A_42 : memref<64xi32, #tpu.memory_space<hbm>>) dst(%arg6 : memref<64xi32, #tpu.memory_space<vmem>>)
      "tpu.region"() ({
        %run_scoped3A = tpu.sem_alloc : memref<!tpu.dma_semaphore, #tpu.memory_space<semaphore_mem>>
        %dma_start3A_100 = arith.constant 0 : i32
        %dma_start3A_101 = arith.constant 0 : i32
        %dma_start3A_102 = tpu.memref_slice %arg11[%dma_start3A_100, %dma_start3A_101] : memref<10112x128xf32, #tpu.memory_space<vmem_shared>> -> memref<10112x128xf32, #tpu.memory_space<vmem_shared>>
        tpu.enqueue_indirect_dma source(%arg10 : memref<64x128xf32, #tpu.memory_space<vmem>>) target(%dma_start3A_102 : memref<10112x128xf32, #tpu.memory_space<vmem_shared>>) offsets(%arg6 : memref<64xi32, #tpu.memory_space<vmem>>) semaphore(%run_scoped3A : memref<!tpu.dma_semaphore, #tpu.memory_space<semaphore_mem>>) {add = true}
        %dma_wait3A_103 = arith.constant 0 : i32
        %dma_wait3A_104 = arith.constant 0 : i32
        %dma_wait3A_105 = tpu.memref_slice %arg11[%dma_wait3A_103, %dma_wait3A_104] : memref<10112x128xf32, #tpu.memory_space<vmem_shared>> -> memref<10112x128xf32, #tpu.memory_space<vmem_shared>>
        tpu.wait_indirect_dma semaphore(%run_scoped3A : memref<!tpu.dma_semaphore, #tpu.memory_space<semaphore_mem>>) src(%arg10 : memref<64x128xf32, #tpu.memory_space<vmem>>) dst(%dma_wait3A_105 : memref<10112x128xf32, #tpu.memory_space<vmem_shared>>)
        tpu.yield
      }) : () -> ()
      %add3A_43 = arith.constant 0 : i32
      %add3A_44 = arith.addi %mul3A_36, %add3A_43 : i32
      %add3A_45 = arith.constant 4 : i32
      %add3A_46 = arith.addi %add3A_44, %add3A_45 : i32
      %lt3A = arith.constant 320 : i32
      %lt3A_47 = arith.cmpi slt, %add3A_46, %lt3A : i32
      %convert_element_type3A = arith.extui %lt3A_47 : i1 to i32
      %cond3A = arith.constant 0 : i32
      %cond3A_48 = arith.cmpi ne, %convert_element_type3A, %cond3A : i32
      scf.if %cond3A_48 {
        %add3A_100 = arith.constant 0 : i32
        %add3A_101 = arith.addi %mul3A_36, %add3A_100 : i32
        %add3A_102 = arith.constant 4 : i32
        %add3A_103 = arith.addi %add3A_101, %add3A_102 : i32
        %dma_start3A_104 = arith.constant 0 : i32
        %dma_start3A_105 = tpu.memref_slice %arg2[%arg0, %arg1, %add3A_103, %dma_start3A_104] : memref<2x16x320x64xi32, #tpu.memory_space<hbm>> -> memref<1x1x1x64xi32, #tpu.memory_space<hbm>>
        %dma_start3A_106 = tpu.memref_squeeze %dma_start3A_105 : memref<1x1x1x64xi32, #tpu.memory_space<hbm>> -> memref<64xi32, #tpu.memory_space<hbm>>
        %dma_start3A_107 = arith.constant 0 : i32
        %dma_start3A_108 = tpu.memref_slice %arg2[%arg0, %arg1, %add3A_103, %dma_start3A_107] : memref<2x16x320x64xi32, #tpu.memory_space<hbm>> -> memref<1x1x1x64xi32, #tpu.memory_space<hbm>>
        %dma_start3A_109 = tpu.memref_squeeze %dma_start3A_108 : memref<1x1x1x64xi32, #tpu.memory_space<hbm>> -> memref<64xi32, #tpu.memory_space<hbm>>
        tpu.enqueue_dma source(%dma_start3A_109 : memref<64xi32, #tpu.memory_space<hbm>>) target(%arg6 : memref<64xi32, #tpu.memory_space<vmem>>) target_semaphore(%arg12 : memref<!tpu.dma_semaphore, #tpu.memory_space<semaphore_mem>>)
      } else {
      }
      %add3A_49 = arith.constant 1 : i32
      %add3A_50 = arith.addi %mul3A_36, %add3A_49 : i32
      %dma_wait3A_51 = arith.constant 0 : i32
      %dma_wait3A_52 = tpu.memref_slice %arg2[%arg0, %arg1, %add3A_50, %dma_wait3A_51] : memref<2x16x320x64xi32, #tpu.memory_space<hbm>> -> memref<1x1x1x64xi32, #tpu.memory_space<hbm>>
      %dma_wait3A_53 = tpu.memref_squeeze %dma_wait3A_52 : memref<1x1x1x64xi32, #tpu.memory_space<hbm>> -> memref<64xi32, #tpu.memory_space<hbm>>
      %dma_wait3A_54 = arith.constant 0 : i32
      %dma_wait3A_55 = tpu.memref_slice %arg2[%arg0, %arg1, %add3A_50, %dma_wait3A_54] : memref<2x16x320x64xi32, #tpu.memory_space<hbm>> -> memref<1x1x1x64xi32, #tpu.memory_space<hbm>>
      %dma_wait3A_56 = tpu.memref_squeeze %dma_wait3A_55 : memref<1x1x1x64xi32, #tpu.memory_space<hbm>> -> memref<64xi32, #tpu.memory_space<hbm>>
      tpu.wait_dma2 semaphore(%arg13 : memref<!tpu.dma_semaphore, #tpu.memory_space<semaphore_mem>>) src(%dma_wait3A_56 : memref<64xi32, #tpu.memory_space<hbm>>) dst(%arg7 : memref<64xi32, #tpu.memory_space<vmem>>)
      "tpu.region"() ({
        %run_scoped3A = tpu.sem_alloc : memref<!tpu.dma_semaphore, #tpu.memory_space<semaphore_mem>>
        %dma_start3A_100 = arith.constant 0 : i32
        %dma_start3A_101 = arith.constant 0 : i32
        %dma_start3A_102 = tpu.memref_slice %arg11[%dma_start3A_100, %dma_start3A_101] : memref<10112x128xf32, #tpu.memory_space<vmem_shared>> -> memref<10112x128xf32, #tpu.memory_space<vmem_shared>>
        tpu.enqueue_indirect_dma source(%arg10 : memref<64x128xf32, #tpu.memory_space<vmem>>) target(%dma_start3A_102 : memref<10112x128xf32, #tpu.memory_space<vmem_shared>>) offsets(%arg7 : memref<64xi32, #tpu.memory_space<vmem>>) semaphore(%run_scoped3A : memref<!tpu.dma_semaphore, #tpu.memory_space<semaphore_mem>>) {add = true}
        %dma_wait3A_103 = arith.constant 0 : i32
        %dma_wait3A_104 = arith.constant 0 : i32
        %dma_wait3A_105 = tpu.memref_slice %arg11[%dma_wait3A_103, %dma_wait3A_104] : memref<10112x128xf32, #tpu.memory_space<vmem_shared>> -> memref<10112x128xf32, #tpu.memory_space<vmem_shared>>
        tpu.wait_indirect_dma semaphore(%run_scoped3A : memref<!tpu.dma_semaphore, #tpu.memory_space<semaphore_mem>>) src(%arg10 : memref<64x128xf32, #tpu.memory_space<vmem>>) dst(%dma_wait3A_105 : memref<10112x128xf32, #tpu.memory_space<vmem_shared>>)
        tpu.yield
      }) : () -> ()
      %add3A_57 = arith.constant 1 : i32
      %add3A_58 = arith.addi %mul3A_36, %add3A_57 : i32
      %add3A_59 = arith.constant 4 : i32
      %add3A_60 = arith.addi %add3A_58, %add3A_59 : i32
      %lt3A_61 = arith.constant 320 : i32
      %lt3A_62 = arith.cmpi slt, %add3A_60, %lt3A_61 : i32
      %convert_element_type3A_63 = arith.extui %lt3A_62 : i1 to i32
      %cond3A_64 = arith.constant 0 : i32
      %cond3A_65 = arith.cmpi ne, %convert_element_type3A_63, %cond3A_64 : i32
      scf.if %cond3A_65 {
        %add3A_100 = arith.constant 1 : i32
        %add3A_101 = arith.addi %mul3A_36, %add3A_100 : i32
        %add3A_102 = arith.constant 4 : i32
        %add3A_103 = arith.addi %add3A_101, %add3A_102 : i32
        %dma_start3A_104 = arith.constant 0 : i32
        %dma_start3A_105 = tpu.memref_slice %arg2[%arg0, %arg1, %add3A_103, %dma_start3A_104] : memref<2x16x320x64xi32, #tpu.memory_space<hbm>> -> memref<1x1x1x64xi32, #tpu.memory_space<hbm>>
        %dma_start3A_106 = tpu.memref_squeeze %dma_start3A_105 : memref<1x1x1x64xi32, #tpu.memory_space<hbm>> -> memref<64xi32, #tpu.memory_space<hbm>>
        %dma_start3A_107 = arith.constant 0 : i32
        %dma_start3A_108 = tpu.memref_slice %arg2[%arg0, %arg1, %add3A_103, %dma_start3A_107] : memref<2x16x320x64xi32, #tpu.memory_space<hbm>> -> memref<1x1x1x64xi32, #tpu.memory_space<hbm>>
        %dma_start3A_109 = tpu.memref_squeeze %dma_start3A_108 : memref<1x1x1x64xi32, #tpu.memory_space<hbm>> -> memref<64xi32, #tpu.memory_space<hbm>>
        tpu.enqueue_dma source(%dma_start3A_109 : memref<64xi32, #tpu.memory_space<hbm>>) target(%arg7 : memref<64xi32, #tpu.memory_space<vmem>>) target_semaphore(%arg13 : memref<!tpu.dma_semaphore, #tpu.memory_space<semaphore_mem>>)
      } else {
      }
      %add3A_66 = arith.constant 2 : i32
      %add3A_67 = arith.addi %mul3A_36, %add3A_66 : i32
      %dma_wait3A_68 = arith.constant 0 : i32
      %dma_wait3A_69 = tpu.memref_slice %arg2[%arg0, %arg1, %add3A_67, %dma_wait3A_68] : memref<2x16x320x64xi32, #tpu.memory_space<hbm>> -> memref<1x1x1x64xi32, #tpu.memory_space<hbm>>
      %dma_wait3A_70 = tpu.memref_squeeze %dma_wait3A_69 : memref<1x1x1x64xi32, #tpu.memory_space<hbm>> -> memref<64xi32, #tpu.memory_space<hbm>>
      %dma_wait3A_71 = arith.constant 0 : i32
      %dma_wait3A_72 = tpu.memref_slice %arg2[%arg0, %arg1, %add3A_67, %dma_wait3A_71] : memref<2x16x320x64xi32, #tpu.memory_space<hbm>> -> memref<1x1x1x64xi32, #tpu.memory_space<hbm>>
      %dma_wait3A_73 = tpu.memref_squeeze %dma_wait3A_72 : memref<1x1x1x64xi32, #tpu.memory_space<hbm>> -> memref<64xi32, #tpu.memory_space<hbm>>
      tpu.wait_dma2 semaphore(%arg14 : memref<!tpu.dma_semaphore, #tpu.memory_space<semaphore_mem>>) src(%dma_wait3A_73 : memref<64xi32, #tpu.memory_space<hbm>>) dst(%arg8 : memref<64xi32, #tpu.memory_space<vmem>>)
      "tpu.region"() ({
        %run_scoped3A = tpu.sem_alloc : memref<!tpu.dma_semaphore, #tpu.memory_space<semaphore_mem>>
        %dma_start3A_100 = arith.constant 0 : i32
        %dma_start3A_101 = arith.constant 0 : i32
        %dma_start3A_102 = tpu.memref_slice %arg11[%dma_start3A_100, %dma_start3A_101] : memref<10112x128xf32, #tpu.memory_space<vmem_shared>> -> memref<10112x128xf32, #tpu.memory_space<vmem_shared>>
        tpu.enqueue_indirect_dma source(%arg10 : memref<64x128xf32, #tpu.memory_space<vmem>>) target(%dma_start3A_102 : memref<10112x128xf32, #tpu.memory_space<vmem_shared>>) offsets(%arg8 : memref<64xi32, #tpu.memory_space<vmem>>) semaphore(%run_scoped3A : memref<!tpu.dma_semaphore, #tpu.memory_space<semaphore_mem>>) {add = true}
        %dma_wait3A_103 = arith.constant 0 : i32
        %dma_wait3A_104 = arith.constant 0 : i32
        %dma_wait3A_105 = tpu.memref_slice %arg11[%dma_wait3A_103, %dma_wait3A_104] : memref<10112x128xf32, #tpu.memory_space<vmem_shared>> -> memref<10112x128xf32, #tpu.memory_space<vmem_shared>>
        tpu.wait_indirect_dma semaphore(%run_scoped3A : memref<!tpu.dma_semaphore, #tpu.memory_space<semaphore_mem>>) src(%arg10 : memref<64x128xf32, #tpu.memory_space<vmem>>) dst(%dma_wait3A_105 : memref<10112x128xf32, #tpu.memory_space<vmem_shared>>)
        tpu.yield
      }) : () -> ()
      %add3A_74 = arith.constant 2 : i32
      %add3A_75 = arith.addi %mul3A_36, %add3A_74 : i32
      %add3A_76 = arith.constant 4 : i32
      %add3A_77 = arith.addi %add3A_75, %add3A_76 : i32
      %lt3A_78 = arith.constant 320 : i32
      %lt3A_79 = arith.cmpi slt, %add3A_77, %lt3A_78 : i32
      %convert_element_type3A_80 = arith.extui %lt3A_79 : i1 to i32
      %cond3A_81 = arith.constant 0 : i32
      %cond3A_82 = arith.cmpi ne, %convert_element_type3A_80, %cond3A_81 : i32
      scf.if %cond3A_82 {
        %add3A_100 = arith.constant 2 : i32
        %add3A_101 = arith.addi %mul3A_36, %add3A_100 : i32
        %add3A_102 = arith.constant 4 : i32
        %add3A_103 = arith.addi %add3A_101, %add3A_102 : i32
        %dma_start3A_104 = arith.constant 0 : i32
        %dma_start3A_105 = tpu.memref_slice %arg2[%arg0, %arg1, %add3A_103, %dma_start3A_104] : memref<2x16x320x64xi32, #tpu.memory_space<hbm>> -> memref<1x1x1x64xi32, #tpu.memory_space<hbm>>
        %dma_start3A_106 = tpu.memref_squeeze %dma_start3A_105 : memref<1x1x1x64xi32, #tpu.memory_space<hbm>> -> memref<64xi32, #tpu.memory_space<hbm>>
        %dma_start3A_107 = arith.constant 0 : i32
        %dma_start3A_108 = tpu.memref_slice %arg2[%arg0, %arg1, %add3A_103, %dma_start3A_107] : memref<2x16x320x64xi32, #tpu.memory_space<hbm>> -> memref<1x1x1x64xi32, #tpu.memory_space<hbm>>
        %dma_start3A_109 = tpu.memref_squeeze %dma_start3A_108 : memref<1x1x1x64xi32, #tpu.memory_space<hbm>> -> memref<64xi32, #tpu.memory_space<hbm>>
        tpu.enqueue_dma source(%dma_start3A_109 : memref<64xi32, #tpu.memory_space<hbm>>) target(%arg8 : memref<64xi32, #tpu.memory_space<vmem>>) target_semaphore(%arg14 : memref<!tpu.dma_semaphore, #tpu.memory_space<semaphore_mem>>)
      } else {
      }
      %add3A_83 = arith.constant 3 : i32
      %add3A_84 = arith.addi %mul3A_36, %add3A_83 : i32
      %dma_wait3A_85 = arith.constant 0 : i32
      %dma_wait3A_86 = tpu.memref_slice %arg2[%arg0, %arg1, %add3A_84, %dma_wait3A_85] : memref<2x16x320x64xi32, #tpu.memory_space<hbm>> -> memref<1x1x1x64xi32, #tpu.memory_space<hbm>>
      %dma_wait3A_87 = tpu.memref_squeeze %dma_wait3A_86 : memref<1x1x1x64xi32, #tpu.memory_space<hbm>> -> memref<64xi32, #tpu.memory_space<hbm>>
      %dma_wait3A_88 = arith.constant 0 : i32
      %dma_wait3A_89 = tpu.memref_slice %arg2[%arg0, %arg1, %add3A_84, %dma_wait3A_88] : memref<2x16x320x64xi32, #tpu.memory_space<hbm>> -> memref<1x1x1x64xi32, #tpu.memory_space<hbm>>
      %dma_wait3A_90 = tpu.memref_squeeze %dma_wait3A_89 : memref<1x1x1x64xi32, #tpu.memory_space<hbm>> -> memref<64xi32, #tpu.memory_space<hbm>>
      tpu.wait_dma2 semaphore(%arg15 : memref<!tpu.dma_semaphore, #tpu.memory_space<semaphore_mem>>) src(%dma_wait3A_90 : memref<64xi32, #tpu.memory_space<hbm>>) dst(%arg9 : memref<64xi32, #tpu.memory_space<vmem>>)
      "tpu.region"() ({
        %run_scoped3A = tpu.sem_alloc : memref<!tpu.dma_semaphore, #tpu.memory_space<semaphore_mem>>
        %dma_start3A_100 = arith.constant 0 : i32
        %dma_start3A_101 = arith.constant 0 : i32
        %dma_start3A_102 = tpu.memref_slice %arg11[%dma_start3A_100, %dma_start3A_101] : memref<10112x128xf32, #tpu.memory_space<vmem_shared>> -> memref<10112x128xf32, #tpu.memory_space<vmem_shared>>
        tpu.enqueue_indirect_dma source(%arg10 : memref<64x128xf32, #tpu.memory_space<vmem>>) target(%dma_start3A_102 : memref<10112x128xf32, #tpu.memory_space<vmem_shared>>) offsets(%arg9 : memref<64xi32, #tpu.memory_space<vmem>>) semaphore(%run_scoped3A : memref<!tpu.dma_semaphore, #tpu.memory_space<semaphore_mem>>) {add = true}
        %dma_wait3A_103 = arith.constant 0 : i32
        %dma_wait3A_104 = arith.constant 0 : i32
        %dma_wait3A_105 = tpu.memref_slice %arg11[%dma_wait3A_103, %dma_wait3A_104] : memref<10112x128xf32, #tpu.memory_space<vmem_shared>> -> memref<10112x128xf32, #tpu.memory_space<vmem_shared>>
        tpu.wait_indirect_dma semaphore(%run_scoped3A : memref<!tpu.dma_semaphore, #tpu.memory_space<semaphore_mem>>) src(%arg10 : memref<64x128xf32, #tpu.memory_space<vmem>>) dst(%dma_wait3A_105 : memref<10112x128xf32, #tpu.memory_space<vmem_shared>>)
        tpu.yield
      }) : () -> ()
      %add3A_91 = arith.constant 3 : i32
      %add3A_92 = arith.addi %mul3A_36, %add3A_91 : i32
      %add3A_93 = arith.constant 4 : i32
      %add3A_94 = arith.addi %add3A_92, %add3A_93 : i32
      %lt3A_95 = arith.constant 320 : i32
      %lt3A_96 = arith.cmpi slt, %add3A_94, %lt3A_95 : i32
      %convert_element_type3A_97 = arith.extui %lt3A_96 : i1 to i32
      %cond3A_98 = arith.constant 0 : i32
      %cond3A_99 = arith.cmpi ne, %convert_element_type3A_97, %cond3A_98 : i32
      scf.if %cond3A_99 {
        %add3A_100 = arith.constant 3 : i32
        %add3A_101 = arith.addi %mul3A_36, %add3A_100 : i32
        %add3A_102 = arith.constant 4 : i32
        %add3A_103 = arith.addi %add3A_101, %add3A_102 : i32
        %dma_start3A_104 = arith.constant 0 : i32
        %dma_start3A_105 = tpu.memref_slice %arg2[%arg0, %arg1, %add3A_103, %dma_start3A_104] : memref<2x16x320x64xi32, #tpu.memory_space<hbm>> -> memref<1x1x1x64xi32, #tpu.memory_space<hbm>>
        %dma_start3A_106 = tpu.memref_squeeze %dma_start3A_105 : memref<1x1x1x64xi32, #tpu.memory_space<hbm>> -> memref<64xi32, #tpu.memory_space<hbm>>
        %dma_start3A_107 = arith.constant 0 : i32
        %dma_start3A_108 = tpu.memref_slice %arg2[%arg0, %arg1, %add3A_103, %dma_start3A_107] : memref<2x16x320x64xi32, #tpu.memory_space<hbm>> -> memref<1x1x1x64xi32, #tpu.memory_space<hbm>>
        %dma_start3A_109 = tpu.memref_squeeze %dma_start3A_108 : memref<1x1x1x64xi32, #tpu.memory_space<hbm>> -> memref<64xi32, #tpu.memory_space<hbm>>
        tpu.enqueue_dma source(%dma_start3A_109 : memref<64xi32, #tpu.memory_space<hbm>>) target(%arg9 : memref<64xi32, #tpu.memory_space<vmem>>) target_semaphore(%arg15 : memref<!tpu.dma_semaphore, #tpu.memory_space<semaphore_mem>>)
      } else {
      }
    }
    %scan3A_32 = arith.constant 80 : i32
    %barrier3A_33 = arith.constant 0 : index
    tpu.barrier barrier_id(%barrier3A_33)
    "tpu.region"() ({
      %run_scoped3A = tpu.sem_alloc : memref<!tpu.dma_semaphore, #tpu.memory_space<semaphore_mem>>
      %dma_start3A_34 = arith.constant 0 : i32
      %dma_start3A_35 = tpu.memref_slice %arg5[%arg0, %mul3A_0, %dma_start3A_34] : memref<2x10112x128xf32, #tpu.memory_space<hbm>> -> memref<1x632x128xf32, #tpu.memory_space<hbm>>
      %dma_start3A_36 = tpu.memref_squeeze %dma_start3A_35 : memref<1x632x128xf32, #tpu.memory_space<hbm>> -> memref<632x128xf32, #tpu.memory_space<hbm>>
      %dma_start3A_37 = arith.constant 0 : i32
      %dma_start3A_38 = tpu.memref_slice %arg11[%mul3A_0, %dma_start3A_37] : memref<10112x128xf32, #tpu.memory_space<vmem_shared>> -> memref<632x128xf32, #tpu.memory_space<vmem_shared>>
      tpu.enqueue_dma source(%dma_start3A_38 : memref<632x128xf32, #tpu.memory_space<vmem_shared>>) target(%dma_start3A_36 : memref<632x128xf32, #tpu.memory_space<hbm>>) target_semaphore(%run_scoped3A : memref<!tpu.dma_semaphore, #tpu.memory_space<semaphore_mem>>)
      %dma_wait3A = arith.constant 0 : i32
      %dma_wait3A_39 = tpu.memref_slice %arg5[%arg0, %mul3A_0, %dma_wait3A] : memref<2x10112x128xf32, #tpu.memory_space<hbm>> -> memref<1x632x128xf32, #tpu.memory_space<hbm>>
      %dma_wait3A_40 = tpu.memref_squeeze %dma_wait3A_39 : memref<1x632x128xf32, #tpu.memory_space<hbm>> -> memref<632x128xf32, #tpu.memory_space<hbm>>
      %dma_wait3A_41 = arith.constant 0 : i32
      %dma_wait3A_42 = tpu.memref_slice %arg11[%mul3A_0, %dma_wait3A_41] : memref<10112x128xf32, #tpu.memory_space<vmem_shared>> -> memref<632x128xf32, #tpu.memory_space<vmem_shared>>
      tpu.wait_dma2 semaphore(%run_scoped3A : memref<!tpu.dma_semaphore, #tpu.memory_space<semaphore_mem>>) src(%dma_wait3A_42 : memref<632x128xf32, #tpu.memory_space<vmem_shared>>) dst(%dma_wait3A_40 : memref<632x128xf32, #tpu.memory_space<hbm>>)
      tpu.yield
    }) : () -> ()
    return
  }
}

module attributes {stable_mosaic.version = 14 : i64} {
  func.func @_tc_update_body(%arg0: i32, %arg1: memref<1x1000x128xf32, #tpu.memory_space<vmem>>, %arg2: memref<1x1000x128xf32, #tpu.memory_space<vmem>>, %arg3: memref<1000x128xf32, #tpu.memory_space<vmem>>, %arg4: memref<256x128xf32, #tpu.memory_space<vmem>>, %arg5: memref<1x128xf32, #tpu.memory_space<vmem>>, %arg6: memref<1000x128xf32, #tpu.memory_space<vmem>>) attributes {dimension_semantics = [#tpu.dimension_semantics<arbitrary>], iteration_bounds = array<i64: 10>, scalar_prefetch = 0 : i64, scratch_operands = 0 : i64, tpu.core_type = #tpu.core_type<tc>, window_params = [{transform_indices = @transform_0, window_bounds = array<i64: 1, 1000, 128>}, {transform_indices = @transform_1, window_bounds = array<i64: 1, 1000, 128>}, {transform_indices = @transform_2, window_bounds = array<i64: 1000, 128>}, {pipeline_mode = #tpu.pipeline_mode<synchronous>, transform_indices = @transform_3, window_bounds = array<i64: 256, 128>}, {pipeline_mode = #tpu.pipeline_mode<synchronous>, transform_indices = @transform_4, window_bounds = array<i64: 1, 128>}, {transform_indices = @transform_5, window_bounds = array<i64: 1000, 128>}]} {
    %get3A = arith.constant 0 : index
    %get3A_0 = arith.constant 0 : index
    %get3A_1 = arith.constant 0 : index
    %get3A_2 = vector.load %arg2[%get3A, %get3A_0, %get3A_1] : memref<1x1000x128xf32, #tpu.memory_space<vmem>>, vector<1x1000x1xf32>
    %get3A_3 = vector.shape_cast %get3A_2 : vector<1x1000x1xf32> to vector<1000x1xf32>
    %max3A = arith.constant 1.000000e+00 : f32
    %max3A_4 = vector.broadcast %max3A : f32 to vector<1000x1xf32>
    %max3A_5 = arith.maximumf %get3A_3, %max3A_4 : vector<1000x1xf32>
    %div3A = arith.constant 1.000000e+00 : f32
    %div3A_6 = vector.broadcast %div3A : f32 to vector<1000x1xf32>
    %div3A_7 = arith.divf %div3A_6, %max3A_5 : vector<1000x1xf32>
    %get3A_8 = arith.constant 0 : index
    %get3A_9 = arith.constant 0 : index
    %get3A_10 = arith.constant 0 : index
    %get3A_11 = vector.load %arg1[%get3A_8, %get3A_9, %get3A_10] : memref<1x1000x128xf32, #tpu.memory_space<vmem>>, vector<1x1000x128xf32>
    %get3A_12 = vector.shape_cast %get3A_11 : vector<1x1000x128xf32> to vector<1000x128xf32>
    %mul3A = vector.broadcast %div3A_7 : vector<1000x1xf32> to vector<1000x128xf32>
    %mul3A_13 = arith.mulf %get3A_12, %mul3A : vector<1000x128xf32>
    %get3A_14 = arith.constant 0 : index
    %get3A_15 = arith.constant 0 : index
    %get3A_16 = vector.load %arg3[%get3A_14, %get3A_15] : memref<1000x128xf32, #tpu.memory_space<vmem>>, vector<1000x128xf32>
    %concatenate3A = tpu.concatenate %mul3A_13, %get3A_16 in 1 : vector<1000x128xf32>, vector<1000x128xf32> -> vector<1000x256xf32>
    %get3A_17 = arith.constant 0 : index
    %get3A_18 = arith.constant 0 : index
    %get3A_19 = vector.load %arg4[%get3A_17, %get3A_18] : memref<256x128xf32, #tpu.memory_space<vmem>>, vector<256x128xf32>
    %dot_general3A = arith.constant dense<0.000000e+00> : vector<1000x128xf32>
    %dot_general3A_20 = tpu.matmul %concatenate3A, %get3A_19, %dot_general3A {dimension_numbers = #tpu.dot_dimension_numbers<[1], [0], [0], [1], [0, 0, 1, 1], [], []>, transpose_lhs_hint = false} : vector<1000x256xf32>, vector<256x128xf32>, vector<1000x128xf32> -> vector<1000x128xf32>
    %get3A_21 = arith.constant 0 : index
    %get3A_22 = arith.constant 0 : index
    %get3A_23 = vector.load %arg5[%get3A_21, %get3A_22] : memref<1x128xf32, #tpu.memory_space<vmem>>, vector<1x128xf32>
    %add3A = vector.broadcast %get3A_23 : vector<1x128xf32> to vector<1000x128xf32>
    %add3A_24 = arith.addf %dot_general3A_20, %add3A : vector<1000x128xf32>
    %max3A_25 = arith.constant 0.000000e+00 : f32
    %max3A_26 = vector.broadcast %max3A_25 : f32 to vector<1000x128xf32>
    %max3A_27 = arith.maximumf %add3A_24, %max3A_26 : vector<1000x128xf32>
    %swap3A = arith.constant 0 : index
    %swap3A_28 = arith.constant 0 : index
    %swap3A_29 = vector.load %arg6[%swap3A, %swap3A_28] : memref<1000x128xf32, #tpu.memory_space<vmem>>, vector<1000x128xf32>
    tpu.vector_store %arg6[%swap3A, %swap3A_28], %max3A_27 {strides = array<i32>} : memref<1000x128xf32, #tpu.memory_space<vmem>>, vector<1000x128xf32>,
    return
  }
  func.func @transform_0(%arg0: i32) -> (i32, i32, i32) {
    %c1_i32 = arith.constant 1 : i32
    %c0_i32 = arith.constant 0 : i32
    %c0_i32_0 = arith.constant 0 : i32
    return %c1_i32, %arg0, %c0_i32 : i32, i32, i32
  }
  func.func @transform_1(%arg0: i32) -> (i32, i32, i32) {
    %c1_i32 = arith.constant 1 : i32
    %c0_i32 = arith.constant 0 : i32
    %c0_i32_0 = arith.constant 0 : i32
    return %c1_i32, %arg0, %c0_i32 : i32, i32, i32
  }
  func.func @transform_2(%arg0: i32) -> (i32, i32) {
    %c0_i32 = arith.constant 0 : i32
    %c0_i32_0 = arith.constant 0 : i32
    return %arg0, %c0_i32 : i32, i32
  }
  func.func @transform_3(%arg0: i32) -> (i32, i32) {
    %c0_i32 = arith.constant 0 : i32
    %c0_i32_0 = arith.constant 0 : i32
    %c0_i32_1 = arith.constant 0 : i32
    return %c0_i32, %c0_i32_0 : i32, i32
  }
  func.func @transform_4(%arg0: i32) -> (i32, i32) {
    %c0_i32 = arith.constant 0 : i32
    %c0_i32_0 = arith.constant 0 : i32
    %c0_i32_1 = arith.constant 0 : i32
    return %c0_i32, %c0_i32_0 : i32, i32
  }
  func.func @transform_5(%arg0: i32) -> (i32, i32) {
    %c0_i32 = arith.constant 0 : i32
    %c0_i32_0 = arith.constant 0 : i32
    return %arg0, %c0_i32 : i32, i32
  }
}

module attributes {stable_mosaic.version = 14 : i64} {
  func.func @_tc_update_body(%arg0: i32, %arg1: memref<1x1000x128xf32, #tpu.memory_space<vmem>>, %arg2: memref<1x1000x128xf32, #tpu.memory_space<vmem>>, %arg3: memref<1000x128xf32, #tpu.memory_space<vmem>>, %arg4: memref<256x128xf32, #tpu.memory_space<vmem>>, %arg5: memref<1x128xf32, #tpu.memory_space<vmem>>, %arg6: memref<1000x128xf32, #tpu.memory_space<vmem>>) attributes {dimension_semantics = [#tpu.dimension_semantics<arbitrary>], iteration_bounds = array<i64: 10>, scalar_prefetch = 0 : i64, scratch_operands = 0 : i64, tpu.core_type = #tpu.core_type<tc>, window_params = [{transform_indices = @transform_0, window_bounds = array<i64: 1, 1000, 128>}, {transform_indices = @transform_1, window_bounds = array<i64: 1, 1000, 128>}, {transform_indices = @transform_2, window_bounds = array<i64: 1000, 128>}, {pipeline_mode = #tpu.pipeline_mode<synchronous>, transform_indices = @transform_3, window_bounds = array<i64: 256, 128>}, {pipeline_mode = #tpu.pipeline_mode<synchronous>, transform_indices = @transform_4, window_bounds = array<i64: 1, 128>}, {transform_indices = @transform_5, window_bounds = array<i64: 1000, 128>}]} {
    %get3A = arith.constant 0 : index
    %get3A_0 = arith.constant 0 : index
    %get3A_1 = arith.constant 0 : index
    %get3A_2 = vector.load %arg2[%get3A, %get3A_0, %get3A_1] : memref<1x1000x128xf32, #tpu.memory_space<vmem>>, vector<1x1000x1xf32>
    %get3A_3 = vector.shape_cast %get3A_2 : vector<1x1000x1xf32> to vector<1000x1xf32>
    %max3A = arith.constant 1.000000e+00 : f32
    %max3A_4 = vector.broadcast %max3A : f32 to vector<1000x1xf32>
    %max3A_5 = arith.maximumf %get3A_3, %max3A_4 : vector<1000x1xf32>
    %div3A = arith.constant 1.000000e+00 : f32
    %div3A_6 = vector.broadcast %div3A : f32 to vector<1000x1xf32>
    %div3A_7 = arith.divf %div3A_6, %max3A_5 : vector<1000x1xf32>
    %get3A_8 = arith.constant 0 : index
    %get3A_9 = arith.constant 0 : index
    %get3A_10 = arith.constant 0 : index
    %get3A_11 = vector.load %arg1[%get3A_8, %get3A_9, %get3A_10] : memref<1x1000x128xf32, #tpu.memory_space<vmem>>, vector<1x1000x128xf32>
    %get3A_12 = vector.shape_cast %get3A_11 : vector<1x1000x128xf32> to vector<1000x128xf32>
    %mul3A = vector.broadcast %div3A_7 : vector<1000x1xf32> to vector<1000x128xf32>
    %mul3A_13 = arith.mulf %get3A_12, %mul3A : vector<1000x128xf32>
    %get3A_14 = arith.constant 0 : index
    %get3A_15 = arith.constant 0 : index
    %get3A_16 = vector.load %arg3[%get3A_14, %get3A_15] : memref<1000x128xf32, #tpu.memory_space<vmem>>, vector<1000x128xf32>
    %concatenate3A = tpu.concatenate %mul3A_13, %get3A_16 in 1 : vector<1000x128xf32>, vector<1000x128xf32> -> vector<1000x256xf32>
    %get3A_17 = arith.constant 0 : index
    %get3A_18 = arith.constant 0 : index
    %get3A_19 = vector.load %arg4[%get3A_17, %get3A_18] : memref<256x128xf32, #tpu.memory_space<vmem>>, vector<256x128xf32>
    %dot_general3A = arith.constant dense<0.000000e+00> : vector<1000x128xf32>
    %dot_general3A_20 = tpu.matmul %concatenate3A, %get3A_19, %dot_general3A {dimension_numbers = #tpu.dot_dimension_numbers<[1], [0], [0], [1], [0, 0, 1, 1], [], []>, transpose_lhs_hint = false} : vector<1000x256xf32>, vector<256x128xf32>, vector<1000x128xf32> -> vector<1000x128xf32>
    %get3A_21 = arith.constant 0 : index
    %get3A_22 = arith.constant 0 : index
    %get3A_23 = vector.load %arg5[%get3A_21, %get3A_22] : memref<1x128xf32, #tpu.memory_space<vmem>>, vector<1x128xf32>
    %add3A = vector.broadcast %get3A_23 : vector<1x128xf32> to vector<1000x128xf32>
    %add3A_24 = arith.addf %dot_general3A_20, %add3A : vector<1000x128xf32>
    %max3A_25 = arith.constant 0.000000e+00 : f32
    %max3A_26 = vector.broadcast %max3A_25 : f32 to vector<1000x128xf32>
    %max3A_27 = arith.maximumf %add3A_24, %max3A_26 : vector<1000x128xf32>
    %swap3A = arith.constant 0 : index
    %swap3A_28 = arith.constant 0 : index
    %swap3A_29 = vector.load %arg6[%swap3A, %swap3A_28] : memref<1000x128xf32, #tpu.memory_space<vmem>>, vector<1000x128xf32>
    tpu.vector_store %arg6[%swap3A, %swap3A_28], %max3A_27 {strides = array<i32>} : memref<1000x128xf32, #tpu.memory_space<vmem>>, vector<1000x128xf32>,
    return
  }
  func.func @transform_0(%arg0: i32) -> (i32, i32, i32) {
    %c0_i32 = arith.constant 0 : i32
    %c0_i32_0 = arith.constant 0 : i32
    %c0_i32_1 = arith.constant 0 : i32
    return %c0_i32, %arg0, %c0_i32_0 : i32, i32, i32
  }
  func.func @transform_1(%arg0: i32) -> (i32, i32, i32) {
    %c0_i32 = arith.constant 0 : i32
    %c0_i32_0 = arith.constant 0 : i32
    %c0_i32_1 = arith.constant 0 : i32
    return %c0_i32, %arg0, %c0_i32_0 : i32, i32, i32
  }
  func.func @transform_2(%arg0: i32) -> (i32, i32) {
    %c0_i32 = arith.constant 0 : i32
    %c0_i32_0 = arith.constant 0 : i32
    return %arg0, %c0_i32 : i32, i32
  }
  func.func @transform_3(%arg0: i32) -> (i32, i32) {
    %c0_i32 = arith.constant 0 : i32
    %c0_i32_0 = arith.constant 0 : i32
    %c0_i32_1 = arith.constant 0 : i32
    return %c0_i32, %c0_i32_0 : i32, i32
  }
  func.func @transform_4(%arg0: i32) -> (i32, i32) {
    %c0_i32 = arith.constant 0 : i32
    %c0_i32_0 = arith.constant 0 : i32
    %c0_i32_1 = arith.constant 0 : i32
    return %c0_i32, %c0_i32_0 : i32, i32
  }
  func.func @transform_5(%arg0: i32) -> (i32, i32) {
    %c0_i32 = arith.constant 0 : i32
    %c0_i32_0 = arith.constant 0 : i32
    return %arg0, %c0_i32 : i32, i32
  }
}

module attributes {stable_mosaic.version = 14 : i64} {
  func.func @_tc_update2_body(%arg0: i32, %arg1: memref<2x1000x128xf32, #tpu.memory_space<vmem>>, %arg2: memref<1x1000x128xf32, #tpu.memory_space<vmem>>, %arg3: memref<1000x128xf32, #tpu.memory_space<vmem>>, %arg4: memref<256x128xf32, #tpu.memory_space<vmem>>, %arg5: memref<1x128xf32, #tpu.memory_space<vmem>>, %arg6: memref<1000x128xf32, #tpu.memory_space<vmem>>) attributes {dimension_semantics = [#tpu.dimension_semantics<arbitrary>], iteration_bounds = array<i64: 10>, scalar_prefetch = 0 : i64, scratch_operands = 0 : i64, tpu.core_type = #tpu.core_type<tc>, window_params = [{transform_indices = @transform_0, window_bounds = array<i64: 2, 1000, 128>}, {transform_indices = @transform_1, window_bounds = array<i64: 1, 1000, 128>}, {transform_indices = @transform_2, window_bounds = array<i64: 1000, 128>}, {pipeline_mode = #tpu.pipeline_mode<synchronous>, transform_indices = @transform_3, window_bounds = array<i64: 256, 128>}, {pipeline_mode = #tpu.pipeline_mode<synchronous>, transform_indices = @transform_4, window_bounds = array<i64: 1, 128>}, {transform_indices = @transform_5, window_bounds = array<i64: 1000, 128>}]} {
    %get3A = arith.constant 0 : index
    %get3A_0 = arith.constant 0 : index
    %get3A_1 = arith.constant 0 : index
    %get3A_2 = vector.load %arg2[%get3A, %get3A_0, %get3A_1] : memref<1x1000x128xf32, #tpu.memory_space<vmem>>, vector<1x1000x1xf32>
    %get3A_3 = vector.shape_cast %get3A_2 : vector<1x1000x1xf32> to vector<1000x1xf32>
    %max3A = arith.constant 1.000000e+00 : f32
    %max3A_4 = vector.broadcast %max3A : f32 to vector<1000x1xf32>
    %max3A_5 = arith.maximumf %get3A_3, %max3A_4 : vector<1000x1xf32>
    %div3A = arith.constant 1.000000e+00 : f32
    %div3A_6 = vector.broadcast %div3A : f32 to vector<1000x1xf32>
    %div3A_7 = arith.divf %div3A_6, %max3A_5 : vector<1000x1xf32>
    %get3A_8 = arith.constant 0 : index
    %get3A_9 = arith.constant 0 : index
    %get3A_10 = arith.constant 0 : index
    %get3A_11 = vector.load %arg1[%get3A_8, %get3A_9, %get3A_10] : memref<2x1000x128xf32, #tpu.memory_space<vmem>>, vector<1x1000x128xf32>
    %get3A_12 = vector.shape_cast %get3A_11 : vector<1x1000x128xf32> to vector<1000x128xf32>
    %get3A_13 = arith.constant 1 : index
    %get3A_14 = arith.constant 0 : index
    %get3A_15 = arith.constant 0 : index
    %get3A_16 = vector.load %arg1[%get3A_13, %get3A_14, %get3A_15] : memref<2x1000x128xf32, #tpu.memory_space<vmem>>, vector<1x1000x128xf32>
    %get3A_17 = vector.shape_cast %get3A_16 : vector<1x1000x128xf32> to vector<1000x128xf32>
    %add3A = arith.addf %get3A_12, %get3A_17 : vector<1000x128xf32>
    %mul3A = vector.broadcast %div3A_7 : vector<1000x1xf32> to vector<1000x128xf32>
    %mul3A_18 = arith.mulf %add3A, %mul3A : vector<1000x128xf32>
    %get3A_19 = arith.constant 0 : index
    %get3A_20 = arith.constant 0 : index
    %get3A_21 = vector.load %arg3[%get3A_19, %get3A_20] : memref<1000x128xf32, #tpu.memory_space<vmem>>, vector<1000x128xf32>
    %concatenate3A = tpu.concatenate %mul3A_18, %get3A_21 in 1 : vector<1000x128xf32>, vector<1000x128xf32> -> vector<1000x256xf32>
    %get3A_22 = arith.constant 0 : index
    %get3A_23 = arith.constant 0 : index
    %get3A_24 = vector.load %arg4[%get3A_22, %get3A_23] : memref<256x128xf32, #tpu.memory_space<vmem>>, vector<256x128xf32>
    %dot_general3A = arith.constant dense<0.000000e+00> : vector<1000x128xf32>
    %dot_general3A_25 = tpu.matmul %concatenate3A, %get3A_24, %dot_general3A {dimension_numbers = #tpu.dot_dimension_numbers<[1], [0], [0], [1], [0, 0, 1, 1], [], []>, transpose_lhs_hint = false} : vector<1000x256xf32>, vector<256x128xf32>, vector<1000x128xf32> -> vector<1000x128xf32>
    %get3A_26 = arith.constant 0 : index
    %get3A_27 = arith.constant 0 : index
    %get3A_28 = vector.load %arg5[%get3A_26, %get3A_27] : memref<1x128xf32, #tpu.memory_space<vmem>>, vector<1x128xf32>
    %add3A_29 = vector.broadcast %get3A_28 : vector<1x128xf32> to vector<1000x128xf32>
    %add3A_30 = arith.addf %dot_general3A_25, %add3A_29 : vector<1000x128xf32>
    %max3A_31 = arith.constant 0.000000e+00 : f32
    %max3A_32 = vector.broadcast %max3A_31 : f32 to vector<1000x128xf32>
    %max3A_33 = arith.maximumf %add3A_30, %max3A_32 : vector<1000x128xf32>
    %swap3A = arith.constant 0 : index
    %swap3A_34 = arith.constant 0 : index
    %swap3A_35 = vector.load %arg6[%swap3A, %swap3A_34] : memref<1000x128xf32, #tpu.memory_space<vmem>>, vector<1000x128xf32>
    tpu.vector_store %arg6[%swap3A, %swap3A_34], %max3A_33 {strides = array<i32>} : memref<1000x128xf32, #tpu.memory_space<vmem>>, vector<1000x128xf32>,
    return
  }
  func.func @transform_0(%arg0: i32) -> (i32, i32, i32) {
    %c0_i32 = arith.constant 0 : i32
    %c0_i32_0 = arith.constant 0 : i32
    %c0_i32_1 = arith.constant 0 : i32
    return %c0_i32, %arg0, %c0_i32_0 : i32, i32, i32
  }
  func.func @transform_1(%arg0: i32) -> (i32, i32, i32) {
    %c0_i32 = arith.constant 0 : i32
    %c0_i32_0 = arith.constant 0 : i32
    %c0_i32_1 = arith.constant 0 : i32
    return %c0_i32, %arg0, %c0_i32_0 : i32, i32, i32
  }
  func.func @transform_2(%arg0: i32) -> (i32, i32) {
    %c0_i32 = arith.constant 0 : i32
    %c0_i32_0 = arith.constant 0 : i32
    return %arg0, %c0_i32 : i32, i32
  }
  func.func @transform_3(%arg0: i32) -> (i32, i32) {
    %c0_i32 = arith.constant 0 : i32
    %c0_i32_0 = arith.constant 0 : i32
    %c0_i32_1 = arith.constant 0 : i32
    return %c0_i32, %c0_i32_0 : i32, i32
  }
  func.func @transform_4(%arg0: i32) -> (i32, i32) {
    %c0_i32 = arith.constant 0 : i32
    %c0_i32_0 = arith.constant 0 : i32
    %c0_i32_1 = arith.constant 0 : i32
    return %c0_i32, %c0_i32_0 : i32, i32
  }
  func.func @transform_5(%arg0: i32) -> (i32, i32) {
    %c0_i32 = arith.constant 0 : i32
    %c0_i32_0 = arith.constant 0 : i32
    return %arg0, %c0_i32 : i32, i32
  }
}

</mosaic_0001>

<sc_bundles>
// kernel: kernel.11.cloned.1.call-start
scs
__scs_entry_jumppad:
0x0: {  	(pc) =	sbr.rel $0x88, $3  }
0x1: {  	(tag) =	ssettag $0x0;
	lr =	simm.s32 $0x1  }
0x2: {  	[smem:$0x3F97] =	sst lr;
	_ =	strace $0xD0000000  }
0x3: {  	_ = 	snop  }
0x4: {  	_ = 	snop  }
0x5: {  	_ = 	snop  }
0x6: {  	_ = 	snop  }
0x7: {  	_ = 	snop  }
__scs_overlays_trampoline_lowered:
0x8: {  	[smem:$0x3FA6] =	sst s0  }
0x9: {  	[smem:$0x3FA7] =	sst s1  }
0xa: {  	[smem:$0x3FA8] =	sst s2  }
0xb: {  	[smem:$0x3FA9] =	sst s3  }
0xc: {  	[smem:$0x3FAA] =	sst s4  }
0xd: {  	[smem:$0x3FAB] =	sst s5  }
0xe: {  	[smem:$0x3FAC] =	sst s6  }
0xf: {  	[smem:$0x3FAD] =	sst s7  }
0x10: {  	[smem:$0x3FAE] =	sst s8  }
0x11: {  	[smem:$0x3FAF] =	sst s9;
	s0 =	simm.s32 @!p0 $0x0  }
0x12: {  	s1 =	sld [smem:$0x3F95];
	s0 =	simm.s32 @p0 $0x1  }
0x13: {  	[smem:$0x3FB0] =	sst s0;
	s0 =	simm.s32 @!p1 $0x0  }
0x14: {  	s2 =	sld [smem:$0x3F94];
	s0 =	simm.s32 @p1 $0x1  }
0x15: {  	[smem:$0x3FB1] =	sst s0;
	s0 =	simm.s32 @!p2 $0x0  }
0x16: {  	s3 =	sld [smem:$0x3FDB];
	s0 =	simm.s32 @p2 $0x1  }
0x17: {  	s4 =	simm.s32 $0x1BF5;
	[smem:$0x3FB3] =	sst s0  }
0x18: {  	s0 =	sld [smem:$0x3F96];
	_ =	swait.ge [sflag:s4], $0x0  }
0x19: {  	s7 =	sld [smem:$0x3F97]  }
0x1a: {  	s8 =	sadd.s32 $0xFFFFE003, lr  }
0x1b: {  	s9 =	sadd.s32 $0xFFFFFEF7, lr;
	s5 =	simm.s32 $0xFFFFFFFF;
	p2 =	slt.u32 s8, $0xFFFFF086  }
0x1c: {  	p1 =	slt.u32 s9, $0xF7A;
	s5 =	simm.s32 @!p2 $0x0  }
0x1d: {  	s5 =	simm.s32 @p1 $0x1;
	p0 =	seq.s32 s7, s2  }
0x1e: {  	s7 =	smul.u32 @!p0 $0xF7A, s2;
	p2 =	seq.s32 @!p0 s5, $0x0  }
0x1f: {  	s9 =	smul.u32 $0xF7A, s1;
	s8 =	simm.s32 @!p0 $0x1BF5;
	p2 =	por !p2, p0  }
0x20: {  	[sflag:s8] =	ssyncset.s32 @!p0 $0xFFFFF086;
	s6 =	sadd.s32 @!p0 s3, s7;
	s7 =	simm.s32 @!p0 $0x108  }
0x21: {  	s3 =	sadd.s32 s3, s9;
	s6 =	sadd.s32 @!p0 $0x88, s6;
	s7 =	simm.s32 @p2 $0x1082  }
0x22: {  	[simem:s7], [sflag:s8] =	dma.local @!p0 [hbm:s6], $0xF7A  }
0x23: {  	s9 =	sor.u32 $0xD0000000, s2;
	s6 =	simm.s32 $0x108;
	_ =	swait.ge @!p0 [sflag:s8], $0x0  }
0x24: {  	s3 =	sadd.s32 $0x88, s3;
	s6 =	simm.s32 @!p1 $0x1082;
	[sflag:s4] =	ssyncset.s32 $0xFFFFF086  }
0x25: {  	[simem:s6], [sflag:s4] =	dma.local [hbm:s3], $0xF7A  }
0x26: {  	[smem:$0x3F97] =	sst s1;
	(tag) =	ssettag s2;
	_ =	strace s9  }
0x27: {  	s1 =	sld [smem:$0x3FA7]  }
0x28: {  	s2 =	sld [smem:$0x3FA8]  }
0x29: {  	s4 =	sld [smem:$0x3FAA]  }
0x2a: {  	p0 =	seq.s32 s5, $0x0;
	s5 =	sld [smem:$0x3FAB]  }
0x2b: {  	s6 =	sld [smem:$0x3FAC]  }
0x2c: {  	s7 =	sld [smem:$0x3FAD]  }
0x2d: {  	s3 =	simm.s32 $0x108;
	s8 =	sld [smem:$0x3FAE]  }
0x2e: {  	s3 =	simm.s32 @!p0 $0x1082;
	s9 =	sld [smem:$0x3FAF]  }
0x2f: {  	lr =	sadd.s32 s0, s3;
	s0 =	sld [smem:$0x3FA6]  }
0x30: {  	s3 =	sld [smem:$0x3FA9]  }
0x31: {  	[smem:$0x3FB2] =	sst s10  }
0x32: {  	s10 =	sld [smem:$0x3FB0];
	_ =	sdelay $0x3  }
0x33: {  	p0 =	seq.s32 s10, $0x1;
	s10 =	sld [smem:$0x3FB2];
	_ =	sdelay $0x3  }
0x34: {  	[smem:$0x3FB2] =	sst s10  }
0x35: {  	s10 =	sld [smem:$0x3FB1];
	_ =	sdelay $0x3  }
0x36: {  	p1 =	seq.s32 s10, $0x1;
	s10 =	sld [smem:$0x3FB2];
	_ =	sdelay $0x3  }
0x37: {  	[smem:$0x3FB2] =	sst s10  }
0x38: {  	s10 =	sld [smem:$0x3FB3]  }
0x39: {  	_ = 	snop;
	(pc) =	sbr.ind lr, $3  }
0x3a: {  	_ = 	snop  }
0x3b: {  	_ = 	snop  }
0x3c: {  	p2 =	seq.s32 s10, $0x1;
	s10 =	sld [smem:$0x3FB2]  }
0x3d: {  	_ =	shalt  }
0x3e: {  	_ =	shalt  }
0x3f: {  	_ =	shalt  }
0x40: {  	_ =	shalt  }
0x41: {  	_ =	shalt  }
0x42: {  	_ =	shalt  }
0x43: {  	_ =	shalt  }
0x44: {  	_ =	shalt  }
0x45: {  	_ =	shalt  }
0x46: {  	_ =	shalt  }
0x47: {  	_ =	shalt  }
0x48: {  	_ =	shalt  }
0x49: {  	_ =	shalt  }
0x4a: {  	_ =	shalt  }
0x4b: {  	_ =	shalt  }
0x4c: {  	_ =	shalt  }
0x4d: {  	_ =	shalt  }
0x4e: {  	_ =	shalt  }
0x4f: {  	_ =	shalt  }
0x50: {  	_ =	shalt  }
0x51: {  	_ =	shalt  }
0x52: {  	_ =	shalt  }
0x53: {  	_ =	shalt  }
0x54: {  	_ =	shalt  }
0x55: {  	_ =	shalt  }
0x56: {  	_ =	shalt  }
0x57: {  	_ =	shalt  }
0x58: {  	_ =	shalt  }
0x59: {  	_ =	shalt  }
0x5a: {  	_ =	shalt  }
0x5b: {  	_ =	shalt  }
0x5c: {  	_ =	shalt  }
0x5d: {  	_ =	shalt  }
0x5e: {  	_ =	shalt  }
0x5f: {  	_ =	shalt  }
0x60: {  	_ =	shalt  }
0x61: {  	_ =	shalt  }
0x62: {  	_ =	shalt  }
0x63: {  	_ =	shalt  }
0x64: {  	_ =	shalt  }
0x65: {  	_ =	shalt  }
0x66: {  	_ =	shalt  }
0x67: {  	_ =	shalt  }
0x68: {  	_ =	shalt  }
0x69: {  	_ =	shalt  }
0x6a: {  	_ =	shalt  }
0x6b: {  	_ =	shalt  }
0x6c: {  	_ =	shalt  }
0x6d: {  	_ =	shalt  }
0x6e: {  	_ =	shalt  }
0x6f: {  	_ =	shalt  }
0x70: {  	_ =	shalt  }
0x71: {  	_ =	shalt  }
0x72: {  	_ =	shalt  }
0x73: {  	_ =	shalt  }
0x74: {  	_ =	shalt  }
0x75: {  	_ =	shalt  }
0x76: {  	_ =	shalt  }
0x77: {  	_ =	shalt  }
0x78: {  	_ =	shalt  }
0x79: {  	_ =	shalt  }
0x7a: {  	_ =	shalt  }
0x7b: {  	_ =	shalt  }
0x7c: {  	_ =	shalt  }
0x7d: {  	_ =	shalt  }
0x7e: {  	_ =	shalt  }
0x7f: {  	_ =	shalt  }
0x80: {  	_ =	shalt  }
0x81: {  	_ =	shalt  }
0x82: {  	_ =	shalt  }
0x83: {  	_ =	shalt  }
0x84: {  	_ =	shalt  }
0x85: {  	_ =	shalt  }
0x86: {  	_ =	shalt  }
0x87: {  	_ =	shalt  }
.Lfunc_end0:
.L_simem_size_0:
called_computation.1_lowered:
.L_overlay_start_0:
0x88: {  	s2 =	sld [smem:$0x3FD9]  }
0x89: {  	s3 =	sld [smem:$0x3FFE];
	_ =	sdelay $0x1  }
0x8a: {  	s1 =	srdreg.scid  }
0x8b: {  	s0 =	sand.u32 $0x1, s1  }
0x8c: {  	s16 =	sshll.u32 s0, $0xA;
	s2 =	sadd.s32 s3, s2  }
0x8d: {  	s2 =	sadd.s32 s2, s16  }
0x8e: {  	[smem:$0x3FBE] =	sst s2  }
0x8f: {  	_ = 	snop  }
0x90: {  	(tm) =	ssettm $0x1  }
0x91: {  	s17 =	sld [smem:$0x3FFB];
	_ =	sdelay $0x3  }
0x92: {  	_ =	strace s17  }
0x93: {  	s2 =	sld [smem:$0x3FFC];
	_ =	sdelay $0x3  }
0x94: {  	_ =	strace s2  }
0x95: {  	s2 =	sld [smem:$0x3FFD];
	_ =	sdelay $0x3  }
0x96: {  	_ =	strace s2  }
0x97: {  	_ =	strace $0x8FFFFFFF  }
0x98: {  	s18 =	sld [smem:$0x3FDB];
	_ =	sdelay $0x1  }
0x99: {  	s19 =	simm.s32 $_scs_section_size  }
0x9a: {  	s4 =	simm.s32 $_size__tile_overlayer_lowered;
	s5 =	simm.s32 $_tile_overlayer_lowered  }
0x9b: {  	s22 =	simm.s32 $0x1BFF;
	s21 =	sshll.u32 s5, $0x1;
	s2 =	sadd.s32 s19, s18  }
0x9c: {  	s6 =	simm.s32 $0x0;
	s20 =	sshll.u32 s4, $0x1;
	s4 =	sadd.s32 s21, s2  }
0x9d: {  	[timem:s6], [sflag:s22] =	dma.local [hbm:s4], s20  }
0x9e: {  	_ =	swait.ge [sflag:s22], s20  }
0x9f: {  	s3 =	ssub.s32 $0x0, s20;
	[sflag:s22] =	ssyncset.done $0x0  }
0xa0: {  	[sflag:s22] =	ssyncadd.s32 s3;
	_ =	sdelay $0x1  }
0xa1: {  	s23 =	simm.s32 $0x1B8B  }
0xa2: {  	_ =	swait.ge [sflag:s23], $0x1  }
0xa3: {  	[sflag:s23] =	ssyncset.done $0x0  }
0xa4: {  	s25 =	simm.s32 $0x1B8E;
	s24 =	sld [smem:$0x3FFE];
	[sflag:s23] =	ssyncadd.s32 $0xFFFFFFFF  }
0xa5: {  	s26 =	simm.s32 $execute0_lowered;
	[smem:$0x3FD2] =	sst s25  }
0xa6: {  	s4 =	sshll.u32 s26, $0x1;
	_ =	strace $0x80000046;
	[dreg:$0x1] =	wrdreg $0xFFFFFFFF  }
0xa7: {  	s28 =	simm.s32 $_size_execute0_lowered;
	s2 =	sadd.s32 s2, s4;
	[dreg:$0x0] =	wrdreg $0x0  }
0xa8: {  	s4 =	sshll.u32 s28, $0x1;
	[dreg:$0x2] =	wrdreg s2  }
0xa9: {  	[dreg:$0x3] =	wrdreg s4  }
0xaa: {  	[dreg:$0x4] =	wrdreg $0xC0  }
0xab: {  	_ =	task [dreg:s6], $0x5FFFF  }
0xac: {  	[dreg:$0x1] =	wrdreg $0xFFFFFFFF  }
0xad: {  	[dreg:$0x0] =	wrdreg $0x60  }
0xae: {  	[dreg:$0x2] =	wrdreg s24  }
0xaf: {  	[dreg:$0x3] =	wrdreg $0x88000  }
0xb0: {  	[dreg:$0x4] =	wrdreg $0xA  }
0xb1: {  	_ =	task.clear_ibuf [dreg:s6], $0x5FFFF;
	_ =	strace $0x90000046  }
0xb2: {  	s29 =	simm.s32 $0xA;
	_ =	strace $0x80000048  }
0xb3: {  	_ =	swait.ge [sflag:s29], $0x1  }
0xb4: {  	[sflag:s29] =	ssyncadd.s32 $0xFFFFFFFF  }
0xb5: {  	_ =	strace $0x90000048  }
0xb6: {  	_ =	sfence  }
0xb7: {  	s30 =	sld [smem:$0x0];
	_ =	sdelay $0x2  }
0xb8: {  	s31 =	sshll.u32 s1, $0xD;
	s1 =	sshrl.u32 s1, $0x2  }
0xb9: {  	s3 =	sand.u32 $0x4000, s31;
	s1 =	sadd.s32 s1, s30  }
0xba: {  	s0 =	sor.u32 s3, s0;
	s1 =	sshll.u32 s1, $0x11  }
0xbb: {  	s0 =	sor.u32 s1, s0  }
0xbc: {  	s0 =	sadd.s32 $0x8F2B, s0  }
0xbd: {  	[sflag:s0] =	ssyncadd.remote.s32 $0x1  }
0xbe: {  	_ =	sfence.sel $0xFFFF  }
0xbf: {  	[dreg:$0x0] =	wrdreg $0xFFFFFFFF;
	(pc) =	sbr.abs _section_cstart, $3  }
0xc0: {  	[dreg:$0x1] =	wrdreg $0xFFFFFFFF  }
0xc1: {  	_ =	task.clear_ibuf [dreg:s6], $0x2FFFF;
	_ =	strace $0x9FFFFFFF  }
0xc2: {  	(tm) =	ssettm $0x7FFFFFFF  }
0xc3: {  	_ =	shalt  }
tec
execute0_lowered:
.L_overlay_start_1:
0x0: {  	(tag) =	ssettag $0x1  }
0x1: {  	s0 =	rddreg [dreg:$0x0];
	s13 =	stileid.u32  }
0x2: {  	s2 =	rddreg [dreg:$0x1];
	s26 =	simm.s32 $0x0;
	s5 =	smul.u32 $0x13C00, s13  }
0x3: {  	s1 =	srdreg.scid;
	s30 =	simm.s32 $0x5;
	s22 =	smul.u32 $0xA000, s13  }
0x4: {  	[smem:$0x7FF] =	sst s26;
	s1 =	sand.u32 $0x1, s1;
	s11 =	smul.u32 $0x4F000, s13  }
0x5: {  	s4 =	sadd.s32 $0x51E00, s0;
	s7 =	sadd.s32 $0x29E00, s0;
	s6 =	smul.u32 $0x13C000, s1  }
0x6: {  	s10 =	sadd.s32 $0x1E00, s0;
	s8 =	smul.u32 $0xA0000, s1;
	s1 =	ssub.s32 $0x2, s1  }
0x7: {  	_ =	strace $0x80000047;
	s9 =	sshrl.u32 s5, $0x3;
	s23 =	sshrl.u32 s1, $0x1  }
0x8: {  	s24 =	sshrl.u32 s11, $0x2;
	s5 =	sadd.s32 s5, s6;
	s9 =	sadd.s32 s9, s0  }
0x9: {  	s6 =	sadd.s32 s22, s8;
	s1 =	ssub.s32 s1, s23;
	s23 =	sshll.u32 s13, $0x6  }
0xa: {  	s5 =	sshrl.u32 s5, $0x3;
	s8 =	sshrl.u32 s6, $0x3;
	s6 =	sor.u32 $0x400, s6  }
0xb: {  	s0 =	sadd.s32 s5, s0;
	s25 =	sor.u32 $0x10, s8;
	s5 =	sadd.s32 s24, s2  }
0xc: {  	s14 =	sadd.s32 s7, s8;
	s24 =	sadd.s32 $0xA0000, s9;
	[dreg:$0x11] =	wrdreg s5  }
0xd: {  	s15 =	sadd.s32 s10, s8;
	s28 =	sor.u32 $0x20, s8;
	[dreg:$0x12] =	wrdreg s24  }
0xe: {  	s31 =	sor.u32 $0x30, s8;
	s17 =	sor.u32 $0x40, s8;
	[dreg:$0x3] =	wrdreg s14  }
0xf: {  	s18 =	sor.u32 $0x50, s8;
	s12 =	sadd.s32 s7, s25;
	[dreg:$0x4] =	wrdreg s15  }
0x10: {  	s8 =	sor.u32 $0x60, s8;
	s11 =	sadd.s32 s10, s25;
	[dreg:$0x5] =	wrdreg s12  }
0x11: {  	s6 =	sshrl.u32 s6, $0x3;
	s16 =	sadd.s32 s7, s28;
	[dreg:$0x6] =	wrdreg s11  }
0x12: {  	s9 =	simm.s32 $0x7;
	s3 =	sadd.s32 s7, s31;
	[dreg:$0x7] =	wrdreg s16  }
0x13: {  	s19 =	sadd.s32 s7, s17;
	s20 =	sadd.s32 s7, s18;
	[dreg:$0x9] =	wrdreg s3  }
0x14: {  	s21 =	sadd.s32 s10, s18;
	s22 =	sadd.s32 s7, s8;
	[dreg:$0xb] =	wrdreg s19  }
0x15: {  	s8 =	sadd.s32 s10, s8;
	s29 =	sadd.s32 s6, s10;
	[dreg:$0xd] =	wrdreg s20  }
0x16: {  	s0 =	sadd.s32 $0xC7800, s0;
	s25 =	smax.u32 s1, $0x1;
	[dreg:$0xe] =	wrdreg s21  }
0x17: {  	s18 =	simm.s32 $0x2800;
	s24 =	simm.s32 $0x9;
	[dreg:$0xf] =	wrdreg s22  }
0x18: {  	s1 =	simm.s32 $0x6;
	s11 =	sadd.s32 s10, s28;
	[dreg:$0x10] =	wrdreg s8  }
0x19: {  	s16 =	sadd.s32 s10, s31;
	s20 =	sadd.s32 s6, s7;
	[dreg:$0x14] =	wrdreg s0  }
0x1a: {  	s6 =	sor.u32 $0x1C11, s23;
	[dreg:$0x15] =	wrdreg s25;
	s28 =	sadd.s32 $0x70, s14  }
0x1b: {  	s31 =	sadd.s32 $0x70, s15;
	s12 =	simm.s32 $0x11;
	s25 =	simm.s32 $0x600  }
0x1c: {  	s15 =	simm.s32 $0x40;
	s22 =	simm.s32 $0x800;
	s3 =	simm.s32 $0x3  }
0x1d: {  	s23 =	simm.s32 $0x4;
	s14 =	simm.s32 $0xA;
	[dreg:$0x8] =	wrdreg s11  }
.Ltmp0:
0x1e: {  	s7 =	simm.s32 $0xC;
	[dreg:$0xa] =	wrdreg s16;
	(pc) =	sbr.rel .LBB2_1-.Ltmp0, $4  }
0x1f: {  	s8 =	simm.s32 $0xF;
	s0 =	simm.s32 $0x0;
	[dreg:$0x16] =	wrdreg s28  }
0x20: {  	s21 =	simm.s32 $0x6800;
	s19 =	simm.s32 $0x0;
	[dreg:$0x17] =	wrdreg s31  }
0x21: {  	s11 =	sadd.s32 s10, s17;
	s17 =	simm.s32 $0xD;
	[dreg:$0x13] =	wrdreg s6  }
0x22: {  	s10 =	simm.s32 $0x700;
	[dreg:$0xc] =	wrdreg s11;
	s11 =	simm.s32 $0x8  }
.LBB2_4:
0x23: {  	s0 =	simm.s32 $0x10  }
0x24: {  	_ =	swait.ge [sflag:s0], $0x2000  }
0x25: {  	[sflag:s0] =	ssyncset.done $0x0  }
0x26: {  	[sflag:s0] =	ssyncadd.s32 $0xFFFFE000  }
0x27: {  	[bflag:$0x0] =	sbarrier.arrive $0xFFFF  }
0x28: {  	s6 =	rddreg [dreg:$0x13]  }
0x29: {  	s5 =	rddreg [dreg:$0x14]  }
0x2a: {  	s12 =	simm.s32 $0x11;
	s26 =	rddreg [dreg:$0x19]  }
0x2b: {  	[hbm:s5], [sflag:s6] =	dma.local [spmem:s26], $0x2780  }
0x2c: {  	_ =	swait.ge [sflag:s12], $0x2780  }
0x2d: {  	s28 =	rddreg [dreg:$0x18]  }
0x2e: {  	s31 =	rddreg [dreg:$0x15];
	s0 =	sadd.s32 $0x1, s28  }
0x2f: {  	p0 =	sne.s32 s0, s31  }
.Ltmp1:
0x30: {  	_ = 	snop;
	(pc) =	sbr.rel @!p0 .LBB2_5-.Ltmp1, $3  }
0x31: {  	_ =	sdelay $0x1  }
0x32: {  	[sflag:s12] =	ssyncset.done $0x0  }
0x33: {  	s25 =	simm.s32 $0x600;
	s26 =	simm.s32 $0x0;
	[sflag:s12] =	ssyncadd.s32 $0xFFFFD880  }
.LBB2_1:
0x34: {  	[dreg:$0x18] =	wrdreg s0  }
0x35: {  	s5 =	rddreg [dreg:$0x11]  }
0x36: {  	s31 =	rddreg [dreg:$0x12];
	s28 =	sshrl.u32 s5, $0x3  }
0x37: {  	[dreg:$0x19] =	wrdreg s28  }
0x38: {  	[spmem:s28], [sflag:s6] =	dma.local [hbm:s31], $0x2780  }
0x39: {  	_ =	swait.ge [sflag:s12], $0x2780  }
0x3a: {  	[sflag:s12] =	ssyncset.done $0x0  }
0x3b: {  	[sflag:s12] =	ssyncadd.s32 $0xFFFFD880  }
0x3c: {  	[bflag:$0x0] =	sbarrier.arrive $0xFFFF  }
0x3d: {  	s6 =	rddreg [dreg:$0x3]  }
0x3e: {  	[tilespmem:s26], [sflag:$0x1] =	stream.linear.gather [hbm4b:s6+s26], $0x80, $0x38;
	[tilespmem:$0x1C400] =	vst v63  }
0x3f: {  	s13 =	simm.s32 $0x80;
	s12 =	rddreg [dreg:$0x4]  }
0x40: {  	[tilespmem:s13], [sflag:$0x1] =	stream.linear.gather [hbm4b:s12+s26], $0x80, $0x38;
	[tilespmem:$0x1C400] =	vst v63  }
0x41: {  	s16 =	rddreg [dreg:$0x5];
	s6 =	simm.s32 $0x100  }
0x42: {  	[tilespmem:s6], [sflag:$0x2] =	stream.linear.gather [hbm4b:s16+s26], $0x80, $0x38;
	[tilespmem:$0x1C400] =	vst v63  }
0x43: {  	s31 =	simm.s32 $0x180;
	s28 =	rddreg [dreg:$0x6]  }
0x44: {  	[tilespmem:s31], [sflag:$0x2] =	stream.linear.gather [hbm4b:s28+s26], $0x80, $0x38;
	[tilespmem:$0x1C400] =	vst v63  }
0x45: {  	s0 =	rddreg [dreg:$0x7];
	s12 =	simm.s32 $0x200  }
0x46: {  	[tilespmem:s12], [sflag:$0x3] =	stream.linear.gather [hbm4b:s0+s26], $0x80, $0x38;
	[tilespmem:$0x1C400] =	vst v63  }
0x47: {  	s13 =	rddreg [dreg:$0x8];
	s16 =	simm.s32 $0x280  }
0x48: {  	[tilespmem:s16], [sflag:$0x3] =	stream.linear.gather [hbm4b:s13+s26], $0x80, $0x38;
	[tilespmem:$0x1C400] =	vst v63  }
0x49: {  	s28 =	rddreg [dreg:$0x9];
	s31 =	simm.s32 $0x300  }
0x4a: {  	[tilespmem:s31], [sflag:$0x4] =	stream.linear.gather [hbm4b:s28+s26], $0x80, $0x38;
	[tilespmem:$0x1C400] =	vst v63  }
0x4b: {  	s0 =	rddreg [dreg:$0xa];
	s13 =	simm.s32 $0x380  }
0x4c: {  	[tilespmem:s13], [sflag:$0x4] =	stream.linear.gather [hbm4b:s0+s26], $0x80, $0x38;
	[tilespmem:$0x1C400] =	vst v63  }
0x4d: {  	s28 =	rddreg [dreg:$0xb];
	s31 =	simm.s32 $0x400  }
0x4e: {  	[tilespmem:s31], [sflag:$0x5] =	stream.linear.gather [hbm4b:s28+s26], $0x80, $0x38;
	[tilespmem:$0x1C400] =	vst v63  }
0x4f: {  	s0 =	rddreg [dreg:$0xc];
	s13 =	simm.s32 $0x480  }
0x50: {  	[tilespmem:s13], [sflag:$0x5] =	stream.linear.gather [hbm4b:s0+s26], $0x80, $0x38;
	[tilespmem:$0x1C400] =	vst v63  }
0x51: {  	s16 =	rddreg [dreg:$0xd];
	s28 =	simm.s32 $0x500  }
0x52: {  	[tilespmem:s28], [sflag:$0x6] =	stream.linear.gather [hbm4b:s16+s26], $0x80, $0x38;
	[tilespmem:$0x1C400] =	vst v63  }
0x53: {  	s31 =	rddreg [dreg:$0xe];
	s0 =	simm.s32 $0x580  }
0x54: {  	[tilespmem:s0], [sflag:$0x6] =	stream.linear.gather [hbm4b:s31+s26], $0x80, $0x38;
	[tilespmem:$0x1C400] =	vst v63  }
0x55: {  	s13 =	rddreg [dreg:$0xf]  }
0x56: {  	[tilespmem:s25], [sflag:$0x7] =	stream.linear.gather [hbm4b:s13+s26], $0x80, $0x38;
	[tilespmem:$0x1C400] =	vst v63  }
0x57: {  	s16 =	rddreg [dreg:$0x10];
	s28 =	simm.s32 $0x1;
	s25 =	simm.s32 $0x680  }
0x58: {  	[tilespmem:s25], [sflag:$0x7] =	stream.linear.gather [hbm4b:s16+s26], $0x80, $0x38;
	[tilespmem:$0x1C400] =	vst v63  }
0x59: {  	_ =	swait.ge [sflag:s28], $0x80  }
0x5a: {  	[sflag:s28] =	ssyncset.done $0x0  }
0x5b: {  	[sflag:s28] =	ssyncadd.s32 $0xFFFFFF80  }
0x5c: {  	_ =	swait.ge [sflag:s28], $0x80  }
0x5d: {  	[sflag:s28] =	ssyncset.done $0x0  }
0x5e: {  	s31 =	simm.s32 $0x2;
	[sflag:s28] =	ssyncadd.s32 $0xFFFFFF80  }
0x5f: {  	[tilespmem:s22], [sflag:$0x9] =	stream.indirect.gather [hbm4b:s4+s15], $0x80, s26, s15, $0xb8;
	[tilespmem:$0x1C400] =	vst v63  }
0x60: {  	_ =	swait.ge [sflag:s31], $0x80  }
0x61: {  	[sflag:s31] =	ssyncset.done $0x0  }
0x62: {  	[sflag:s31] =	ssyncadd.s32 $0xFFFFFF80  }
0x63: {  	_ =	swait.ge [sflag:s31], $0x80  }
0x64: {  	[sflag:s31] =	ssyncset.done $0x0  }
0x65: {  	[sflag:s31] =	ssyncadd.s32 $0xFFFFFF80  }
0x66: {  	[tilespmem:s18], [sflag:$0xA] =	stream.indirect.gather [hbm4b:s4+s15], $0x80, s6, s15, $0xb8;
	[tilespmem:$0x1C400] =	vst v63  }
0x67: {  	_ =	swait.ge [sflag:s3], $0x80  }
0x68: {  	[sflag:s3] =	ssyncset.done $0x0  }
0x69: {  	[sflag:s3] =	ssyncadd.s32 $0xFFFFFF80  }
0x6a: {  	_ =	swait.ge [sflag:s3], $0x80  }
0x6b: {  	[sflag:s3] =	ssyncset.done $0x0  }
0x6c: {  	s13 =	simm.s32 $0x4800;
	[sflag:s3] =	ssyncadd.s32 $0xFFFFFF80  }
0x6d: {  	[tilespmem:s13], [sflag:$0xB] =	stream.indirect.gather [hbm4b:s4+s15], $0x80, s12, s15, $0xb8;
	[tilespmem:$0x1C400] =	vst v63  }
0x6e: {  	s22 =	simm.s32 $0x600;
	s12 =	simm.s32 $0x0  }
.LBB2_2:
0x6f: {  	_ =	swait.ge [sflag:s24], $0x2000  }
0x70: {  	s5 =	simm.s32 $0x80;
	[sflag:s24] =	ssyncset.done $0x0  }
0x71: {  	s18 =	simm.s32 $0x800;
	p0 =	seq.s32 s12, $0x0;
	[sflag:s24] =	ssyncadd.s32 $0xFFFFE000  }
0x72: {  	[spmem:s2] =	stream.indirect.scatter.add.f32 [tilespmem:s18], [sflag:$0xD], $0x80, s5, s15, $0xb8;
	[tilespmem:$0x1C400] =	vst v63  }
0x73: {  	s5 =	simm.s32 @!p0 $0x10  }
0x74: {  	_ =	swait.ge @!p0 [sflag:s5], $0x2000  }
0x75: {  	[sflag:s5] =	ssyncset.done @!p0 $0x0;
	s28 =	rddreg [dreg:$0x16]  }
0x76: {  	s31 =	rddreg [dreg:$0x17];
	[sflag:s5] =	ssyncadd.s32 @!p0 $0xFFFFE000;
	s5 =	sadd.s32 s12, s28  }
0x77: {  	[tilespmem:s10], [sflag:$0x8] =	stream.linear.gather [hbm4b:s5+s26], $0x80, $0x38;
	[tilespmem:$0x1C400] =	vst v63  }
0x78: {  	s0 =	simm.s32 $0x780;
	s5 =	sadd.s32 s12, s31  }
0x79: {  	[tilespmem:s0], [sflag:$0x8] =	stream.linear.gather [hbm4b:s5+s26], $0x80, $0x38;
	[tilespmem:$0x1C400] =	vst v63  }
0x7a: {  	_ =	swait.ge [sflag:s23], $0x80  }
0x7b: {  	[sflag:s23] =	ssyncset.done $0x0  }
0x7c: {  	[sflag:s23] =	ssyncadd.s32 $0xFFFFFF80  }
0x7d: {  	_ =	swait.ge [sflag:s23], $0x80  }
0x7e: {  	[sflag:s23] =	ssyncset.done $0x0  }
0x7f: {  	s0 =	simm.s32 $0x300;
	[sflag:s23] =	ssyncadd.s32 $0xFFFFFF80  }
0x80: {  	[tilespmem:s21], [sflag:$0xC] =	stream.indirect.gather [hbm4b:s4+s15], $0x80, s0, s15, $0xb8;
	[tilespmem:$0x1C400] =	vst v63  }
0x81: {  	_ =	swait.ge [sflag:s14], $0x2000  }
0x82: {  	[sflag:s14] =	ssyncset.done $0x0  }
0x83: {  	s6 =	simm.s32 $0x180;
	s0 =	simm.s32 $0x2800;
	[sflag:s14] =	ssyncadd.s32 $0xFFFFE000  }
0x84: {  	[spmem:s2] =	stream.indirect.scatter.add.f32 [tilespmem:s0], [sflag:$0xE], $0x80, s6, s15, $0xb8;
	[tilespmem:$0x1C400] =	vst v63  }
0x85: {  	_ =	swait.ge [sflag:s17], $0x2000  }
0x86: {  	p0 =	seq.s32 s12, $0x1380;
	[sflag:s17] =	ssyncset.done $0x0  }
0x87: {  	s26 =	sadd.s32 @!p0 s12, s20;
	s5 =	simm.s32 @!p0 $0x0;
	[sflag:s17] =	ssyncadd.s32 $0xFFFFE000  }
0x88: {  	[tilespmem:s5], [sflag:$0x1] =	stream.linear.gather @!p0 [hbm4b:s26+s5], $0x80, $0x38;
	[tilespmem:$0x1C400] =	vst v63  }
0x89: {  	s28 =	sadd.s32 @!p0 s12, s29;
	s6 =	simm.s32 @!p0 $0x80  }
0x8a: {  	[tilespmem:s6], [sflag:$0x1] =	stream.linear.gather @!p0 [hbm4b:s28+s5], $0x80, $0x38;
	[tilespmem:$0x1C400] =	vst v63  }
0x8b: {  	_ =	swait.ge [sflag:s30], $0x80  }
0x8c: {  	[sflag:s30] =	ssyncset.done $0x0  }
0x8d: {  	[sflag:s30] =	ssyncadd.s32 $0xFFFFFF80  }
0x8e: {  	_ =	swait.ge [sflag:s30], $0x80  }
0x8f: {  	[sflag:s30] =	ssyncset.done $0x0  }
0x90: {  	s16 =	simm.s32 $0x400;
	s25 =	simm.s32 $0xB;
	[sflag:s30] =	ssyncadd.s32 $0xFFFFFF80  }
0x91: {  	[tilespmem:s18], [sflag:$0x9] =	stream.indirect.gather [hbm4b:s4+s15], $0x80, s16, s15, $0xb8;
	[tilespmem:$0x1C400] =	vst v63  }
0x92: {  	_ =	swait.ge [sflag:s25], $0x2000  }
0x93: {  	[sflag:s25] =	ssyncset.done $0x0  }
0x94: {  	s31 =	simm.s32 $0x280;
	s16 =	simm.s32 $0xE;
	[sflag:s25] =	ssyncadd.s32 $0xFFFFE000  }
0x95: {  	[spmem:s2] =	stream.indirect.scatter.add.f32 [tilespmem:s13], [sflag:$0xF], $0x80, s31, s15, $0xb8;
	[tilespmem:$0x1C400] =	vst v63  }
0x96: {  	_ =	swait.ge [sflag:s16], $0x2000  }
0x97: {  	[sflag:s16] =	ssyncset.done $0x0  }
0x98: {  	s6 =	simm.s32 @!p0 $0x100;
	s25 =	sadd.s32 @!p0 $0x10, s26;
	[sflag:s16] =	ssyncadd.s32 $0xFFFFE000  }
0x99: {  	[tilespmem:s6], [sflag:$0x2] =	stream.linear.gather @!p0 [hbm4b:s25+s5], $0x80, $0x38;
	[tilespmem:$0x1C400] =	vst v63  }
0x9a: {  	s31 =	simm.s32 @!p0 $0x180;
	s25 =	sadd.s32 @!p0 $0x10, s28  }
0x9b: {  	[tilespmem:s31], [sflag:$0x2] =	stream.linear.gather @!p0 [hbm4b:s25+s5], $0x80, $0x38;
	[tilespmem:$0x1C400] =	vst v63  }
0x9c: {  	_ =	swait.ge [sflag:s1], $0x80  }
0x9d: {  	[sflag:s1] =	ssyncset.done $0x0  }
0x9e: {  	[sflag:s1] =	ssyncadd.s32 $0xFFFFFF80  }
0x9f: {  	_ =	swait.ge [sflag:s1], $0x80  }
0xa0: {  	[sflag:s1] =	ssyncset.done $0x0  }
0xa1: {  	s16 =	simm.s32 $0x500;
	[sflag:s1] =	ssyncadd.s32 $0xFFFFFF80  }
0xa2: {  	[tilespmem:s0], [sflag:$0xA] =	stream.indirect.gather [hbm4b:s4+s15], $0x80, s16, s15, $0xb8;
	[tilespmem:$0x1C400] =	vst v63  }
0xa3: {  	_ =	swait.ge [sflag:s7], $0x2000  }
0xa4: {  	[sflag:s7] =	ssyncset.done $0x0  }
0xa5: {  	s25 =	simm.s32 $0x380;
	[sflag:s7] =	ssyncadd.s32 $0xFFFFE000  }
0xa6: {  	[spmem:s2] =	stream.indirect.scatter.add.f32 [tilespmem:s21], [sflag:$0x10], $0x80, s25, s15, $0xb8;
	[tilespmem:$0x1C400] =	vst v63  }
0xa7: {  	_ =	swait.ge [sflag:s8], $0x2000  }
0xa8: {  	[sflag:s8] =	ssyncset.done $0x0  }
0xa9: {  	s31 =	simm.s32 @!p0 $0x200;
	s25 =	sadd.s32 @!p0 $0x20, s26;
	[sflag:s8] =	ssyncadd.s32 $0xFFFFE000  }
0xaa: {  	[tilespmem:s31], [sflag:$0x3] =	stream.linear.gather @!p0 [hbm4b:s25+s5], $0x80, $0x38;
	[tilespmem:$0x1C400] =	vst v63  }
0xab: {  	s25 =	sadd.s32 @!p0 $0x20, s28;
	s31 =	simm.s32 @!p0 $0x280  }
0xac: {  	[tilespmem:s31], [sflag:$0x3] =	stream.linear.gather @!p0 [hbm4b:s25+s5], $0x80, $0x38;
	[tilespmem:$0x1C400] =	vst v63  }
0xad: {  	_ =	swait.ge [sflag:s9], $0x80  }
0xae: {  	[sflag:s9] =	ssyncset.done $0x0  }
0xaf: {  	[sflag:s9] =	ssyncadd.s32 $0xFFFFFF80  }
0xb0: {  	_ =	swait.ge [sflag:s9], $0x80  }
0xb1: {  	[sflag:s9] =	ssyncset.done $0x0  }
0xb2: {  	[sflag:s9] =	ssyncadd.s32 $0xFFFFFF80  }
0xb3: {  	[tilespmem:s13], [sflag:$0xB] =	stream.indirect.gather [hbm4b:s4+s15], $0x80, s22, s15, $0xb8;
	[tilespmem:$0x1C400] =	vst v63  }
0xb4: {  	_ =	swait.ge [sflag:s24], $0x2000  }
0xb5: {  	[sflag:s24] =	ssyncset.done $0x0  }
0xb6: {  	s31 =	simm.s32 $0x480;
	[sflag:s24] =	ssyncadd.s32 $0xFFFFE000  }
0xb7: {  	[spmem:s2] =	stream.indirect.scatter.add.f32 [tilespmem:s18], [sflag:$0xD], $0x80, s31, s15, $0xb8;
	[tilespmem:$0x1C400] =	vst v63  }
0xb8: {  	s18 =	simm.s32 $0x10  }
0xb9: {  	_ =	swait.ge [sflag:s18], $0x2000  }
0xba: {  	[sflag:s18] =	ssyncset.done $0x0  }
0xbb: {  	s25 =	sadd.s32 @!p0 $0x30, s26;
	s31 =	simm.s32 @!p0 $0x300;
	[sflag:s18] =	ssyncadd.s32 $0xFFFFE000  }
0xbc: {  	[tilespmem:s31], [sflag:$0x4] =	stream.linear.gather @!p0 [hbm4b:s25+s5], $0x80, $0x38;
	[tilespmem:$0x1C400] =	vst v63  }
0xbd: {  	s25 =	sadd.s32 @!p0 $0x30, s28;
	s31 =	simm.s32 @!p0 $0x380  }
0xbe: {  	[tilespmem:s31], [sflag:$0x4] =	stream.linear.gather @!p0 [hbm4b:s25+s5], $0x80, $0x38;
	[tilespmem:$0x1C400] =	vst v63  }
0xbf: {  	_ =	swait.ge [sflag:s11], $0x80  }
0xc0: {  	[sflag:s11] =	ssyncset.done $0x0  }
0xc1: {  	[sflag:s11] =	ssyncadd.s32 $0xFFFFFF80  }
0xc2: {  	_ =	swait.ge [sflag:s11], $0x80  }
0xc3: {  	[sflag:s11] =	ssyncset.done $0x0  }
0xc4: {  	[sflag:s11] =	ssyncadd.s32 $0xFFFFFF80  }
0xc5: {  	[tilespmem:s21], [sflag:$0xC] =	stream.indirect.gather [hbm4b:s4+s15], $0x80, s10, s15, $0xb8;
	[tilespmem:$0x1C400] =	vst v63  }
0xc6: {  	_ =	swait.ge [sflag:s14], $0x2000  }
0xc7: {  	[sflag:s14] =	ssyncset.done $0x0  }
0xc8: {  	s25 =	simm.s32 $0x580;
	[sflag:s14] =	ssyncadd.s32 $0xFFFFE000  }
0xc9: {  	[spmem:s2] =	stream.indirect.scatter.add.f32 [tilespmem:s0], [sflag:$0xE], $0x80, s25, s15, $0xb8;
	[tilespmem:$0x1C400] =	vst v63  }
0xca: {  	_ =	swait.ge [sflag:s17], $0x2000  }
0xcb: {  	[sflag:s17] =	ssyncset.done $0x0  }
0xcc: {  	s25 =	simm.s32 @p0 $0xB;
	[sflag:s17] =	ssyncadd.s32 $0xFFFFE000  }
0xcd: {  	_ =	swait.ge @p0 [sflag:s25], $0x2000  }
0xce: {  	s16 =	simm.s32 @p0 $0x4800;
	[sflag:s25] =	ssyncset.done @p0 $0x0  }
0xcf: {  	s31 =	simm.s32 @p0 $0x680;
	[sflag:s25] =	ssyncadd.s32 @p0 $0xFFFFE000;
	s25 =	simm.s32 @p0 $0x40  }
0xd0: {  	[spmem:s2] =	stream.indirect.scatter.add.f32 @p0 [tilespmem:s16], [sflag:$0xF], $0x80, s31, s25, $0xb8;
	[tilespmem:$0x1C400] =	vst v63  }
0xd1: {  	s16 =	simm.s32 @p0 $0xE  }
0xd2: {  	_ =	swait.ge @p0 [sflag:s16], $0x2000  }
0xd3: {  	[sflag:s16] =	ssyncset.done @p0 $0x0  }
0xd4: {  	s25 =	simm.s32 @!p0 $0x400;
	[sflag:s16] =	ssyncadd.s32 @p0 $0xFFFFE000;
	s16 =	sadd.s32 @!p0 $0x40, s26  }
0xd5: {  	[tilespmem:s25], [sflag:$0x5] =	stream.linear.gather @!p0 [hbm4b:s16+s5], $0x80, $0x38;
	[tilespmem:$0x1C400] =	vst v63  }
0xd6: {  	s16 =	sadd.s32 @!p0 $0x40, s28;
	s25 =	simm.s32 @!p0 $0x480  }
0xd7: {  	[tilespmem:s25], [sflag:$0x5] =	stream.linear.gather @!p0 [hbm4b:s16+s5], $0x80, $0x38;
	[tilespmem:$0x1C400] =	vst v63  }
0xd8: {  	s16 =	simm.s32 @!p0 $0x1  }
0xd9: {  	_ =	swait.ge @!p0 [sflag:s16], $0x80  }
0xda: {  	[sflag:s16] =	ssyncset.done @!p0 $0x0  }
0xdb: {  	[sflag:s16] =	ssyncadd.s32 @!p0 $0xFFFFFF80  }
0xdc: {  	_ =	swait.ge @!p0 [sflag:s16], $0x80  }
0xdd: {  	[sflag:s16] =	ssyncset.done @!p0 $0x0  }
0xde: {  	s25 =	simm.s32 @!p0 $0x800;
	[sflag:s16] =	ssyncadd.s32 @!p0 $0xFFFFFF80;
	s16 =	simm.s32 @!p0 $0x40  }
0xdf: {  	[tilespmem:s25], [sflag:$0x9] =	stream.indirect.gather @!p0 [hbm4b:s4+s16], $0x80, s5, s16, $0xb8;
	[tilespmem:$0x1C400] =	vst v63  }
0xe0: {  	s25 =	simm.s32 @!p0 $0xB  }
0xe1: {  	_ =	swait.ge @!p0 [sflag:s25], $0x2000  }
0xe2: {  	[sflag:s25] =	ssyncset.done @!p0 $0x0  }
0xe3: {  	s31 =	simm.s32 @!p0 $0x4800;
	[sflag:s25] =	ssyncadd.s32 @!p0 $0xFFFFE000;
	s25 =	simm.s32 @!p0 $0x680  }
0xe4: {  	[spmem:s2] =	stream.indirect.scatter.add.f32 @!p0 [tilespmem:s31], [sflag:$0xF], $0x80, s25, s16, $0xb8;
	[tilespmem:$0x1C400] =	vst v63  }
0xe5: {  	s25 =	simm.s32 @!p0 $0xE  }
0xe6: {  	_ =	swait.ge @!p0 [sflag:s25], $0x2000  }
0xe7: {  	[sflag:s25] =	ssyncset.done @!p0 $0x0  }
0xe8: {  	[sflag:s25] =	ssyncadd.s32 @!p0 $0xFFFFE000;
	s25 =	sadd.s32 @!p0 $0x50, s26;
	s26 =	simm.s32 @!p0 $0x500  }
0xe9: {  	[tilespmem:s26], [sflag:$0x6] =	stream.linear.gather @!p0 [hbm4b:s25+s5], $0x80, $0x38;
	[tilespmem:$0x1C400] =	vst v63  }
0xea: {  	s25 =	sadd.s32 @!p0 $0x50, s28;
	s26 =	simm.s32 @!p0 $0x580  }
0xeb: {  	[tilespmem:s26], [sflag:$0x6] =	stream.linear.gather @!p0 [hbm4b:s25+s5], $0x80, $0x38;
	[tilespmem:$0x1C400] =	vst v63  }
0xec: {  	s5 =	simm.s32 @!p0 $0x2  }
0xed: {  	_ =	swait.ge @!p0 [sflag:s5], $0x80  }
0xee: {  	[sflag:s5] =	ssyncset.done @!p0 $0x0  }
0xef: {  	[sflag:s5] =	ssyncadd.s32 @!p0 $0xFFFFFF80  }
0xf0: {  	_ =	swait.ge @!p0 [sflag:s5], $0x80  }
0xf1: {  	[sflag:s5] =	ssyncset.done @!p0 $0x0  }
0xf2: {  	[sflag:s5] =	ssyncadd.s32 @!p0 $0xFFFFFF80;
	s5 =	simm.s32 @!p0 $0x2800  }
0xf3: {  	[tilespmem:s5], [sflag:$0xA] =	stream.indirect.gather @!p0 [hbm4b:s4+s16], $0x80, s6, s16, $0xb8;
	[tilespmem:$0x1C400] =	vst v63  }
0xf4: {  	_ =	swait.ge [sflag:s7], $0x2000  }
0xf5: {  	[sflag:s7] =	ssyncset.done $0x0  }
.Ltmp2:
0xf6: {  	s31 =	simm.s32 $0x780;
	[sflag:s7] =	ssyncadd.s32 $0xFFFFE000;
	(pc) =	sbr.rel @p0 .LBB2_4-.Ltmp2, $4  }
0xf7: {  	[spmem:s2] =	stream.indirect.scatter.add.f32 [tilespmem:s21], [sflag:$0x10], $0x80, s31, s15, $0xb8;
	[tilespmem:$0x1C400] =	vst v63  }
0xf8: {  	_ =	swait.ge [sflag:s8], $0x2000  }
0xf9: {  	s13 =	simm.s32 $0x4800;
	[sflag:s8] =	ssyncset.done $0x0  }
0xfa: {  	s22 =	simm.s32 $0x800;
	s18 =	simm.s32 $0x2800;
	[sflag:s8] =	ssyncadd.s32 $0xFFFFE000  }
0xfb: {  	s5 =	sadd.s32 s12, s20  }
0xfc: {  	s22 =	simm.s32 $0x600;
	s28 =	sadd.s32 s12, s29;
	s5 =	sadd.s32 $0x60, s5  }
0xfd: {  	[tilespmem:s22], [sflag:$0x7] =	stream.linear.gather [hbm4b:s5+s19], $0x80, $0x38;
	[tilespmem:$0x1C400] =	vst v63  }
0xfe: {  	s6 =	simm.s32 $0x680;
	s5 =	sadd.s32 $0x60, s28  }
0xff: {  	[tilespmem:s6], [sflag:$0x7] =	stream.linear.gather [hbm4b:s5+s19], $0x80, $0x38;
	[tilespmem:$0x1C400] =	vst v63  }
0x100: {  	_ =	swait.ge [sflag:s3], $0x80  }
0x101: {  	[sflag:s3] =	ssyncset.done $0x0  }
0x102: {  	[sflag:s3] =	ssyncadd.s32 $0xFFFFFF80  }
.Ltmp3:
0x103: {  	_ =	swait.ge [sflag:s3], $0x80;
	(pc) =	sbr.rel .LBB2_2-.Ltmp3, $4  }
0x104: {  	[sflag:s3] =	ssyncset.done $0x0  }
0x105: {  	s31 =	simm.s32 $0x200;
	[sflag:s3] =	ssyncadd.s32 $0xFFFFFF80  }
0x106: {  	[tilespmem:s13], [sflag:$0xB] =	stream.indirect.gather [hbm4b:s4+s15], $0x80, s31, s15, $0xb8;
	[tilespmem:$0x1C400] =	vst v63  }
0x107: {  	s12 =	sadd.s32 $0x80, s12;
	s26 =	simm.s32 $0x0;
	s13 =	simm.s32 $0x4800  }
.LBB2_5:
0x108: {  	_ =	sfence.sel $0x180000  }
0x109: {  	[bflag:$0x0] =	sbarrier.arrive $0xFFFF  }
0x10a: {  	_ =	strace $0x90000047  }
0x10b: {  	s0 =	stileid.u32;
	[bflag:$0x2] =	sbarrier.arrive $0xFFFF  }
0x10c: {  	p0 =	sne.s32 s0, $0x0;
	s0 =	rddreg [dreg:$0x2]  }
0x10d: {  	s0 =	sadd.s32 @!p0 $0x100000, s0  }
0x10e: {  	[sflag:s0] =	ssyncadd.tile.s32 @!p0 $0x1;
	_ =	shalt  }
.Lfunc_end2:
_tile_overlayer_lowered:
.L_overlay_start_2:
0x10f: {  	(tag) =	ssettag $0x2  }
0x110: {  	s0 =	rddreg [dreg:$0x0];
	s2 =	stileid.u32  }
0x111: {  	s1 =	rddreg [dreg:$0x1];
	p0 =	sne.s32 s2, $0x0  }
0x112: {  	s3 =	rddreg [dreg:$0x2];
	[bflag:$0x3] =	sbarrier.arrive $0xFFFF;
	s2 =	simm.s32 @!p0 $0x1C11  }
0x113: {  	[timem:s3], [sflag:s2] =	dma.local @!p0 [hbm:s0], s1  }
0x114: {  	s0 =	simm.s32 @!p0 $0x11  }
0x115: {  	_ =	swait.ge @!p0 [sflag:s0], s1  }
0x116: {  	s1 =	ssub.s32 @!p0 $0x0, s1;
	[sflag:s0] =	ssyncset.done @!p0 $0x0  }
0x117: {  	[sflag:s0] =	ssyncadd.s32 @!p0 s1  }
0x118: {  	[bflag:$0x3] =	sbarrier.arrive $0xFFFF  }
0x119: {  	_ =	shalt  }

// kernel: kernel.14.cloned.1.call-start
scs
__scs_entry_jumppad:
0x0: {  	(pc) =	sbr.rel $0x88, $3  }
0x1: {  	(tag) =	ssettag $0x0;
	lr =	simm.s32 $0x1  }
0x2: {  	[smem:$0x3F97] =	sst lr;
	_ =	strace $0xD0000000  }
0x3: {  	_ = 	snop  }
0x4: {  	_ = 	snop  }
0x5: {  	_ = 	snop  }
0x6: {  	_ = 	snop  }
0x7: {  	_ = 	snop  }
__scs_overlays_trampoline_lowered:
0x8: {  	[smem:$0x3FA6] =	sst s0  }
0x9: {  	[smem:$0x3FA7] =	sst s1  }
0xa: {  	[smem:$0x3FA8] =	sst s2  }
0xb: {  	[smem:$0x3FA9] =	sst s3  }
0xc: {  	[smem:$0x3FAA] =	sst s4  }
0xd: {  	[smem:$0x3FAB] =	sst s5  }
0xe: {  	[smem:$0x3FAC] =	sst s6  }
0xf: {  	[smem:$0x3FAD] =	sst s7  }
0x10: {  	[smem:$0x3FAE] =	sst s8  }
0x11: {  	[smem:$0x3FAF] =	sst s9;
	s0 =	simm.s32 @!p0 $0x0  }
0x12: {  	s1 =	sld [smem:$0x3F95];
	s0 =	simm.s32 @p0 $0x1  }
0x13: {  	[smem:$0x3FB0] =	sst s0;
	s0 =	simm.s32 @!p1 $0x0  }
0x14: {  	s2 =	sld [smem:$0x3F94];
	s0 =	simm.s32 @p1 $0x1  }
0x15: {  	[smem:$0x3FB1] =	sst s0;
	s0 =	simm.s32 @!p2 $0x0  }
0x16: {  	s3 =	sld [smem:$0x3FDB];
	s0 =	simm.s32 @p2 $0x1  }
0x17: {  	s4 =	simm.s32 $0x1BF5;
	[smem:$0x3FB3] =	sst s0  }
0x18: {  	s0 =	sld [smem:$0x3F96];
	_ =	swait.ge [sflag:s4], $0x0  }
0x19: {  	s7 =	sld [smem:$0x3F97]  }
0x1a: {  	s8 =	sadd.s32 $0xFFFFE003, lr  }
0x1b: {  	s9 =	sadd.s32 $0xFFFFFEF7, lr;
	s5 =	simm.s32 $0xFFFFFFFF;
	p2 =	slt.u32 s8, $0xFFFFF086  }
0x1c: {  	p1 =	slt.u32 s9, $0xF7A;
	s5 =	simm.s32 @!p2 $0x0  }
0x1d: {  	s5 =	simm.s32 @p1 $0x1;
	p0 =	seq.s32 s7, s2  }
0x1e: {  	s7 =	smul.u32 @!p0 $0xF7A, s2;
	p2 =	seq.s32 @!p0 s5, $0x0  }
0x1f: {  	s9 =	smul.u32 $0xF7A, s1;
	s8 =	simm.s32 @!p0 $0x1BF5;
	p2 =	por !p2, p0  }
0x20: {  	[sflag:s8] =	ssyncset.s32 @!p0 $0xFFFFF086;
	s6 =	sadd.s32 @!p0 s3, s7;
	s7 =	simm.s32 @!p0 $0x108  }
0x21: {  	s3 =	sadd.s32 s3, s9;
	s6 =	sadd.s32 @!p0 $0x88, s6;
	s7 =	simm.s32 @p2 $0x1082  }
0x22: {  	[simem:s7], [sflag:s8] =	dma.local @!p0 [hbm:s6], $0xF7A  }
0x23: {  	s9 =	sor.u32 $0xD0000000, s2;
	s6 =	simm.s32 $0x108;
	_ =	swait.ge @!p0 [sflag:s8], $0x0  }
0x24: {  	s3 =	sadd.s32 $0x88, s3;
	s6 =	simm.s32 @!p1 $0x1082;
	[sflag:s4] =	ssyncset.s32 $0xFFFFF086  }
0x25: {  	[simem:s6], [sflag:s4] =	dma.local [hbm:s3], $0xF7A  }
0x26: {  	[smem:$0x3F97] =	sst s1;
	(tag) =	ssettag s2;
	_ =	strace s9  }
0x27: {  	s1 =	sld [smem:$0x3FA7]  }
0x28: {  	s2 =	sld [smem:$0x3FA8]  }
0x29: {  	s4 =	sld [smem:$0x3FAA]  }
0x2a: {  	p0 =	seq.s32 s5, $0x0;
	s5 =	sld [smem:$0x3FAB]  }
0x2b: {  	s6 =	sld [smem:$0x3FAC]  }
0x2c: {  	s7 =	sld [smem:$0x3FAD]  }
0x2d: {  	s3 =	simm.s32 $0x108;
	s8 =	sld [smem:$0x3FAE]  }
0x2e: {  	s3 =	simm.s32 @!p0 $0x1082;
	s9 =	sld [smem:$0x3FAF]  }
0x2f: {  	lr =	sadd.s32 s0, s3;
	s0 =	sld [smem:$0x3FA6]  }
0x30: {  	s3 =	sld [smem:$0x3FA9]  }
0x31: {  	[smem:$0x3FB2] =	sst s10  }
0x32: {  	s10 =	sld [smem:$0x3FB0];
	_ =	sdelay $0x3  }
0x33: {  	p0 =	seq.s32 s10, $0x1;
	s10 =	sld [smem:$0x3FB2];
	_ =	sdelay $0x3  }
0x34: {  	[smem:$0x3FB2] =	sst s10  }
0x35: {  	s10 =	sld [smem:$0x3FB1];
	_ =	sdelay $0x3  }
0x36: {  	p1 =	seq.s32 s10, $0x1;
	s10 =	sld [smem:$0x3FB2];
	_ =	sdelay $0x3  }
0x37: {  	[smem:$0x3FB2] =	sst s10  }
0x38: {  	s10 =	sld [smem:$0x3FB3]  }
0x39: {  	_ = 	snop;
	(pc) =	sbr.ind lr, $3  }
0x3a: {  	_ = 	snop  }
0x3b: {  	_ = 	snop  }
0x3c: {  	p2 =	seq.s32 s10, $0x1;
	s10 =	sld [smem:$0x3FB2]  }
0x3d: {  	_ =	shalt  }
0x3e: {  	_ =	shalt  }
0x3f: {  	_ =	shalt  }
0x40: {  	_ =	shalt  }
0x41: {  	_ =	shalt  }
0x42: {  	_ =	shalt  }
0x43: {  	_ =	shalt  }
0x44: {  	_ =	shalt  }
0x45: {  	_ =	shalt  }
0x46: {  	_ =	shalt  }
0x47: {  	_ =	shalt  }
0x48: {  	_ =	shalt  }
0x49: {  	_ =	shalt  }
0x4a: {  	_ =	shalt  }
0x4b: {  	_ =	shalt  }
0x4c: {  	_ =	shalt  }
0x4d: {  	_ =	shalt  }
0x4e: {  	_ =	shalt  }
0x4f: {  	_ =	shalt  }
0x50: {  	_ =	shalt  }
0x51: {  	_ =	shalt  }
0x52: {  	_ =	shalt  }
0x53: {  	_ =	shalt  }
0x54: {  	_ =	shalt  }
0x55: {  	_ =	shalt  }
0x56: {  	_ =	shalt  }
0x57: {  	_ =	shalt  }
0x58: {  	_ =	shalt  }
0x59: {  	_ =	shalt  }
0x5a: {  	_ =	shalt  }
0x5b: {  	_ =	shalt  }
0x5c: {  	_ =	shalt  }
0x5d: {  	_ =	shalt  }
0x5e: {  	_ =	shalt  }
0x5f: {  	_ =	shalt  }
0x60: {  	_ =	shalt  }
0x61: {  	_ =	shalt  }
0x62: {  	_ =	shalt  }
0x63: {  	_ =	shalt  }
0x64: {  	_ =	shalt  }
0x65: {  	_ =	shalt  }
0x66: {  	_ =	shalt  }
0x67: {  	_ =	shalt  }
0x68: {  	_ =	shalt  }
0x69: {  	_ =	shalt  }
0x6a: {  	_ =	shalt  }
0x6b: {  	_ =	shalt  }
0x6c: {  	_ =	shalt  }
0x6d: {  	_ =	shalt  }
0x6e: {  	_ =	shalt  }
0x6f: {  	_ =	shalt  }
0x70: {  	_ =	shalt  }
0x71: {  	_ =	shalt  }
0x72: {  	_ =	shalt  }
0x73: {  	_ =	shalt  }
0x74: {  	_ =	shalt  }
0x75: {  	_ =	shalt  }
0x76: {  	_ =	shalt  }
0x77: {  	_ =	shalt  }
0x78: {  	_ =	shalt  }
0x79: {  	_ =	shalt  }
0x7a: {  	_ =	shalt  }
0x7b: {  	_ =	shalt  }
0x7c: {  	_ =	shalt  }
0x7d: {  	_ =	shalt  }
0x7e: {  	_ =	shalt  }
0x7f: {  	_ =	shalt  }
0x80: {  	_ =	shalt  }
0x81: {  	_ =	shalt  }
0x82: {  	_ =	shalt  }
0x83: {  	_ =	shalt  }
0x84: {  	_ =	shalt  }
0x85: {  	_ =	shalt  }
0x86: {  	_ =	shalt  }
0x87: {  	_ =	shalt  }
.Lfunc_end0:
.L_simem_size_0:
called_computation.2_lowered:
.L_overlay_start_0:
0x88: {  	s2 =	sld [smem:$0x3FD9]  }
0x89: {  	s3 =	sld [smem:$0x3FFE];
	_ =	sdelay $0x1  }
0x8a: {  	s1 =	srdreg.scid  }
0x8b: {  	s0 =	sand.u32 $0x1, s1  }
0x8c: {  	s17 =	sshll.u32 s0, $0xA;
	s2 =	sadd.s32 s3, s2  }
0x8d: {  	s2 =	sadd.s32 s2, s17  }
0x8e: {  	[smem:$0x3FBE] =	sst s2  }
0x8f: {  	_ = 	snop  }
0x90: {  	s2 =	sld [smem:$0x3FD0];
	(tm) =	ssettm $0x1  }
0x91: {  	s18 =	sld [smem:$0x3FFB];
	_ =	sdelay $0x3  }
0x92: {  	_ =	strace s18  }
0x93: {  	s3 =	sld [smem:$0x3FFC];
	_ =	sdelay $0x3  }
0x94: {  	_ =	strace s3  }
0x95: {  	s3 =	sld [smem:$0x3FFD];
	_ =	sdelay $0x3  }
0x96: {  	_ =	strace s3  }
0x97: {  	_ =	strace $0x8FFFFFFF  }
0x98: {  	s19 =	sld [smem:$0x3FDB];
	_ =	sdelay $0x1  }
0x99: {  	s4 =	simm.s32 $_scs_section_size  }
0x9a: {  	s5 =	simm.s32 $_size__tile_overlayer_lowered;
	s6 =	simm.s32 $_tile_overlayer_lowered  }
0x9b: {  	s22 =	simm.s32 $0x1BFF;
	s21 =	sshll.u32 s6, $0x1;
	s3 =	sadd.s32 s4, s19  }
0x9c: {  	s7 =	simm.s32 $0x0;
	s20 =	sshll.u32 s5, $0x1;
	s5 =	sadd.s32 s21, s3  }
0x9d: {  	[timem:s7], [sflag:s22] =	dma.local [hbm:s5], s20  }
0x9e: {  	_ =	swait.ge [sflag:s22], s20  }
0x9f: {  	s4 =	ssub.s32 $0x0, s20;
	[sflag:s22] =	ssyncset.done $0x0  }
0xa0: {  	[sflag:s22] =	ssyncadd.s32 s4;
	_ =	sdelay $0x1  }
0xa1: {  	s23 =	simm.s32 $0x1B8B  }
0xa2: {  	_ =	swait.ge [sflag:s23], $0x1  }
0xa3: {  	[sflag:s23] =	ssyncset.done $0x0  }
0xa4: {  	s25 =	simm.s32 $0x1B8E;
	s24 =	sld [smem:$0x3FFE];
	[sflag:s23] =	ssyncadd.s32 $0xFFFFFFFF  }
0xa5: {  	s26 =	simm.s32 $execute0_lowered;
	[smem:$0x3FD2] =	sst s25  }
0xa6: {  	s5 =	sshll.u32 s26, $0x1;
	_ =	strace $0x8000004C;
	[dreg:$0x1] =	wrdreg $0xFFFFFFFF  }
0xa7: {  	s28 =	simm.s32 $_size_execute0_lowered;
	s3 =	sadd.s32 s3, s5;
	[dreg:$0x0] =	wrdreg $0x0  }
0xa8: {  	s5 =	sshll.u32 s28, $0x1;
	[dreg:$0x2] =	wrdreg s3  }
0xa9: {  	[dreg:$0x3] =	wrdreg s5  }
0xaa: {  	[dreg:$0x4] =	wrdreg $0xC0  }
0xab: {  	_ =	task [dreg:s7], $0x5FFFF  }
0xac: {  	[dreg:$0x1] =	wrdreg $0xFFFFFFFF  }
0xad: {  	[dreg:$0x0] =	wrdreg $0x60  }
0xae: {  	[dreg:$0x2] =	wrdreg s2  }
0xaf: {  	[dreg:$0x3] =	wrdreg s24  }
0xb0: {  	[dreg:$0x4] =	wrdreg $0x88000  }
0xb1: {  	[dreg:$0x5] =	wrdreg $0x9  }
0xb2: {  	_ =	task.clear_ibuf [dreg:s7], $0x6FFFF;
	_ =	strace $0x9000004C  }
0xb3: {  	s29 =	simm.s32 $0x9;
	_ =	strace $0x8000004E  }
0xb4: {  	_ =	swait.ge [sflag:s29], $0x1  }
0xb5: {  	[sflag:s29] =	ssyncadd.s32 $0xFFFFFFFF  }
0xb6: {  	_ =	strace $0x9000004E  }
0xb7: {  	_ =	sfence  }
0xb8: {  	s30 =	sld [smem:$0x0];
	_ =	sdelay $0x2  }
0xb9: {  	s31 =	sshll.u32 s1, $0xD;
	s1 =	sshrl.u32 s1, $0x2  }
0xba: {  	s3 =	sand.u32 $0x4000, s31;
	s1 =	sadd.s32 s1, s30  }
0xbb: {  	s0 =	sor.u32 s3, s0;
	s1 =	sshll.u32 s1, $0x11  }
0xbc: {  	s0 =	sor.u32 s1, s0  }
0xbd: {  	s0 =	sadd.s32 $0x8F2B, s0  }
0xbe: {  	[sflag:s0] =	ssyncadd.remote.s32 $0x1  }
0xbf: {  	_ =	sfence.sel $0xFFFF  }
0xc0: {  	[dreg:$0x0] =	wrdreg $0xFFFFFFFF;
	(pc) =	sbr.abs _section_cstart, $3  }
0xc1: {  	[dreg:$0x1] =	wrdreg $0xFFFFFFFF  }
0xc2: {  	_ =	task.clear_ibuf [dreg:s7], $0x2FFFF;
	_ =	strace $0x9FFFFFFF  }
0xc3: {  	(tm) =	ssettm $0x7FFFFFFF  }
tec
execute0_lowered:
.L_overlay_start_1:
0x0: {  	(tag) =	ssettag $0x1  }
0x1: {  	s1 =	rddreg [dreg:$0x0]  }
0x2: {  	s0 =	rddreg [dreg:$0x1];
	s13 =	stileid.u32  }
0x3: {  	s3 =	rddreg [dreg:$0x2];
	s5 =	smul.u32 $0x13C00, s13  }
0x4: {  	s26 =	simm.s32 $0x0;
	s2 =	srdreg.scid;
	s22 =	smul.u32 $0x5000, s13  }
0x5: {  	s30 =	simm.s32 $0x5;
	s2 =	sand.u32 $0x1, s2;
	s11 =	smul.u32 $0x4F000, s13  }
0x6: {  	[smem:$0x7FF] =	sst s26;
	s7 =	sadd.s32 $0x165800, s0;
	s6 =	smul.u32 $0x13C000, s2  }
0x7: {  	s10 =	sadd.s32 $0x179800, s0;
	s8 =	smul.u32 $0x50000, s2;
	s2 =	ssub.s32 $0x2, s2  }
0x8: {  	_ =	strace $0x8000004D;
	s9 =	sshrl.u32 s5, $0x3;
	s23 =	sshrl.u32 s2, $0x1  }
0x9: {  	s24 =	sshrl.u32 s11, $0x2;
	s5 =	sadd.s32 s5, s6;
	s9 =	sadd.s32 s9, s0  }
0xa: {  	s6 =	sadd.s32 s22, s8;
	s2 =	ssub.s32 s2, s23;
	s23 =	sshll.u32 s13, $0x6  }
0xb: {  	s5 =	sshrl.u32 s5, $0x3;
	s8 =	sshrl.u32 s6, $0x3;
	s6 =	sor.u32 $0x400, s6  }
0xc: {  	s0 =	sadd.s32 s5, s0;
	s25 =	sor.u32 $0x10, s8;
	s5 =	sadd.s32 s24, s3  }
0xd: {  	s14 =	sadd.s32 s7, s8;
	s24 =	sadd.s32 $0xA0000, s9;
	[dreg:$0x12] =	wrdreg s5  }
0xe: {  	s15 =	sadd.s32 s10, s8;
	s28 =	sor.u32 $0x20, s8;
	[dreg:$0x13] =	wrdreg s24  }
0xf: {  	s31 =	sor.u32 $0x30, s8;
	s17 =	sor.u32 $0x40, s8;
	[dreg:$0x4] =	wrdreg s14  }
0x10: {  	s18 =	sor.u32 $0x50, s8;
	s12 =	sadd.s32 s7, s25;
	[dreg:$0x5] =	wrdreg s15  }
0x11: {  	s8 =	sor.u32 $0x60, s8;
	s11 =	sadd.s32 s10, s25;
	[dreg:$0x6] =	wrdreg s12  }
0x12: {  	s6 =	sshrl.u32 s6, $0x3;
	s16 =	sadd.s32 s7, s28;
	[dreg:$0x7] =	wrdreg s11  }
0x13: {  	s9 =	simm.s32 $0x7;
	s4 =	sadd.s32 s7, s31;
	[dreg:$0x8] =	wrdreg s16  }
0x14: {  	s19 =	sadd.s32 s7, s17;
	s20 =	sadd.s32 s7, s18;
	[dreg:$0xa] =	wrdreg s4  }
0x15: {  	s21 =	sadd.s32 s10, s18;
	s22 =	sadd.s32 s7, s8;
	[dreg:$0xc] =	wrdreg s19  }
0x16: {  	s8 =	sadd.s32 s10, s8;
	s29 =	sadd.s32 s6, s10;
	[dreg:$0xe] =	wrdreg s20  }
0x17: {  	s0 =	sadd.s32 $0xC7800, s0;
	s25 =	smax.u32 s2, $0x1;
	[dreg:$0xf] =	wrdreg s21  }
0x18: {  	s18 =	simm.s32 $0x2800;
	s24 =	simm.s32 $0x9;
	[dreg:$0x10] =	wrdreg s22  }
0x19: {  	s2 =	simm.s32 $0x6;
	s11 =	sadd.s32 s10, s28;
	[dreg:$0x11] =	wrdreg s8  }
0x1a: {  	s16 =	sadd.s32 s10, s31;
	s20 =	sadd.s32 s6, s7;
	[dreg:$0x15] =	wrdreg s0  }
0x1b: {  	s6 =	sor.u32 $0x1C11, s23;
	[dreg:$0x16] =	wrdreg s25;
	s28 =	sadd.s32 $0x70, s14  }
0x1c: {  	s31 =	sadd.s32 $0x70, s15;
	s12 =	simm.s32 $0x11;
	s25 =	simm.s32 $0x600  }
0x1d: {  	s15 =	simm.s32 $0x40;
	s22 =	simm.s32 $0x800;
	s4 =	simm.s32 $0x3  }
0x1e: {  	s23 =	simm.s32 $0x4;
	s14 =	simm.s32 $0xA;
	[dreg:$0x9] =	wrdreg s11  }
.Ltmp0:
0x1f: {  	s7 =	simm.s32 $0xC;
	[dreg:$0xb] =	wrdreg s16;
	(pc) =	sbr.rel .LBB2_1-.Ltmp0, $4  }
0x20: {  	s8 =	simm.s32 $0xF;
	s0 =	simm.s32 $0x0;
	[dreg:$0x17] =	wrdreg s28  }
0x21: {  	s21 =	simm.s32 $0x6800;
	s19 =	simm.s32 $0x0;
	[dreg:$0x18] =	wrdreg s31  }
0x22: {  	s11 =	sadd.s32 s10, s17;
	s17 =	simm.s32 $0xD;
	[dreg:$0x14] =	wrdreg s6  }
0x23: {  	s10 =	simm.s32 $0x700;
	[dreg:$0xd] =	wrdreg s11;
	s11 =	simm.s32 $0x8  }
.LBB2_4:
0x24: {  	s0 =	simm.s32 $0x10  }
0x25: {  	_ =	swait.ge [sflag:s0], $0x2000  }
0x26: {  	[sflag:s0] =	ssyncset.done $0x0  }
0x27: {  	[sflag:s0] =	ssyncadd.s32 $0xFFFFE000  }
0x28: {  	[bflag:$0x0] =	sbarrier.arrive $0xFFFF  }
0x29: {  	s6 =	rddreg [dreg:$0x14]  }
0x2a: {  	s5 =	rddreg [dreg:$0x15]  }
0x2b: {  	s12 =	simm.s32 $0x11;
	s26 =	rddreg [dreg:$0x1a]  }
0x2c: {  	[hbm:s5], [sflag:s6] =	dma.local [spmem:s26], $0x2780  }
0x2d: {  	_ =	swait.ge [sflag:s12], $0x2780  }
0x2e: {  	s28 =	rddreg [dreg:$0x19]  }
0x2f: {  	s31 =	rddreg [dreg:$0x16];
	s0 =	sadd.s32 $0x1, s28  }
0x30: {  	p0 =	sne.s32 s0, s31  }
.Ltmp1:
0x31: {  	_ = 	snop;
	(pc) =	sbr.rel @!p0 .LBB2_5-.Ltmp1, $3  }
0x32: {  	_ =	sdelay $0x1  }
0x33: {  	[sflag:s12] =	ssyncset.done $0x0  }
0x34: {  	s25 =	simm.s32 $0x600;
	s26 =	simm.s32 $0x0;
	[sflag:s12] =	ssyncadd.s32 $0xFFFFD880  }
.LBB2_1:
0x35: {  	[dreg:$0x19] =	wrdreg s0  }
0x36: {  	s5 =	rddreg [dreg:$0x12]  }
0x37: {  	s31 =	rddreg [dreg:$0x13];
	s28 =	sshrl.u32 s5, $0x3  }
0x38: {  	[dreg:$0x1a] =	wrdreg s28  }
0x39: {  	[spmem:s28], [sflag:s6] =	dma.local [hbm:s31], $0x2780  }
0x3a: {  	_ =	swait.ge [sflag:s12], $0x2780  }
0x3b: {  	[sflag:s12] =	ssyncset.done $0x0  }
0x3c: {  	[sflag:s12] =	ssyncadd.s32 $0xFFFFD880  }
0x3d: {  	[bflag:$0x0] =	sbarrier.arrive $0xFFFF  }
0x3e: {  	s6 =	rddreg [dreg:$0x4]  }
0x3f: {  	[tilespmem:s26], [sflag:$0x1] =	stream.linear.gather [hbm4b:s6+s26], $0x80, $0x38;
	[tilespmem:$0x1C400] =	vst v63  }
0x40: {  	s13 =	simm.s32 $0x80;
	s12 =	rddreg [dreg:$0x5]  }
0x41: {  	[tilespmem:s13], [sflag:$0x1] =	stream.linear.gather [hbm4b:s12+s26], $0x80, $0x38;
	[tilespmem:$0x1C400] =	vst v63  }
0x42: {  	s16 =	rddreg [dreg:$0x6];
	s6 =	simm.s32 $0x100  }
0x43: {  	[tilespmem:s6], [sflag:$0x2] =	stream.linear.gather [hbm4b:s16+s26], $0x80, $0x38;
	[tilespmem:$0x1C400] =	vst v63  }
0x44: {  	s31 =	simm.s32 $0x180;
	s28 =	rddreg [dreg:$0x7]  }
0x45: {  	[tilespmem:s31], [sflag:$0x2] =	stream.linear.gather [hbm4b:s28+s26], $0x80, $0x38;
	[tilespmem:$0x1C400] =	vst v63  }
0x46: {  	s0 =	rddreg [dreg:$0x8];
	s12 =	simm.s32 $0x200  }
0x47: {  	[tilespmem:s12], [sflag:$0x3] =	stream.linear.gather [hbm4b:s0+s26], $0x80, $0x38;
	[tilespmem:$0x1C400] =	vst v63  }
0x48: {  	s13 =	rddreg [dreg:$0x9];
	s16 =	simm.s32 $0x280  }
0x49: {  	[tilespmem:s16], [sflag:$0x3] =	stream.linear.gather [hbm4b:s13+s26], $0x80, $0x38;
	[tilespmem:$0x1C400] =	vst v63  }
0x4a: {  	s28 =	rddreg [dreg:$0xa];
	s31 =	simm.s32 $0x300  }
0x4b: {  	[tilespmem:s31], [sflag:$0x4] =	stream.linear.gather [hbm4b:s28+s26], $0x80, $0x38;
	[tilespmem:$0x1C400] =	vst v63  }
0x4c: {  	s0 =	rddreg [dreg:$0xb];
	s13 =	simm.s32 $0x380  }
0x4d: {  	[tilespmem:s13], [sflag:$0x4] =	stream.linear.gather [hbm4b:s0+s26], $0x80, $0x38;
	[tilespmem:$0x1C400] =	vst v63  }
0x4e: {  	s28 =	rddreg [dreg:$0xc];
	s31 =	simm.s32 $0x400  }
0x4f: {  	[tilespmem:s31], [sflag:$0x5] =	stream.linear.gather [hbm4b:s28+s26], $0x80, $0x38;
	[tilespmem:$0x1C400] =	vst v63  }
0x50: {  	s0 =	rddreg [dreg:$0xd];
	s13 =	simm.s32 $0x480  }
0x51: {  	[tilespmem:s13], [sflag:$0x5] =	stream.linear.gather [hbm4b:s0+s26], $0x80, $0x38;
	[tilespmem:$0x1C400] =	vst v63  }
0x52: {  	s16 =	rddreg [dreg:$0xe];
	s28 =	simm.s32 $0x500  }
0x53: {  	[tilespmem:s28], [sflag:$0x6] =	stream.linear.gather [hbm4b:s16+s26], $0x80, $0x38;
	[tilespmem:$0x1C400] =	vst v63  }
0x54: {  	s31 =	rddreg [dreg:$0xf];
	s0 =	simm.s32 $0x580  }
0x55: {  	[tilespmem:s0], [sflag:$0x6] =	stream.linear.gather [hbm4b:s31+s26], $0x80, $0x38;
	[tilespmem:$0x1C400] =	vst v63  }
0x56: {  	s13 =	rddreg [dreg:$0x10]  }
0x57: {  	[tilespmem:s25], [sflag:$0x7] =	stream.linear.gather [hbm4b:s13+s26], $0x80, $0x38;
	[tilespmem:$0x1C400] =	vst v63  }
0x58: {  	s16 =	rddreg [dreg:$0x11];
	s28 =	simm.s32 $0x1;
	s25 =	simm.s32 $0x680  }
0x59: {  	[tilespmem:s25], [sflag:$0x7] =	stream.linear.gather [hbm4b:s16+s26], $0x80, $0x38;
	[tilespmem:$0x1C400] =	vst v63  }
0x5a: {  	_ =	swait.ge [sflag:s28], $0x80  }
0x5b: {  	[sflag:s28] =	ssyncset.done $0x0  }
0x5c: {  	[sflag:s28] =	ssyncadd.s32 $0xFFFFFF80  }
0x5d: {  	_ =	swait.ge [sflag:s28], $0x80  }
0x5e: {  	[sflag:s28] =	ssyncset.done $0x0  }
0x5f: {  	s31 =	simm.s32 $0x2;
	[sflag:s28] =	ssyncadd.s32 $0xFFFFFF80  }
0x60: {  	[tilespmem:s22], [sflag:$0x9] =	stream.indirect.gather [hbm4b:s1+s15], $0x80, s26, s15, $0xb8;
	[tilespmem:$0x1C400] =	vst v63  }
0x61: {  	_ =	swait.ge [sflag:s31], $0x80  }
0x62: {  	[sflag:s31] =	ssyncset.done $0x0  }
0x63: {  	[sflag:s31] =	ssyncadd.s32 $0xFFFFFF80  }
0x64: {  	_ =	swait.ge [sflag:s31], $0x80  }
0x65: {  	[sflag:s31] =	ssyncset.done $0x0  }
0x66: {  	[sflag:s31] =	ssyncadd.s32 $0xFFFFFF80  }
0x67: {  	[tilespmem:s18], [sflag:$0xA] =	stream.indirect.gather [hbm4b:s1+s15], $0x80, s6, s15, $0xb8;
	[tilespmem:$0x1C400] =	vst v63  }
0x68: {  	_ =	swait.ge [sflag:s4], $0x80  }
0x69: {  	[sflag:s4] =	ssyncset.done $0x0  }
0x6a: {  	[sflag:s4] =	ssyncadd.s32 $0xFFFFFF80  }
0x6b: {  	_ =	swait.ge [sflag:s4], $0x80  }
0x6c: {  	[sflag:s4] =	ssyncset.done $0x0  }
0x6d: {  	s13 =	simm.s32 $0x4800;
	[sflag:s4] =	ssyncadd.s32 $0xFFFFFF80  }
0x6e: {  	[tilespmem:s13], [sflag:$0xB] =	stream.indirect.gather [hbm4b:s1+s15], $0x80, s12, s15, $0xb8;
	[tilespmem:$0x1C400] =	vst v63  }
0x6f: {  	s22 =	simm.s32 $0x600;
	s12 =	simm.s32 $0x0  }
.LBB2_2:
0x70: {  	_ =	swait.ge [sflag:s24], $0x2000  }
0x71: {  	s5 =	simm.s32 $0x80;
	[sflag:s24] =	ssyncset.done $0x0  }
0x72: {  	s18 =	simm.s32 $0x800;
	p0 =	seq.s32 s12, $0x0;
	[sflag:s24] =	ssyncadd.s32 $0xFFFFE000  }
0x73: {  	[spmem:s3] =	stream.indirect.scatter.add.f32 [tilespmem:s18], [sflag:$0xD], $0x80, s5, s15, $0xb8;
	[tilespmem:$0x1C400] =	vst v63  }
0x74: {  	s5 =	simm.s32 @!p0 $0x10  }
0x75: {  	_ =	swait.ge @!p0 [sflag:s5], $0x2000  }
0x76: {  	[sflag:s5] =	ssyncset.done @!p0 $0x0;
	s28 =	rddreg [dreg:$0x17]  }
0x77: {  	s31 =	rddreg [dreg:$0x18];
	[sflag:s5] =	ssyncadd.s32 @!p0 $0xFFFFE000;
	s5 =	sadd.s32 s12, s28  }
0x78: {  	[tilespmem:s10], [sflag:$0x8] =	stream.linear.gather [hbm4b:s5+s26], $0x80, $0x38;
	[tilespmem:$0x1C400] =	vst v63  }
0x79: {  	s0 =	simm.s32 $0x780;
	s5 =	sadd.s32 s12, s31  }
0x7a: {  	[tilespmem:s0], [sflag:$0x8] =	stream.linear.gather [hbm4b:s5+s26], $0x80, $0x38;
	[tilespmem:$0x1C400] =	vst v63  }
0x7b: {  	_ =	swait.ge [sflag:s23], $0x80  }
0x7c: {  	[sflag:s23] =	ssyncset.done $0x0  }
0x7d: {  	[sflag:s23] =	ssyncadd.s32 $0xFFFFFF80  }
0x7e: {  	_ =	swait.ge [sflag:s23], $0x80  }
0x7f: {  	[sflag:s23] =	ssyncset.done $0x0  }
0x80: {  	s0 =	simm.s32 $0x300;
	[sflag:s23] =	ssyncadd.s32 $0xFFFFFF80  }
0x81: {  	[tilespmem:s21], [sflag:$0xC] =	stream.indirect.gather [hbm4b:s1+s15], $0x80, s0, s15, $0xb8;
	[tilespmem:$0x1C400] =	vst v63  }
0x82: {  	_ =	swait.ge [sflag:s14], $0x2000  }
0x83: {  	[sflag:s14] =	ssyncset.done $0x0  }
0x84: {  	s6 =	simm.s32 $0x180;
	s0 =	simm.s32 $0x2800;
	[sflag:s14] =	ssyncadd.s32 $0xFFFFE000  }
0x85: {  	[spmem:s3] =	stream.indirect.scatter.add.f32 [tilespmem:s0], [sflag:$0xE], $0x80, s6, s15, $0xb8;
	[tilespmem:$0x1C400] =	vst v63  }
0x86: {  	_ =	swait.ge [sflag:s17], $0x2000  }
0x87: {  	p0 =	seq.s32 s12, $0x980;
	[sflag:s17] =	ssyncset.done $0x0  }
0x88: {  	s26 =	sadd.s32 @!p0 s12, s20;
	s5 =	simm.s32 @!p0 $0x0;
	[sflag:s17] =	ssyncadd.s32 $0xFFFFE000  }
0x89: {  	[tilespmem:s5], [sflag:$0x1] =	stream.linear.gather @!p0 [hbm4b:s26+s5], $0x80, $0x38;
	[tilespmem:$0x1C400] =	vst v63  }
0x8a: {  	s28 =	sadd.s32 @!p0 s12, s29;
	s6 =	simm.s32 @!p0 $0x80  }
0x8b: {  	[tilespmem:s6], [sflag:$0x1] =	stream.linear.gather @!p0 [hbm4b:s28+s5], $0x80, $0x38;
	[tilespmem:$0x1C400] =	vst v63  }
0x8c: {  	_ =	swait.ge [sflag:s30], $0x80  }
0x8d: {  	[sflag:s30] =	ssyncset.done $0x0  }
0x8e: {  	[sflag:s30] =	ssyncadd.s32 $0xFFFFFF80  }
0x8f: {  	_ =	swait.ge [sflag:s30], $0x80  }
0x90: {  	[sflag:s30] =	ssyncset.done $0x0  }
0x91: {  	s16 =	simm.s32 $0x400;
	s25 =	simm.s32 $0xB;
	[sflag:s30] =	ssyncadd.s32 $0xFFFFFF80  }
0x92: {  	[tilespmem:s18], [sflag:$0x9] =	stream.indirect.gather [hbm4b:s1+s15], $0x80, s16, s15, $0xb8;
	[tilespmem:$0x1C400] =	vst v63  }
0x93: {  	_ =	swait.ge [sflag:s25], $0x2000  }
0x94: {  	[sflag:s25] =	ssyncset.done $0x0  }
0x95: {  	s31 =	simm.s32 $0x280;
	s16 =	simm.s32 $0xE;
	[sflag:s25] =	ssyncadd.s32 $0xFFFFE000  }
0x96: {  	[spmem:s3] =	stream.indirect.scatter.add.f32 [tilespmem:s13], [sflag:$0xF], $0x80, s31, s15, $0xb8;
	[tilespmem:$0x1C400] =	vst v63  }
0x97: {  	_ =	swait.ge [sflag:s16], $0x2000  }
0x98: {  	[sflag:s16] =	ssyncset.done $0x0  }
0x99: {  	s6 =	simm.s32 @!p0 $0x100;
	s25 =	sadd.s32 @!p0 $0x10, s26;
	[sflag:s16] =	ssyncadd.s32 $0xFFFFE000  }
0x9a: {  	[tilespmem:s6], [sflag:$0x2] =	stream.linear.gather @!p0 [hbm4b:s25+s5], $0x80, $0x38;
	[tilespmem:$0x1C400] =	vst v63  }
0x9b: {  	s31 =	simm.s32 @!p0 $0x180;
	s25 =	sadd.s32 @!p0 $0x10, s28  }
0x9c: {  	[tilespmem:s31], [sflag:$0x2] =	stream.linear.gather @!p0 [hbm4b:s25+s5], $0x80, $0x38;
	[tilespmem:$0x1C400] =	vst v63  }
0x9d: {  	_ =	swait.ge [sflag:s2], $0x80  }
0x9e: {  	[sflag:s2] =	ssyncset.done $0x0  }
0x9f: {  	[sflag:s2] =	ssyncadd.s32 $0xFFFFFF80  }
0xa0: {  	_ =	swait.ge [sflag:s2], $0x80  }
0xa1: {  	[sflag:s2] =	ssyncset.done $0x0  }
0xa2: {  	s16 =	simm.s32 $0x500;
	[sflag:s2] =	ssyncadd.s32 $0xFFFFFF80  }
0xa3: {  	[tilespmem:s0], [sflag:$0xA] =	stream.indirect.gather [hbm4b:s1+s15], $0x80, s16, s15, $0xb8;
	[tilespmem:$0x1C400] =	vst v63  }
0xa4: {  	_ =	swait.ge [sflag:s7], $0x2000  }
0xa5: {  	[sflag:s7] =	ssyncset.done $0x0  }
0xa6: {  	s25 =	simm.s32 $0x380;
	[sflag:s7] =	ssyncadd.s32 $0xFFFFE000  }
0xa7: {  	[spmem:s3] =	stream.indirect.scatter.add.f32 [tilespmem:s21], [sflag:$0x10], $0x80, s25, s15, $0xb8;
	[tilespmem:$0x1C400] =	vst v63  }
0xa8: {  	_ =	swait.ge [sflag:s8], $0x2000  }
0xa9: {  	[sflag:s8] =	ssyncset.done $0x0  }
0xaa: {  	s31 =	simm.s32 @!p0 $0x200;
	s25 =	sadd.s32 @!p0 $0x20, s26;
	[sflag:s8] =	ssyncadd.s32 $0xFFFFE000  }
0xab: {  	[tilespmem:s31], [sflag:$0x3] =	stream.linear.gather @!p0 [hbm4b:s25+s5], $0x80, $0x38;
	[tilespmem:$0x1C400] =	vst v63  }
0xac: {  	s25 =	sadd.s32 @!p0 $0x20, s28;
	s31 =	simm.s32 @!p0 $0x280  }
0xad: {  	[tilespmem:s31], [sflag:$0x3] =	stream.linear.gather @!p0 [hbm4b:s25+s5], $0x80, $0x38;
	[tilespmem:$0x1C400] =	vst v63  }
0xae: {  	_ =	swait.ge [sflag:s9], $0x80  }
0xaf: {  	[sflag:s9] =	ssyncset.done $0x0  }
0xb0: {  	[sflag:s9] =	ssyncadd.s32 $0xFFFFFF80  }
0xb1: {  	_ =	swait.ge [sflag:s9], $0x80  }
0xb2: {  	[sflag:s9] =	ssyncset.done $0x0  }
0xb3: {  	[sflag:s9] =	ssyncadd.s32 $0xFFFFFF80  }
0xb4: {  	[tilespmem:s13], [sflag:$0xB] =	stream.indirect.gather [hbm4b:s1+s15], $0x80, s22, s15, $0xb8;
	[tilespmem:$0x1C400] =	vst v63  }
0xb5: {  	_ =	swait.ge [sflag:s24], $0x2000  }
0xb6: {  	[sflag:s24] =	ssyncset.done $0x0  }
0xb7: {  	s31 =	simm.s32 $0x480;
	[sflag:s24] =	ssyncadd.s32 $0xFFFFE000  }
0xb8: {  	[spmem:s3] =	stream.indirect.scatter.add.f32 [tilespmem:s18], [sflag:$0xD], $0x80, s31, s15, $0xb8;
	[tilespmem:$0x1C400] =	vst v63  }
0xb9: {  	s18 =	simm.s32 $0x10  }
0xba: {  	_ =	swait.ge [sflag:s18], $0x2000  }
0xbb: {  	[sflag:s18] =	ssyncset.done $0x0  }
0xbc: {  	s25 =	sadd.s32 @!p0 $0x30, s26;
	s31 =	simm.s32 @!p0 $0x300;
	[sflag:s18] =	ssyncadd.s32 $0xFFFFE000  }
0xbd: {  	[tilespmem:s31], [sflag:$0x4] =	stream.linear.gather @!p0 [hbm4b:s25+s5], $0x80, $0x38;
	[tilespmem:$0x1C400] =	vst v63  }
0xbe: {  	s25 =	sadd.s32 @!p0 $0x30, s28;
	s31 =	simm.s32 @!p0 $0x380  }
0xbf: {  	[tilespmem:s31], [sflag:$0x4] =	stream.linear.gather @!p0 [hbm4b:s25+s5], $0x80, $0x38;
	[tilespmem:$0x1C400] =	vst v63  }
0xc0: {  	_ =	swait.ge [sflag:s11], $0x80  }
0xc1: {  	[sflag:s11] =	ssyncset.done $0x0  }
0xc2: {  	[sflag:s11] =	ssyncadd.s32 $0xFFFFFF80  }
0xc3: {  	_ =	swait.ge [sflag:s11], $0x80  }
0xc4: {  	[sflag:s11] =	ssyncset.done $0x0  }
0xc5: {  	[sflag:s11] =	ssyncadd.s32 $0xFFFFFF80  }
0xc6: {  	[tilespmem:s21], [sflag:$0xC] =	stream.indirect.gather [hbm4b:s1+s15], $0x80, s10, s15, $0xb8;
	[tilespmem:$0x1C400] =	vst v63  }
0xc7: {  	_ =	swait.ge [sflag:s14], $0x2000  }
0xc8: {  	[sflag:s14] =	ssyncset.done $0x0  }
0xc9: {  	s25 =	simm.s32 $0x580;
	[sflag:s14] =	ssyncadd.s32 $0xFFFFE000  }
0xca: {  	[spmem:s3] =	stream.indirect.scatter.add.f32 [tilespmem:s0], [sflag:$0xE], $0x80, s25, s15, $0xb8;
	[tilespmem:$0x1C400] =	vst v63  }
0xcb: {  	_ =	swait.ge [sflag:s17], $0x2000  }
0xcc: {  	[sflag:s17] =	ssyncset.done $0x0  }
0xcd: {  	s25 =	simm.s32 @p0 $0xB;
	[sflag:s17] =	ssyncadd.s32 $0xFFFFE000  }
0xce: {  	_ =	swait.ge @p0 [sflag:s25], $0x2000  }
0xcf: {  	s16 =	simm.s32 @p0 $0x4800;
	[sflag:s25] =	ssyncset.done @p0 $0x0  }
0xd0: {  	s31 =	simm.s32 @p0 $0x680;
	[sflag:s25] =	ssyncadd.s32 @p0 $0xFFFFE000;
	s25 =	simm.s32 @p0 $0x40  }
0xd1: {  	[spmem:s3] =	stream.indirect.scatter.add.f32 @p0 [tilespmem:s16], [sflag:$0xF], $0x80, s31, s25, $0xb8;
	[tilespmem:$0x1C400] =	vst v63  }
0xd2: {  	s16 =	simm.s32 @p0 $0xE  }
0xd3: {  	_ =	swait.ge @p0 [sflag:s16], $0x2000  }
0xd4: {  	[sflag:s16] =	ssyncset.done @p0 $0x0  }
0xd5: {  	s25 =	simm.s32 @!p0 $0x400;
	[sflag:s16] =	ssyncadd.s32 @p0 $0xFFFFE000;
	s16 =	sadd.s32 @!p0 $0x40, s26  }
0xd6: {  	[tilespmem:s25], [sflag:$0x5] =	stream.linear.gather @!p0 [hbm4b:s16+s5], $0x80, $0x38;
	[tilespmem:$0x1C400] =	vst v63  }
0xd7: {  	s16 =	sadd.s32 @!p0 $0x40, s28;
	s25 =	simm.s32 @!p0 $0x480  }
0xd8: {  	[tilespmem:s25], [sflag:$0x5] =	stream.linear.gather @!p0 [hbm4b:s16+s5], $0x80, $0x38;
	[tilespmem:$0x1C400] =	vst v63  }
0xd9: {  	s16 =	simm.s32 @!p0 $0x1  }
0xda: {  	_ =	swait.ge @!p0 [sflag:s16], $0x80  }
0xdb: {  	[sflag:s16] =	ssyncset.done @!p0 $0x0  }
0xdc: {  	[sflag:s16] =	ssyncadd.s32 @!p0 $0xFFFFFF80  }
0xdd: {  	_ =	swait.ge @!p0 [sflag:s16], $0x80  }
0xde: {  	[sflag:s16] =	ssyncset.done @!p0 $0x0  }
0xdf: {  	s25 =	simm.s32 @!p0 $0x800;
	[sflag:s16] =	ssyncadd.s32 @!p0 $0xFFFFFF80;
	s16 =	simm.s32 @!p0 $0x40  }
0xe0: {  	[tilespmem:s25], [sflag:$0x9] =	stream.indirect.gather @!p0 [hbm4b:s1+s16], $0x80, s5, s16, $0xb8;
	[tilespmem:$0x1C400] =	vst v63  }
0xe1: {  	s25 =	simm.s32 @!p0 $0xB  }
0xe2: {  	_ =	swait.ge @!p0 [sflag:s25], $0x2000  }
0xe3: {  	[sflag:s25] =	ssyncset.done @!p0 $0x0  }
0xe4: {  	s31 =	simm.s32 @!p0 $0x4800;
	[sflag:s25] =	ssyncadd.s32 @!p0 $0xFFFFE000;
	s25 =	simm.s32 @!p0 $0x680  }
0xe5: {  	[spmem:s3] =	stream.indirect.scatter.add.f32 @!p0 [tilespmem:s31], [sflag:$0xF], $0x80, s25, s16, $0xb8;
	[tilespmem:$0x1C400] =	vst v63  }
0xe6: {  	s25 =	simm.s32 @!p0 $0xE  }
0xe7: {  	_ =	swait.ge @!p0 [sflag:s25], $0x2000  }
0xe8: {  	[sflag:s25] =	ssyncset.done @!p0 $0x0  }
0xe9: {  	[sflag:s25] =	ssyncadd.s32 @!p0 $0xFFFFE000;
	s25 =	sadd.s32 @!p0 $0x50, s26;
	s26 =	simm.s32 @!p0 $0x500  }
0xea: {  	[tilespmem:s26], [sflag:$0x6] =	stream.linear.gather @!p0 [hbm4b:s25+s5], $0x80, $0x38;
	[tilespmem:$0x1C400] =	vst v63  }
0xeb: {  	s25 =	sadd.s32 @!p0 $0x50, s28;
	s26 =	simm.s32 @!p0 $0x580  }
0xec: {  	[tilespmem:s26], [sflag:$0x6] =	stream.linear.gather @!p0 [hbm4b:s25+s5], $0x80, $0x38;
	[tilespmem:$0x1C400] =	vst v63  }
0xed: {  	s5 =	simm.s32 @!p0 $0x2  }
0xee: {  	_ =	swait.ge @!p0 [sflag:s5], $0x80  }
0xef: {  	[sflag:s5] =	ssyncset.done @!p0 $0x0  }
0xf0: {  	[sflag:s5] =	ssyncadd.s32 @!p0 $0xFFFFFF80  }
0xf1: {  	_ =	swait.ge @!p0 [sflag:s5], $0x80  }
0xf2: {  	[sflag:s5] =	ssyncset.done @!p0 $0x0  }
0xf3: {  	[sflag:s5] =	ssyncadd.s32 @!p0 $0xFFFFFF80;
	s5 =	simm.s32 @!p0 $0x2800  }
0xf4: {  	[tilespmem:s5], [sflag:$0xA] =	stream.indirect.gather @!p0 [hbm4b:s1+s16], $0x80, s6, s16, $0xb8;
	[tilespmem:$0x1C400] =	vst v63  }
0xf5: {  	_ =	swait.ge [sflag:s7], $0x2000  }
0xf6: {  	[sflag:s7] =	ssyncset.done $0x0  }
.Ltmp2:
0xf7: {  	s31 =	simm.s32 $0x780;
	[sflag:s7] =	ssyncadd.s32 $0xFFFFE000;
	(pc) =	sbr.rel @p0 .LBB2_4-.Ltmp2, $4  }
0xf8: {  	[spmem:s3] =	stream.indirect.scatter.add.f32 [tilespmem:s21], [sflag:$0x10], $0x80, s31, s15, $0xb8;
	[tilespmem:$0x1C400] =	vst v63  }
0xf9: {  	_ =	swait.ge [sflag:s8], $0x2000  }
0xfa: {  	s13 =	simm.s32 $0x4800;
	[sflag:s8] =	ssyncset.done $0x0  }
0xfb: {  	s22 =	simm.s32 $0x800;
	s18 =	simm.s32 $0x2800;
	[sflag:s8] =	ssyncadd.s32 $0xFFFFE000  }
0xfc: {  	s5 =	sadd.s32 s12, s20  }
0xfd: {  	s22 =	simm.s32 $0x600;
	s28 =	sadd.s32 s12, s29;
	s5 =	sadd.s32 $0x60, s5  }
0xfe: {  	[tilespmem:s22], [sflag:$0x7] =	stream.linear.gather [hbm4b:s5+s19], $0x80, $0x38;
	[tilespmem:$0x1C400] =	vst v63  }
0xff: {  	s6 =	simm.s32 $0x680;
	s5 =	sadd.s32 $0x60, s28  }
0x100: {  	[tilespmem:s6], [sflag:$0x7] =	stream.linear.gather [hbm4b:s5+s19], $0x80, $0x38;
	[tilespmem:$0x1C400] =	vst v63  }
0x101: {  	_ =	swait.ge [sflag:s4], $0x80  }
0x102: {  	[sflag:s4] =	ssyncset.done $0x0  }
0x103: {  	[sflag:s4] =	ssyncadd.s32 $0xFFFFFF80  }
.Ltmp3:
0x104: {  	_ =	swait.ge [sflag:s4], $0x80;
	(pc) =	sbr.rel .LBB2_2-.Ltmp3, $4  }
0x105: {  	[sflag:s4] =	ssyncset.done $0x0  }
0x106: {  	s31 =	simm.s32 $0x200;
	[sflag:s4] =	ssyncadd.s32 $0xFFFFFF80  }
0x107: {  	[tilespmem:s13], [sflag:$0xB] =	stream.indirect.gather [hbm4b:s1+s15], $0x80, s31, s15, $0xb8;
	[tilespmem:$0x1C400] =	vst v63  }
0x108: {  	s12 =	sadd.s32 $0x80, s12;
	s26 =	simm.s32 $0x0;
	s13 =	simm.s32 $0x4800  }
.LBB2_5:
0x109: {  	_ =	sfence.sel $0x180000  }
0x10a: {  	[bflag:$0x0] =	sbarrier.arrive $0xFFFF  }
0x10b: {  	_ =	strace $0x9000004D  }
0x10c: {  	s0 =	stileid.u32;
	[bflag:$0x2] =	sbarrier.arrive $0xFFFF  }
0x10d: {  	p0 =	sne.s32 s0, $0x0;
	s0 =	rddreg [dreg:$0x3]  }
0x10e: {  	s0 =	sadd.s32 @!p0 $0x100000, s0  }
0x10f: {  	[sflag:s0] =	ssyncadd.tile.s32 @!p0 $0x1;
	_ =	shalt  }
.Lfunc_end2:
_tile_overlayer_lowered:
.L_overlay_start_2:
0x110: {  	(tag) =	ssettag $0x2  }
0x111: {  	s0 =	rddreg [dreg:$0x0];
	s2 =	stileid.u32  }
0x112: {  	s1 =	rddreg [dreg:$0x1];
	p0 =	sne.s32 s2, $0x0  }
0x113: {  	s3 =	rddreg [dreg:$0x2];
	[bflag:$0x3] =	sbarrier.arrive $0xFFFF;
	s2 =	simm.s32 @!p0 $0x1C11  }
0x114: {  	[timem:s3], [sflag:s2] =	dma.local @!p0 [hbm:s0], s1  }
0x115: {  	s0 =	simm.s32 @!p0 $0x11  }
0x116: {  	_ =	swait.ge @!p0 [sflag:s0], s1  }
0x117: {  	s1 =	ssub.s32 @!p0 $0x0, s1;
	[sflag:s0] =	ssyncset.done @!p0 $0x0  }
0x118: {  	[sflag:s0] =	ssyncadd.s32 @!p0 s1  }
0x119: {  	[bflag:$0x3] =	sbarrier.arrive $0xFFFF  }
0x11a: {  	_ =	shalt  }

// kernel: kernel.8.cloned.1.call-start
scs
__scs_entry_jumppad:
0x0: {  	(pc) =	sbr.rel $0x88, $3  }
0x1: {  	(tag) =	ssettag $0x0;
	lr =	simm.s32 $0x1  }
0x2: {  	[smem:$0x3F97] =	sst lr;
	_ =	strace $0xD0000000  }
0x3: {  	_ = 	snop  }
0x4: {  	_ = 	snop  }
0x5: {  	_ = 	snop  }
0x6: {  	_ = 	snop  }
0x7: {  	_ = 	snop  }
__scs_overlays_trampoline_lowered:
0x8: {  	[smem:$0x3FA6] =	sst s0  }
0x9: {  	[smem:$0x3FA7] =	sst s1  }
0xa: {  	[smem:$0x3FA8] =	sst s2  }
0xb: {  	[smem:$0x3FA9] =	sst s3  }
0xc: {  	[smem:$0x3FAA] =	sst s4  }
0xd: {  	[smem:$0x3FAB] =	sst s5  }
0xe: {  	[smem:$0x3FAC] =	sst s6  }
0xf: {  	[smem:$0x3FAD] =	sst s7  }
0x10: {  	[smem:$0x3FAE] =	sst s8  }
0x11: {  	[smem:$0x3FAF] =	sst s9;
	s0 =	simm.s32 @!p0 $0x0  }
0x12: {  	s1 =	sld [smem:$0x3F95];
	s0 =	simm.s32 @p0 $0x1  }
0x13: {  	[smem:$0x3FB0] =	sst s0;
	s0 =	simm.s32 @!p1 $0x0  }
0x14: {  	s2 =	sld [smem:$0x3F94];
	s0 =	simm.s32 @p1 $0x1  }
0x15: {  	[smem:$0x3FB1] =	sst s0;
	s0 =	simm.s32 @!p2 $0x0  }
0x16: {  	s3 =	sld [smem:$0x3FDB];
	s0 =	simm.s32 @p2 $0x1  }
0x17: {  	s4 =	simm.s32 $0x1BF5;
	[smem:$0x3FB3] =	sst s0  }
0x18: {  	s0 =	sld [smem:$0x3F96];
	_ =	swait.ge [sflag:s4], $0x0  }
0x19: {  	s7 =	sld [smem:$0x3F97]  }
0x1a: {  	s8 =	sadd.s32 $0xFFFFE003, lr  }
0x1b: {  	s9 =	sadd.s32 $0xFFFFFEF7, lr;
	s5 =	simm.s32 $0xFFFFFFFF;
	p2 =	slt.u32 s8, $0xFFFFF086  }
0x1c: {  	p1 =	slt.u32 s9, $0xF7A;
	s5 =	simm.s32 @!p2 $0x0  }
0x1d: {  	s5 =	simm.s32 @p1 $0x1;
	p0 =	seq.s32 s7, s2  }
0x1e: {  	s7 =	smul.u32 @!p0 $0xF7A, s2;
	p2 =	seq.s32 @!p0 s5, $0x0  }
0x1f: {  	s9 =	smul.u32 $0xF7A, s1;
	s8 =	simm.s32 @!p0 $0x1BF5;
	p2 =	por !p2, p0  }
0x20: {  	[sflag:s8] =	ssyncset.s32 @!p0 $0xFFFFF086;
	s6 =	sadd.s32 @!p0 s3, s7;
	s7 =	simm.s32 @!p0 $0x108  }
0x21: {  	s3 =	sadd.s32 s3, s9;
	s6 =	sadd.s32 @!p0 $0x88, s6;
	s7 =	simm.s32 @p2 $0x1082  }
0x22: {  	[simem:s7], [sflag:s8] =	dma.local @!p0 [hbm:s6], $0xF7A  }
0x23: {  	s9 =	sor.u32 $0xD0000000, s2;
	s6 =	simm.s32 $0x108;
	_ =	swait.ge @!p0 [sflag:s8], $0x0  }
0x24: {  	s3 =	sadd.s32 $0x88, s3;
	s6 =	simm.s32 @!p1 $0x1082;
	[sflag:s4] =	ssyncset.s32 $0xFFFFF086  }
0x25: {  	[simem:s6], [sflag:s4] =	dma.local [hbm:s3], $0xF7A  }
0x26: {  	[smem:$0x3F97] =	sst s1;
	(tag) =	ssettag s2;
	_ =	strace s9  }
0x27: {  	s1 =	sld [smem:$0x3FA7]  }
0x28: {  	s2 =	sld [smem:$0x3FA8]  }
0x29: {  	s4 =	sld [smem:$0x3FAA]  }
0x2a: {  	p0 =	seq.s32 s5, $0x0;
	s5 =	sld [smem:$0x3FAB]  }
0x2b: {  	s6 =	sld [smem:$0x3FAC]  }
0x2c: {  	s7 =	sld [smem:$0x3FAD]  }
0x2d: {  	s3 =	simm.s32 $0x108;
	s8 =	sld [smem:$0x3FAE]  }
0x2e: {  	s3 =	simm.s32 @!p0 $0x1082;
	s9 =	sld [smem:$0x3FAF]  }
0x2f: {  	lr =	sadd.s32 s0, s3;
	s0 =	sld [smem:$0x3FA6]  }
0x30: {  	s3 =	sld [smem:$0x3FA9]  }
0x31: {  	[smem:$0x3FB2] =	sst s10  }
0x32: {  	s10 =	sld [smem:$0x3FB0];
	_ =	sdelay $0x3  }
0x33: {  	p0 =	seq.s32 s10, $0x1;
	s10 =	sld [smem:$0x3FB2];
	_ =	sdelay $0x3  }
0x34: {  	[smem:$0x3FB2] =	sst s10  }
0x35: {  	s10 =	sld [smem:$0x3FB1];
	_ =	sdelay $0x3  }
0x36: {  	p1 =	seq.s32 s10, $0x1;
	s10 =	sld [smem:$0x3FB2];
	_ =	sdelay $0x3  }
0x37: {  	[smem:$0x3FB2] =	sst s10  }
0x38: {  	s10 =	sld [smem:$0x3FB3]  }
0x39: {  	_ = 	snop;
	(pc) =	sbr.ind lr, $3  }
0x3a: {  	_ = 	snop  }
0x3b: {  	_ = 	snop  }
0x3c: {  	p2 =	seq.s32 s10, $0x1;
	s10 =	sld [smem:$0x3FB2]  }
0x3d: {  	_ =	shalt  }
0x3e: {  	_ =	shalt  }
0x3f: {  	_ =	shalt  }
0x40: {  	_ =	shalt  }
0x41: {  	_ =	shalt  }
0x42: {  	_ =	shalt  }
0x43: {  	_ =	shalt  }
0x44: {  	_ =	shalt  }
0x45: {  	_ =	shalt  }
0x46: {  	_ =	shalt  }
0x47: {  	_ =	shalt  }
0x48: {  	_ =	shalt  }
0x49: {  	_ =	shalt  }
0x4a: {  	_ =	shalt  }
0x4b: {  	_ =	shalt  }
0x4c: {  	_ =	shalt  }
0x4d: {  	_ =	shalt  }
0x4e: {  	_ =	shalt  }
0x4f: {  	_ =	shalt  }
0x50: {  	_ =	shalt  }
0x51: {  	_ =	shalt  }
0x52: {  	_ =	shalt  }
0x53: {  	_ =	shalt  }
0x54: {  	_ =	shalt  }
0x55: {  	_ =	shalt  }
0x56: {  	_ =	shalt  }
0x57: {  	_ =	shalt  }
0x58: {  	_ =	shalt  }
0x59: {  	_ =	shalt  }
0x5a: {  	_ =	shalt  }
0x5b: {  	_ =	shalt  }
0x5c: {  	_ =	shalt  }
0x5d: {  	_ =	shalt  }
0x5e: {  	_ =	shalt  }
0x5f: {  	_ =	shalt  }
0x60: {  	_ =	shalt  }
0x61: {  	_ =	shalt  }
0x62: {  	_ =	shalt  }
0x63: {  	_ =	shalt  }
0x64: {  	_ =	shalt  }
0x65: {  	_ =	shalt  }
0x66: {  	_ =	shalt  }
0x67: {  	_ =	shalt  }
0x68: {  	_ =	shalt  }
0x69: {  	_ =	shalt  }
0x6a: {  	_ =	shalt  }
0x6b: {  	_ =	shalt  }
0x6c: {  	_ =	shalt  }
0x6d: {  	_ =	shalt  }
0x6e: {  	_ =	shalt  }
0x6f: {  	_ =	shalt  }
0x70: {  	_ =	shalt  }
0x71: {  	_ =	shalt  }
0x72: {  	_ =	shalt  }
0x73: {  	_ =	shalt  }
0x74: {  	_ =	shalt  }
0x75: {  	_ =	shalt  }
0x76: {  	_ =	shalt  }
0x77: {  	_ =	shalt  }
0x78: {  	_ =	shalt  }
0x79: {  	_ =	shalt  }
0x7a: {  	_ =	shalt  }
0x7b: {  	_ =	shalt  }
0x7c: {  	_ =	shalt  }
0x7d: {  	_ =	shalt  }
0x7e: {  	_ =	shalt  }
0x7f: {  	_ =	shalt  }
0x80: {  	_ =	shalt  }
0x81: {  	_ =	shalt  }
0x82: {  	_ =	shalt  }
0x83: {  	_ =	shalt  }
0x84: {  	_ =	shalt  }
0x85: {  	_ =	shalt  }
0x86: {  	_ =	shalt  }
0x87: {  	_ =	shalt  }
.Lfunc_end0:
.L_simem_size_0:
called_computation_lowered:
.L_overlay_start_0:
0x88: {  	s2 =	sld [smem:$0x3FD9]  }
0x89: {  	s3 =	sld [smem:$0x3FFE];
	_ =	sdelay $0x1  }
0x8a: {  	s1 =	srdreg.scid  }
0x8b: {  	s0 =	sand.u32 $0x1, s1  }
0x8c: {  	s17 =	sshll.u32 s0, $0xA;
	s2 =	sadd.s32 s3, s2  }
0x8d: {  	s2 =	sadd.s32 s2, s17  }
0x8e: {  	[smem:$0x3FBE] =	sst s2  }
0x8f: {  	_ = 	snop  }
0x90: {  	s18 =	sld [smem:$0x3FD0];
	(tm) =	ssettm $0x1  }
0x91: {  	s19 =	sld [smem:$0x3FFB];
	_ =	sdelay $0x3  }
0x92: {  	_ =	strace s19  }
0x93: {  	s2 =	sld [smem:$0x3FFC];
	_ =	sdelay $0x3  }
0x94: {  	_ =	strace s2  }
0x95: {  	s2 =	sld [smem:$0x3FFD];
	_ =	sdelay $0x3  }
0x96: {  	_ =	strace s2  }
0x97: {  	_ =	strace $0x8FFFFFFF  }
0x98: {  	s20 =	sld [smem:$0x3FDB];
	_ =	sdelay $0x1  }
0x99: {  	s4 =	simm.s32 $_scs_section_size  }
0x9a: {  	s5 =	simm.s32 $_size__tile_overlayer_lowered;
	s6 =	simm.s32 $_tile_overlayer_lowered  }
0x9b: {  	s7 =	simm.s32 $0x1BFF;
	s21 =	sshll.u32 s6, $0x1;
	s4 =	sadd.s32 s4, s20  }
0x9c: {  	s22 =	simm.s32 $0x0;
	s5 =	sshll.u32 s5, $0x1;
	s6 =	sadd.s32 s21, s4  }
0x9d: {  	[timem:s22], [sflag:s7] =	dma.local [hbm:s6], s5  }
0x9e: {  	_ =	swait.ge [sflag:s7], s5  }
0x9f: {  	s5 =	ssub.s32 $0x0, s5;
	[sflag:s7] =	ssyncset.done $0x0  }
0xa0: {  	[sflag:s7] =	ssyncadd.s32 s5;
	_ =	sdelay $0x1  }
0xa1: {  	s23 =	simm.s32 $0x1B8B  }
0xa2: {  	_ =	swait.ge [sflag:s23], $0x1  }
0xa3: {  	[sflag:s23] =	ssyncset.done $0x0  }
0xa4: {  	[sflag:s23] =	ssyncadd.s32 $0xFFFFFFFF  }
0xa5: {  	s5 =	sld [smem:$0x0]  }
0xa6: {  	s6 =	sand.u32 $0xFFFFFFFE, s1  }
0xa7: {  	p0 =	sne.s32 s1, s6  }
0xa8: {  	s6 =	sshll.u32 @p0 s6, $0xE  }
0xa9: {  	s6 =	sadd.s32 @p0 $0x11B8D, s6;
	s7 =	sshll.u32 @p0 s5, $0x11  }
0xaa: {  	s6 =	sor.u32 @p0 s7, s6  }
0xab: {  	[sflag:s6] =	ssyncadd.remote.s32 @p0 $0x1;
	_ =	sdelay $0x1  }
0xac: {  	s6 =	simm.s32 @p0 $0x1B8D  }
0xad: {  	_ =	swait.eq @p0 [sflag:s6], $0x1  }
0xae: {  	[sflag:s6] =	ssyncadd.s32 @p0 $0xFFFFFFFF  }
0xaf: {  	s7 =	sshll.u32 @!p0 s1, $0xE  }
0xb0: {  	s7 =	sor.u32 @!p0 $0x4000, s7;
	s6 =	simm.s32 @!p0 $0x1B8D  }
0xb1: {  	s5 =	sshll.u32 @!p0 s5, $0x11;
	s7 =	sadd.s32 @!p0 $0x11B8D, s7;
	_ =	swait.eq @!p0 [sflag:s6], $0x1  }
0xb2: {  	s5 =	sor.u32 @!p0 s5, s7;
	[sflag:s6] =	ssyncadd.s32 @!p0 $0xFFFFFFFF  }
0xb3: {  	s25 =	simm.s32 $0x1B8E;
	s24 =	sld [smem:$0x3FFE];
	[sflag:s5] =	ssyncadd.remote.s32 @!p0 $0x1  }
0xb4: {  	s26 =	simm.s32 $execute0_lowered;
	[smem:$0x3FD2] =	sst s25  }
0xb5: {  	s6 =	sshll.u32 s26, $0x1;
	_ =	strace $0x80000049;
	[dreg:$0x1] =	wrdreg $0xFFFFFFFF  }
0xb6: {  	s28 =	simm.s32 $_size_execute0_lowered;
	s4 =	sadd.s32 s4, s6;
	[dreg:$0x0] =	wrdreg $0x0  }
0xb7: {  	s6 =	sshll.u32 s28, $0x1;
	[dreg:$0x2] =	wrdreg s4  }
0xb8: {  	[dreg:$0x3] =	wrdreg s6  }
0xb9: {  	[dreg:$0x4] =	wrdreg $0xC0  }
0xba: {  	_ =	task [dreg:s22], $0x5FFFF  }
0xbb: {  	[dreg:$0x1] =	wrdreg $0xFFFFFFFF  }
0xbc: {  	[dreg:$0x0] =	wrdreg $0x60  }
0xbd: {  	[dreg:$0x2] =	wrdreg s24  }
0xbe: {  	[dreg:$0x3] =	wrdreg s18  }
0xbf: {  	[dreg:$0x4] =	wrdreg $0x22000  }
0xc0: {  	[dreg:$0x5] =	wrdreg $0x9  }
0xc1: {  	_ =	task.clear_ibuf [dreg:s22], $0x6FFFF;
	_ =	strace $0x90000049  }
0xc2: {  	s29 =	simm.s32 $0x9;
	_ =	strace $0x8000004B  }
0xc3: {  	_ =	swait.ge [sflag:s29], $0x1  }
0xc4: {  	[sflag:s29] =	ssyncadd.s32 $0xFFFFFFFF  }
0xc5: {  	_ =	strace $0x9000004B  }
0xc6: {  	_ =	sfence  }
0xc7: {  	s30 =	sld [smem:$0x0];
	_ =	sdelay $0x2  }
0xc8: {  	s31 =	sshll.u32 s1, $0xD;
	s1 =	sshrl.u32 s1, $0x2  }
0xc9: {  	s4 =	sand.u32 $0x4000, s31;
	s1 =	sadd.s32 s1, s30  }
0xca: {  	s0 =	sor.u32 s4, s0;
	s1 =	sshll.u32 s1, $0x11  }
0xcb: {  	s0 =	sor.u32 s1, s0  }
0xcc: {  	s0 =	sadd.s32 $0x8F2B, s0  }
0xcd: {  	[sflag:s0] =	ssyncadd.remote.s32 $0x1  }
0xce: {  	_ =	sfence.sel $0xFFFF  }
0xcf: {  	[dreg:$0x0] =	wrdreg $0xFFFFFFFF;
	(pc) =	sbr.abs _section_cstart, $3  }
0xd0: {  	[dreg:$0x1] =	wrdreg $0xFFFFFFFF  }
0xd1: {  	_ =	task.clear_ibuf [dreg:s22], $0x2FFFF;
	_ =	strace $0x9FFFFFFF  }
0xd2: {  	(tm) =	ssettm $0x7FFFFFFF  }
0xd3: {  	_ =	shalt  }
tec
execute0_lowered:
.L_overlay_start_1:
0x0: {  	(tag) =	ssettag $0x1  }
0x1: {  	s6 =	rddreg [dreg:$0x0]  }
0x2: {  	s2 =	rddreg [dreg:$0x1]  }
0x3: {  	s3 =	rddreg [dreg:$0x2]  }
0x4: {  	s4 =	simm.s32 $0x0;
	s1 =	stileid.u32;
	s5 =	srdreg.scid  }
0x5: {  	s15 =	simm.s32 $0x5;
	s18 =	simm.s32 $0x80;
	s19 =	simm.s32 $0x100  }
0x6: {  	s20 =	simm.s32 $0x180;
	s21 =	simm.s32 $0x1;
	s22 =	simm.s32 $0x40  }
0x7: {  	s23 =	simm.s32 $0x3;
	s24 =	simm.s32 $0x4;
	s7 =	smul.u32 $0x13C00, s1  }
0x8: {  	s25 =	simm.s32 $0x0;
	[smem:$0x7FF] =	sst s4;
	s28 =	smul.u32 $0xA000, s1  }
0x9: {  	s8 =	sand.u32 $0x1, s5;
	s5 =	sadd.s32 $0x1E00, s6;
	s12 =	smul.u32 $0x4F000, s1  }
0xa: {  	s16 =	sshll.u32 s1, $0x6;
	_ =	strace $0x8000004A;
	s9 =	smul.u32 $0x13C000, s8  }
0xb: {  	s11 =	smul.u32 $0xA0000, s8;
	s8 =	ssub.s32 $0x2, s8;
	s16 =	sor.u32 $0x1C05, s16  }
0xc: {  	s10 =	sshrl.u32 s7, $0x3;
	s29 =	sshrl.u32 s8, $0x1;
	s30 =	sshrl.u32 s12, $0x2  }
0xd: {  	s10 =	sadd.s32 s10, s6;
	s7 =	sadd.s32 s7, s9;
	s14 =	ssub.s32 s8, s29  }
.Ltmp0:
0xe: {  	s17 =	sadd.s32 s30, s3;
	s7 =	sshrl.u32 s7, $0x3;
	(pc) =	sbr.rel .LBB2_1-.Ltmp0, $4  }
0xf: {  	s17 =	sshrl.u32 s17, $0x3;
	s13 =	sadd.s32 s7, s6;
	s6 =	sadd.s32 s28, s11  }
0x10: {  	s7 =	sadd.s32 $0xA0000, s10;
	s31 =	sshrl.u32 s6, $0x3;
	s12 =	sadd.s32 $0x116800, s13  }
0x11: {  	s13 =	smax.u32 s14, $0x1;
	s14 =	simm.s32 $0x200;
	s8 =	sadd.s32 s5, s31  }
0x12: {  	s9 =	sadd.s32 $0x10, s8;
	s10 =	sadd.s32 $0x20, s8;
	s11 =	sadd.s32 $0x30, s8  }
.LBB2_4:
0x13: {  	_ =	swait.ge [sflag:s24], $0x80  }
0x14: {  	[sflag:s24] =	ssyncset.done $0x0  }
0x15: {  	[sflag:s24] =	ssyncadd.s32 $0xFFFFFF80  }
0x16: {  	[spmem:s3] =	stream.indirect.scatter.add.f32 [tilespmem:s14], [sflag:$0x5], $0x80, s20, s22, $0xb8;
	[tilespmem:$0x15E00] =	vst v63  }
0x17: {  	_ =	swait.ge [sflag:s15], $0x2000  }
0x18: {  	s25 =	sadd.s32 $0x1, s25;
	[sflag:s15] =	ssyncset.done $0x0  }
0x19: {  	p0 =	sne.s32 s25, s13;
	[sflag:s15] =	ssyncadd.s32 $0xFFFFE000  }
.Ltmp1:
0x1a: {  	[bflag:$0x0] =	sbarrier.arrive $0xFFFF;
	(pc) =	sbr.rel @!p0 .LBB2_5-.Ltmp1, $4  }
0x1b: {  	[hbm:s12], [sflag:s16] =	dma.local [spmem:s17], $0x2780  }
0x1c: {  	_ =	swait.ge [sflag:s15], $0x2780  }
0x1d: {  	[sflag:s15] =	ssyncset.done $0x0  }
0x1e: {  	[sflag:s15] =	ssyncadd.s32 $0xFFFFD880  }
.LBB2_1:
0x1f: {  	[tilespmem:s14], [sflag:$0x5] =	stream.linear.gather [hbm4b:s2+s4], $0x2000, $0x38;
	[tilespmem:$0x15E00] =	vst v63  }
0x20: {  	_ =	swait.ge [sflag:s15], $0x2000  }
0x21: {  	[sflag:s15] =	ssyncset.done $0x0  }
0x22: {  	[sflag:s15] =	ssyncadd.s32 $0xFFFFE000  }
0x23: {  	[spmem:s17], [sflag:s16] =	dma.local [hbm:s7], $0x2780  }
0x24: {  	_ =	swait.ge [sflag:s15], $0x2780  }
0x25: {  	[sflag:s15] =	ssyncset.done $0x0  }
0x26: {  	[sflag:s15] =	ssyncadd.s32 $0xFFFFD880  }
0x27: {  	[bflag:$0x0] =	sbarrier.arrive $0xFFFF  }
0x28: {  	[tilespmem:s4], [sflag:$0x1] =	stream.linear.gather [hbm4b:s8+s4], $0x80, $0x38;
	[tilespmem:$0x15E00] =	vst v63  }
0x29: {  	_ = 	snop  }
0x2a: {  	[tilespmem:s18], [sflag:$0x2] =	stream.linear.gather [hbm4b:s9+s4], $0x80, $0x38;
	[tilespmem:$0x15E00] =	vst v63  }
0x2b: {  	_ = 	snop  }
0x2c: {  	[tilespmem:s19], [sflag:$0x3] =	stream.linear.gather [hbm4b:s10+s4], $0x80, $0x38;
	[tilespmem:$0x15E00] =	vst v63  }
0x2d: {  	s26 =	simm.s32 $0x380  }
0x2e: {  	[tilespmem:s20], [sflag:$0x4] =	stream.linear.gather [hbm4b:s11+s4], $0x80, $0x38;
	[tilespmem:$0x15E00] =	vst v63  }
.LBB2_2:
0x2f: {  	_ =	swait.ge [sflag:s21], $0x80  }
0x30: {  	[sflag:s21] =	ssyncset.done $0x0  }
0x31: {  	[sflag:s21] =	ssyncadd.s32 $0xFFFFFF80  }
0x32: {  	[spmem:s3] =	stream.indirect.scatter.add.f32 [tilespmem:s14], [sflag:$0x5], $0x80, s4, s22, $0xb8;
	[tilespmem:$0x15E00] =	vst v63  }
0x33: {  	_ =	swait.ge [sflag:s15], $0x2000  }
0x34: {  	p0 =	seq.s32 s26, $0xA180;
	[sflag:s15] =	ssyncset.done $0x0  }
0x35: {  	s28 =	simm.s32 @p0 $0x2;
	[sflag:s15] =	ssyncadd.s32 $0xFFFFE000  }
0x36: {  	_ =	swait.ge @p0 [sflag:s28], $0x80  }
0x37: {  	s29 =	simm.s32 @p0 $0x80;
	[sflag:s28] =	ssyncset.done @p0 $0x0  }
0x38: {  	s30 =	simm.s32 @p0 $0x200;
	[sflag:s28] =	ssyncadd.s32 @p0 $0xFFFFFF80;
	s28 =	simm.s32 @p0 $0x40  }
0x39: {  	[spmem:s3] =	stream.indirect.scatter.add.f32 @p0 [tilespmem:s30], [sflag:$0x5], $0x80, s29, s28, $0xb8;
	[tilespmem:$0x15E00] =	vst v63  }
0x3a: {  	s28 =	sadd.s32 @!p0 $0xFFFFFE80, s26  }
0x3b: {  	s29 =	sand.u32 @!p0 $0x1FC00, s28  }
0x3c: {  	s30 =	simm.s32 @p0 $0x5;
	s28 =	sand.u32 @!p0 $0x200, s28;
	s29 =	sadd.s32 @!p0 s6, s29  }
0x3d: {  	_ =	swait.ge @p0 [sflag:s30], $0x2000;
	s28 =	sor.u32 @!p0 s28, s29  }
0x3e: {  	[sflag:s30] =	ssyncset.done @p0 $0x0;
	s28 =	sshrl.u32 @!p0 s28, $0x3  }
0x3f: {  	[sflag:s30] =	ssyncadd.s32 @p0 $0xFFFFE000;
	s29 =	simm.s32 @!p0 $0x0;
	s28 =	sadd.s32 @!p0 s5, s28  }
0x40: {  	[tilespmem:s29], [sflag:$0x1] =	stream.linear.gather @!p0 [hbm4b:s28+s29], $0x80, $0x38;
	[tilespmem:$0x15E00] =	vst v63  }
0x41: {  	s28 =	simm.s32 @!p0 $0x2  }
0x42: {  	_ =	swait.ge @!p0 [sflag:s28], $0x80  }
0x43: {  	s31 =	simm.s32 @!p0 $0x200;
	[sflag:s28] =	ssyncset.done @!p0 $0x0  }
0x44: {  	s30 =	simm.s32 @!p0 $0x80;
	[sflag:s28] =	ssyncadd.s32 @!p0 $0xFFFFFF80;
	s28 =	simm.s32 @!p0 $0x40  }
0x45: {  	[spmem:s3] =	stream.indirect.scatter.add.f32 @!p0 [tilespmem:s31], [sflag:$0x5], $0x80, s30, s28, $0xb8;
	[tilespmem:$0x15E00] =	vst v63  }
0x46: {  	s28 =	sadd.s32 @!p0 $0xFFFFFF00, s26  }
0x47: {  	s31 =	sand.u32 @!p0 $0x1FC00, s28  }
0x48: {  	s0 =	simm.s32 @!p0 $0x5;
	s28 =	sand.u32 @!p0 $0x280, s28;
	s31 =	sadd.s32 @!p0 s6, s31  }
0x49: {  	_ =	swait.ge @!p0 [sflag:s0], $0x2000;
	s28 =	sor.u32 @!p0 s28, s31  }
0x4a: {  	[sflag:s0] =	ssyncset.done @!p0 $0x0;
	s28 =	sshrl.u32 @!p0 s28, $0x3  }
0x4b: {  	[sflag:s0] =	ssyncadd.s32 @!p0 $0xFFFFE000;
	s0 =	sadd.s32 @!p0 s5, s28  }
0x4c: {  	[tilespmem:s30], [sflag:$0x2] =	stream.linear.gather @!p0 [hbm4b:s0+s29], $0x80, $0x38;
	[tilespmem:$0x15E00] =	vst v63  }
0x4d: {  	_ =	swait.ge [sflag:s23], $0x80  }
0x4e: {  	[sflag:s23] =	ssyncset.done $0x0  }
.Ltmp2:
0x4f: {  	[sflag:s23] =	ssyncadd.s32 $0xFFFFFF80;
	(pc) =	sbr.rel @p0 .LBB2_4-.Ltmp2, $4  }
0x50: {  	[spmem:s3] =	stream.indirect.scatter.add.f32 [tilespmem:s14], [sflag:$0x5], $0x80, s19, s22, $0xb8;
	[tilespmem:$0x15E00] =	vst v63  }
0x51: {  	_ =	swait.ge [sflag:s15], $0x2000  }
0x52: {  	[sflag:s15] =	ssyncset.done $0x0  }
0x53: {  	[sflag:s15] =	ssyncadd.s32 $0xFFFFE000  }
0x54: {  	s0 =	sadd.s32 $0xFFFFFF80, s26  }
0x55: {  	s28 =	sand.u32 $0x1FC00, s0  }
0x56: {  	s0 =	sand.u32 $0x300, s0;
	s28 =	sadd.s32 s6, s28  }
0x57: {  	s0 =	sor.u32 s0, s28  }
0x58: {  	s0 =	sshrl.u32 s0, $0x3  }
0x59: {  	s0 =	sadd.s32 s5, s0  }
0x5a: {  	[tilespmem:s19], [sflag:$0x3] =	stream.linear.gather [hbm4b:s0+s4], $0x80, $0x38;
	[tilespmem:$0x15E00] =	vst v63  }
0x5b: {  	_ =	swait.ge [sflag:s24], $0x80  }
0x5c: {  	[sflag:s24] =	ssyncset.done $0x0  }
0x5d: {  	s30 =	sand.u32 $0x1FC00, s26;
	[sflag:s24] =	ssyncadd.s32 $0xFFFFFF80  }
0x5e: {  	[spmem:s3] =	stream.indirect.scatter.add.f32 [tilespmem:s14], [sflag:$0x5], $0x80, s20, s22, $0xb8;
	[tilespmem:$0x15E00] =	vst v63  }
.Ltmp3:
0x5f: {  	s31 =	sand.u32 $0x380, s26;
	s0 =	sadd.s32 s6, s30;
	(pc) =	sbr.rel .LBB2_2-.Ltmp3, $4  }
0x60: {  	s0 =	sor.u32 s31, s0;
	_ =	swait.ge [sflag:s15], $0x2000  }
0x61: {  	s0 =	sshrl.u32 s0, $0x3;
	[sflag:s15] =	ssyncset.done $0x0  }
0x62: {  	s26 =	sadd.s32 $0x200, s26;
	s0 =	sadd.s32 s5, s0;
	[sflag:s15] =	ssyncadd.s32 $0xFFFFE000  }
0x63: {  	[tilespmem:s20], [sflag:$0x4] =	stream.linear.gather [hbm4b:s0+s4], $0x80, $0x38;
	[tilespmem:$0x15E00] =	vst v63  }
.LBB2_5:
0x64: {  	_ =	sfence.sel $0x180000  }
0x65: {  	[bflag:$0x0] =	sbarrier.arrive $0xFFFF  }
0x66: {  	_ =	strace $0x9000004A  }
0x67: {  	[bflag:$0x2] =	sbarrier.arrive $0xFFFF  }
0x68: {  	p0 =	sne.s32 s1, $0x0;
	s0 =	rddreg [dreg:$0x3]  }
0x69: {  	s0 =	sadd.s32 @!p0 $0x100000, s0  }
0x6a: {  	[sflag:s0] =	ssyncadd.tile.s32 @!p0 $0x1;
	_ =	shalt  }
.Lfunc_end2:
_tile_overlayer_lowered:
.L_overlay_start_2:
0x6b: {  	(tag) =	ssettag $0x2  }
0x6c: {  	s0 =	rddreg [dreg:$0x0];
	s2 =	stileid.u32  }
0x6d: {  	s1 =	rddreg [dreg:$0x1];
	p0 =	sne.s32 s2, $0x0  }
0x6e: {  	s3 =	rddreg [dreg:$0x2];
	[bflag:$0x3] =	sbarrier.arrive $0xFFFF;
	s2 =	simm.s32 @!p0 $0x1C05  }
0x6f: {  	[timem:s3], [sflag:s2] =	dma.local @!p0 [hbm:s0], s1  }
0x70: {  	s0 =	simm.s32 @!p0 $0x5  }
0x71: {  	_ =	swait.ge @!p0 [sflag:s0], s1  }
0x72: {  	s1 =	ssub.s32 @!p0 $0x0, s1;
	[sflag:s0] =	ssyncset.done @!p0 $0x0  }
0x73: {  	[sflag:s0] =	ssyncadd.s32 @!p0 s1  }
0x74: {  	[bflag:$0x3] =	sbarrier.arrive $0xFFFF  }
0x75: {  	_ =	shalt  }

</sc_bundles>
